<compile_context>
chip_gen: v7x
topology: tpu7x:2x2x1
jax: 0.10.2.dev20260603
libtpu: 0.0.44.dev20260713+nightly
codegen_flags: <defaults>
</compile_context>

<pallas_src>
import functools

import jax
import jax.numpy as jnp
from jax import lax
from jax.experimental import pallas as pl
from jax.experimental.pallas import tpu as pltpu
from jax.experimental.pallas import tpu_sc as plsc

VOCAB = 1000000
DIM = 32
BATCH = 4096
SEQ = 200

BBLK = 128
NBUF = 4
NTR = 2


@jax.jit
def _embed(table, xt):
    info = plsc.get_sparse_core_info()
    nc, nl = info.num_cores, info.num_lanes

    mesh = plsc.VectorSubcoreMesh(core_axis_name="c", subcore_axis_name="s")

    @functools.partial(
        pl.kernel,
        mesh=mesh,
        out_type=jax.ShapeDtypeStruct((SEQ, DIM, BATCH), jnp.float32),
        scratch_types=[
            pltpu.VMEM((SEQ, BBLK), jnp.int32),
            pltpu.VMEM((NBUF, BBLK, DIM), jnp.float32),
            pltpu.VMEM((NTR, DIM, BBLK + 1), jnp.float32),
            pltpu.SemaphoreType.DMA((NBUF,)),
            pltpu.SemaphoreType.DMA((NTR,)),
        ],
        compiler_params=pltpu.CompilerParams(
            use_tc_tiling_on_sc=False, needs_layout_passes=False),
    )
    def k(xt_hbm, tbl, out_hbm, idx_v, rows_v, tr_v, gsem, wsem):
        wid = lax.axis_index("s") * nc + lax.axis_index("c")
        bbase = wid * BBLK
        pltpu.sync_copy(xt_hbm.at[:, pl.ds(bbase, BBLK)], idx_v)

        lane_h = [lax.iota(jnp.int32, nl) + h * nl for h in range(DIM // nl)]

        def fire(g, rb):
            pltpu.async_copy(tbl.at[idx_v.at[g]], rows_v.at[rb], gsem.at[rb])

        def drain_gather(rb):
            pltpu.make_async_copy(
                tbl.at[pl.ds(0, BBLK)], rows_v.at[rb], gsem.at[rb]).wait()

        def transpose(rb, tb):
            def ibody(i0, _):
                for u in range(8):
                    i = i0 * 8 + u
                    col = jnp.full((nl,), i, jnp.int32)
                    for h in range(DIM // nl):
                        vals = rows_v[rb, i, pl.ds(h * nl, nl)]
                        plsc.store_scatter(
                            tr_v.at[tb], [lane_h[h], col], vals)
                return 0
            lax.fori_loop(0, BBLK // 8, ibody, 0)

        def write(g, tb):
            pltpu.async_copy(
                tr_v.at[tb, :, pl.ds(0, BBLK)],
                out_hbm.at[g, :, pl.ds(bbase, BBLK)],
                wsem.at[tb])

        def wait_write(tb):
            pltpu.make_async_copy(
                tr_v.at[tb, :, pl.ds(0, BBLK)],
                out_hbm.at[0, :, pl.ds(0, BBLK)], wsem.at[tb]
            ).wait()

        fire(0, 0)
        fire(1, 1)
        fire(2, 2)
        drain_gather(0)
        transpose(0, 0)
        write(0, 0)
        fire(3, 3)
        drain_gather(1)
        transpose(1, 1)
        write(1, 1)

        def body(i, _):
            for b in range(NBUF):
                g = 2 + i * NBUF + b
                rb = (2 + b) % NBUF
                tb = b % NTR
                wait_write(tb)
                fire(g + 2, b)
                drain_gather(rb)
                transpose(rb, tb)
                write(g, tb)
            return 0

        lax.fori_loop(0, (SEQ - 4) // NBUF, body, 0)

        for g in (SEQ - 2, SEQ - 1):
            rb = g % NBUF
            tb = g % NTR
            wait_write(tb)
            drain_gather(rb)
            transpose(rb, tb)
            write(g, tb)
        wait_write(0)
        wait_write(1)

    return k(xt, table)


VB = 16384


def _linearize_tc(tt):
    def body(i_ref, o_ref):
        xt = i_ref[...].T.reshape(VB // 4, 4, DIM)
        for m in range(4):
            o_ref[:, m * DIM:(m + 1) * DIM] = xt[:, m, :]
    return pl.pallas_call(
        body,
        grid=(pl.cdiv(VOCAB, VB),),
        in_specs=[pl.BlockSpec((DIM, VB), lambda i: (0, i))],
        out_specs=pl.BlockSpec((VB // 4, 128), lambda i: (i, 0)),
        out_shape=jax.ShapeDtypeStruct((VOCAB // 4, 128), jnp.float32),
    )(tt)


def kernel(x, table):
    xt = x.T
    t128 = _linearize_tc(table.T)
    tlin = t128.reshape(VOCAB, DIM)
    out_t = _embed(tlin, xt)
    return out_t.transpose(2, 0, 1)

# --- scband reference (transcript-rebuilt; emitter-appended) ---
"""Pipeline reference for scband-embedding-481036337278 (READ-ONLY COPY).

The authoritative reference and input builder live on the scoring server;
editing this copy changes nothing except your own understanding.
"""

import jax, jax.numpy as jnp
import numpy as np

VOCAB_SIZE = 1000000
EMBEDDING_DIM = 32
BATCH = 4096
SEQ_LEN = 200


def setup_inputs(seed: int = 0) -> dict:
    key = jax.random.key(seed)
    k_idx, k_tab = jax.random.split(key)
    x = jax.random.randint(k_idx, (BATCH, SEQ_LEN), 0, VOCAB_SIZE, dtype=jnp.int64 if jax.config.jax_enable_x64 else jnp.int32)
    table = jax.random.normal(k_tab, (VOCAB_SIZE, EMBEDDING_DIM), dtype=jnp.float32)
    return {"x": x, "table": table}


def reference(x, table):
    # nn.Embedding forward: gather rows of the table by index
    # output shape: (batch_size, seq_length, embedding_dim)
    return jnp.take(table, x, axis=0)

if __name__ == "__main__":
    import jax
    _d = setup_inputs()
    print(jax.jit(kernel)(*tuple(_d.values())))

</pallas_src>

<mosaic_0001>
#map = affine_map<(d0, d1) -> (0, 0)>
#map1 = affine_map<(d0, d1) -> (0, 0, 0)>
module attributes {stable_mosaic.version = 14 : i64} {
  func.func @k(%arg0: i32, %arg1: i32, %arg2: memref<200x4096xi32, #tpu.memory_space<hbm>>, %arg3: memref<1000000x32xf32, #tpu.memory_space<hbm>>, %arg4: memref<200x32x4096xf32, #tpu.memory_space<hbm>>, %arg5: memref<200x128xi32, #tpu.memory_space<vmem>>, %arg6: memref<4x128x32xf32, #tpu.memory_space<vmem>>, %arg7: memref<2x32x129xf32, #tpu.memory_space<vmem>>, %arg8: memref<4x!tpu.dma_semaphore, #tpu.memory_space<semaphore_mem>>, %arg9: memref<2x!tpu.dma_semaphore, #tpu.memory_space<semaphore_mem>>) attributes {dimension_semantics = [#tpu.dimension_semantics<core_parallel>, #tpu.dimension_semantics<subcore_parallel>], iteration_bounds = array<i64: 2, 16>, scalar_prefetch = 0 : i64, scratch_operands = 5 : i64, tpu.core_type = #tpu.core_type<sc_vector_subcore>, window_params = [{transform_indices = #map}, {transform_indices = #map}, {transform_indices = #map1}]} {
    %mul3A = arith.constant 2 : i32
    %mul3A_0 = arith.muli %arg1, %mul3A : i32
    %add3A = arith.addi %mul3A_0, %arg0 : i32
    %mul3A_1 = arith.constant 128 : i32
    %mul3A_2 = arith.muli %add3A, %mul3A_1 : i32
    "tpu.region"() ({
      %run_scoped3A = tpu.sem_alloc : memref<!tpu.dma_semaphore, #tpu.memory_space<semaphore_mem>>
      %dma_start3A_334 = arith.constant 0 : i32
      %dma_start3A_335 = tpu.memref_slice %arg2[%dma_start3A_334, %mul3A_2] : memref<200x4096xi32, #tpu.memory_space<hbm>> -> memref<200x128xi32, #tpu.memory_space<hbm>>
      %dma_start3A_336 = arith.constant 0 : i32
      %dma_start3A_337 = tpu.memref_slice %arg2[%dma_start3A_336, %mul3A_2] : memref<200x4096xi32, #tpu.memory_space<hbm>> -> memref<200x128xi32, #tpu.memory_space<hbm>>
      tpu.enqueue_dma source(%dma_start3A_337 : memref<200x128xi32, #tpu.memory_space<hbm>>) target(%arg5 : memref<200x128xi32, #tpu.memory_space<vmem>>) target_semaphore(%run_scoped3A : memref<!tpu.dma_semaphore, #tpu.memory_space<semaphore_mem>>)
      %dma_wait3A_338 = arith.constant 0 : i32
      %dma_wait3A_339 = tpu.memref_slice %arg2[%dma_wait3A_338, %mul3A_2] : memref<200x4096xi32, #tpu.memory_space<hbm>> -> memref<200x128xi32, #tpu.memory_space<hbm>>
      %dma_wait3A_340 = arith.constant 0 : i32
      %dma_wait3A_341 = tpu.memref_slice %arg2[%dma_wait3A_340, %mul3A_2] : memref<200x4096xi32, #tpu.memory_space<hbm>> -> memref<200x128xi32, #tpu.memory_space<hbm>>
      tpu.wait_dma2 semaphore(%run_scoped3A : memref<!tpu.dma_semaphore, #tpu.memory_space<semaphore_mem>>) src(%dma_wait3A_341 : memref<200x128xi32, #tpu.memory_space<hbm>>) dst(%arg5 : memref<200x128xi32, #tpu.memory_space<vmem>>)
      tpu.yield
    }) : () -> ()
    %iota3A = tpu.iota {dimensions = array<i32: 0>} : vector<16xi32>
    %add3A_3 = arith.constant 0 : i32
    %add3A_4 = vector.broadcast %add3A_3 : i32 to vector<16xi32>
    %add3A_5 = arith.addi %iota3A, %add3A_4 : vector<16xi32>
    %iota3A_6 = tpu.iota {dimensions = array<i32: 0>} : vector<16xi32>
    %add3A_7 = arith.constant 16 : i32
    %add3A_8 = vector.broadcast %add3A_7 : i32 to vector<16xi32>
    %add3A_9 = arith.addi %iota3A_6, %add3A_8 : vector<16xi32>
    %dma_start3A = arith.constant 0 : i32
    %dma_start3A_10 = arith.constant 0 : i32
    %dma_start3A_11 = arith.constant 0 : i32
    %dma_start3A_12 = arith.constant 0 : i32
    %dma_start3A_13 = arith.constant 0 : i32
    %dma_start3A_14 = tpu.memref_slice %arg6[%dma_start3A_10, %dma_start3A_12, %dma_start3A_13] : memref<4x128x32xf32, #tpu.memory_space<vmem>> -> memref<1x128x32xf32, #tpu.memory_space<vmem>>
    %dma_start3A_15 = tpu.memref_squeeze %dma_start3A_14 : memref<1x128x32xf32, #tpu.memory_space<vmem>> -> memref<128x32xf32, #tpu.memory_space<vmem>>
    %dma_start3A_16 = arith.constant 0 : i32
    %dma_start3A_17 = tpu.memref_slice %arg5[%dma_start3A, %dma_start3A_16] : memref<200x128xi32, #tpu.memory_space<vmem>> -> memref<1x128xi32, #tpu.memory_space<vmem>>
    %dma_start3A_18 = tpu.memref_squeeze %dma_start3A_17 : memref<1x128xi32, #tpu.memory_space<vmem>> -> memref<128xi32, #tpu.memory_space<vmem>>
    %dma_start3A_19 = arith.constant 0 : i32
    %dma_start3A_20 = arith.constant 0 : i32
    %dma_start3A_21 = tpu.memref_slice %arg3[%dma_start3A_19, %dma_start3A_20] : memref<1000000x32xf32, #tpu.memory_space<hbm>> -> memref<1000000x32xf32, #tpu.memory_space<hbm>>
    %dma_start3A_22 = tpu.memref_slice %arg8[%dma_start3A_11] : memref<4x!tpu.dma_semaphore, #tpu.memory_space<semaphore_mem>> -> memref<1x!tpu.dma_semaphore, #tpu.memory_space<semaphore_mem>>
    %dma_start3A_23 = tpu.memref_squeeze %dma_start3A_22 : memref<1x!tpu.dma_semaphore, #tpu.memory_space<semaphore_mem>> -> memref<!tpu.dma_semaphore, #tpu.memory_space<semaphore_mem>>
    tpu.enqueue_indirect_dma source(%dma_start3A_21 : memref<1000000x32xf32, #tpu.memory_space<hbm>>) target(%dma_start3A_15 : memref<128x32xf32, #tpu.memory_space<vmem>>) offsets(%dma_start3A_18 : memref<128xi32, #tpu.memory_space<vmem>>) semaphore(%dma_start3A_23 : memref<!tpu.dma_semaphore, #tpu.memory_space<semaphore_mem>>)
    %dma_start3A_24 = arith.constant 1 : i32
    %dma_start3A_25 = arith.constant 1 : i32
    %dma_start3A_26 = arith.constant 1 : i32
    %dma_start3A_27 = arith.constant 0 : i32
    %dma_start3A_28 = arith.constant 0 : i32
    %dma_start3A_29 = tpu.memref_slice %arg6[%dma_start3A_25, %dma_start3A_27, %dma_start3A_28] : memref<4x128x32xf32, #tpu.memory_space<vmem>> -> memref<1x128x32xf32, #tpu.memory_space<vmem>>
    %dma_start3A_30 = tpu.memref_squeeze %dma_start3A_29 : memref<1x128x32xf32, #tpu.memory_space<vmem>> -> memref<128x32xf32, #tpu.memory_space<vmem>>
    %dma_start3A_31 = arith.constant 0 : i32
    %dma_start3A_32 = tpu.memref_slice %arg5[%dma_start3A_24, %dma_start3A_31] : memref<200x128xi32, #tpu.memory_space<vmem>> -> memref<1x128xi32, #tpu.memory_space<vmem>>
    %dma_start3A_33 = tpu.memref_squeeze %dma_start3A_32 : memref<1x128xi32, #tpu.memory_space<vmem>> -> memref<128xi32, #tpu.memory_space<vmem>>
    %dma_start3A_34 = arith.constant 0 : i32
    %dma_start3A_35 = arith.constant 0 : i32
    %dma_start3A_36 = tpu.memref_slice %arg3[%dma_start3A_34, %dma_start3A_35] : memref<1000000x32xf32, #tpu.memory_space<hbm>> -> memref<1000000x32xf32, #tpu.memory_space<hbm>>
    %dma_start3A_37 = tpu.memref_slice %arg8[%dma_start3A_26] : memref<4x!tpu.dma_semaphore, #tpu.memory_space<semaphore_mem>> -> memref<1x!tpu.dma_semaphore, #tpu.memory_space<semaphore_mem>>
    %dma_start3A_38 = tpu.memref_squeeze %dma_start3A_37 : memref<1x!tpu.dma_semaphore, #tpu.memory_space<semaphore_mem>> -> memref<!tpu.dma_semaphore, #tpu.memory_space<semaphore_mem>>
    tpu.enqueue_indirect_dma source(%dma_start3A_36 : memref<1000000x32xf32, #tpu.memory_space<hbm>>) target(%dma_start3A_30 : memref<128x32xf32, #tpu.memory_space<vmem>>) offsets(%dma_start3A_33 : memref<128xi32, #tpu.memory_space<vmem>>) semaphore(%dma_start3A_38 : memref<!tpu.dma_semaphore, #tpu.memory_space<semaphore_mem>>)
    %dma_start3A_39 = arith.constant 2 : i32
    %dma_start3A_40 = arith.constant 2 : i32
    %dma_start3A_41 = arith.constant 2 : i32
    %dma_start3A_42 = arith.constant 0 : i32
    %dma_start3A_43 = arith.constant 0 : i32
    %dma_start3A_44 = tpu.memref_slice %arg6[%dma_start3A_40, %dma_start3A_42, %dma_start3A_43] : memref<4x128x32xf32, #tpu.memory_space<vmem>> -> memref<1x128x32xf32, #tpu.memory_space<vmem>>
    %dma_start3A_45 = tpu.memref_squeeze %dma_start3A_44 : memref<1x128x32xf32, #tpu.memory_space<vmem>> -> memref<128x32xf32, #tpu.memory_space<vmem>>
    %dma_start3A_46 = arith.constant 0 : i32
    %dma_start3A_47 = tpu.memref_slice %arg5[%dma_start3A_39, %dma_start3A_46] : memref<200x128xi32, #tpu.memory_space<vmem>> -> memref<1x128xi32, #tpu.memory_space<vmem>>
    %dma_start3A_48 = tpu.memref_squeeze %dma_start3A_47 : memref<1x128xi32, #tpu.memory_space<vmem>> -> memref<128xi32, #tpu.memory_space<vmem>>
    %dma_start3A_49 = arith.constant 0 : i32
    %dma_start3A_50 = arith.constant 0 : i32
    %dma_start3A_51 = tpu.memref_slice %arg3[%dma_start3A_49, %dma_start3A_50] : memref<1000000x32xf32, #tpu.memory_space<hbm>> -> memref<1000000x32xf32, #tpu.memory_space<hbm>>
    %dma_start3A_52 = tpu.memref_slice %arg8[%dma_start3A_41] : memref<4x!tpu.dma_semaphore, #tpu.memory_space<semaphore_mem>> -> memref<1x!tpu.dma_semaphore, #tpu.memory_space<semaphore_mem>>
    %dma_start3A_53 = tpu.memref_squeeze %dma_start3A_52 : memref<1x!tpu.dma_semaphore, #tpu.memory_space<semaphore_mem>> -> memref<!tpu.dma_semaphore, #tpu.memory_space<semaphore_mem>>
    tpu.enqueue_indirect_dma source(%dma_start3A_51 : memref<1000000x32xf32, #tpu.memory_space<hbm>>) target(%dma_start3A_45 : memref<128x32xf32, #tpu.memory_space<vmem>>) offsets(%dma_start3A_48 : memref<128xi32, #tpu.memory_space<vmem>>) semaphore(%dma_start3A_53 : memref<!tpu.dma_semaphore, #tpu.memory_space<semaphore_mem>>)
    %dma_wait3A = arith.constant 0 : i32
    %dma_wait3A_54 = arith.constant 0 : i32
    %dma_wait3A_55 = arith.constant 0 : i32
    %dma_wait3A_56 = arith.constant 0 : i32
    %dma_wait3A_57 = tpu.memref_slice %arg6[%dma_wait3A, %dma_wait3A_55, %dma_wait3A_56] : memref<4x128x32xf32, #tpu.memory_space<vmem>> -> memref<1x128x32xf32, #tpu.memory_space<vmem>>
    %dma_wait3A_58 = tpu.memref_squeeze %dma_wait3A_57 : memref<1x128x32xf32, #tpu.memory_space<vmem>> -> memref<128x32xf32, #tpu.memory_space<vmem>>
    %dma_wait3A_59 = arith.constant 0 : i32
    %dma_wait3A_60 = arith.constant 0 : i32
    %dma_wait3A_61 = tpu.memref_slice %arg3[%dma_wait3A_59, %dma_wait3A_60] : memref<1000000x32xf32, #tpu.memory_space<hbm>> -> memref<128x32xf32, #tpu.memory_space<hbm>>
    %dma_wait3A_62 = tpu.memref_slice %arg8[%dma_wait3A_54] : memref<4x!tpu.dma_semaphore, #tpu.memory_space<semaphore_mem>> -> memref<1x!tpu.dma_semaphore, #tpu.memory_space<semaphore_mem>>
    %dma_wait3A_63 = tpu.memref_squeeze %dma_wait3A_62 : memref<1x!tpu.dma_semaphore, #tpu.memory_space<semaphore_mem>> -> memref<!tpu.dma_semaphore, #tpu.memory_space<semaphore_mem>>
    %dma_wait3A_64 = arith.constant 0 : i32
    %dma_wait3A_65 = arith.constant 0 : i32
    %dma_wait3A_66 = tpu.memref_slice %arg6[%dma_wait3A, %dma_wait3A_64, %dma_wait3A_65] : memref<4x128x32xf32, #tpu.memory_space<vmem>> -> memref<1x128x32xf32, #tpu.memory_space<vmem>>
    %dma_wait3A_67 = tpu.memref_squeeze %dma_wait3A_66 : memref<1x128x32xf32, #tpu.memory_space<vmem>> -> memref<128x32xf32, #tpu.memory_space<vmem>>
    %dma_wait3A_68 = arith.constant 0 : i32
    %dma_wait3A_69 = arith.constant 0 : i32
    %dma_wait3A_70 = tpu.memref_slice %arg3[%dma_wait3A_68, %dma_wait3A_69] : memref<1000000x32xf32, #tpu.memory_space<hbm>> -> memref<128x32xf32, #tpu.memory_space<hbm>>
    tpu.wait_dma2 semaphore(%dma_wait3A_63 : memref<!tpu.dma_semaphore, #tpu.memory_space<semaphore_mem>>) src(%dma_wait3A_70 : memref<128x32xf32, #tpu.memory_space<hbm>>) dst(%dma_wait3A_67 : memref<128x32xf32, #tpu.memory_space<vmem>>)
    %scan3A = arith.constant 0 : i32
    %scan3A_71 = arith.constant 0 : i32
    %scan3A_72 = arith.constant 16 : i32
    %scan3A_73 = arith.addi %scan3A_71, %scan3A_72 : i32
    %scan3A_74 = arith.constant 1 : i32
    %scan3A_75 = scf.for %scan3A_334 = %scan3A_71 to %scan3A_73 step %scan3A_74 iter_args(%scan3A_335 = %scan3A) -> (i32)  : i32 {
      %mul3A_336 = arith.constant 8 : i32
      %mul3A_337 = arith.muli %scan3A_334, %mul3A_336 : i32
      %add3A_338 = arith.constant 0 : i32
      %add3A_339 = arith.addi %mul3A_337, %add3A_338 : i32
      %broadcast_in_dim3A = vector.broadcast %add3A_339 : i32 to vector<16xi32>
      %get3A = arith.constant 0 : i32
      %get3A_340 = arith.index_cast %get3A : i32 to index
      %get3A_341 = arith.index_cast %add3A_339 : i32 to index
      %get3A_342 = arith.constant 0 : index
      %get3A_343 = tpu.vector_load %arg6[%get3A_340, %get3A_341, %get3A_342] {strides = array<i32>} : memref<4x128x32xf32, #tpu.memory_space<vmem>>, vector<16xf32>,
      %scatter3A = arith.constant 0 : i32
      %scatter3A_344 = arith.constant 0 : i32
      %scatter3A_345 = arith.constant 0 : i32
      %scatter3A_346 = tpu.memref_slice %arg7[%scatter3A, %scatter3A_344, %scatter3A_345] : memref<2x32x129xf32, #tpu.memory_space<vmem>> -> memref<1x32x129xf32, #tpu.memory_space<vmem>>
      %scatter3A_347 = tpu.memref_squeeze %scatter3A_346 : memref<1x32x129xf32, #tpu.memory_space<vmem>> -> memref<32x129xf32, #tpu.memory_space<vmem>>
      tpu.vector_store_idx %scatter3A_347[%add3A_5, %broadcast_in_dim3A], %get3A_343 : memref<32x129xf32, #tpu.memory_space<vmem>>[vector<16xi32>, vector<16xi32>], vector<16xf32>,
      %get3A_348 = arith.constant 0 : i32
      %get3A_349 = arith.index_cast %get3A_348 : i32 to index
      %get3A_350 = arith.index_cast %add3A_339 : i32 to index
      %get3A_351 = arith.constant 16 : index
      %get3A_352 = tpu.vector_load %arg6[%get3A_349, %get3A_350, %get3A_351] {strides = array<i32>} : memref<4x128x32xf32, #tpu.memory_space<vmem>>, vector<16xf32>,
      %scatter3A_353 = arith.constant 0 : i32
      %scatter3A_354 = arith.constant 0 : i32
      %scatter3A_355 = arith.constant 0 : i32
      %scatter3A_356 = tpu.memref_slice %arg7[%scatter3A_353, %scatter3A_354, %scatter3A_355] : memref<2x32x129xf32, #tpu.memory_space<vmem>> -> memref<1x32x129xf32, #tpu.memory_space<vmem>>
      %scatter3A_357 = tpu.memref_squeeze %scatter3A_356 : memref<1x32x129xf32, #tpu.memory_space<vmem>> -> memref<32x129xf32, #tpu.memory_space<vmem>>
      tpu.vector_store_idx %scatter3A_357[%add3A_9, %broadcast_in_dim3A], %get3A_352 : memref<32x129xf32, #tpu.memory_space<vmem>>[vector<16xi32>, vector<16xi32>], vector<16xf32>,
      %mul3A_358 = arith.constant 8 : i32
      %mul3A_359 = arith.muli %scan3A_334, %mul3A_358 : i32
      %add3A_360 = arith.constant 1 : i32
      %add3A_361 = arith.addi %mul3A_359, %add3A_360 : i32
      %broadcast_in_dim3A_362 = vector.broadcast %add3A_361 : i32 to vector<16xi32>
      %get3A_363 = arith.constant 0 : i32
      %get3A_364 = arith.index_cast %get3A_363 : i32 to index
      %get3A_365 = arith.index_cast %add3A_361 : i32 to index
      %get3A_366 = arith.constant 0 : index
      %get3A_367 = tpu.vector_load %arg6[%get3A_364, %get3A_365, %get3A_366] {strides = array<i32>} : memref<4x128x32xf32, #tpu.memory_space<vmem>>, vector<16xf32>,
      %scatter3A_368 = arith.constant 0 : i32
      %scatter3A_369 = arith.constant 0 : i32
      %scatter3A_370 = arith.constant 0 : i32
      %scatter3A_371 = tpu.memref_slice %arg7[%scatter3A_368, %scatter3A_369, %scatter3A_370] : memref<2x32x129xf32, #tpu.memory_space<vmem>> -> memref<1x32x129xf32, #tpu.memory_space<vmem>>
      %scatter3A_372 = tpu.memref_squeeze %scatter3A_371 : memref<1x32x129xf32, #tpu.memory_space<vmem>> -> memref<32x129xf32, #tpu.memory_space<vmem>>
      tpu.vector_store_idx %scatter3A_372[%add3A_5, %broadcast_in_dim3A_362], %get3A_367 : memref<32x129xf32, #tpu.memory_space<vmem>>[vector<16xi32>, vector<16xi32>], vector<16xf32>,
      %get3A_373 = arith.constant 0 : i32
      %get3A_374 = arith.index_cast %get3A_373 : i32 to index
      %get3A_375 = arith.index_cast %add3A_361 : i32 to index
      %get3A_376 = arith.constant 16 : index
      %get3A_377 = tpu.vector_load %arg6[%get3A_374, %get3A_375, %get3A_376] {strides = array<i32>} : memref<4x128x32xf32, #tpu.memory_space<vmem>>, vector<16xf32>,
      %scatter3A_378 = arith.constant 0 : i32
      %scatter3A_379 = arith.constant 0 : i32
      %scatter3A_380 = arith.constant 0 : i32
      %scatter3A_381 = tpu.memref_slice %arg7[%scatter3A_378, %scatter3A_379, %scatter3A_380] : memref<2x32x129xf32, #tpu.memory_space<vmem>> -> memref<1x32x129xf32, #tpu.memory_space<vmem>>
      %scatter3A_382 = tpu.memref_squeeze %scatter3A_381 : memref<1x32x129xf32, #tpu.memory_space<vmem>> -> memref<32x129xf32, #tpu.memory_space<vmem>>
      tpu.vector_store_idx %scatter3A_382[%add3A_9, %broadcast_in_dim3A_362], %get3A_377 : memref<32x129xf32, #tpu.memory_space<vmem>>[vector<16xi32>, vector<16xi32>], vector<16xf32>,
      %mul3A_383 = arith.constant 8 : i32
      %mul3A_384 = arith.muli %scan3A_334, %mul3A_383 : i32
      %add3A_385 = arith.constant 2 : i32
      %add3A_386 = arith.addi %mul3A_384, %add3A_385 : i32
      %broadcast_in_dim3A_387 = vector.broadcast %add3A_386 : i32 to vector<16xi32>
      %get3A_388 = arith.constant 0 : i32
      %get3A_389 = arith.index_cast %get3A_388 : i32 to index
      %get3A_390 = arith.index_cast %add3A_386 : i32 to index
      %get3A_391 = arith.constant 0 : index
      %get3A_392 = tpu.vector_load %arg6[%get3A_389, %get3A_390, %get3A_391] {strides = array<i32>} : memref<4x128x32xf32, #tpu.memory_space<vmem>>, vector<16xf32>,
      %scatter3A_393 = arith.constant 0 : i32
      %scatter3A_394 = arith.constant 0 : i32
      %scatter3A_395 = arith.constant 0 : i32
      %scatter3A_396 = tpu.memref_slice %arg7[%scatter3A_393, %scatter3A_394, %scatter3A_395] : memref<2x32x129xf32, #tpu.memory_space<vmem>> -> memref<1x32x129xf32, #tpu.memory_space<vmem>>
      %scatter3A_397 = tpu.memref_squeeze %scatter3A_396 : memref<1x32x129xf32, #tpu.memory_space<vmem>> -> memref<32x129xf32, #tpu.memory_space<vmem>>
      tpu.vector_store_idx %scatter3A_397[%add3A_5, %broadcast_in_dim3A_387], %get3A_392 : memref<32x129xf32, #tpu.memory_space<vmem>>[vector<16xi32>, vector<16xi32>], vector<16xf32>,
      %get3A_398 = arith.constant 0 : i32
      %get3A_399 = arith.index_cast %get3A_398 : i32 to index
      %get3A_400 = arith.index_cast %add3A_386 : i32 to index
      %get3A_401 = arith.constant 16 : index
      %get3A_402 = tpu.vector_load %arg6[%get3A_399, %get3A_400, %get3A_401] {strides = array<i32>} : memref<4x128x32xf32, #tpu.memory_space<vmem>>, vector<16xf32>,
      %scatter3A_403 = arith.constant 0 : i32
      %scatter3A_404 = arith.constant 0 : i32
      %scatter3A_405 = arith.constant 0 : i32
      %scatter3A_406 = tpu.memref_slice %arg7[%scatter3A_403, %scatter3A_404, %scatter3A_405] : memref<2x32x129xf32, #tpu.memory_space<vmem>> -> memref<1x32x129xf32, #tpu.memory_space<vmem>>
      %scatter3A_407 = tpu.memref_squeeze %scatter3A_406 : memref<1x32x129xf32, #tpu.memory_space<vmem>> -> memref<32x129xf32, #tpu.memory_space<vmem>>
      tpu.vector_store_idx %scatter3A_407[%add3A_9, %broadcast_in_dim3A_387], %get3A_402 : memref<32x129xf32, #tpu.memory_space<vmem>>[vector<16xi32>, vector<16xi32>], vector<16xf32>,
      %mul3A_408 = arith.constant 8 : i32
      %mul3A_409 = arith.muli %scan3A_334, %mul3A_408 : i32
      %add3A_410 = arith.constant 3 : i32
      %add3A_411 = arith.addi %mul3A_409, %add3A_410 : i32
      %broadcast_in_dim3A_412 = vector.broadcast %add3A_411 : i32 to vector<16xi32>
      %get3A_413 = arith.constant 0 : i32
      %get3A_414 = arith.index_cast %get3A_413 : i32 to index
      %get3A_415 = arith.index_cast %add3A_411 : i32 to index
      %get3A_416 = arith.constant 0 : index
      %get3A_417 = tpu.vector_load %arg6[%get3A_414, %get3A_415, %get3A_416] {strides = array<i32>} : memref<4x128x32xf32, #tpu.memory_space<vmem>>, vector<16xf32>,
      %scatter3A_418 = arith.constant 0 : i32
      %scatter3A_419 = arith.constant 0 : i32
      %scatter3A_420 = arith.constant 0 : i32
      %scatter3A_421 = tpu.memref_slice %arg7[%scatter3A_418, %scatter3A_419, %scatter3A_420] : memref<2x32x129xf32, #tpu.memory_space<vmem>> -> memref<1x32x129xf32, #tpu.memory_space<vmem>>
      %scatter3A_422 = tpu.memref_squeeze %scatter3A_421 : memref<1x32x129xf32, #tpu.memory_space<vmem>> -> memref<32x129xf32, #tpu.memory_space<vmem>>
      tpu.vector_store_idx %scatter3A_422[%add3A_5, %broadcast_in_dim3A_412], %get3A_417 : memref<32x129xf32, #tpu.memory_space<vmem>>[vector<16xi32>, vector<16xi32>], vector<16xf32>,
      %get3A_423 = arith.constant 0 : i32
      %get3A_424 = arith.index_cast %get3A_423 : i32 to index
      %get3A_425 = arith.index_cast %add3A_411 : i32 to index
      %get3A_426 = arith.constant 16 : index
      %get3A_427 = tpu.vector_load %arg6[%get3A_424, %get3A_425, %get3A_426] {strides = array<i32>} : memref<4x128x32xf32, #tpu.memory_space<vmem>>, vector<16xf32>,
      %scatter3A_428 = arith.constant 0 : i32
      %scatter3A_429 = arith.constant 0 : i32
      %scatter3A_430 = arith.constant 0 : i32
      %scatter3A_431 = tpu.memref_slice %arg7[%scatter3A_428, %scatter3A_429, %scatter3A_430] : memref<2x32x129xf32, #tpu.memory_space<vmem>> -> memref<1x32x129xf32, #tpu.memory_space<vmem>>
      %scatter3A_432 = tpu.memref_squeeze %scatter3A_431 : memref<1x32x129xf32, #tpu.memory_space<vmem>> -> memref<32x129xf32, #tpu.memory_space<vmem>>
      tpu.vector_store_idx %scatter3A_432[%add3A_9, %broadcast_in_dim3A_412], %get3A_427 : memref<32x129xf32, #tpu.memory_space<vmem>>[vector<16xi32>, vector<16xi32>], vector<16xf32>,
      %mul3A_433 = arith.constant 8 : i32
      %mul3A_434 = arith.muli %scan3A_334, %mul3A_433 : i32
      %add3A_435 = arith.constant 4 : i32
      %add3A_436 = arith.addi %mul3A_434, %add3A_435 : i32
      %broadcast_in_dim3A_437 = vector.broadcast %add3A_436 : i32 to vector<16xi32>
      %get3A_438 = arith.constant 0 : i32
      %get3A_439 = arith.index_cast %get3A_438 : i32 to index
      %get3A_440 = arith.index_cast %add3A_436 : i32 to index
      %get3A_441 = arith.constant 0 : index
      %get3A_442 = tpu.vector_load %arg6[%get3A_439, %get3A_440, %get3A_441] {strides = array<i32>} : memref<4x128x32xf32, #tpu.memory_space<vmem>>, vector<16xf32>,
      %scatter3A_443 = arith.constant 0 : i32
      %scatter3A_444 = arith.constant 0 : i32
      %scatter3A_445 = arith.constant 0 : i32
      %scatter3A_446 = tpu.memref_slice %arg7[%scatter3A_443, %scatter3A_444, %scatter3A_445] : memref<2x32x129xf32, #tpu.memory_space<vmem>> -> memref<1x32x129xf32, #tpu.memory_space<vmem>>
      %scatter3A_447 = tpu.memref_squeeze %scatter3A_446 : memref<1x32x129xf32, #tpu.memory_space<vmem>> -> memref<32x129xf32, #tpu.memory_space<vmem>>
      tpu.vector_store_idx %scatter3A_447[%add3A_5, %broadcast_in_dim3A_437], %get3A_442 : memref<32x129xf32, #tpu.memory_space<vmem>>[vector<16xi32>, vector<16xi32>], vector<16xf32>,
      %get3A_448 = arith.constant 0 : i32
      %get3A_449 = arith.index_cast %get3A_448 : i32 to index
      %get3A_450 = arith.index_cast %add3A_436 : i32 to index
      %get3A_451 = arith.constant 16 : index
      %get3A_452 = tpu.vector_load %arg6[%get3A_449, %get3A_450, %get3A_451] {strides = array<i32>} : memref<4x128x32xf32, #tpu.memory_space<vmem>>, vector<16xf32>,
      %scatter3A_453 = arith.constant 0 : i32
      %scatter3A_454 = arith.constant 0 : i32
      %scatter3A_455 = arith.constant 0 : i32
      %scatter3A_456 = tpu.memref_slice %arg7[%scatter3A_453, %scatter3A_454, %scatter3A_455] : memref<2x32x129xf32, #tpu.memory_space<vmem>> -> memref<1x32x129xf32, #tpu.memory_space<vmem>>
      %scatter3A_457 = tpu.memref_squeeze %scatter3A_456 : memref<1x32x129xf32, #tpu.memory_space<vmem>> -> memref<32x129xf32, #tpu.memory_space<vmem>>
      tpu.vector_store_idx %scatter3A_457[%add3A_9, %broadcast_in_dim3A_437], %get3A_452 : memref<32x129xf32, #tpu.memory_space<vmem>>[vector<16xi32>, vector<16xi32>], vector<16xf32>,
      %mul3A_458 = arith.constant 8 : i32
      %mul3A_459 = arith.muli %scan3A_334, %mul3A_458 : i32
      %add3A_460 = arith.constant 5 : i32
      %add3A_461 = arith.addi %mul3A_459, %add3A_460 : i32
      %broadcast_in_dim3A_462 = vector.broadcast %add3A_461 : i32 to vector<16xi32>
      %get3A_463 = arith.constant 0 : i32
      %get3A_464 = arith.index_cast %get3A_463 : i32 to index
      %get3A_465 = arith.index_cast %add3A_461 : i32 to index
      %get3A_466 = arith.constant 0 : index
      %get3A_467 = tpu.vector_load %arg6[%get3A_464, %get3A_465, %get3A_466] {strides = array<i32>} : memref<4x128x32xf32, #tpu.memory_space<vmem>>, vector<16xf32>,
      %scatter3A_468 = arith.constant 0 : i32
      %scatter3A_469 = arith.constant 0 : i32
      %scatter3A_470 = arith.constant 0 : i32
      %scatter3A_471 = tpu.memref_slice %arg7[%scatter3A_468, %scatter3A_469, %scatter3A_470] : memref<2x32x129xf32, #tpu.memory_space<vmem>> -> memref<1x32x129xf32, #tpu.memory_space<vmem>>
      %scatter3A_472 = tpu.memref_squeeze %scatter3A_471 : memref<1x32x129xf32, #tpu.memory_space<vmem>> -> memref<32x129xf32, #tpu.memory_space<vmem>>
      tpu.vector_store_idx %scatter3A_472[%add3A_5, %broadcast_in_dim3A_462], %get3A_467 : memref<32x129xf32, #tpu.memory_space<vmem>>[vector<16xi32>, vector<16xi32>], vector<16xf32>,
      %get3A_473 = arith.constant 0 : i32
      %get3A_474 = arith.index_cast %get3A_473 : i32 to index
      %get3A_475 = arith.index_cast %add3A_461 : i32 to index
      %get3A_476 = arith.constant 16 : index
      %get3A_477 = tpu.vector_load %arg6[%get3A_474, %get3A_475, %get3A_476] {strides = array<i32>} : memref<4x128x32xf32, #tpu.memory_space<vmem>>, vector<16xf32>,
      %scatter3A_478 = arith.constant 0 : i32
      %scatter3A_479 = arith.constant 0 : i32
      %scatter3A_480 = arith.constant 0 : i32
      %scatter3A_481 = tpu.memref_slice %arg7[%scatter3A_478, %scatter3A_479, %scatter3A_480] : memref<2x32x129xf32, #tpu.memory_space<vmem>> -> memref<1x32x129xf32, #tpu.memory_space<vmem>>
      %scatter3A_482 = tpu.memref_squeeze %scatter3A_481 : memref<1x32x129xf32, #tpu.memory_space<vmem>> -> memref<32x129xf32, #tpu.memory_space<vmem>>
      tpu.vector_store_idx %scatter3A_482[%add3A_9, %broadcast_in_dim3A_462], %get3A_477 : memref<32x129xf32, #tpu.memory_space<vmem>>[vector<16xi32>, vector<16xi32>], vector<16xf32>,
      %mul3A_483 = arith.constant 8 : i32
      %mul3A_484 = arith.muli %scan3A_334, %mul3A_483 : i32
      %add3A_485 = arith.constant 6 : i32
      %add3A_486 = arith.addi %mul3A_484, %add3A_485 : i32
      %broadcast_in_dim3A_487 = vector.broadcast %add3A_486 : i32 to vector<16xi32>
      %get3A_488 = arith.constant 0 : i32
      %get3A_489 = arith.index_cast %get3A_488 : i32 to index
      %get3A_490 = arith.index_cast %add3A_486 : i32 to index
      %get3A_491 = arith.constant 0 : index
      %get3A_492 = tpu.vector_load %arg6[%get3A_489, %get3A_490, %get3A_491] {strides = array<i32>} : memref<4x128x32xf32, #tpu.memory_space<vmem>>, vector<16xf32>,
      %scatter3A_493 = arith.constant 0 : i32
      %scatter3A_494 = arith.constant 0 : i32
      %scatter3A_495 = arith.constant 0 : i32
      %scatter3A_496 = tpu.memref_slice %arg7[%scatter3A_493, %scatter3A_494, %scatter3A_495] : memref<2x32x129xf32, #tpu.memory_space<vmem>> -> memref<1x32x129xf32, #tpu.memory_space<vmem>>
      %scatter3A_497 = tpu.memref_squeeze %scatter3A_496 : memref<1x32x129xf32, #tpu.memory_space<vmem>> -> memref<32x129xf32, #tpu.memory_space<vmem>>
      tpu.vector_store_idx %scatter3A_497[%add3A_5, %broadcast_in_dim3A_487], %get3A_492 : memref<32x129xf32, #tpu.memory_space<vmem>>[vector<16xi32>, vector<16xi32>], vector<16xf32>,
      %get3A_498 = arith.constant 0 : i32
      %get3A_499 = arith.index_cast %get3A_498 : i32 to index
      %get3A_500 = arith.index_cast %add3A_486 : i32 to index
      %get3A_501 = arith.constant 16 : index
      %get3A_502 = tpu.vector_load %arg6[%get3A_499, %get3A_500, %get3A_501] {strides = array<i32>} : memref<4x128x32xf32, #tpu.memory_space<vmem>>, vector<16xf32>,
      %scatter3A_503 = arith.constant 0 : i32
      %scatter3A_504 = arith.constant 0 : i32
      %scatter3A_505 = arith.constant 0 : i32
      %scatter3A_506 = tpu.memref_slice %arg7[%scatter3A_503, %scatter3A_504, %scatter3A_505] : memref<2x32x129xf32, #tpu.memory_space<vmem>> -> memref<1x32x129xf32, #tpu.memory_space<vmem>>
      %scatter3A_507 = tpu.memref_squeeze %scatter3A_506 : memref<1x32x129xf32, #tpu.memory_space<vmem>> -> memref<32x129xf32, #tpu.memory_space<vmem>>
      tpu.vector_store_idx %scatter3A_507[%add3A_9, %broadcast_in_dim3A_487], %get3A_502 : memref<32x129xf32, #tpu.memory_space<vmem>>[vector<16xi32>, vector<16xi32>], vector<16xf32>,
      %mul3A_508 = arith.constant 8 : i32
      %mul3A_509 = arith.muli %scan3A_334, %mul3A_508 : i32
      %add3A_510 = arith.constant 7 : i32
      %add3A_511 = arith.addi %mul3A_509, %add3A_510 : i32
      %broadcast_in_dim3A_512 = vector.broadcast %add3A_511 : i32 to vector<16xi32>
      %get3A_513 = arith.constant 0 : i32
      %get3A_514 = arith.index_cast %get3A_513 : i32 to index
      %get3A_515 = arith.index_cast %add3A_511 : i32 to index
      %get3A_516 = arith.constant 0 : index
      %get3A_517 = tpu.vector_load %arg6[%get3A_514, %get3A_515, %get3A_516] {strides = array<i32>} : memref<4x128x32xf32, #tpu.memory_space<vmem>>, vector<16xf32>,
      %scatter3A_518 = arith.constant 0 : i32
      %scatter3A_519 = arith.constant 0 : i32
      %scatter3A_520 = arith.constant 0 : i32
      %scatter3A_521 = tpu.memref_slice %arg7[%scatter3A_518, %scatter3A_519, %scatter3A_520] : memref<2x32x129xf32, #tpu.memory_space<vmem>> -> memref<1x32x129xf32, #tpu.memory_space<vmem>>
      %scatter3A_522 = tpu.memref_squeeze %scatter3A_521 : memref<1x32x129xf32, #tpu.memory_space<vmem>> -> memref<32x129xf32, #tpu.memory_space<vmem>>
      tpu.vector_store_idx %scatter3A_522[%add3A_5, %broadcast_in_dim3A_512], %get3A_517 : memref<32x129xf32, #tpu.memory_space<vmem>>[vector<16xi32>, vector<16xi32>], vector<16xf32>,
      %get3A_523 = arith.constant 0 : i32
      %get3A_524 = arith.index_cast %get3A_523 : i32 to index
      %get3A_525 = arith.index_cast %add3A_511 : i32 to index
      %get3A_526 = arith.constant 16 : index
      %get3A_527 = tpu.vector_load %arg6[%get3A_524, %get3A_525, %get3A_526] {strides = array<i32>} : memref<4x128x32xf32, #tpu.memory_space<vmem>>, vector<16xf32>,
      %scatter3A_528 = arith.constant 0 : i32
      %scatter3A_529 = arith.constant 0 : i32
      %scatter3A_530 = arith.constant 0 : i32
      %scatter3A_531 = tpu.memref_slice %arg7[%scatter3A_528, %scatter3A_529, %scatter3A_530] : memref<2x32x129xf32, #tpu.memory_space<vmem>> -> memref<1x32x129xf32, #tpu.memory_space<vmem>>
      %scatter3A_532 = tpu.memref_squeeze %scatter3A_531 : memref<1x32x129xf32, #tpu.memory_space<vmem>> -> memref<32x129xf32, #tpu.memory_space<vmem>>
      tpu.vector_store_idx %scatter3A_532[%add3A_9, %broadcast_in_dim3A_512], %get3A_527 : memref<32x129xf32, #tpu.memory_space<vmem>>[vector<16xi32>, vector<16xi32>], vector<16xf32>,
      %scan3A_533 = arith.constant 0 : i32
      scf.yield %scan3A_533 : i32
    }
    %scan3A_76 = arith.constant 16 : i32
    %dma_start3A_77 = arith.constant 0 : i32
    %dma_start3A_78 = arith.constant 0 : i32
    %dma_start3A_79 = arith.constant 0 : i32
    %dma_start3A_80 = arith.constant 0 : i32
    %dma_start3A_81 = arith.constant 0 : i32
    %dma_start3A_82 = tpu.memref_slice %arg7[%dma_start3A_77, %dma_start3A_80, %dma_start3A_81] : memref<2x32x129xf32, #tpu.memory_space<vmem>> -> memref<1x32x128xf32, #tpu.memory_space<vmem>>
    %dma_start3A_83 = tpu.memref_squeeze %dma_start3A_82 : memref<1x32x128xf32, #tpu.memory_space<vmem>> -> memref<32x128xf32, #tpu.memory_space<vmem>>
    %dma_start3A_84 = arith.constant 0 : i32
    %dma_start3A_85 = tpu.memref_slice %arg4[%dma_start3A_78, %dma_start3A_84, %mul3A_2] : memref<200x32x4096xf32, #tpu.memory_space<hbm>> -> memref<1x32x128xf32, #tpu.memory_space<hbm>>
    %dma_start3A_86 = tpu.memref_squeeze %dma_start3A_85 : memref<1x32x128xf32, #tpu.memory_space<hbm>> -> memref<32x128xf32, #tpu.memory_space<hbm>>
    %dma_start3A_87 = tpu.memref_slice %arg9[%dma_start3A_79] : memref<2x!tpu.dma_semaphore, #tpu.memory_space<semaphore_mem>> -> memref<1x!tpu.dma_semaphore, #tpu.memory_space<semaphore_mem>>
    %dma_start3A_88 = tpu.memref_squeeze %dma_start3A_87 : memref<1x!tpu.dma_semaphore, #tpu.memory_space<semaphore_mem>> -> memref<!tpu.dma_semaphore, #tpu.memory_space<semaphore_mem>>
    %dma_start3A_89 = arith.constant 0 : i32
    %dma_start3A_90 = tpu.memref_slice %arg4[%dma_start3A_78, %dma_start3A_89, %mul3A_2] : memref<200x32x4096xf32, #tpu.memory_space<hbm>> -> memref<1x32x128xf32, #tpu.memory_space<hbm>>
    %dma_start3A_91 = tpu.memref_squeeze %dma_start3A_90 : memref<1x32x128xf32, #tpu.memory_space<hbm>> -> memref<32x128xf32, #tpu.memory_space<hbm>>
    %dma_start3A_92 = arith.constant 0 : i32
    %dma_start3A_93 = arith.constant 0 : i32
    %dma_start3A_94 = tpu.memref_slice %arg7[%dma_start3A_77, %dma_start3A_92, %dma_start3A_93] : memref<2x32x129xf32, #tpu.memory_space<vmem>> -> memref<1x32x128xf32, #tpu.memory_space<vmem>>
    %dma_start3A_95 = tpu.memref_squeeze %dma_start3A_94 : memref<1x32x128xf32, #tpu.memory_space<vmem>> -> memref<32x128xf32, #tpu.memory_space<vmem>>
    tpu.enqueue_dma source(%dma_start3A_95 : memref<32x128xf32, #tpu.memory_space<vmem>>) target(%dma_start3A_91 : memref<32x128xf32, #tpu.memory_space<hbm>>) target_semaphore(%dma_start3A_88 : memref<!tpu.dma_semaphore, #tpu.memory_space<semaphore_mem>>)
    %dma_start3A_96 = arith.constant 3 : i32
    %dma_start3A_97 = arith.constant 3 : i32
    %dma_start3A_98 = arith.constant 3 : i32
    %dma_start3A_99 = arith.constant 0 : i32
    %dma_start3A_100 = arith.constant 0 : i32
    %dma_start3A_101 = tpu.memref_slice %arg6[%dma_start3A_97, %dma_start3A_99, %dma_start3A_100] : memref<4x128x32xf32, #tpu.memory_space<vmem>> -> memref<1x128x32xf32, #tpu.memory_space<vmem>>
    %dma_start3A_102 = tpu.memref_squeeze %dma_start3A_101 : memref<1x128x32xf32, #tpu.memory_space<vmem>> -> memref<128x32xf32, #tpu.memory_space<vmem>>
    %dma_start3A_103 = arith.constant 0 : i32
    %dma_start3A_104 = tpu.memref_slice %arg5[%dma_start3A_96, %dma_start3A_103] : memref<200x128xi32, #tpu.memory_space<vmem>> -> memref<1x128xi32, #tpu.memory_space<vmem>>
    %dma_start3A_105 = tpu.memref_squeeze %dma_start3A_104 : memref<1x128xi32, #tpu.memory_space<vmem>> -> memref<128xi32, #tpu.memory_space<vmem>>
    %dma_start3A_106 = arith.constant 0 : i32
    %dma_start3A_107 = arith.constant 0 : i32
    %dma_start3A_108 = tpu.memref_slice %arg3[%dma_start3A_106, %dma_start3A_107] : memref<1000000x32xf32, #tpu.memory_space<hbm>> -> memref<1000000x32xf32, #tpu.memory_space<hbm>>
    %dma_start3A_109 = tpu.memref_slice %arg8[%dma_start3A_98] : memref<4x!tpu.dma_semaphore, #tpu.memory_space<semaphore_mem>> -> memref<1x!tpu.dma_semaphore, #tpu.memory_space<semaphore_mem>>
    %dma_start3A_110 = tpu.memref_squeeze %dma_start3A_109 : memref<1x!tpu.dma_semaphore, #tpu.memory_space<semaphore_mem>> -> memref<!tpu.dma_semaphore, #tpu.memory_space<semaphore_mem>>
    tpu.enqueue_indirect_dma source(%dma_start3A_108 : memref<1000000x32xf32, #tpu.memory_space<hbm>>) target(%dma_start3A_102 : memref<128x32xf32, #tpu.memory_space<vmem>>) offsets(%dma_start3A_105 : memref<128xi32, #tpu.memory_space<vmem>>) semaphore(%dma_start3A_110 : memref<!tpu.dma_semaphore, #tpu.memory_space<semaphore_mem>>)
    %dma_wait3A_111 = arith.constant 1 : i32
    %dma_wait3A_112 = arith.constant 1 : i32
    %dma_wait3A_113 = arith.constant 0 : i32
    %dma_wait3A_114 = arith.constant 0 : i32
    %dma_wait3A_115 = tpu.memref_slice %arg6[%dma_wait3A_111, %dma_wait3A_113, %dma_wait3A_114] : memref<4x128x32xf32, #tpu.memory_space<vmem>> -> memref<1x128x32xf32, #tpu.memory_space<vmem>>
    %dma_wait3A_116 = tpu.memref_squeeze %dma_wait3A_115 : memref<1x128x32xf32, #tpu.memory_space<vmem>> -> memref<128x32xf32, #tpu.memory_space<vmem>>
    %dma_wait3A_117 = arith.constant 0 : i32
    %dma_wait3A_118 = arith.constant 0 : i32
    %dma_wait3A_119 = tpu.memref_slice %arg3[%dma_wait3A_117, %dma_wait3A_118] : memref<1000000x32xf32, #tpu.memory_space<hbm>> -> memref<128x32xf32, #tpu.memory_space<hbm>>
    %dma_wait3A_120 = tpu.memref_slice %arg8[%dma_wait3A_112] : memref<4x!tpu.dma_semaphore, #tpu.memory_space<semaphore_mem>> -> memref<1x!tpu.dma_semaphore, #tpu.memory_space<semaphore_mem>>
    %dma_wait3A_121 = tpu.memref_squeeze %dma_wait3A_120 : memref<1x!tpu.dma_semaphore, #tpu.memory_space<semaphore_mem>> -> memref<!tpu.dma_semaphore, #tpu.memory_space<semaphore_mem>>
    %dma_wait3A_122 = arith.constant 0 : i32
    %dma_wait3A_123 = arith.constant 0 : i32
    %dma_wait3A_124 = tpu.memref_slice %arg6[%dma_wait3A_111, %dma_wait3A_122, %dma_wait3A_123] : memref<4x128x32xf32, #tpu.memory_space<vmem>> -> memref<1x128x32xf32, #tpu.memory_space<vmem>>
    %dma_wait3A_125 = tpu.memref_squeeze %dma_wait3A_124 : memref<1x128x32xf32, #tpu.memory_space<vmem>> -> memref<128x32xf32, #tpu.memory_space<vmem>>
    %dma_wait3A_126 = arith.constant 0 : i32
    %dma_wait3A_127 = arith.constant 0 : i32
    %dma_wait3A_128 = tpu.memref_slice %arg3[%dma_wait3A_126, %dma_wait3A_127] : memref<1000000x32xf32, #tpu.memory_space<hbm>> -> memref<128x32xf32, #tpu.memory_space<hbm>>
    tpu.wait_dma2 semaphore(%dma_wait3A_121 : memref<!tpu.dma_semaphore, #tpu.memory_space<semaphore_mem>>) src(%dma_wait3A_128 : memref<128x32xf32, #tpu.memory_space<hbm>>) dst(%dma_wait3A_125 : memref<128x32xf32, #tpu.memory_space<vmem>>)
    %scan3A_129 = arith.constant 0 : i32
    %scan3A_130 = arith.constant 0 : i32
    %scan3A_131 = arith.constant 16 : i32
    %scan3A_132 = arith.addi %scan3A_130, %scan3A_131 : i32
    %scan3A_133 = arith.constant 1 : i32
    %scan3A_134 = scf.for %scan3A_334 = %scan3A_130 to %scan3A_132 step %scan3A_133 iter_args(%scan3A_335 = %scan3A_129) -> (i32)  : i32 {
      %mul3A_336 = arith.constant 8 : i32
      %mul3A_337 = arith.muli %scan3A_334, %mul3A_336 : i32
      %add3A_338 = arith.constant 0 : i32
      %add3A_339 = arith.addi %mul3A_337, %add3A_338 : i32
      %broadcast_in_dim3A = vector.broadcast %add3A_339 : i32 to vector<16xi32>
      %get3A = arith.constant 1 : i32
      %get3A_340 = arith.index_cast %get3A : i32 to index
      %get3A_341 = arith.index_cast %add3A_339 : i32 to index
      %get3A_342 = arith.constant 0 : index
      %get3A_343 = tpu.vector_load %arg6[%get3A_340, %get3A_341, %get3A_342] {strides = array<i32>} : memref<4x128x32xf32, #tpu.memory_space<vmem>>, vector<16xf32>,
      %scatter3A = arith.constant 1 : i32
      %scatter3A_344 = arith.constant 0 : i32
      %scatter3A_345 = arith.constant 0 : i32
      %scatter3A_346 = tpu.memref_slice %arg7[%scatter3A, %scatter3A_344, %scatter3A_345] : memref<2x32x129xf32, #tpu.memory_space<vmem>> -> memref<1x32x129xf32, #tpu.memory_space<vmem>>
      %scatter3A_347 = tpu.memref_squeeze %scatter3A_346 : memref<1x32x129xf32, #tpu.memory_space<vmem>> -> memref<32x129xf32, #tpu.memory_space<vmem>>
      tpu.vector_store_idx %scatter3A_347[%add3A_5, %broadcast_in_dim3A], %get3A_343 : memref<32x129xf32, #tpu.memory_space<vmem>>[vector<16xi32>, vector<16xi32>], vector<16xf32>,
      %get3A_348 = arith.constant 1 : i32
      %get3A_349 = arith.index_cast %get3A_348 : i32 to index
      %get3A_350 = arith.index_cast %add3A_339 : i32 to index
      %get3A_351 = arith.constant 16 : index
      %get3A_352 = tpu.vector_load %arg6[%get3A_349, %get3A_350, %get3A_351] {strides = array<i32>} : memref<4x128x32xf32, #tpu.memory_space<vmem>>, vector<16xf32>,
      %scatter3A_353 = arith.constant 1 : i32
      %scatter3A_354 = arith.constant 0 : i32
      %scatter3A_355 = arith.constant 0 : i32
      %scatter3A_356 = tpu.memref_slice %arg7[%scatter3A_353, %scatter3A_354, %scatter3A_355] : memref<2x32x129xf32, #tpu.memory_space<vmem>> -> memref<1x32x129xf32, #tpu.memory_space<vmem>>
      %scatter3A_357 = tpu.memref_squeeze %scatter3A_356 : memref<1x32x129xf32, #tpu.memory_space<vmem>> -> memref<32x129xf32, #tpu.memory_space<vmem>>
      tpu.vector_store_idx %scatter3A_357[%add3A_9, %broadcast_in_dim3A], %get3A_352 : memref<32x129xf32, #tpu.memory_space<vmem>>[vector<16xi32>, vector<16xi32>], vector<16xf32>,
      %mul3A_358 = arith.constant 8 : i32
      %mul3A_359 = arith.muli %scan3A_334, %mul3A_358 : i32
      %add3A_360 = arith.constant 1 : i32
      %add3A_361 = arith.addi %mul3A_359, %add3A_360 : i32
      %broadcast_in_dim3A_362 = vector.broadcast %add3A_361 : i32 to vector<16xi32>
      %get3A_363 = arith.constant 1 : i32
      %get3A_364 = arith.index_cast %get3A_363 : i32 to index
      %get3A_365 = arith.index_cast %add3A_361 : i32 to index
      %get3A_366 = arith.constant 0 : index
      %get3A_367 = tpu.vector_load %arg6[%get3A_364, %get3A_365, %get3A_366] {strides = array<i32>} : memref<4x128x32xf32, #tpu.memory_space<vmem>>, vector<16xf32>,
      %scatter3A_368 = arith.constant 1 : i32
      %scatter3A_369 = arith.constant 0 : i32
      %scatter3A_370 = arith.constant 0 : i32
      %scatter3A_371 = tpu.memref_slice %arg7[%scatter3A_368, %scatter3A_369, %scatter3A_370] : memref<2x32x129xf32, #tpu.memory_space<vmem>> -> memref<1x32x129xf32, #tpu.memory_space<vmem>>
      %scatter3A_372 = tpu.memref_squeeze %scatter3A_371 : memref<1x32x129xf32, #tpu.memory_space<vmem>> -> memref<32x129xf32, #tpu.memory_space<vmem>>
      tpu.vector_store_idx %scatter3A_372[%add3A_5, %broadcast_in_dim3A_362], %get3A_367 : memref<32x129xf32, #tpu.memory_space<vmem>>[vector<16xi32>, vector<16xi32>], vector<16xf32>,
      %get3A_373 = arith.constant 1 : i32
      %get3A_374 = arith.index_cast %get3A_373 : i32 to index
      %get3A_375 = arith.index_cast %add3A_361 : i32 to index
      %get3A_376 = arith.constant 16 : index
      %get3A_377 = tpu.vector_load %arg6[%get3A_374, %get3A_375, %get3A_376] {strides = array<i32>} : memref<4x128x32xf32, #tpu.memory_space<vmem>>, vector<16xf32>,
      %scatter3A_378 = arith.constant 1 : i32
      %scatter3A_379 = arith.constant 0 : i32
      %scatter3A_380 = arith.constant 0 : i32
      %scatter3A_381 = tpu.memref_slice %arg7[%scatter3A_378, %scatter3A_379, %scatter3A_380] : memref<2x32x129xf32, #tpu.memory_space<vmem>> -> memref<1x32x129xf32, #tpu.memory_space<vmem>>
      %scatter3A_382 = tpu.memref_squeeze %scatter3A_381 : memref<1x32x129xf32, #tpu.memory_space<vmem>> -> memref<32x129xf32, #tpu.memory_space<vmem>>
      tpu.vector_store_idx %scatter3A_382[%add3A_9, %broadcast_in_dim3A_362], %get3A_377 : memref<32x129xf32, #tpu.memory_space<vmem>>[vector<16xi32>, vector<16xi32>], vector<16xf32>,
      %mul3A_383 = arith.constant 8 : i32
      %mul3A_384 = arith.muli %scan3A_334, %mul3A_383 : i32
      %add3A_385 = arith.constant 2 : i32
      %add3A_386 = arith.addi %mul3A_384, %add3A_385 : i32
      %broadcast_in_dim3A_387 = vector.broadcast %add3A_386 : i32 to vector<16xi32>
      %get3A_388 = arith.constant 1 : i32
      %get3A_389 = arith.index_cast %get3A_388 : i32 to index
      %get3A_390 = arith.index_cast %add3A_386 : i32 to index
      %get3A_391 = arith.constant 0 : index
      %get3A_392 = tpu.vector_load %arg6[%get3A_389, %get3A_390, %get3A_391] {strides = array<i32>} : memref<4x128x32xf32, #tpu.memory_space<vmem>>, vector<16xf32>,
      %scatter3A_393 = arith.constant 1 : i32
      %scatter3A_394 = arith.constant 0 : i32
      %scatter3A_395 = arith.constant 0 : i32
      %scatter3A_396 = tpu.memref_slice %arg7[%scatter3A_393, %scatter3A_394, %scatter3A_395] : memref<2x32x129xf32, #tpu.memory_space<vmem>> -> memref<1x32x129xf32, #tpu.memory_space<vmem>>
      %scatter3A_397 = tpu.memref_squeeze %scatter3A_396 : memref<1x32x129xf32, #tpu.memory_space<vmem>> -> memref<32x129xf32, #tpu.memory_space<vmem>>
      tpu.vector_store_idx %scatter3A_397[%add3A_5, %broadcast_in_dim3A_387], %get3A_392 : memref<32x129xf32, #tpu.memory_space<vmem>>[vector<16xi32>, vector<16xi32>], vector<16xf32>,
      %get3A_398 = arith.constant 1 : i32
      %get3A_399 = arith.index_cast %get3A_398 : i32 to index
      %get3A_400 = arith.index_cast %add3A_386 : i32 to index
      %get3A_401 = arith.constant 16 : index
      %get3A_402 = tpu.vector_load %arg6[%get3A_399, %get3A_400, %get3A_401] {strides = array<i32>} : memref<4x128x32xf32, #tpu.memory_space<vmem>>, vector<16xf32>,
      %scatter3A_403 = arith.constant 1 : i32
      %scatter3A_404 = arith.constant 0 : i32
      %scatter3A_405 = arith.constant 0 : i32
      %scatter3A_406 = tpu.memref_slice %arg7[%scatter3A_403, %scatter3A_404, %scatter3A_405] : memref<2x32x129xf32, #tpu.memory_space<vmem>> -> memref<1x32x129xf32, #tpu.memory_space<vmem>>
      %scatter3A_407 = tpu.memref_squeeze %scatter3A_406 : memref<1x32x129xf32, #tpu.memory_space<vmem>> -> memref<32x129xf32, #tpu.memory_space<vmem>>
      tpu.vector_store_idx %scatter3A_407[%add3A_9, %broadcast_in_dim3A_387], %get3A_402 : memref<32x129xf32, #tpu.memory_space<vmem>>[vector<16xi32>, vector<16xi32>], vector<16xf32>,
      %mul3A_408 = arith.constant 8 : i32
      %mul3A_409 = arith.muli %scan3A_334, %mul3A_408 : i32
      %add3A_410 = arith.constant 3 : i32
      %add3A_411 = arith.addi %mul3A_409, %add3A_410 : i32
      %broadcast_in_dim3A_412 = vector.broadcast %add3A_411 : i32 to vector<16xi32>
      %get3A_413 = arith.constant 1 : i32
      %get3A_414 = arith.index_cast %get3A_413 : i32 to index
      %get3A_415 = arith.index_cast %add3A_411 : i32 to index
      %get3A_416 = arith.constant 0 : index
      %get3A_417 = tpu.vector_load %arg6[%get3A_414, %get3A_415, %get3A_416] {strides = array<i32>} : memref<4x128x32xf32, #tpu.memory_space<vmem>>, vector<16xf32>,
      %scatter3A_418 = arith.constant 1 : i32
      %scatter3A_419 = arith.constant 0 : i32
      %scatter3A_420 = arith.constant 0 : i32
      %scatter3A_421 = tpu.memref_slice %arg7[%scatter3A_418, %scatter3A_419, %scatter3A_420] : memref<2x32x129xf32, #tpu.memory_space<vmem>> -> memref<1x32x129xf32, #tpu.memory_space<vmem>>
      %scatter3A_422 = tpu.memref_squeeze %scatter3A_421 : memref<1x32x129xf32, #tpu.memory_space<vmem>> -> memref<32x129xf32, #tpu.memory_space<vmem>>
      tpu.vector_store_idx %scatter3A_422[%add3A_5, %broadcast_in_dim3A_412], %get3A_417 : memref<32x129xf32, #tpu.memory_space<vmem>>[vector<16xi32>, vector<16xi32>], vector<16xf32>,
      %get3A_423 = arith.constant 1 : i32
      %get3A_424 = arith.index_cast %get3A_423 : i32 to index
      %get3A_425 = arith.index_cast %add3A_411 : i32 to index
      %get3A_426 = arith.constant 16 : index
      %get3A_427 = tpu.vector_load %arg6[%get3A_424, %get3A_425, %get3A_426] {strides = array<i32>} : memref<4x128x32xf32, #tpu.memory_space<vmem>>, vector<16xf32>,
      %scatter3A_428 = arith.constant 1 : i32
      %scatter3A_429 = arith.constant 0 : i32
      %scatter3A_430 = arith.constant 0 : i32
      %scatter3A_431 = tpu.memref_slice %arg7[%scatter3A_428, %scatter3A_429, %scatter3A_430] : memref<2x32x129xf32, #tpu.memory_space<vmem>> -> memref<1x32x129xf32, #tpu.memory_space<vmem>>
      %scatter3A_432 = tpu.memref_squeeze %scatter3A_431 : memref<1x32x129xf32, #tpu.memory_space<vmem>> -> memref<32x129xf32, #tpu.memory_space<vmem>>
      tpu.vector_store_idx %scatter3A_432[%add3A_9, %broadcast_in_dim3A_412], %get3A_427 : memref<32x129xf32, #tpu.memory_space<vmem>>[vector<16xi32>, vector<16xi32>], vector<16xf32>,
      %mul3A_433 = arith.constant 8 : i32
      %mul3A_434 = arith.muli %scan3A_334, %mul3A_433 : i32
      %add3A_435 = arith.constant 4 : i32
      %add3A_436 = arith.addi %mul3A_434, %add3A_435 : i32
      %broadcast_in_dim3A_437 = vector.broadcast %add3A_436 : i32 to vector<16xi32>
      %get3A_438 = arith.constant 1 : i32
      %get3A_439 = arith.index_cast %get3A_438 : i32 to index
      %get3A_440 = arith.index_cast %add3A_436 : i32 to index
      %get3A_441 = arith.constant 0 : index
      %get3A_442 = tpu.vector_load %arg6[%get3A_439, %get3A_440, %get3A_441] {strides = array<i32>} : memref<4x128x32xf32, #tpu.memory_space<vmem>>, vector<16xf32>,
      %scatter3A_443 = arith.constant 1 : i32
      %scatter3A_444 = arith.constant 0 : i32
      %scatter3A_445 = arith.constant 0 : i32
      %scatter3A_446 = tpu.memref_slice %arg7[%scatter3A_443, %scatter3A_444, %scatter3A_445] : memref<2x32x129xf32, #tpu.memory_space<vmem>> -> memref<1x32x129xf32, #tpu.memory_space<vmem>>
      %scatter3A_447 = tpu.memref_squeeze %scatter3A_446 : memref<1x32x129xf32, #tpu.memory_space<vmem>> -> memref<32x129xf32, #tpu.memory_space<vmem>>
      tpu.vector_store_idx %scatter3A_447[%add3A_5, %broadcast_in_dim3A_437], %get3A_442 : memref<32x129xf32, #tpu.memory_space<vmem>>[vector<16xi32>, vector<16xi32>], vector<16xf32>,
      %get3A_448 = arith.constant 1 : i32
      %get3A_449 = arith.index_cast %get3A_448 : i32 to index
      %get3A_450 = arith.index_cast %add3A_436 : i32 to index
      %get3A_451 = arith.constant 16 : index
      %get3A_452 = tpu.vector_load %arg6[%get3A_449, %get3A_450, %get3A_451] {strides = array<i32>} : memref<4x128x32xf32, #tpu.memory_space<vmem>>, vector<16xf32>,
      %scatter3A_453 = arith.constant 1 : i32
      %scatter3A_454 = arith.constant 0 : i32
      %scatter3A_455 = arith.constant 0 : i32
      %scatter3A_456 = tpu.memref_slice %arg7[%scatter3A_453, %scatter3A_454, %scatter3A_455] : memref<2x32x129xf32, #tpu.memory_space<vmem>> -> memref<1x32x129xf32, #tpu.memory_space<vmem>>
      %scatter3A_457 = tpu.memref_squeeze %scatter3A_456 : memref<1x32x129xf32, #tpu.memory_space<vmem>> -> memref<32x129xf32, #tpu.memory_space<vmem>>
      tpu.vector_store_idx %scatter3A_457[%add3A_9, %broadcast_in_dim3A_437], %get3A_452 : memref<32x129xf32, #tpu.memory_space<vmem>>[vector<16xi32>, vector<16xi32>], vector<16xf32>,
      %mul3A_458 = arith.constant 8 : i32
      %mul3A_459 = arith.muli %scan3A_334, %mul3A_458 : i32
      %add3A_460 = arith.constant 5 : i32
      %add3A_461 = arith.addi %mul3A_459, %add3A_460 : i32
      %broadcast_in_dim3A_462 = vector.broadcast %add3A_461 : i32 to vector<16xi32>
      %get3A_463 = arith.constant 1 : i32
      %get3A_464 = arith.index_cast %get3A_463 : i32 to index
      %get3A_465 = arith.index_cast %add3A_461 : i32 to index
      %get3A_466 = arith.constant 0 : index
      %get3A_467 = tpu.vector_load %arg6[%get3A_464, %get3A_465, %get3A_466] {strides = array<i32>} : memref<4x128x32xf32, #tpu.memory_space<vmem>>, vector<16xf32>,
      %scatter3A_468 = arith.constant 1 : i32
      %scatter3A_469 = arith.constant 0 : i32
      %scatter3A_470 = arith.constant 0 : i32
      %scatter3A_471 = tpu.memref_slice %arg7[%scatter3A_468, %scatter3A_469, %scatter3A_470] : memref<2x32x129xf32, #tpu.memory_space<vmem>> -> memref<1x32x129xf32, #tpu.memory_space<vmem>>
      %scatter3A_472 = tpu.memref_squeeze %scatter3A_471 : memref<1x32x129xf32, #tpu.memory_space<vmem>> -> memref<32x129xf32, #tpu.memory_space<vmem>>
      tpu.vector_store_idx %scatter3A_472[%add3A_5, %broadcast_in_dim3A_462], %get3A_467 : memref<32x129xf32, #tpu.memory_space<vmem>>[vector<16xi32>, vector<16xi32>], vector<16xf32>,
      %get3A_473 = arith.constant 1 : i32
      %get3A_474 = arith.index_cast %get3A_473 : i32 to index
      %get3A_475 = arith.index_cast %add3A_461 : i32 to index
      %get3A_476 = arith.constant 16 : index
      %get3A_477 = tpu.vector_load %arg6[%get3A_474, %get3A_475, %get3A_476] {strides = array<i32>} : memref<4x128x32xf32, #tpu.memory_space<vmem>>, vector<16xf32>,
      %scatter3A_478 = arith.constant 1 : i32
      %scatter3A_479 = arith.constant 0 : i32
      %scatter3A_480 = arith.constant 0 : i32
      %scatter3A_481 = tpu.memref_slice %arg7[%scatter3A_478, %scatter3A_479, %scatter3A_480] : memref<2x32x129xf32, #tpu.memory_space<vmem>> -> memref<1x32x129xf32, #tpu.memory_space<vmem>>
      %scatter3A_482 = tpu.memref_squeeze %scatter3A_481 : memref<1x32x129xf32, #tpu.memory_space<vmem>> -> memref<32x129xf32, #tpu.memory_space<vmem>>
      tpu.vector_store_idx %scatter3A_482[%add3A_9, %broadcast_in_dim3A_462], %get3A_477 : memref<32x129xf32, #tpu.memory_space<vmem>>[vector<16xi32>, vector<16xi32>], vector<16xf32>,
      %mul3A_483 = arith.constant 8 : i32
      %mul3A_484 = arith.muli %scan3A_334, %mul3A_483 : i32
      %add3A_485 = arith.constant 6 : i32
      %add3A_486 = arith.addi %mul3A_484, %add3A_485 : i32
      %broadcast_in_dim3A_487 = vector.broadcast %add3A_486 : i32 to vector<16xi32>
      %get3A_488 = arith.constant 1 : i32
      %get3A_489 = arith.index_cast %get3A_488 : i32 to index
      %get3A_490 = arith.index_cast %add3A_486 : i32 to index
      %get3A_491 = arith.constant 0 : index
      %get3A_492 = tpu.vector_load %arg6[%get3A_489, %get3A_490, %get3A_491] {strides = array<i32>} : memref<4x128x32xf32, #tpu.memory_space<vmem>>, vector<16xf32>,
      %scatter3A_493 = arith.constant 1 : i32
      %scatter3A_494 = arith.constant 0 : i32
      %scatter3A_495 = arith.constant 0 : i32
      %scatter3A_496 = tpu.memref_slice %arg7[%scatter3A_493, %scatter3A_494, %scatter3A_495] : memref<2x32x129xf32, #tpu.memory_space<vmem>> -> memref<1x32x129xf32, #tpu.memory_space<vmem>>
      %scatter3A_497 = tpu.memref_squeeze %scatter3A_496 : memref<1x32x129xf32, #tpu.memory_space<vmem>> -> memref<32x129xf32, #tpu.memory_space<vmem>>
      tpu.vector_store_idx %scatter3A_497[%add3A_5, %broadcast_in_dim3A_487], %get3A_492 : memref<32x129xf32, #tpu.memory_space<vmem>>[vector<16xi32>, vector<16xi32>], vector<16xf32>,
      %get3A_498 = arith.constant 1 : i32
      %get3A_499 = arith.index_cast %get3A_498 : i32 to index
      %get3A_500 = arith.index_cast %add3A_486 : i32 to index
      %get3A_501 = arith.constant 16 : index
      %get3A_502 = tpu.vector_load %arg6[%get3A_499, %get3A_500, %get3A_501] {strides = array<i32>} : memref<4x128x32xf32, #tpu.memory_space<vmem>>, vector<16xf32>,
      %scatter3A_503 = arith.constant 1 : i32
      %scatter3A_504 = arith.constant 0 : i32
      %scatter3A_505 = arith.constant 0 : i32
      %scatter3A_506 = tpu.memref_slice %arg7[%scatter3A_503, %scatter3A_504, %scatter3A_505] : memref<2x32x129xf32, #tpu.memory_space<vmem>> -> memref<1x32x129xf32, #tpu.memory_space<vmem>>
      %scatter3A_507 = tpu.memref_squeeze %scatter3A_506 : memref<1x32x129xf32, #tpu.memory_space<vmem>> -> memref<32x129xf32, #tpu.memory_space<vmem>>
      tpu.vector_store_idx %scatter3A_507[%add3A_9, %broadcast_in_dim3A_487], %get3A_502 : memref<32x129xf32, #tpu.memory_space<vmem>>[vector<16xi32>, vector<16xi32>], vector<16xf32>,
      %mul3A_508 = arith.constant 8 : i32
      %mul3A_509 = arith.muli %scan3A_334, %mul3A_508 : i32
      %add3A_510 = arith.constant 7 : i32
      %add3A_511 = arith.addi %mul3A_509, %add3A_510 : i32
      %broadcast_in_dim3A_512 = vector.broadcast %add3A_511 : i32 to vector<16xi32>
      %get3A_513 = arith.constant 1 : i32
      %get3A_514 = arith.index_cast %get3A_513 : i32 to index
      %get3A_515 = arith.index_cast %add3A_511 : i32 to index
      %get3A_516 = arith.constant 0 : index
      %get3A_517 = tpu.vector_load %arg6[%get3A_514, %get3A_515, %get3A_516] {strides = array<i32>} : memref<4x128x32xf32, #tpu.memory_space<vmem>>, vector<16xf32>,
      %scatter3A_518 = arith.constant 1 : i32
      %scatter3A_519 = arith.constant 0 : i32
      %scatter3A_520 = arith.constant 0 : i32
      %scatter3A_521 = tpu.memref_slice %arg7[%scatter3A_518, %scatter3A_519, %scatter3A_520] : memref<2x32x129xf32, #tpu.memory_space<vmem>> -> memref<1x32x129xf32, #tpu.memory_space<vmem>>
      %scatter3A_522 = tpu.memref_squeeze %scatter3A_521 : memref<1x32x129xf32, #tpu.memory_space<vmem>> -> memref<32x129xf32, #tpu.memory_space<vmem>>
      tpu.vector_store_idx %scatter3A_522[%add3A_5, %broadcast_in_dim3A_512], %get3A_517 : memref<32x129xf32, #tpu.memory_space<vmem>>[vector<16xi32>, vector<16xi32>], vector<16xf32>,
      %get3A_523 = arith.constant 1 : i32
      %get3A_524 = arith.index_cast %get3A_523 : i32 to index
      %get3A_525 = arith.index_cast %add3A_511 : i32 to index
      %get3A_526 = arith.constant 16 : index
      %get3A_527 = tpu.vector_load %arg6[%get3A_524, %get3A_525, %get3A_526] {strides = array<i32>} : memref<4x128x32xf32, #tpu.memory_space<vmem>>, vector<16xf32>,
      %scatter3A_528 = arith.constant 1 : i32
      %scatter3A_529 = arith.constant 0 : i32
      %scatter3A_530 = arith.constant 0 : i32
      %scatter3A_531 = tpu.memref_slice %arg7[%scatter3A_528, %scatter3A_529, %scatter3A_530] : memref<2x32x129xf32, #tpu.memory_space<vmem>> -> memref<1x32x129xf32, #tpu.memory_space<vmem>>
      %scatter3A_532 = tpu.memref_squeeze %scatter3A_531 : memref<1x32x129xf32, #tpu.memory_space<vmem>> -> memref<32x129xf32, #tpu.memory_space<vmem>>
      tpu.vector_store_idx %scatter3A_532[%add3A_9, %broadcast_in_dim3A_512], %get3A_527 : memref<32x129xf32, #tpu.memory_space<vmem>>[vector<16xi32>, vector<16xi32>], vector<16xf32>,
      %scan3A_533 = arith.constant 0 : i32
      scf.yield %scan3A_533 : i32
    }
    %scan3A_135 = arith.constant 16 : i32
    %dma_start3A_136 = arith.constant 1 : i32
    %dma_start3A_137 = arith.constant 1 : i32
    %dma_start3A_138 = arith.constant 1 : i32
    %dma_start3A_139 = arith.constant 0 : i32
    %dma_start3A_140 = arith.constant 0 : i32
    %dma_start3A_141 = tpu.memref_slice %arg7[%dma_start3A_136, %dma_start3A_139, %dma_start3A_140] : memref<2x32x129xf32, #tpu.memory_space<vmem>> -> memref<1x32x128xf32, #tpu.memory_space<vmem>>
    %dma_start3A_142 = tpu.memref_squeeze %dma_start3A_141 : memref<1x32x128xf32, #tpu.memory_space<vmem>> -> memref<32x128xf32, #tpu.memory_space<vmem>>
    %dma_start3A_143 = arith.constant 0 : i32
    %dma_start3A_144 = tpu.memref_slice %arg4[%dma_start3A_137, %dma_start3A_143, %mul3A_2] : memref<200x32x4096xf32, #tpu.memory_space<hbm>> -> memref<1x32x128xf32, #tpu.memory_space<hbm>>
    %dma_start3A_145 = tpu.memref_squeeze %dma_start3A_144 : memref<1x32x128xf32, #tpu.memory_space<hbm>> -> memref<32x128xf32, #tpu.memory_space<hbm>>
    %dma_start3A_146 = tpu.memref_slice %arg9[%dma_start3A_138] : memref<2x!tpu.dma_semaphore, #tpu.memory_space<semaphore_mem>> -> memref<1x!tpu.dma_semaphore, #tpu.memory_space<semaphore_mem>>
    %dma_start3A_147 = tpu.memref_squeeze %dma_start3A_146 : memref<1x!tpu.dma_semaphore, #tpu.memory_space<semaphore_mem>> -> memref<!tpu.dma_semaphore, #tpu.memory_space<semaphore_mem>>
    %dma_start3A_148 = arith.constant 0 : i32
    %dma_start3A_149 = tpu.memref_slice %arg4[%dma_start3A_137, %dma_start3A_148, %mul3A_2] : memref<200x32x4096xf32, #tpu.memory_space<hbm>> -> memref<1x32x128xf32, #tpu.memory_space<hbm>>
    %dma_start3A_150 = tpu.memref_squeeze %dma_start3A_149 : memref<1x32x128xf32, #tpu.memory_space<hbm>> -> memref<32x128xf32, #tpu.memory_space<hbm>>
    %dma_start3A_151 = arith.constant 0 : i32
    %dma_start3A_152 = arith.constant 0 : i32
    %dma_start3A_153 = tpu.memref_slice %arg7[%dma_start3A_136, %dma_start3A_151, %dma_start3A_152] : memref<2x32x129xf32, #tpu.memory_space<vmem>> -> memref<1x32x128xf32, #tpu.memory_space<vmem>>
    %dma_start3A_154 = tpu.memref_squeeze %dma_start3A_153 : memref<1x32x128xf32, #tpu.memory_space<vmem>> -> memref<32x128xf32, #tpu.memory_space<vmem>>
    tpu.enqueue_dma source(%dma_start3A_154 : memref<32x128xf32, #tpu.memory_space<vmem>>) target(%dma_start3A_150 : memref<32x128xf32, #tpu.memory_space<hbm>>) target_semaphore(%dma_start3A_147 : memref<!tpu.dma_semaphore, #tpu.memory_space<semaphore_mem>>)
    %scan3A_155 = arith.constant 0 : i32
    %scan3A_156 = arith.constant 0 : i32
    %scan3A_157 = arith.constant 49 : i32
    %scan3A_158 = arith.addi %scan3A_156, %scan3A_157 : i32
    %scan3A_159 = arith.constant 1 : i32
    %scan3A_160 = scf.for %scan3A_334 = %scan3A_156 to %scan3A_158 step %scan3A_159 iter_args(%scan3A_335 = %scan3A_155) -> (i32)  : i32 {
      %mul3A_336 = arith.constant 4 : i32
      %mul3A_337 = arith.muli %scan3A_334, %mul3A_336 : i32
      %add3A_338 = arith.constant 2 : i32
      %add3A_339 = arith.addi %add3A_338, %mul3A_337 : i32
      %add3A_340 = arith.constant 0 : i32
      %add3A_341 = arith.addi %add3A_339, %add3A_340 : i32
      %dma_wait3A_342 = arith.constant 0 : i32
      %dma_wait3A_343 = arith.constant 0 : i32
      %dma_wait3A_344 = arith.constant 0 : i32
      %dma_wait3A_345 = arith.constant 0 : i32
      %dma_wait3A_346 = arith.constant 0 : i32
      %dma_wait3A_347 = tpu.memref_slice %arg7[%dma_wait3A_342, %dma_wait3A_345, %dma_wait3A_346] : memref<2x32x129xf32, #tpu.memory_space<vmem>> -> memref<1x32x128xf32, #tpu.memory_space<vmem>>
      %dma_wait3A_348 = tpu.memref_squeeze %dma_wait3A_347 : memref<1x32x128xf32, #tpu.memory_space<vmem>> -> memref<32x128xf32, #tpu.memory_space<vmem>>
      %dma_wait3A_349 = arith.constant 0 : i32
      %dma_wait3A_350 = arith.constant 0 : i32
      %dma_wait3A_351 = tpu.memref_slice %arg4[%dma_wait3A_343, %dma_wait3A_349, %dma_wait3A_350] : memref<200x32x4096xf32, #tpu.memory_space<hbm>> -> memref<1x32x128xf32, #tpu.memory_space<hbm>>
      %dma_wait3A_352 = tpu.memref_squeeze %dma_wait3A_351 : memref<1x32x128xf32, #tpu.memory_space<hbm>> -> memref<32x128xf32, #tpu.memory_space<hbm>>
      %dma_wait3A_353 = tpu.memref_slice %arg9[%dma_wait3A_344] : memref<2x!tpu.dma_semaphore, #tpu.memory_space<semaphore_mem>> -> memref<1x!tpu.dma_semaphore, #tpu.memory_space<semaphore_mem>>
      %dma_wait3A_354 = tpu.memref_squeeze %dma_wait3A_353 : memref<1x!tpu.dma_semaphore, #tpu.memory_space<semaphore_mem>> -> memref<!tpu.dma_semaphore, #tpu.memory_space<semaphore_mem>>
      %dma_wait3A_355 = arith.constant 0 : i32
      %dma_wait3A_356 = arith.constant 0 : i32
      %dma_wait3A_357 = tpu.memref_slice %arg4[%dma_wait3A_343, %dma_wait3A_355, %dma_wait3A_356] : memref<200x32x4096xf32, #tpu.memory_space<hbm>> -> memref<1x32x128xf32, #tpu.memory_space<hbm>>
      %dma_wait3A_358 = tpu.memref_squeeze %dma_wait3A_357 : memref<1x32x128xf32, #tpu.memory_space<hbm>> -> memref<32x128xf32, #tpu.memory_space<hbm>>
      %dma_wait3A_359 = arith.constant 0 : i32
      %dma_wait3A_360 = arith.constant 0 : i32
      %dma_wait3A_361 = tpu.memref_slice %arg7[%dma_wait3A_342, %dma_wait3A_359, %dma_wait3A_360] : memref<2x32x129xf32, #tpu.memory_space<vmem>> -> memref<1x32x128xf32, #tpu.memory_space<vmem>>
      %dma_wait3A_362 = tpu.memref_squeeze %dma_wait3A_361 : memref<1x32x128xf32, #tpu.memory_space<vmem>> -> memref<32x128xf32, #tpu.memory_space<vmem>>
      tpu.wait_dma2 semaphore(%dma_wait3A_354 : memref<!tpu.dma_semaphore, #tpu.memory_space<semaphore_mem>>) src(%dma_wait3A_362 : memref<32x128xf32, #tpu.memory_space<vmem>>) dst(%dma_wait3A_358 : memref<32x128xf32, #tpu.memory_space<hbm>>)
      %add3A_363 = arith.constant 2 : i32
      %add3A_364 = arith.addi %add3A_341, %add3A_363 : i32
      %dma_start3A_365 = arith.constant 0 : i32
      %dma_start3A_366 = arith.constant 0 : i32
      %dma_start3A_367 = arith.constant 0 : i32
      %dma_start3A_368 = arith.constant 0 : i32
      %dma_start3A_369 = tpu.memref_slice %arg6[%dma_start3A_365, %dma_start3A_367, %dma_start3A_368] : memref<4x128x32xf32, #tpu.memory_space<vmem>> -> memref<1x128x32xf32, #tpu.memory_space<vmem>>
      %dma_start3A_370 = tpu.memref_squeeze %dma_start3A_369 : memref<1x128x32xf32, #tpu.memory_space<vmem>> -> memref<128x32xf32, #tpu.memory_space<vmem>>
      %dma_start3A_371 = arith.constant 0 : i32
      %dma_start3A_372 = tpu.memref_slice %arg5[%add3A_364, %dma_start3A_371] : memref<200x128xi32, #tpu.memory_space<vmem>> -> memref<1x128xi32, #tpu.memory_space<vmem>>
      %dma_start3A_373 = tpu.memref_squeeze %dma_start3A_372 : memref<1x128xi32, #tpu.memory_space<vmem>> -> memref<128xi32, #tpu.memory_space<vmem>>
      %dma_start3A_374 = arith.constant 0 : i32
      %dma_start3A_375 = arith.constant 0 : i32
      %dma_start3A_376 = tpu.memref_slice %arg3[%dma_start3A_374, %dma_start3A_375] : memref<1000000x32xf32, #tpu.memory_space<hbm>> -> memref<1000000x32xf32, #tpu.memory_space<hbm>>
      %dma_start3A_377 = tpu.memref_slice %arg8[%dma_start3A_366] : memref<4x!tpu.dma_semaphore, #tpu.memory_space<semaphore_mem>> -> memref<1x!tpu.dma_semaphore, #tpu.memory_space<semaphore_mem>>
      %dma_start3A_378 = tpu.memref_squeeze %dma_start3A_377 : memref<1x!tpu.dma_semaphore, #tpu.memory_space<semaphore_mem>> -> memref<!tpu.dma_semaphore, #tpu.memory_space<semaphore_mem>>
      tpu.enqueue_indirect_dma source(%dma_start3A_376 : memref<1000000x32xf32, #tpu.memory_space<hbm>>) target(%dma_start3A_370 : memref<128x32xf32, #tpu.memory_space<vmem>>) offsets(%dma_start3A_373 : memref<128xi32, #tpu.memory_space<vmem>>) semaphore(%dma_start3A_378 : memref<!tpu.dma_semaphore, #tpu.memory_space<semaphore_mem>>)
      %dma_wait3A_379 = arith.constant 2 : i32
      %dma_wait3A_380 = arith.constant 2 : i32
      %dma_wait3A_381 = arith.constant 0 : i32
      %dma_wait3A_382 = arith.constant 0 : i32
      %dma_wait3A_383 = tpu.memref_slice %arg6[%dma_wait3A_379, %dma_wait3A_381, %dma_wait3A_382] : memref<4x128x32xf32, #tpu.memory_space<vmem>> -> memref<1x128x32xf32, #tpu.memory_space<vmem>>
      %dma_wait3A_384 = tpu.memref_squeeze %dma_wait3A_383 : memref<1x128x32xf32, #tpu.memory_space<vmem>> -> memref<128x32xf32, #tpu.memory_space<vmem>>
      %dma_wait3A_385 = arith.constant 0 : i32
      %dma_wait3A_386 = arith.constant 0 : i32
      %dma_wait3A_387 = tpu.memref_slice %arg3[%dma_wait3A_385, %dma_wait3A_386] : memref<1000000x32xf32, #tpu.memory_space<hbm>> -> memref<128x32xf32, #tpu.memory_space<hbm>>
      %dma_wait3A_388 = tpu.memref_slice %arg8[%dma_wait3A_380] : memref<4x!tpu.dma_semaphore, #tpu.memory_space<semaphore_mem>> -> memref<1x!tpu.dma_semaphore, #tpu.memory_space<semaphore_mem>>
      %dma_wait3A_389 = tpu.memref_squeeze %dma_wait3A_388 : memref<1x!tpu.dma_semaphore, #tpu.memory_space<semaphore_mem>> -> memref<!tpu.dma_semaphore, #tpu.memory_space<semaphore_mem>>
      %dma_wait3A_390 = arith.constant 0 : i32
      %dma_wait3A_391 = arith.constant 0 : i32
      %dma_wait3A_392 = tpu.memref_slice %arg6[%dma_wait3A_379, %dma_wait3A_390, %dma_wait3A_391] : memref<4x128x32xf32, #tpu.memory_space<vmem>> -> memref<1x128x32xf32, #tpu.memory_space<vmem>>
      %dma_wait3A_393 = tpu.memref_squeeze %dma_wait3A_392 : memref<1x128x32xf32, #tpu.memory_space<vmem>> -> memref<128x32xf32, #tpu.memory_space<vmem>>
      %dma_wait3A_394 = arith.constant 0 : i32
      %dma_wait3A_395 = arith.constant 0 : i32
      %dma_wait3A_396 = tpu.memref_slice %arg3[%dma_wait3A_394, %dma_wait3A_395] : memref<1000000x32xf32, #tpu.memory_space<hbm>> -> memref<128x32xf32, #tpu.memory_space<hbm>>
      tpu.wait_dma2 semaphore(%dma_wait3A_389 : memref<!tpu.dma_semaphore, #tpu.memory_space<semaphore_mem>>) src(%dma_wait3A_396 : memref<128x32xf32, #tpu.memory_space<hbm>>) dst(%dma_wait3A_393 : memref<128x32xf32, #tpu.memory_space<vmem>>)
      %scan3A_397 = arith.constant 0 : i32
      %scan3A_398 = arith.constant 0 : i32
      %scan3A_399 = arith.constant 16 : i32
      %scan3A_400 = arith.addi %scan3A_398, %scan3A_399 : i32
      %scan3A_401 = arith.constant 1 : i32
      %scan3A_402 = scf.for %scan3A_681 = %scan3A_398 to %scan3A_400 step %scan3A_401 iter_args(%scan3A_682 = %scan3A_397) -> (i32)  : i32 {
        %mul3A_683 = arith.constant 8 : i32
        %mul3A_684 = arith.muli %scan3A_681, %mul3A_683 : i32
        %add3A_685 = arith.constant 0 : i32
        %add3A_686 = arith.addi %mul3A_684, %add3A_685 : i32
        %broadcast_in_dim3A = vector.broadcast %add3A_686 : i32 to vector<16xi32>
        %get3A = arith.constant 2 : i32
        %get3A_687 = arith.index_cast %get3A : i32 to index
        %get3A_688 = arith.index_cast %add3A_686 : i32 to index
        %get3A_689 = arith.constant 0 : index
        %get3A_690 = tpu.vector_load %arg6[%get3A_687, %get3A_688, %get3A_689] {strides = array<i32>} : memref<4x128x32xf32, #tpu.memory_space<vmem>>, vector<16xf32>,
        %scatter3A = arith.constant 0 : i32
        %scatter3A_691 = arith.constant 0 : i32
        %scatter3A_692 = arith.constant 0 : i32
        %scatter3A_693 = tpu.memref_slice %arg7[%scatter3A, %scatter3A_691, %scatter3A_692] : memref<2x32x129xf32, #tpu.memory_space<vmem>> -> memref<1x32x129xf32, #tpu.memory_space<vmem>>
        %scatter3A_694 = tpu.memref_squeeze %scatter3A_693 : memref<1x32x129xf32, #tpu.memory_space<vmem>> -> memref<32x129xf32, #tpu.memory_space<vmem>>
        tpu.vector_store_idx %scatter3A_694[%add3A_5, %broadcast_in_dim3A], %get3A_690 : memref<32x129xf32, #tpu.memory_space<vmem>>[vector<16xi32>, vector<16xi32>], vector<16xf32>,
        %get3A_695 = arith.constant 2 : i32
        %get3A_696 = arith.index_cast %get3A_695 : i32 to index
        %get3A_697 = arith.index_cast %add3A_686 : i32 to index
        %get3A_698 = arith.constant 16 : index
        %get3A_699 = tpu.vector_load %arg6[%get3A_696, %get3A_697, %get3A_698] {strides = array<i32>} : memref<4x128x32xf32, #tpu.memory_space<vmem>>, vector<16xf32>,
        %scatter3A_700 = arith.constant 0 : i32
        %scatter3A_701 = arith.constant 0 : i32
        %scatter3A_702 = arith.constant 0 : i32
        %scatter3A_703 = tpu.memref_slice %arg7[%scatter3A_700, %scatter3A_701, %scatter3A_702] : memref<2x32x129xf32, #tpu.memory_space<vmem>> -> memref<1x32x129xf32, #tpu.memory_space<vmem>>
        %scatter3A_704 = tpu.memref_squeeze %scatter3A_703 : memref<1x32x129xf32, #tpu.memory_space<vmem>> -> memref<32x129xf32, #tpu.memory_space<vmem>>
        tpu.vector_store_idx %scatter3A_704[%add3A_9, %broadcast_in_dim3A], %get3A_699 : memref<32x129xf32, #tpu.memory_space<vmem>>[vector<16xi32>, vector<16xi32>], vector<16xf32>,
        %mul3A_705 = arith.constant 8 : i32
        %mul3A_706 = arith.muli %scan3A_681, %mul3A_705 : i32
        %add3A_707 = arith.constant 1 : i32
        %add3A_708 = arith.addi %mul3A_706, %add3A_707 : i32
        %broadcast_in_dim3A_709 = vector.broadcast %add3A_708 : i32 to vector<16xi32>
        %get3A_710 = arith.constant 2 : i32
        %get3A_711 = arith.index_cast %get3A_710 : i32 to index
        %get3A_712 = arith.index_cast %add3A_708 : i32 to index
        %get3A_713 = arith.constant 0 : index
        %get3A_714 = tpu.vector_load %arg6[%get3A_711, %get3A_712, %get3A_713] {strides = array<i32>} : memref<4x128x32xf32, #tpu.memory_space<vmem>>, vector<16xf32>,
        %scatter3A_715 = arith.constant 0 : i32
        %scatter3A_716 = arith.constant 0 : i32
        %scatter3A_717 = arith.constant 0 : i32
        %scatter3A_718 = tpu.memref_slice %arg7[%scatter3A_715, %scatter3A_716, %scatter3A_717] : memref<2x32x129xf32, #tpu.memory_space<vmem>> -> memref<1x32x129xf32, #tpu.memory_space<vmem>>
        %scatter3A_719 = tpu.memref_squeeze %scatter3A_718 : memref<1x32x129xf32, #tpu.memory_space<vmem>> -> memref<32x129xf32, #tpu.memory_space<vmem>>
        tpu.vector_store_idx %scatter3A_719[%add3A_5, %broadcast_in_dim3A_709], %get3A_714 : memref<32x129xf32, #tpu.memory_space<vmem>>[vector<16xi32>, vector<16xi32>], vector<16xf32>,
        %get3A_720 = arith.constant 2 : i32
        %get3A_721 = arith.index_cast %get3A_720 : i32 to index
        %get3A_722 = arith.index_cast %add3A_708 : i32 to index
        %get3A_723 = arith.constant 16 : index
        %get3A_724 = tpu.vector_load %arg6[%get3A_721, %get3A_722, %get3A_723] {strides = array<i32>} : memref<4x128x32xf32, #tpu.memory_space<vmem>>, vector<16xf32>,
        %scatter3A_725 = arith.constant 0 : i32
        %scatter3A_726 = arith.constant 0 : i32
        %scatter3A_727 = arith.constant 0 : i32
        %scatter3A_728 = tpu.memref_slice %arg7[%scatter3A_725, %scatter3A_726, %scatter3A_727] : memref<2x32x129xf32, #tpu.memory_space<vmem>> -> memref<1x32x129xf32, #tpu.memory_space<vmem>>
        %scatter3A_729 = tpu.memref_squeeze %scatter3A_728 : memref<1x32x129xf32, #tpu.memory_space<vmem>> -> memref<32x129xf32, #tpu.memory_space<vmem>>
        tpu.vector_store_idx %scatter3A_729[%add3A_9, %broadcast_in_dim3A_709], %get3A_724 : memref<32x129xf32, #tpu.memory_space<vmem>>[vector<16xi32>, vector<16xi32>], vector<16xf32>,
        %mul3A_730 = arith.constant 8 : i32
        %mul3A_731 = arith.muli %scan3A_681, %mul3A_730 : i32
        %add3A_732 = arith.constant 2 : i32
        %add3A_733 = arith.addi %mul3A_731, %add3A_732 : i32
        %broadcast_in_dim3A_734 = vector.broadcast %add3A_733 : i32 to vector<16xi32>
        %get3A_735 = arith.constant 2 : i32
        %get3A_736 = arith.index_cast %get3A_735 : i32 to index
        %get3A_737 = arith.index_cast %add3A_733 : i32 to index
        %get3A_738 = arith.constant 0 : index
        %get3A_739 = tpu.vector_load %arg6[%get3A_736, %get3A_737, %get3A_738] {strides = array<i32>} : memref<4x128x32xf32, #tpu.memory_space<vmem>>, vector<16xf32>,
        %scatter3A_740 = arith.constant 0 : i32
        %scatter3A_741 = arith.constant 0 : i32
        %scatter3A_742 = arith.constant 0 : i32
        %scatter3A_743 = tpu.memref_slice %arg7[%scatter3A_740, %scatter3A_741, %scatter3A_742] : memref<2x32x129xf32, #tpu.memory_space<vmem>> -> memref<1x32x129xf32, #tpu.memory_space<vmem>>
        %scatter3A_744 = tpu.memref_squeeze %scatter3A_743 : memref<1x32x129xf32, #tpu.memory_space<vmem>> -> memref<32x129xf32, #tpu.memory_space<vmem>>
        tpu.vector_store_idx %scatter3A_744[%add3A_5, %broadcast_in_dim3A_734], %get3A_739 : memref<32x129xf32, #tpu.memory_space<vmem>>[vector<16xi32>, vector<16xi32>], vector<16xf32>,
        %get3A_745 = arith.constant 2 : i32
        %get3A_746 = arith.index_cast %get3A_745 : i32 to index
        %get3A_747 = arith.index_cast %add3A_733 : i32 to index
        %get3A_748 = arith.constant 16 : index
        %get3A_749 = tpu.vector_load %arg6[%get3A_746, %get3A_747, %get3A_748] {strides = array<i32>} : memref<4x128x32xf32, #tpu.memory_space<vmem>>, vector<16xf32>,
        %scatter3A_750 = arith.constant 0 : i32
        %scatter3A_751 = arith.constant 0 : i32
        %scatter3A_752 = arith.constant 0 : i32
        %scatter3A_753 = tpu.memref_slice %arg7[%scatter3A_750, %scatter3A_751, %scatter3A_752] : memref<2x32x129xf32, #tpu.memory_space<vmem>> -> memref<1x32x129xf32, #tpu.memory_space<vmem>>
        %scatter3A_754 = tpu.memref_squeeze %scatter3A_753 : memref<1x32x129xf32, #tpu.memory_space<vmem>> -> memref<32x129xf32, #tpu.memory_space<vmem>>
        tpu.vector_store_idx %scatter3A_754[%add3A_9, %broadcast_in_dim3A_734], %get3A_749 : memref<32x129xf32, #tpu.memory_space<vmem>>[vector<16xi32>, vector<16xi32>], vector<16xf32>,
        %mul3A_755 = arith.constant 8 : i32
        %mul3A_756 = arith.muli %scan3A_681, %mul3A_755 : i32
        %add3A_757 = arith.constant 3 : i32
        %add3A_758 = arith.addi %mul3A_756, %add3A_757 : i32
        %broadcast_in_dim3A_759 = vector.broadcast %add3A_758 : i32 to vector<16xi32>
        %get3A_760 = arith.constant 2 : i32
        %get3A_761 = arith.index_cast %get3A_760 : i32 to index
        %get3A_762 = arith.index_cast %add3A_758 : i32 to index
        %get3A_763 = arith.constant 0 : index
        %get3A_764 = tpu.vector_load %arg6[%get3A_761, %get3A_762, %get3A_763] {strides = array<i32>} : memref<4x128x32xf32, #tpu.memory_space<vmem>>, vector<16xf32>,
        %scatter3A_765 = arith.constant 0 : i32
        %scatter3A_766 = arith.constant 0 : i32
        %scatter3A_767 = arith.constant 0 : i32
        %scatter3A_768 = tpu.memref_slice %arg7[%scatter3A_765, %scatter3A_766, %scatter3A_767] : memref<2x32x129xf32, #tpu.memory_space<vmem>> -> memref<1x32x129xf32, #tpu.memory_space<vmem>>
        %scatter3A_769 = tpu.memref_squeeze %scatter3A_768 : memref<1x32x129xf32, #tpu.memory_space<vmem>> -> memref<32x129xf32, #tpu.memory_space<vmem>>
        tpu.vector_store_idx %scatter3A_769[%add3A_5, %broadcast_in_dim3A_759], %get3A_764 : memref<32x129xf32, #tpu.memory_space<vmem>>[vector<16xi32>, vector<16xi32>], vector<16xf32>,
        %get3A_770 = arith.constant 2 : i32
        %get3A_771 = arith.index_cast %get3A_770 : i32 to index
        %get3A_772 = arith.index_cast %add3A_758 : i32 to index
        %get3A_773 = arith.constant 16 : index
        %get3A_774 = tpu.vector_load %arg6[%get3A_771, %get3A_772, %get3A_773] {strides = array<i32>} : memref<4x128x32xf32, #tpu.memory_space<vmem>>, vector<16xf32>,
        %scatter3A_775 = arith.constant 0 : i32
        %scatter3A_776 = arith.constant 0 : i32
        %scatter3A_777 = arith.constant 0 : i32
        %scatter3A_778 = tpu.memref_slice %arg7[%scatter3A_775, %scatter3A_776, %scatter3A_777] : memref<2x32x129xf32, #tpu.memory_space<vmem>> -> memref<1x32x129xf32, #tpu.memory_space<vmem>>
        %scatter3A_779 = tpu.memref_squeeze %scatter3A_778 : memref<1x32x129xf32, #tpu.memory_space<vmem>> -> memref<32x129xf32, #tpu.memory_space<vmem>>
        tpu.vector_store_idx %scatter3A_779[%add3A_9, %broadcast_in_dim3A_759], %get3A_774 : memref<32x129xf32, #tpu.memory_space<vmem>>[vector<16xi32>, vector<16xi32>], vector<16xf32>,
        %mul3A_780 = arith.constant 8 : i32
        %mul3A_781 = arith.muli %scan3A_681, %mul3A_780 : i32
        %add3A_782 = arith.constant 4 : i32
        %add3A_783 = arith.addi %mul3A_781, %add3A_782 : i32
        %broadcast_in_dim3A_784 = vector.broadcast %add3A_783 : i32 to vector<16xi32>
        %get3A_785 = arith.constant 2 : i32
        %get3A_786 = arith.index_cast %get3A_785 : i32 to index
        %get3A_787 = arith.index_cast %add3A_783 : i32 to index
        %get3A_788 = arith.constant 0 : index
        %get3A_789 = tpu.vector_load %arg6[%get3A_786, %get3A_787, %get3A_788] {strides = array<i32>} : memref<4x128x32xf32, #tpu.memory_space<vmem>>, vector<16xf32>,
        %scatter3A_790 = arith.constant 0 : i32
        %scatter3A_791 = arith.constant 0 : i32
        %scatter3A_792 = arith.constant 0 : i32
        %scatter3A_793 = tpu.memref_slice %arg7[%scatter3A_790, %scatter3A_791, %scatter3A_792] : memref<2x32x129xf32, #tpu.memory_space<vmem>> -> memref<1x32x129xf32, #tpu.memory_space<vmem>>
        %scatter3A_794 = tpu.memref_squeeze %scatter3A_793 : memref<1x32x129xf32, #tpu.memory_space<vmem>> -> memref<32x129xf32, #tpu.memory_space<vmem>>
        tpu.vector_store_idx %scatter3A_794[%add3A_5, %broadcast_in_dim3A_784], %get3A_789 : memref<32x129xf32, #tpu.memory_space<vmem>>[vector<16xi32>, vector<16xi32>], vector<16xf32>,
        %get3A_795 = arith.constant 2 : i32
        %get3A_796 = arith.index_cast %get3A_795 : i32 to index
        %get3A_797 = arith.index_cast %add3A_783 : i32 to index
        %get3A_798 = arith.constant 16 : index
        %get3A_799 = tpu.vector_load %arg6[%get3A_796, %get3A_797, %get3A_798] {strides = array<i32>} : memref<4x128x32xf32, #tpu.memory_space<vmem>>, vector<16xf32>,
        %scatter3A_800 = arith.constant 0 : i32
        %scatter3A_801 = arith.constant 0 : i32
        %scatter3A_802 = arith.constant 0 : i32
        %scatter3A_803 = tpu.memref_slice %arg7[%scatter3A_800, %scatter3A_801, %scatter3A_802] : memref<2x32x129xf32, #tpu.memory_space<vmem>> -> memref<1x32x129xf32, #tpu.memory_space<vmem>>
        %scatter3A_804 = tpu.memref_squeeze %scatter3A_803 : memref<1x32x129xf32, #tpu.memory_space<vmem>> -> memref<32x129xf32, #tpu.memory_space<vmem>>
        tpu.vector_store_idx %scatter3A_804[%add3A_9, %broadcast_in_dim3A_784], %get3A_799 : memref<32x129xf32, #tpu.memory_space<vmem>>[vector<16xi32>, vector<16xi32>], vector<16xf32>,
        %mul3A_805 = arith.constant 8 : i32
        %mul3A_806 = arith.muli %scan3A_681, %mul3A_805 : i32
        %add3A_807 = arith.constant 5 : i32
        %add3A_808 = arith.addi %mul3A_806, %add3A_807 : i32
        %broadcast_in_dim3A_809 = vector.broadcast %add3A_808 : i32 to vector<16xi32>
        %get3A_810 = arith.constant 2 : i32
        %get3A_811 = arith.index_cast %get3A_810 : i32 to index
        %get3A_812 = arith.index_cast %add3A_808 : i32 to index
        %get3A_813 = arith.constant 0 : index
        %get3A_814 = tpu.vector_load %arg6[%get3A_811, %get3A_812, %get3A_813] {strides = array<i32>} : memref<4x128x32xf32, #tpu.memory_space<vmem>>, vector<16xf32>,
        %scatter3A_815 = arith.constant 0 : i32
        %scatter3A_816 = arith.constant 0 : i32
        %scatter3A_817 = arith.constant 0 : i32
        %scatter3A_818 = tpu.memref_slice %arg7[%scatter3A_815, %scatter3A_816, %scatter3A_817] : memref<2x32x129xf32, #tpu.memory_space<vmem>> -> memref<1x32x129xf32, #tpu.memory_space<vmem>>
        %scatter3A_819 = tpu.memref_squeeze %scatter3A_818 : memref<1x32x129xf32, #tpu.memory_space<vmem>> -> memref<32x129xf32, #tpu.memory_space<vmem>>
        tpu.vector_store_idx %scatter3A_819[%add3A_5, %broadcast_in_dim3A_809], %get3A_814 : memref<32x129xf32, #tpu.memory_space<vmem>>[vector<16xi32>, vector<16xi32>], vector<16xf32>,
        %get3A_820 = arith.constant 2 : i32
        %get3A_821 = arith.index_cast %get3A_820 : i32 to index
        %get3A_822 = arith.index_cast %add3A_808 : i32 to index
        %get3A_823 = arith.constant 16 : index
        %get3A_824 = tpu.vector_load %arg6[%get3A_821, %get3A_822, %get3A_823] {strides = array<i32>} : memref<4x128x32xf32, #tpu.memory_space<vmem>>, vector<16xf32>,
        %scatter3A_825 = arith.constant 0 : i32
        %scatter3A_826 = arith.constant 0 : i32
        %scatter3A_827 = arith.constant 0 : i32
        %scatter3A_828 = tpu.memref_slice %arg7[%scatter3A_825, %scatter3A_826, %scatter3A_827] : memref<2x32x129xf32, #tpu.memory_space<vmem>> -> memref<1x32x129xf32, #tpu.memory_space<vmem>>
        %scatter3A_829 = tpu.memref_squeeze %scatter3A_828 : memref<1x32x129xf32, #tpu.memory_space<vmem>> -> memref<32x129xf32, #tpu.memory_space<vmem>>
        tpu.vector_store_idx %scatter3A_829[%add3A_9, %broadcast_in_dim3A_809], %get3A_824 : memref<32x129xf32, #tpu.memory_space<vmem>>[vector<16xi32>, vector<16xi32>], vector<16xf32>,
        %mul3A_830 = arith.constant 8 : i32
        %mul3A_831 = arith.muli %scan3A_681, %mul3A_830 : i32
        %add3A_832 = arith.constant 6 : i32
        %add3A_833 = arith.addi %mul3A_831, %add3A_832 : i32
        %broadcast_in_dim3A_834 = vector.broadcast %add3A_833 : i32 to vector<16xi32>
        %get3A_835 = arith.constant 2 : i32
        %get3A_836 = arith.index_cast %get3A_835 : i32 to index
        %get3A_837 = arith.index_cast %add3A_833 : i32 to index
        %get3A_838 = arith.constant 0 : index
        %get3A_839 = tpu.vector_load %arg6[%get3A_836, %get3A_837, %get3A_838] {strides = array<i32>} : memref<4x128x32xf32, #tpu.memory_space<vmem>>, vector<16xf32>,
        %scatter3A_840 = arith.constant 0 : i32
        %scatter3A_841 = arith.constant 0 : i32
        %scatter3A_842 = arith.constant 0 : i32
        %scatter3A_843 = tpu.memref_slice %arg7[%scatter3A_840, %scatter3A_841, %scatter3A_842] : memref<2x32x129xf32, #tpu.memory_space<vmem>> -> memref<1x32x129xf32, #tpu.memory_space<vmem>>
        %scatter3A_844 = tpu.memref_squeeze %scatter3A_843 : memref<1x32x129xf32, #tpu.memory_space<vmem>> -> memref<32x129xf32, #tpu.memory_space<vmem>>
        tpu.vector_store_idx %scatter3A_844[%add3A_5, %broadcast_in_dim3A_834], %get3A_839 : memref<32x129xf32, #tpu.memory_space<vmem>>[vector<16xi32>, vector<16xi32>], vector<16xf32>,
        %get3A_845 = arith.constant 2 : i32
        %get3A_846 = arith.index_cast %get3A_845 : i32 to index
        %get3A_847 = arith.index_cast %add3A_833 : i32 to index
        %get3A_848 = arith.constant 16 : index
        %get3A_849 = tpu.vector_load %arg6[%get3A_846, %get3A_847, %get3A_848] {strides = array<i32>} : memref<4x128x32xf32, #tpu.memory_space<vmem>>, vector<16xf32>,
        %scatter3A_850 = arith.constant 0 : i32
        %scatter3A_851 = arith.constant 0 : i32
        %scatter3A_852 = arith.constant 0 : i32
        %scatter3A_853 = tpu.memref_slice %arg7[%scatter3A_850, %scatter3A_851, %scatter3A_852] : memref<2x32x129xf32, #tpu.memory_space<vmem>> -> memref<1x32x129xf32, #tpu.memory_space<vmem>>
        %scatter3A_854 = tpu.memref_squeeze %scatter3A_853 : memref<1x32x129xf32, #tpu.memory_space<vmem>> -> memref<32x129xf32, #tpu.memory_space<vmem>>
        tpu.vector_store_idx %scatter3A_854[%add3A_9, %broadcast_in_dim3A_834], %get3A_849 : memref<32x129xf32, #tpu.memory_space<vmem>>[vector<16xi32>, vector<16xi32>], vector<16xf32>,
        %mul3A_855 = arith.constant 8 : i32
        %mul3A_856 = arith.muli %scan3A_681, %mul3A_855 : i32
        %add3A_857 = arith.constant 7 : i32
        %add3A_858 = arith.addi %mul3A_856, %add3A_857 : i32
        %broadcast_in_dim3A_859 = vector.broadcast %add3A_858 : i32 to vector<16xi32>
        %get3A_860 = arith.constant 2 : i32
        %get3A_861 = arith.index_cast %get3A_860 : i32 to index
        %get3A_862 = arith.index_cast %add3A_858 : i32 to index
        %get3A_863 = arith.constant 0 : index
        %get3A_864 = tpu.vector_load %arg6[%get3A_861, %get3A_862, %get3A_863] {strides = array<i32>} : memref<4x128x32xf32, #tpu.memory_space<vmem>>, vector<16xf32>,
        %scatter3A_865 = arith.constant 0 : i32
        %scatter3A_866 = arith.constant 0 : i32
        %scatter3A_867 = arith.constant 0 : i32
        %scatter3A_868 = tpu.memref_slice %arg7[%scatter3A_865, %scatter3A_866, %scatter3A_867] : memref<2x32x129xf32, #tpu.memory_space<vmem>> -> memref<1x32x129xf32, #tpu.memory_space<vmem>>
        %scatter3A_869 = tpu.memref_squeeze %scatter3A_868 : memref<1x32x129xf32, #tpu.memory_space<vmem>> -> memref<32x129xf32, #tpu.memory_space<vmem>>
        tpu.vector_store_idx %scatter3A_869[%add3A_5, %broadcast_in_dim3A_859], %get3A_864 : memref<32x129xf32, #tpu.memory_space<vmem>>[vector<16xi32>, vector<16xi32>], vector<16xf32>,
        %get3A_870 = arith.constant 2 : i32
        %get3A_871 = arith.index_cast %get3A_870 : i32 to index
        %get3A_872 = arith.index_cast %add3A_858 : i32 to index
        %get3A_873 = arith.constant 16 : index
        %get3A_874 = tpu.vector_load %arg6[%get3A_871, %get3A_872, %get3A_873] {strides = array<i32>} : memref<4x128x32xf32, #tpu.memory_space<vmem>>, vector<16xf32>,
        %scatter3A_875 = arith.constant 0 : i32
        %scatter3A_876 = arith.constant 0 : i32
        %scatter3A_877 = arith.constant 0 : i32
        %scatter3A_878 = tpu.memref_slice %arg7[%scatter3A_875, %scatter3A_876, %scatter3A_877] : memref<2x32x129xf32, #tpu.memory_space<vmem>> -> memref<1x32x129xf32, #tpu.memory_space<vmem>>
        %scatter3A_879 = tpu.memref_squeeze %scatter3A_878 : memref<1x32x129xf32, #tpu.memory_space<vmem>> -> memref<32x129xf32, #tpu.memory_space<vmem>>
        tpu.vector_store_idx %scatter3A_879[%add3A_9, %broadcast_in_dim3A_859], %get3A_874 : memref<32x129xf32, #tpu.memory_space<vmem>>[vector<16xi32>, vector<16xi32>], vector<16xf32>,
        %scan3A_880 = arith.constant 0 : i32
        scf.yield %scan3A_880 : i32
      }
      %scan3A_403 = arith.constant 16 : i32
      %dma_start3A_404 = arith.constant 0 : i32
      %dma_start3A_405 = arith.constant 0 : i32
      %dma_start3A_406 = arith.constant 0 : i32
      %dma_start3A_407 = arith.constant 0 : i32
      %dma_start3A_408 = tpu.memref_slice %arg7[%dma_start3A_404, %dma_start3A_406, %dma_start3A_407] : memref<2x32x129xf32, #tpu.memory_space<vmem>> -> memref<1x32x128xf32, #tpu.memory_space<vmem>>
      %dma_start3A_409 = tpu.memref_squeeze %dma_start3A_408 : memref<1x32x128xf32, #tpu.memory_space<vmem>> -> memref<32x128xf32, #tpu.memory_space<vmem>>
      %dma_start3A_410 = arith.constant 0 : i32
      %dma_start3A_411 = tpu.memref_slice %arg4[%add3A_341, %dma_start3A_410, %mul3A_2] : memref<200x32x4096xf32, #tpu.memory_space<hbm>> -> memref<1x32x128xf32, #tpu.memory_space<hbm>>
      %dma_start3A_412 = tpu.memref_squeeze %dma_start3A_411 : memref<1x32x128xf32, #tpu.memory_space<hbm>> -> memref<32x128xf32, #tpu.memory_space<hbm>>
      %dma_start3A_413 = tpu.memref_slice %arg9[%dma_start3A_405] : memref<2x!tpu.dma_semaphore, #tpu.memory_space<semaphore_mem>> -> memref<1x!tpu.dma_semaphore, #tpu.memory_space<semaphore_mem>>
      %dma_start3A_414 = tpu.memref_squeeze %dma_start3A_413 : memref<1x!tpu.dma_semaphore, #tpu.memory_space<semaphore_mem>> -> memref<!tpu.dma_semaphore, #tpu.memory_space<semaphore_mem>>
      %dma_start3A_415 = arith.constant 0 : i32
      %dma_start3A_416 = tpu.memref_slice %arg4[%add3A_341, %dma_start3A_415, %mul3A_2] : memref<200x32x4096xf32, #tpu.memory_space<hbm>> -> memref<1x32x128xf32, #tpu.memory_space<hbm>>
      %dma_start3A_417 = tpu.memref_squeeze %dma_start3A_416 : memref<1x32x128xf32, #tpu.memory_space<hbm>> -> memref<32x128xf32, #tpu.memory_space<hbm>>
      %dma_start3A_418 = arith.constant 0 : i32
      %dma_start3A_419 = arith.constant 0 : i32
      %dma_start3A_420 = tpu.memref_slice %arg7[%dma_start3A_404, %dma_start3A_418, %dma_start3A_419] : memref<2x32x129xf32, #tpu.memory_space<vmem>> -> memref<1x32x128xf32, #tpu.memory_space<vmem>>
      %dma_start3A_421 = tpu.memref_squeeze %dma_start3A_420 : memref<1x32x128xf32, #tpu.memory_space<vmem>> -> memref<32x128xf32, #tpu.memory_space<vmem>>
      tpu.enqueue_dma source(%dma_start3A_421 : memref<32x128xf32, #tpu.memory_space<vmem>>) target(%dma_start3A_417 : memref<32x128xf32, #tpu.memory_space<hbm>>) target_semaphore(%dma_start3A_414 : memref<!tpu.dma_semaphore, #tpu.memory_space<semaphore_mem>>)
      %mul3A_422 = arith.constant 4 : i32
      %mul3A_423 = arith.muli %scan3A_334, %mul3A_422 : i32
      %add3A_424 = arith.constant 2 : i32
      %add3A_425 = arith.addi %add3A_424, %mul3A_423 : i32
      %add3A_426 = arith.constant 1 : i32
      %add3A_427 = arith.addi %add3A_425, %add3A_426 : i32
      %dma_wait3A_428 = arith.constant 1 : i32
      %dma_wait3A_429 = arith.constant 0 : i32
      %dma_wait3A_430 = arith.constant 1 : i32
      %dma_wait3A_431 = arith.constant 0 : i32
      %dma_wait3A_432 = arith.constant 0 : i32
      %dma_wait3A_433 = tpu.memref_slice %arg7[%dma_wait3A_428, %dma_wait3A_431, %dma_wait3A_432] : memref<2x32x129xf32, #tpu.memory_space<vmem>> -> memref<1x32x128xf32, #tpu.memory_space<vmem>>
      %dma_wait3A_434 = tpu.memref_squeeze %dma_wait3A_433 : memref<1x32x128xf32, #tpu.memory_space<vmem>> -> memref<32x128xf32, #tpu.memory_space<vmem>>
      %dma_wait3A_435 = arith.constant 0 : i32
      %dma_wait3A_436 = arith.constant 0 : i32
      %dma_wait3A_437 = tpu.memref_slice %arg4[%dma_wait3A_429, %dma_wait3A_435, %dma_wait3A_436] : memref<200x32x4096xf32, #tpu.memory_space<hbm>> -> memref<1x32x128xf32, #tpu.memory_space<hbm>>
      %dma_wait3A_438 = tpu.memref_squeeze %dma_wait3A_437 : memref<1x32x128xf32, #tpu.memory_space<hbm>> -> memref<32x128xf32, #tpu.memory_space<hbm>>
      %dma_wait3A_439 = tpu.memref_slice %arg9[%dma_wait3A_430] : memref<2x!tpu.dma_semaphore, #tpu.memory_space<semaphore_mem>> -> memref<1x!tpu.dma_semaphore, #tpu.memory_space<semaphore_mem>>
      %dma_wait3A_440 = tpu.memref_squeeze %dma_wait3A_439 : memref<1x!tpu.dma_semaphore, #tpu.memory_space<semaphore_mem>> -> memref<!tpu.dma_semaphore, #tpu.memory_space<semaphore_mem>>
      %dma_wait3A_441 = arith.constant 0 : i32
      %dma_wait3A_442 = arith.constant 0 : i32
      %dma_wait3A_443 = tpu.memref_slice %arg4[%dma_wait3A_429, %dma_wait3A_441, %dma_wait3A_442] : memref<200x32x4096xf32, #tpu.memory_space<hbm>> -> memref<1x32x128xf32, #tpu.memory_space<hbm>>
      %dma_wait3A_444 = tpu.memref_squeeze %dma_wait3A_443 : memref<1x32x128xf32, #tpu.memory_space<hbm>> -> memref<32x128xf32, #tpu.memory_space<hbm>>
      %dma_wait3A_445 = arith.constant 0 : i32
      %dma_wait3A_446 = arith.constant 0 : i32
      %dma_wait3A_447 = tpu.memref_slice %arg7[%dma_wait3A_428, %dma_wait3A_445, %dma_wait3A_446] : memref<2x32x129xf32, #tpu.memory_space<vmem>> -> memref<1x32x128xf32, #tpu.memory_space<vmem>>
      %dma_wait3A_448 = tpu.memref_squeeze %dma_wait3A_447 : memref<1x32x128xf32, #tpu.memory_space<vmem>> -> memref<32x128xf32, #tpu.memory_space<vmem>>
      tpu.wait_dma2 semaphore(%dma_wait3A_440 : memref<!tpu.dma_semaphore, #tpu.memory_space<semaphore_mem>>) src(%dma_wait3A_448 : memref<32x128xf32, #tpu.memory_space<vmem>>) dst(%dma_wait3A_444 : memref<32x128xf32, #tpu.memory_space<hbm>>)
      %add3A_449 = arith.constant 2 : i32
      %add3A_450 = arith.addi %add3A_427, %add3A_449 : i32
      %dma_start3A_451 = arith.constant 1 : i32
      %dma_start3A_452 = arith.constant 1 : i32
      %dma_start3A_453 = arith.constant 0 : i32
      %dma_start3A_454 = arith.constant 0 : i32
      %dma_start3A_455 = tpu.memref_slice %arg6[%dma_start3A_451, %dma_start3A_453, %dma_start3A_454] : memref<4x128x32xf32, #tpu.memory_space<vmem>> -> memref<1x128x32xf32, #tpu.memory_space<vmem>>
      %dma_start3A_456 = tpu.memref_squeeze %dma_start3A_455 : memref<1x128x32xf32, #tpu.memory_space<vmem>> -> memref<128x32xf32, #tpu.memory_space<vmem>>
      %dma_start3A_457 = arith.constant 0 : i32
      %dma_start3A_458 = tpu.memref_slice %arg5[%add3A_450, %dma_start3A_457] : memref<200x128xi32, #tpu.memory_space<vmem>> -> memref<1x128xi32, #tpu.memory_space<vmem>>
      %dma_start3A_459 = tpu.memref_squeeze %dma_start3A_458 : memref<1x128xi32, #tpu.memory_space<vmem>> -> memref<128xi32, #tpu.memory_space<vmem>>
      %dma_start3A_460 = arith.constant 0 : i32
      %dma_start3A_461 = arith.constant 0 : i32
      %dma_start3A_462 = tpu.memref_slice %arg3[%dma_start3A_460, %dma_start3A_461] : memref<1000000x32xf32, #tpu.memory_space<hbm>> -> memref<1000000x32xf32, #tpu.memory_space<hbm>>
      %dma_start3A_463 = tpu.memref_slice %arg8[%dma_start3A_452] : memref<4x!tpu.dma_semaphore, #tpu.memory_space<semaphore_mem>> -> memref<1x!tpu.dma_semaphore, #tpu.memory_space<semaphore_mem>>
      %dma_start3A_464 = tpu.memref_squeeze %dma_start3A_463 : memref<1x!tpu.dma_semaphore, #tpu.memory_space<semaphore_mem>> -> memref<!tpu.dma_semaphore, #tpu.memory_space<semaphore_mem>>
      tpu.enqueue_indirect_dma source(%dma_start3A_462 : memref<1000000x32xf32, #tpu.memory_space<hbm>>) target(%dma_start3A_456 : memref<128x32xf32, #tpu.memory_space<vmem>>) offsets(%dma_start3A_459 : memref<128xi32, #tpu.memory_space<vmem>>) semaphore(%dma_start3A_464 : memref<!tpu.dma_semaphore, #tpu.memory_space<semaphore_mem>>)
      %dma_wait3A_465 = arith.constant 3 : i32
      %dma_wait3A_466 = arith.constant 3 : i32
      %dma_wait3A_467 = arith.constant 0 : i32
      %dma_wait3A_468 = arith.constant 0 : i32
      %dma_wait3A_469 = tpu.memref_slice %arg6[%dma_wait3A_465, %dma_wait3A_467, %dma_wait3A_468] : memref<4x128x32xf32, #tpu.memory_space<vmem>> -> memref<1x128x32xf32, #tpu.memory_space<vmem>>
      %dma_wait3A_470 = tpu.memref_squeeze %dma_wait3A_469 : memref<1x128x32xf32, #tpu.memory_space<vmem>> -> memref<128x32xf32, #tpu.memory_space<vmem>>
      %dma_wait3A_471 = arith.constant 0 : i32
      %dma_wait3A_472 = arith.constant 0 : i32
      %dma_wait3A_473 = tpu.memref_slice %arg3[%dma_wait3A_471, %dma_wait3A_472] : memref<1000000x32xf32, #tpu.memory_space<hbm>> -> memref<128x32xf32, #tpu.memory_space<hbm>>
      %dma_wait3A_474 = tpu.memref_slice %arg8[%dma_wait3A_466] : memref<4x!tpu.dma_semaphore, #tpu.memory_space<semaphore_mem>> -> memref<1x!tpu.dma_semaphore, #tpu.memory_space<semaphore_mem>>
      %dma_wait3A_475 = tpu.memref_squeeze %dma_wait3A_474 : memref<1x!tpu.dma_semaphore, #tpu.memory_space<semaphore_mem>> -> memref<!tpu.dma_semaphore, #tpu.memory_space<semaphore_mem>>
      %dma_wait3A_476 = arith.constant 0 : i32
      %dma_wait3A_477 = arith.constant 0 : i32
      %dma_wait3A_478 = tpu.memref_slice %arg6[%dma_wait3A_465, %dma_wait3A_476, %dma_wait3A_477] : memref<4x128x32xf32, #tpu.memory_space<vmem>> -> memref<1x128x32xf32, #tpu.memory_space<vmem>>
      %dma_wait3A_479 = tpu.memref_squeeze %dma_wait3A_478 : memref<1x128x32xf32, #tpu.memory_space<vmem>> -> memref<128x32xf32, #tpu.memory_space<vmem>>
      %dma_wait3A_480 = arith.constant 0 : i32
      %dma_wait3A_481 = arith.constant 0 : i32
      %dma_wait3A_482 = tpu.memref_slice %arg3[%dma_wait3A_480, %dma_wait3A_481] : memref<1000000x32xf32, #tpu.memory_space<hbm>> -> memref<128x32xf32, #tpu.memory_space<hbm>>
      tpu.wait_dma2 semaphore(%dma_wait3A_475 : memref<!tpu.dma_semaphore, #tpu.memory_space<semaphore_mem>>) src(%dma_wait3A_482 : memref<128x32xf32, #tpu.memory_space<hbm>>) dst(%dma_wait3A_479 : memref<128x32xf32, #tpu.memory_space<vmem>>)
      %scan3A_483 = arith.constant 0 : i32
      %scan3A_484 = arith.constant 0 : i32
      %scan3A_485 = arith.constant 16 : i32
      %scan3A_486 = arith.addi %scan3A_484, %scan3A_485 : i32
      %scan3A_487 = arith.constant 1 : i32
      %scan3A_488 = scf.for %scan3A_681 = %scan3A_484 to %scan3A_486 step %scan3A_487 iter_args(%scan3A_682 = %scan3A_483) -> (i32)  : i32 {
        %mul3A_683 = arith.constant 8 : i32
        %mul3A_684 = arith.muli %scan3A_681, %mul3A_683 : i32
        %add3A_685 = arith.constant 0 : i32
        %add3A_686 = arith.addi %mul3A_684, %add3A_685 : i32
        %broadcast_in_dim3A = vector.broadcast %add3A_686 : i32 to vector<16xi32>
        %get3A = arith.constant 3 : i32
        %get3A_687 = arith.index_cast %get3A : i32 to index
        %get3A_688 = arith.index_cast %add3A_686 : i32 to index
        %get3A_689 = arith.constant 0 : index
        %get3A_690 = tpu.vector_load %arg6[%get3A_687, %get3A_688, %get3A_689] {strides = array<i32>} : memref<4x128x32xf32, #tpu.memory_space<vmem>>, vector<16xf32>,
        %scatter3A = arith.constant 1 : i32
        %scatter3A_691 = arith.constant 0 : i32
        %scatter3A_692 = arith.constant 0 : i32
        %scatter3A_693 = tpu.memref_slice %arg7[%scatter3A, %scatter3A_691, %scatter3A_692] : memref<2x32x129xf32, #tpu.memory_space<vmem>> -> memref<1x32x129xf32, #tpu.memory_space<vmem>>
        %scatter3A_694 = tpu.memref_squeeze %scatter3A_693 : memref<1x32x129xf32, #tpu.memory_space<vmem>> -> memref<32x129xf32, #tpu.memory_space<vmem>>
        tpu.vector_store_idx %scatter3A_694[%add3A_5, %broadcast_in_dim3A], %get3A_690 : memref<32x129xf32, #tpu.memory_space<vmem>>[vector<16xi32>, vector<16xi32>], vector<16xf32>,
        %get3A_695 = arith.constant 3 : i32
        %get3A_696 = arith.index_cast %get3A_695 : i32 to index
        %get3A_697 = arith.index_cast %add3A_686 : i32 to index
        %get3A_698 = arith.constant 16 : index
        %get3A_699 = tpu.vector_load %arg6[%get3A_696, %get3A_697, %get3A_698] {strides = array<i32>} : memref<4x128x32xf32, #tpu.memory_space<vmem>>, vector<16xf32>,
        %scatter3A_700 = arith.constant 1 : i32
        %scatter3A_701 = arith.constant 0 : i32
        %scatter3A_702 = arith.constant 0 : i32
        %scatter3A_703 = tpu.memref_slice %arg7[%scatter3A_700, %scatter3A_701, %scatter3A_702] : memref<2x32x129xf32, #tpu.memory_space<vmem>> -> memref<1x32x129xf32, #tpu.memory_space<vmem>>
        %scatter3A_704 = tpu.memref_squeeze %scatter3A_703 : memref<1x32x129xf32, #tpu.memory_space<vmem>> -> memref<32x129xf32, #tpu.memory_space<vmem>>
        tpu.vector_store_idx %scatter3A_704[%add3A_9, %broadcast_in_dim3A], %get3A_699 : memref<32x129xf32, #tpu.memory_space<vmem>>[vector<16xi32>, vector<16xi32>], vector<16xf32>,
        %mul3A_705 = arith.constant 8 : i32
        %mul3A_706 = arith.muli %scan3A_681, %mul3A_705 : i32
        %add3A_707 = arith.constant 1 : i32
        %add3A_708 = arith.addi %mul3A_706, %add3A_707 : i32
        %broadcast_in_dim3A_709 = vector.broadcast %add3A_708 : i32 to vector<16xi32>
        %get3A_710 = arith.constant 3 : i32
        %get3A_711 = arith.index_cast %get3A_710 : i32 to index
        %get3A_712 = arith.index_cast %add3A_708 : i32 to index
        %get3A_713 = arith.constant 0 : index
        %get3A_714 = tpu.vector_load %arg6[%get3A_711, %get3A_712, %get3A_713] {strides = array<i32>} : memref<4x128x32xf32, #tpu.memory_space<vmem>>, vector<16xf32>,
        %scatter3A_715 = arith.constant 1 : i32
        %scatter3A_716 = arith.constant 0 : i32
        %scatter3A_717 = arith.constant 0 : i32
        %scatter3A_718 = tpu.memref_slice %arg7[%scatter3A_715, %scatter3A_716, %scatter3A_717] : memref<2x32x129xf32, #tpu.memory_space<vmem>> -> memref<1x32x129xf32, #tpu.memory_space<vmem>>
        %scatter3A_719 = tpu.memref_squeeze %scatter3A_718 : memref<1x32x129xf32, #tpu.memory_space<vmem>> -> memref<32x129xf32, #tpu.memory_space<vmem>>
        tpu.vector_store_idx %scatter3A_719[%add3A_5, %broadcast_in_dim3A_709], %get3A_714 : memref<32x129xf32, #tpu.memory_space<vmem>>[vector<16xi32>, vector<16xi32>], vector<16xf32>,
        %get3A_720 = arith.constant 3 : i32
        %get3A_721 = arith.index_cast %get3A_720 : i32 to index
        %get3A_722 = arith.index_cast %add3A_708 : i32 to index
        %get3A_723 = arith.constant 16 : index
        %get3A_724 = tpu.vector_load %arg6[%get3A_721, %get3A_722, %get3A_723] {strides = array<i32>} : memref<4x128x32xf32, #tpu.memory_space<vmem>>, vector<16xf32>,
        %scatter3A_725 = arith.constant 1 : i32
        %scatter3A_726 = arith.constant 0 : i32
        %scatter3A_727 = arith.constant 0 : i32
        %scatter3A_728 = tpu.memref_slice %arg7[%scatter3A_725, %scatter3A_726, %scatter3A_727] : memref<2x32x129xf32, #tpu.memory_space<vmem>> -> memref<1x32x129xf32, #tpu.memory_space<vmem>>
        %scatter3A_729 = tpu.memref_squeeze %scatter3A_728 : memref<1x32x129xf32, #tpu.memory_space<vmem>> -> memref<32x129xf32, #tpu.memory_space<vmem>>
        tpu.vector_store_idx %scatter3A_729[%add3A_9, %broadcast_in_dim3A_709], %get3A_724 : memref<32x129xf32, #tpu.memory_space<vmem>>[vector<16xi32>, vector<16xi32>], vector<16xf32>,
        %mul3A_730 = arith.constant 8 : i32
        %mul3A_731 = arith.muli %scan3A_681, %mul3A_730 : i32
        %add3A_732 = arith.constant 2 : i32
        %add3A_733 = arith.addi %mul3A_731, %add3A_732 : i32
        %broadcast_in_dim3A_734 = vector.broadcast %add3A_733 : i32 to vector<16xi32>
        %get3A_735 = arith.constant 3 : i32
        %get3A_736 = arith.index_cast %get3A_735 : i32 to index
        %get3A_737 = arith.index_cast %add3A_733 : i32 to index
        %get3A_738 = arith.constant 0 : index
        %get3A_739 = tpu.vector_load %arg6[%get3A_736, %get3A_737, %get3A_738] {strides = array<i32>} : memref<4x128x32xf32, #tpu.memory_space<vmem>>, vector<16xf32>,
        %scatter3A_740 = arith.constant 1 : i32
        %scatter3A_741 = arith.constant 0 : i32
        %scatter3A_742 = arith.constant 0 : i32
        %scatter3A_743 = tpu.memref_slice %arg7[%scatter3A_740, %scatter3A_741, %scatter3A_742] : memref<2x32x129xf32, #tpu.memory_space<vmem>> -> memref<1x32x129xf32, #tpu.memory_space<vmem>>
        %scatter3A_744 = tpu.memref_squeeze %scatter3A_743 : memref<1x32x129xf32, #tpu.memory_space<vmem>> -> memref<32x129xf32, #tpu.memory_space<vmem>>
        tpu.vector_store_idx %scatter3A_744[%add3A_5, %broadcast_in_dim3A_734], %get3A_739 : memref<32x129xf32, #tpu.memory_space<vmem>>[vector<16xi32>, vector<16xi32>], vector<16xf32>,
        %get3A_745 = arith.constant 3 : i32
        %get3A_746 = arith.index_cast %get3A_745 : i32 to index
        %get3A_747 = arith.index_cast %add3A_733 : i32 to index
        %get3A_748 = arith.constant 16 : index
        %get3A_749 = tpu.vector_load %arg6[%get3A_746, %get3A_747, %get3A_748] {strides = array<i32>} : memref<4x128x32xf32, #tpu.memory_space<vmem>>, vector<16xf32>,
        %scatter3A_750 = arith.constant 1 : i32
        %scatter3A_751 = arith.constant 0 : i32
        %scatter3A_752 = arith.constant 0 : i32
        %scatter3A_753 = tpu.memref_slice %arg7[%scatter3A_750, %scatter3A_751, %scatter3A_752] : memref<2x32x129xf32, #tpu.memory_space<vmem>> -> memref<1x32x129xf32, #tpu.memory_space<vmem>>
        %scatter3A_754 = tpu.memref_squeeze %scatter3A_753 : memref<1x32x129xf32, #tpu.memory_space<vmem>> -> memref<32x129xf32, #tpu.memory_space<vmem>>
        tpu.vector_store_idx %scatter3A_754[%add3A_9, %broadcast_in_dim3A_734], %get3A_749 : memref<32x129xf32, #tpu.memory_space<vmem>>[vector<16xi32>, vector<16xi32>], vector<16xf32>,
        %mul3A_755 = arith.constant 8 : i32
        %mul3A_756 = arith.muli %scan3A_681, %mul3A_755 : i32
        %add3A_757 = arith.constant 3 : i32
        %add3A_758 = arith.addi %mul3A_756, %add3A_757 : i32
        %broadcast_in_dim3A_759 = vector.broadcast %add3A_758 : i32 to vector<16xi32>
        %get3A_760 = arith.constant 3 : i32
        %get3A_761 = arith.index_cast %get3A_760 : i32 to index
        %get3A_762 = arith.index_cast %add3A_758 : i32 to index
        %get3A_763 = arith.constant 0 : index
        %get3A_764 = tpu.vector_load %arg6[%get3A_761, %get3A_762, %get3A_763] {strides = array<i32>} : memref<4x128x32xf32, #tpu.memory_space<vmem>>, vector<16xf32>,
        %scatter3A_765 = arith.constant 1 : i32
        %scatter3A_766 = arith.constant 0 : i32
        %scatter3A_767 = arith.constant 0 : i32
        %scatter3A_768 = tpu.memref_slice %arg7[%scatter3A_765, %scatter3A_766, %scatter3A_767] : memref<2x32x129xf32, #tpu.memory_space<vmem>> -> memref<1x32x129xf32, #tpu.memory_space<vmem>>
        %scatter3A_769 = tpu.memref_squeeze %scatter3A_768 : memref<1x32x129xf32, #tpu.memory_space<vmem>> -> memref<32x129xf32, #tpu.memory_space<vmem>>
        tpu.vector_store_idx %scatter3A_769[%add3A_5, %broadcast_in_dim3A_759], %get3A_764 : memref<32x129xf32, #tpu.memory_space<vmem>>[vector<16xi32>, vector<16xi32>], vector<16xf32>,
        %get3A_770 = arith.constant 3 : i32
        %get3A_771 = arith.index_cast %get3A_770 : i32 to index
        %get3A_772 = arith.index_cast %add3A_758 : i32 to index
        %get3A_773 = arith.constant 16 : index
        %get3A_774 = tpu.vector_load %arg6[%get3A_771, %get3A_772, %get3A_773] {strides = array<i32>} : memref<4x128x32xf32, #tpu.memory_space<vmem>>, vector<16xf32>,
        %scatter3A_775 = arith.constant 1 : i32
        %scatter3A_776 = arith.constant 0 : i32
        %scatter3A_777 = arith.constant 0 : i32
        %scatter3A_778 = tpu.memref_slice %arg7[%scatter3A_775, %scatter3A_776, %scatter3A_777] : memref<2x32x129xf32, #tpu.memory_space<vmem>> -> memref<1x32x129xf32, #tpu.memory_space<vmem>>
        %scatter3A_779 = tpu.memref_squeeze %scatter3A_778 : memref<1x32x129xf32, #tpu.memory_space<vmem>> -> memref<32x129xf32, #tpu.memory_space<vmem>>
        tpu.vector_store_idx %scatter3A_779[%add3A_9, %broadcast_in_dim3A_759], %get3A_774 : memref<32x129xf32, #tpu.memory_space<vmem>>[vector<16xi32>, vector<16xi32>], vector<16xf32>,
        %mul3A_780 = arith.constant 8 : i32
        %mul3A_781 = arith.muli %scan3A_681, %mul3A_780 : i32
        %add3A_782 = arith.constant 4 : i32
        %add3A_783 = arith.addi %mul3A_781, %add3A_782 : i32
        %broadcast_in_dim3A_784 = vector.broadcast %add3A_783 : i32 to vector<16xi32>
        %get3A_785 = arith.constant 3 : i32
        %get3A_786 = arith.index_cast %get3A_785 : i32 to index
        %get3A_787 = arith.index_cast %add3A_783 : i32 to index
        %get3A_788 = arith.constant 0 : index
        %get3A_789 = tpu.vector_load %arg6[%get3A_786, %get3A_787, %get3A_788] {strides = array<i32>} : memref<4x128x32xf32, #tpu.memory_space<vmem>>, vector<16xf32>,
        %scatter3A_790 = arith.constant 1 : i32
        %scatter3A_791 = arith.constant 0 : i32
        %scatter3A_792 = arith.constant 0 : i32
        %scatter3A_793 = tpu.memref_slice %arg7[%scatter3A_790, %scatter3A_791, %scatter3A_792] : memref<2x32x129xf32, #tpu.memory_space<vmem>> -> memref<1x32x129xf32, #tpu.memory_space<vmem>>
        %scatter3A_794 = tpu.memref_squeeze %scatter3A_793 : memref<1x32x129xf32, #tpu.memory_space<vmem>> -> memref<32x129xf32, #tpu.memory_space<vmem>>
        tpu.vector_store_idx %scatter3A_794[%add3A_5, %broadcast_in_dim3A_784], %get3A_789 : memref<32x129xf32, #tpu.memory_space<vmem>>[vector<16xi32>, vector<16xi32>], vector<16xf32>,
        %get3A_795 = arith.constant 3 : i32
        %get3A_796 = arith.index_cast %get3A_795 : i32 to index
        %get3A_797 = arith.index_cast %add3A_783 : i32 to index
        %get3A_798 = arith.constant 16 : index
        %get3A_799 = tpu.vector_load %arg6[%get3A_796, %get3A_797, %get3A_798] {strides = array<i32>} : memref<4x128x32xf32, #tpu.memory_space<vmem>>, vector<16xf32>,
        %scatter3A_800 = arith.constant 1 : i32
        %scatter3A_801 = arith.constant 0 : i32
        %scatter3A_802 = arith.constant 0 : i32
        %scatter3A_803 = tpu.memref_slice %arg7[%scatter3A_800, %scatter3A_801, %scatter3A_802] : memref<2x32x129xf32, #tpu.memory_space<vmem>> -> memref<1x32x129xf32, #tpu.memory_space<vmem>>
        %scatter3A_804 = tpu.memref_squeeze %scatter3A_803 : memref<1x32x129xf32, #tpu.memory_space<vmem>> -> memref<32x129xf32, #tpu.memory_space<vmem>>
        tpu.vector_store_idx %scatter3A_804[%add3A_9, %broadcast_in_dim3A_784], %get3A_799 : memref<32x129xf32, #tpu.memory_space<vmem>>[vector<16xi32>, vector<16xi32>], vector<16xf32>,
        %mul3A_805 = arith.constant 8 : i32
        %mul3A_806 = arith.muli %scan3A_681, %mul3A_805 : i32
        %add3A_807 = arith.constant 5 : i32
        %add3A_808 = arith.addi %mul3A_806, %add3A_807 : i32
        %broadcast_in_dim3A_809 = vector.broadcast %add3A_808 : i32 to vector<16xi32>
        %get3A_810 = arith.constant 3 : i32
        %get3A_811 = arith.index_cast %get3A_810 : i32 to index
        %get3A_812 = arith.index_cast %add3A_808 : i32 to index
        %get3A_813 = arith.constant 0 : index
        %get3A_814 = tpu.vector_load %arg6[%get3A_811, %get3A_812, %get3A_813] {strides = array<i32>} : memref<4x128x32xf32, #tpu.memory_space<vmem>>, vector<16xf32>,
        %scatter3A_815 = arith.constant 1 : i32
        %scatter3A_816 = arith.constant 0 : i32
        %scatter3A_817 = arith.constant 0 : i32
        %scatter3A_818 = tpu.memref_slice %arg7[%scatter3A_815, %scatter3A_816, %scatter3A_817] : memref<2x32x129xf32, #tpu.memory_space<vmem>> -> memref<1x32x129xf32, #tpu.memory_space<vmem>>
        %scatter3A_819 = tpu.memref_squeeze %scatter3A_818 : memref<1x32x129xf32, #tpu.memory_space<vmem>> -> memref<32x129xf32, #tpu.memory_space<vmem>>
        tpu.vector_store_idx %scatter3A_819[%add3A_5, %broadcast_in_dim3A_809], %get3A_814 : memref<32x129xf32, #tpu.memory_space<vmem>>[vector<16xi32>, vector<16xi32>], vector<16xf32>,
        %get3A_820 = arith.constant 3 : i32
        %get3A_821 = arith.index_cast %get3A_820 : i32 to index
        %get3A_822 = arith.index_cast %add3A_808 : i32 to index
        %get3A_823 = arith.constant 16 : index
        %get3A_824 = tpu.vector_load %arg6[%get3A_821, %get3A_822, %get3A_823] {strides = array<i32>} : memref<4x128x32xf32, #tpu.memory_space<vmem>>, vector<16xf32>,
        %scatter3A_825 = arith.constant 1 : i32
        %scatter3A_826 = arith.constant 0 : i32
        %scatter3A_827 = arith.constant 0 : i32
        %scatter3A_828 = tpu.memref_slice %arg7[%scatter3A_825, %scatter3A_826, %scatter3A_827] : memref<2x32x129xf32, #tpu.memory_space<vmem>> -> memref<1x32x129xf32, #tpu.memory_space<vmem>>
        %scatter3A_829 = tpu.memref_squeeze %scatter3A_828 : memref<1x32x129xf32, #tpu.memory_space<vmem>> -> memref<32x129xf32, #tpu.memory_space<vmem>>
        tpu.vector_store_idx %scatter3A_829[%add3A_9, %broadcast_in_dim3A_809], %get3A_824 : memref<32x129xf32, #tpu.memory_space<vmem>>[vector<16xi32>, vector<16xi32>], vector<16xf32>,
        %mul3A_830 = arith.constant 8 : i32
        %mul3A_831 = arith.muli %scan3A_681, %mul3A_830 : i32
        %add3A_832 = arith.constant 6 : i32
        %add3A_833 = arith.addi %mul3A_831, %add3A_832 : i32
        %broadcast_in_dim3A_834 = vector.broadcast %add3A_833 : i32 to vector<16xi32>
        %get3A_835 = arith.constant 3 : i32
        %get3A_836 = arith.index_cast %get3A_835 : i32 to index
        %get3A_837 = arith.index_cast %add3A_833 : i32 to index
        %get3A_838 = arith.constant 0 : index
        %get3A_839 = tpu.vector_load %arg6[%get3A_836, %get3A_837, %get3A_838] {strides = array<i32>} : memref<4x128x32xf32, #tpu.memory_space<vmem>>, vector<16xf32>,
        %scatter3A_840 = arith.constant 1 : i32
        %scatter3A_841 = arith.constant 0 : i32
        %scatter3A_842 = arith.constant 0 : i32
        %scatter3A_843 = tpu.memref_slice %arg7[%scatter3A_840, %scatter3A_841, %scatter3A_842] : memref<2x32x129xf32, #tpu.memory_space<vmem>> -> memref<1x32x129xf32, #tpu.memory_space<vmem>>
        %scatter3A_844 = tpu.memref_squeeze %scatter3A_843 : memref<1x32x129xf32, #tpu.memory_space<vmem>> -> memref<32x129xf32, #tpu.memory_space<vmem>>
        tpu.vector_store_idx %scatter3A_844[%add3A_5, %broadcast_in_dim3A_834], %get3A_839 : memref<32x129xf32, #tpu.memory_space<vmem>>[vector<16xi32>, vector<16xi32>], vector<16xf32>,
        %get3A_845 = arith.constant 3 : i32
        %get3A_846 = arith.index_cast %get3A_845 : i32 to index
        %get3A_847 = arith.index_cast %add3A_833 : i32 to index
        %get3A_848 = arith.constant 16 : index
        %get3A_849 = tpu.vector_load %arg6[%get3A_846, %get3A_847, %get3A_848] {strides = array<i32>} : memref<4x128x32xf32, #tpu.memory_space<vmem>>, vector<16xf32>,
        %scatter3A_850 = arith.constant 1 : i32
        %scatter3A_851 = arith.constant 0 : i32
        %scatter3A_852 = arith.constant 0 : i32
        %scatter3A_853 = tpu.memref_slice %arg7[%scatter3A_850, %scatter3A_851, %scatter3A_852] : memref<2x32x129xf32, #tpu.memory_space<vmem>> -> memref<1x32x129xf32, #tpu.memory_space<vmem>>
        %scatter3A_854 = tpu.memref_squeeze %scatter3A_853 : memref<1x32x129xf32, #tpu.memory_space<vmem>> -> memref<32x129xf32, #tpu.memory_space<vmem>>
        tpu.vector_store_idx %scatter3A_854[%add3A_9, %broadcast_in_dim3A_834], %get3A_849 : memref<32x129xf32, #tpu.memory_space<vmem>>[vector<16xi32>, vector<16xi32>], vector<16xf32>,
        %mul3A_855 = arith.constant 8 : i32
        %mul3A_856 = arith.muli %scan3A_681, %mul3A_855 : i32
        %add3A_857 = arith.constant 7 : i32
        %add3A_858 = arith.addi %mul3A_856, %add3A_857 : i32
        %broadcast_in_dim3A_859 = vector.broadcast %add3A_858 : i32 to vector<16xi32>
        %get3A_860 = arith.constant 3 : i32
        %get3A_861 = arith.index_cast %get3A_860 : i32 to index
        %get3A_862 = arith.index_cast %add3A_858 : i32 to index
        %get3A_863 = arith.constant 0 : index
        %get3A_864 = tpu.vector_load %arg6[%get3A_861, %get3A_862, %get3A_863] {strides = array<i32>} : memref<4x128x32xf32, #tpu.memory_space<vmem>>, vector<16xf32>,
        %scatter3A_865 = arith.constant 1 : i32
        %scatter3A_866 = arith.constant 0 : i32
        %scatter3A_867 = arith.constant 0 : i32
        %scatter3A_868 = tpu.memref_slice %arg7[%scatter3A_865, %scatter3A_866, %scatter3A_867] : memref<2x32x129xf32, #tpu.memory_space<vmem>> -> memref<1x32x129xf32, #tpu.memory_space<vmem>>
        %scatter3A_869 = tpu.memref_squeeze %scatter3A_868 : memref<1x32x129xf32, #tpu.memory_space<vmem>> -> memref<32x129xf32, #tpu.memory_space<vmem>>
        tpu.vector_store_idx %scatter3A_869[%add3A_5, %broadcast_in_dim3A_859], %get3A_864 : memref<32x129xf32, #tpu.memory_space<vmem>>[vector<16xi32>, vector<16xi32>], vector<16xf32>,
        %get3A_870 = arith.constant 3 : i32
        %get3A_871 = arith.index_cast %get3A_870 : i32 to index
        %get3A_872 = arith.index_cast %add3A_858 : i32 to index
        %get3A_873 = arith.constant 16 : index
        %get3A_874 = tpu.vector_load %arg6[%get3A_871, %get3A_872, %get3A_873] {strides = array<i32>} : memref<4x128x32xf32, #tpu.memory_space<vmem>>, vector<16xf32>,
        %scatter3A_875 = arith.constant 1 : i32
        %scatter3A_876 = arith.constant 0 : i32
        %scatter3A_877 = arith.constant 0 : i32
        %scatter3A_878 = tpu.memref_slice %arg7[%scatter3A_875, %scatter3A_876, %scatter3A_877] : memref<2x32x129xf32, #tpu.memory_space<vmem>> -> memref<1x32x129xf32, #tpu.memory_space<vmem>>
        %scatter3A_879 = tpu.memref_squeeze %scatter3A_878 : memref<1x32x129xf32, #tpu.memory_space<vmem>> -> memref<32x129xf32, #tpu.memory_space<vmem>>
        tpu.vector_store_idx %scatter3A_879[%add3A_9, %broadcast_in_dim3A_859], %get3A_874 : memref<32x129xf32, #tpu.memory_space<vmem>>[vector<16xi32>, vector<16xi32>], vector<16xf32>,
        %scan3A_880 = arith.constant 0 : i32
        scf.yield %scan3A_880 : i32
      }
      %scan3A_489 = arith.constant 16 : i32
      %dma_start3A_490 = arith.constant 1 : i32
      %dma_start3A_491 = arith.constant 1 : i32
      %dma_start3A_492 = arith.constant 0 : i32
      %dma_start3A_493 = arith.constant 0 : i32
      %dma_start3A_494 = tpu.memref_slice %arg7[%dma_start3A_490, %dma_start3A_492, %dma_start3A_493] : memref<2x32x129xf32, #tpu.memory_space<vmem>> -> memref<1x32x128xf32, #tpu.memory_space<vmem>>
      %dma_start3A_495 = tpu.memref_squeeze %dma_start3A_494 : memref<1x32x128xf32, #tpu.memory_space<vmem>> -> memref<32x128xf32, #tpu.memory_space<vmem>>
      %dma_start3A_496 = arith.constant 0 : i32
      %dma_start3A_497 = tpu.memref_slice %arg4[%add3A_427, %dma_start3A_496, %mul3A_2] : memref<200x32x4096xf32, #tpu.memory_space<hbm>> -> memref<1x32x128xf32, #tpu.memory_space<hbm>>
      %dma_start3A_498 = tpu.memref_squeeze %dma_start3A_497 : memref<1x32x128xf32, #tpu.memory_space<hbm>> -> memref<32x128xf32, #tpu.memory_space<hbm>>
      %dma_start3A_499 = tpu.memref_slice %arg9[%dma_start3A_491] : memref<2x!tpu.dma_semaphore, #tpu.memory_space<semaphore_mem>> -> memref<1x!tpu.dma_semaphore, #tpu.memory_space<semaphore_mem>>
      %dma_start3A_500 = tpu.memref_squeeze %dma_start3A_499 : memref<1x!tpu.dma_semaphore, #tpu.memory_space<semaphore_mem>> -> memref<!tpu.dma_semaphore, #tpu.memory_space<semaphore_mem>>
      %dma_start3A_501 = arith.constant 0 : i32
      %dma_start3A_502 = tpu.memref_slice %arg4[%add3A_427, %dma_start3A_501, %mul3A_2] : memref<200x32x4096xf32, #tpu.memory_space<hbm>> -> memref<1x32x128xf32, #tpu.memory_space<hbm>>
      %dma_start3A_503 = tpu.memref_squeeze %dma_start3A_502 : memref<1x32x128xf32, #tpu.memory_space<hbm>> -> memref<32x128xf32, #tpu.memory_space<hbm>>
      %dma_start3A_504 = arith.constant 0 : i32
      %dma_start3A_505 = arith.constant 0 : i32
      %dma_start3A_506 = tpu.memref_slice %arg7[%dma_start3A_490, %dma_start3A_504, %dma_start3A_505] : memref<2x32x129xf32, #tpu.memory_space<vmem>> -> memref<1x32x128xf32, #tpu.memory_space<vmem>>
      %dma_start3A_507 = tpu.memref_squeeze %dma_start3A_506 : memref<1x32x128xf32, #tpu.memory_space<vmem>> -> memref<32x128xf32, #tpu.memory_space<vmem>>
      tpu.enqueue_dma source(%dma_start3A_507 : memref<32x128xf32, #tpu.memory_space<vmem>>) target(%dma_start3A_503 : memref<32x128xf32, #tpu.memory_space<hbm>>) target_semaphore(%dma_start3A_500 : memref<!tpu.dma_semaphore, #tpu.memory_space<semaphore_mem>>)
      %mul3A_508 = arith.constant 4 : i32
      %mul3A_509 = arith.muli %scan3A_334, %mul3A_508 : i32
      %add3A_510 = arith.constant 2 : i32
      %add3A_511 = arith.addi %add3A_510, %mul3A_509 : i32
      %add3A_512 = arith.constant 2 : i32
      %add3A_513 = arith.addi %add3A_511, %add3A_512 : i32
      %dma_wait3A_514 = arith.constant 0 : i32
      %dma_wait3A_515 = arith.constant 0 : i32
      %dma_wait3A_516 = arith.constant 0 : i32
      %dma_wait3A_517 = arith.constant 0 : i32
      %dma_wait3A_518 = arith.constant 0 : i32
      %dma_wait3A_519 = tpu.memref_slice %arg7[%dma_wait3A_514, %dma_wait3A_517, %dma_wait3A_518] : memref<2x32x129xf32, #tpu.memory_space<vmem>> -> memref<1x32x128xf32, #tpu.memory_space<vmem>>
      %dma_wait3A_520 = tpu.memref_squeeze %dma_wait3A_519 : memref<1x32x128xf32, #tpu.memory_space<vmem>> -> memref<32x128xf32, #tpu.memory_space<vmem>>
      %dma_wait3A_521 = arith.constant 0 : i32
      %dma_wait3A_522 = arith.constant 0 : i32
      %dma_wait3A_523 = tpu.memref_slice %arg4[%dma_wait3A_515, %dma_wait3A_521, %dma_wait3A_522] : memref<200x32x4096xf32, #tpu.memory_space<hbm>> -> memref<1x32x128xf32, #tpu.memory_space<hbm>>
      %dma_wait3A_524 = tpu.memref_squeeze %dma_wait3A_523 : memref<1x32x128xf32, #tpu.memory_space<hbm>> -> memref<32x128xf32, #tpu.memory_space<hbm>>
      %dma_wait3A_525 = tpu.memref_slice %arg9[%dma_wait3A_516] : memref<2x!tpu.dma_semaphore, #tpu.memory_space<semaphore_mem>> -> memref<1x!tpu.dma_semaphore, #tpu.memory_space<semaphore_mem>>
      %dma_wait3A_526 = tpu.memref_squeeze %dma_wait3A_525 : memref<1x!tpu.dma_semaphore, #tpu.memory_space<semaphore_mem>> -> memref<!tpu.dma_semaphore, #tpu.memory_space<semaphore_mem>>
      %dma_wait3A_527 = arith.constant 0 : i32
      %dma_wait3A_528 = arith.constant 0 : i32
      %dma_wait3A_529 = tpu.memref_slice %arg4[%dma_wait3A_515, %dma_wait3A_527, %dma_wait3A_528] : memref<200x32x4096xf32, #tpu.memory_space<hbm>> -> memref<1x32x128xf32, #tpu.memory_space<hbm>>
      %dma_wait3A_530 = tpu.memref_squeeze %dma_wait3A_529 : memref<1x32x128xf32, #tpu.memory_space<hbm>> -> memref<32x128xf32, #tpu.memory_space<hbm>>
      %dma_wait3A_531 = arith.constant 0 : i32
      %dma_wait3A_532 = arith.constant 0 : i32
      %dma_wait3A_533 = tpu.memref_slice %arg7[%dma_wait3A_514, %dma_wait3A_531, %dma_wait3A_532] : memref<2x32x129xf32, #tpu.memory_space<vmem>> -> memref<1x32x128xf32, #tpu.memory_space<vmem>>
      %dma_wait3A_534 = tpu.memref_squeeze %dma_wait3A_533 : memref<1x32x128xf32, #tpu.memory_space<vmem>> -> memref<32x128xf32, #tpu.memory_space<vmem>>
      tpu.wait_dma2 semaphore(%dma_wait3A_526 : memref<!tpu.dma_semaphore, #tpu.memory_space<semaphore_mem>>) src(%dma_wait3A_534 : memref<32x128xf32, #tpu.memory_space<vmem>>) dst(%dma_wait3A_530 : memref<32x128xf32, #tpu.memory_space<hbm>>)
      %add3A_535 = arith.constant 2 : i32
      %add3A_536 = arith.addi %add3A_513, %add3A_535 : i32
      %dma_start3A_537 = arith.constant 2 : i32
      %dma_start3A_538 = arith.constant 2 : i32
      %dma_start3A_539 = arith.constant 0 : i32
      %dma_start3A_540 = arith.constant 0 : i32
      %dma_start3A_541 = tpu.memref_slice %arg6[%dma_start3A_537, %dma_start3A_539, %dma_start3A_540] : memref<4x128x32xf32, #tpu.memory_space<vmem>> -> memref<1x128x32xf32, #tpu.memory_space<vmem>>
      %dma_start3A_542 = tpu.memref_squeeze %dma_start3A_541 : memref<1x128x32xf32, #tpu.memory_space<vmem>> -> memref<128x32xf32, #tpu.memory_space<vmem>>
      %dma_start3A_543 = arith.constant 0 : i32
      %dma_start3A_544 = tpu.memref_slice %arg5[%add3A_536, %dma_start3A_543] : memref<200x128xi32, #tpu.memory_space<vmem>> -> memref<1x128xi32, #tpu.memory_space<vmem>>
      %dma_start3A_545 = tpu.memref_squeeze %dma_start3A_544 : memref<1x128xi32, #tpu.memory_space<vmem>> -> memref<128xi32, #tpu.memory_space<vmem>>
      %dma_start3A_546 = arith.constant 0 : i32
      %dma_start3A_547 = arith.constant 0 : i32
      %dma_start3A_548 = tpu.memref_slice %arg3[%dma_start3A_546, %dma_start3A_547] : memref<1000000x32xf32, #tpu.memory_space<hbm>> -> memref<1000000x32xf32, #tpu.memory_space<hbm>>
      %dma_start3A_549 = tpu.memref_slice %arg8[%dma_start3A_538] : memref<4x!tpu.dma_semaphore, #tpu.memory_space<semaphore_mem>> -> memref<1x!tpu.dma_semaphore, #tpu.memory_space<semaphore_mem>>
      %dma_start3A_550 = tpu.memref_squeeze %dma_start3A_549 : memref<1x!tpu.dma_semaphore, #tpu.memory_space<semaphore_mem>> -> memref<!tpu.dma_semaphore, #tpu.memory_space<semaphore_mem>>
      tpu.enqueue_indirect_dma source(%dma_start3A_548 : memref<1000000x32xf32, #tpu.memory_space<hbm>>) target(%dma_start3A_542 : memref<128x32xf32, #tpu.memory_space<vmem>>) offsets(%dma_start3A_545 : memref<128xi32, #tpu.memory_space<vmem>>) semaphore(%dma_start3A_550 : memref<!tpu.dma_semaphore, #tpu.memory_space<semaphore_mem>>)
      %dma_wait3A_551 = arith.constant 0 : i32
      %dma_wait3A_552 = arith.constant 0 : i32
      %dma_wait3A_553 = arith.constant 0 : i32
      %dma_wait3A_554 = arith.constant 0 : i32
      %dma_wait3A_555 = tpu.memref_slice %arg6[%dma_wait3A_551, %dma_wait3A_553, %dma_wait3A_554] : memref<4x128x32xf32, #tpu.memory_space<vmem>> -> memref<1x128x32xf32, #tpu.memory_space<vmem>>
      %dma_wait3A_556 = tpu.memref_squeeze %dma_wait3A_555 : memref<1x128x32xf32, #tpu.memory_space<vmem>> -> memref<128x32xf32, #tpu.memory_space<vmem>>
      %dma_wait3A_557 = arith.constant 0 : i32
      %dma_wait3A_558 = arith.constant 0 : i32
      %dma_wait3A_559 = tpu.memref_slice %arg3[%dma_wait3A_557, %dma_wait3A_558] : memref<1000000x32xf32, #tpu.memory_space<hbm>> -> memref<128x32xf32, #tpu.memory_space<hbm>>
      %dma_wait3A_560 = tpu.memref_slice %arg8[%dma_wait3A_552] : memref<4x!tpu.dma_semaphore, #tpu.memory_space<semaphore_mem>> -> memref<1x!tpu.dma_semaphore, #tpu.memory_space<semaphore_mem>>
      %dma_wait3A_561 = tpu.memref_squeeze %dma_wait3A_560 : memref<1x!tpu.dma_semaphore, #tpu.memory_space<semaphore_mem>> -> memref<!tpu.dma_semaphore, #tpu.memory_space<semaphore_mem>>
      %dma_wait3A_562 = arith.constant 0 : i32
      %dma_wait3A_563 = arith.constant 0 : i32
      %dma_wait3A_564 = tpu.memref_slice %arg6[%dma_wait3A_551, %dma_wait3A_562, %dma_wait3A_563] : memref<4x128x32xf32, #tpu.memory_space<vmem>> -> memref<1x128x32xf32, #tpu.memory_space<vmem>>
      %dma_wait3A_565 = tpu.memref_squeeze %dma_wait3A_564 : memref<1x128x32xf32, #tpu.memory_space<vmem>> -> memref<128x32xf32, #tpu.memory_space<vmem>>
      %dma_wait3A_566 = arith.constant 0 : i32
      %dma_wait3A_567 = arith.constant 0 : i32
      %dma_wait3A_568 = tpu.memref_slice %arg3[%dma_wait3A_566, %dma_wait3A_567] : memref<1000000x32xf32, #tpu.memory_space<hbm>> -> memref<128x32xf32, #tpu.memory_space<hbm>>
      tpu.wait_dma2 semaphore(%dma_wait3A_561 : memref<!tpu.dma_semaphore, #tpu.memory_space<semaphore_mem>>) src(%dma_wait3A_568 : memref<128x32xf32, #tpu.memory_space<hbm>>) dst(%dma_wait3A_565 : memref<128x32xf32, #tpu.memory_space<vmem>>)
      %scan3A_569 = arith.constant 0 : i32
      %scan3A_570 = arith.constant 0 : i32
      %scan3A_571 = arith.constant 16 : i32
      %scan3A_572 = arith.addi %scan3A_570, %scan3A_571 : i32
      %scan3A_573 = arith.constant 1 : i32
      %scan3A_574 = scf.for %scan3A_681 = %scan3A_570 to %scan3A_572 step %scan3A_573 iter_args(%scan3A_682 = %scan3A_569) -> (i32)  : i32 {
        %mul3A_683 = arith.constant 8 : i32
        %mul3A_684 = arith.muli %scan3A_681, %mul3A_683 : i32
        %add3A_685 = arith.constant 0 : i32
        %add3A_686 = arith.addi %mul3A_684, %add3A_685 : i32
        %broadcast_in_dim3A = vector.broadcast %add3A_686 : i32 to vector<16xi32>
        %get3A = arith.constant 0 : i32
        %get3A_687 = arith.index_cast %get3A : i32 to index
        %get3A_688 = arith.index_cast %add3A_686 : i32 to index
        %get3A_689 = arith.constant 0 : index
        %get3A_690 = tpu.vector_load %arg6[%get3A_687, %get3A_688, %get3A_689] {strides = array<i32>} : memref<4x128x32xf32, #tpu.memory_space<vmem>>, vector<16xf32>,
        %scatter3A = arith.constant 0 : i32
        %scatter3A_691 = arith.constant 0 : i32
        %scatter3A_692 = arith.constant 0 : i32
        %scatter3A_693 = tpu.memref_slice %arg7[%scatter3A, %scatter3A_691, %scatter3A_692] : memref<2x32x129xf32, #tpu.memory_space<vmem>> -> memref<1x32x129xf32, #tpu.memory_space<vmem>>
        %scatter3A_694 = tpu.memref_squeeze %scatter3A_693 : memref<1x32x129xf32, #tpu.memory_space<vmem>> -> memref<32x129xf32, #tpu.memory_space<vmem>>
        tpu.vector_store_idx %scatter3A_694[%add3A_5, %broadcast_in_dim3A], %get3A_690 : memref<32x129xf32, #tpu.memory_space<vmem>>[vector<16xi32>, vector<16xi32>], vector<16xf32>,
        %get3A_695 = arith.constant 0 : i32
        %get3A_696 = arith.index_cast %get3A_695 : i32 to index
        %get3A_697 = arith.index_cast %add3A_686 : i32 to index
        %get3A_698 = arith.constant 16 : index
        %get3A_699 = tpu.vector_load %arg6[%get3A_696, %get3A_697, %get3A_698] {strides = array<i32>} : memref<4x128x32xf32, #tpu.memory_space<vmem>>, vector<16xf32>,
        %scatter3A_700 = arith.constant 0 : i32
        %scatter3A_701 = arith.constant 0 : i32
        %scatter3A_702 = arith.constant 0 : i32
        %scatter3A_703 = tpu.memref_slice %arg7[%scatter3A_700, %scatter3A_701, %scatter3A_702] : memref<2x32x129xf32, #tpu.memory_space<vmem>> -> memref<1x32x129xf32, #tpu.memory_space<vmem>>
        %scatter3A_704 = tpu.memref_squeeze %scatter3A_703 : memref<1x32x129xf32, #tpu.memory_space<vmem>> -> memref<32x129xf32, #tpu.memory_space<vmem>>
        tpu.vector_store_idx %scatter3A_704[%add3A_9, %broadcast_in_dim3A], %get3A_699 : memref<32x129xf32, #tpu.memory_space<vmem>>[vector<16xi32>, vector<16xi32>], vector<16xf32>,
        %mul3A_705 = arith.constant 8 : i32
        %mul3A_706 = arith.muli %scan3A_681, %mul3A_705 : i32
        %add3A_707 = arith.constant 1 : i32
        %add3A_708 = arith.addi %mul3A_706, %add3A_707 : i32
        %broadcast_in_dim3A_709 = vector.broadcast %add3A_708 : i32 to vector<16xi32>
        %get3A_710 = arith.constant 0 : i32
        %get3A_711 = arith.index_cast %get3A_710 : i32 to index
        %get3A_712 = arith.index_cast %add3A_708 : i32 to index
        %get3A_713 = arith.constant 0 : index
        %get3A_714 = tpu.vector_load %arg6[%get3A_711, %get3A_712, %get3A_713] {strides = array<i32>} : memref<4x128x32xf32, #tpu.memory_space<vmem>>, vector<16xf32>,
        %scatter3A_715 = arith.constant 0 : i32
        %scatter3A_716 = arith.constant 0 : i32
        %scatter3A_717 = arith.constant 0 : i32
        %scatter3A_718 = tpu.memref_slice %arg7[%scatter3A_715, %scatter3A_716, %scatter3A_717] : memref<2x32x129xf32, #tpu.memory_space<vmem>> -> memref<1x32x129xf32, #tpu.memory_space<vmem>>
        %scatter3A_719 = tpu.memref_squeeze %scatter3A_718 : memref<1x32x129xf32, #tpu.memory_space<vmem>> -> memref<32x129xf32, #tpu.memory_space<vmem>>
        tpu.vector_store_idx %scatter3A_719[%add3A_5, %broadcast_in_dim3A_709], %get3A_714 : memref<32x129xf32, #tpu.memory_space<vmem>>[vector<16xi32>, vector<16xi32>], vector<16xf32>,
        %get3A_720 = arith.constant 0 : i32
        %get3A_721 = arith.index_cast %get3A_720 : i32 to index
        %get3A_722 = arith.index_cast %add3A_708 : i32 to index
        %get3A_723 = arith.constant 16 : index
        %get3A_724 = tpu.vector_load %arg6[%get3A_721, %get3A_722, %get3A_723] {strides = array<i32>} : memref<4x128x32xf32, #tpu.memory_space<vmem>>, vector<16xf32>,
        %scatter3A_725 = arith.constant 0 : i32
        %scatter3A_726 = arith.constant 0 : i32
        %scatter3A_727 = arith.constant 0 : i32
        %scatter3A_728 = tpu.memref_slice %arg7[%scatter3A_725, %scatter3A_726, %scatter3A_727] : memref<2x32x129xf32, #tpu.memory_space<vmem>> -> memref<1x32x129xf32, #tpu.memory_space<vmem>>
        %scatter3A_729 = tpu.memref_squeeze %scatter3A_728 : memref<1x32x129xf32, #tpu.memory_space<vmem>> -> memref<32x129xf32, #tpu.memory_space<vmem>>
        tpu.vector_store_idx %scatter3A_729[%add3A_9, %broadcast_in_dim3A_709], %get3A_724 : memref<32x129xf32, #tpu.memory_space<vmem>>[vector<16xi32>, vector<16xi32>], vector<16xf32>,
        %mul3A_730 = arith.constant 8 : i32
        %mul3A_731 = arith.muli %scan3A_681, %mul3A_730 : i32
        %add3A_732 = arith.constant 2 : i32
        %add3A_733 = arith.addi %mul3A_731, %add3A_732 : i32
        %broadcast_in_dim3A_734 = vector.broadcast %add3A_733 : i32 to vector<16xi32>
        %get3A_735 = arith.constant 0 : i32
        %get3A_736 = arith.index_cast %get3A_735 : i32 to index
        %get3A_737 = arith.index_cast %add3A_733 : i32 to index
        %get3A_738 = arith.constant 0 : index
        %get3A_739 = tpu.vector_load %arg6[%get3A_736, %get3A_737, %get3A_738] {strides = array<i32>} : memref<4x128x32xf32, #tpu.memory_space<vmem>>, vector<16xf32>,
        %scatter3A_740 = arith.constant 0 : i32
        %scatter3A_741 = arith.constant 0 : i32
        %scatter3A_742 = arith.constant 0 : i32
        %scatter3A_743 = tpu.memref_slice %arg7[%scatter3A_740, %scatter3A_741, %scatter3A_742] : memref<2x32x129xf32, #tpu.memory_space<vmem>> -> memref<1x32x129xf32, #tpu.memory_space<vmem>>
        %scatter3A_744 = tpu.memref_squeeze %scatter3A_743 : memref<1x32x129xf32, #tpu.memory_space<vmem>> -> memref<32x129xf32, #tpu.memory_space<vmem>>
        tpu.vector_store_idx %scatter3A_744[%add3A_5, %broadcast_in_dim3A_734], %get3A_739 : memref<32x129xf32, #tpu.memory_space<vmem>>[vector<16xi32>, vector<16xi32>], vector<16xf32>,
        %get3A_745 = arith.constant 0 : i32
        %get3A_746 = arith.index_cast %get3A_745 : i32 to index
        %get3A_747 = arith.index_cast %add3A_733 : i32 to index
        %get3A_748 = arith.constant 16 : index
        %get3A_749 = tpu.vector_load %arg6[%get3A_746, %get3A_747, %get3A_748] {strides = array<i32>} : memref<4x128x32xf32, #tpu.memory_space<vmem>>, vector<16xf32>,
        %scatter3A_750 = arith.constant 0 : i32
        %scatter3A_751 = arith.constant 0 : i32
        %scatter3A_752 = arith.constant 0 : i32
        %scatter3A_753 = tpu.memref_slice %arg7[%scatter3A_750, %scatter3A_751, %scatter3A_752] : memref<2x32x129xf32, #tpu.memory_space<vmem>> -> memref<1x32x129xf32, #tpu.memory_space<vmem>>
        %scatter3A_754 = tpu.memref_squeeze %scatter3A_753 : memref<1x32x129xf32, #tpu.memory_space<vmem>> -> memref<32x129xf32, #tpu.memory_space<vmem>>
        tpu.vector_store_idx %scatter3A_754[%add3A_9, %broadcast_in_dim3A_734], %get3A_749 : memref<32x129xf32, #tpu.memory_space<vmem>>[vector<16xi32>, vector<16xi32>], vector<16xf32>,
        %mul3A_755 = arith.constant 8 : i32
        %mul3A_756 = arith.muli %scan3A_681, %mul3A_755 : i32
        %add3A_757 = arith.constant 3 : i32
        %add3A_758 = arith.addi %mul3A_756, %add3A_757 : i32
        %broadcast_in_dim3A_759 = vector.broadcast %add3A_758 : i32 to vector<16xi32>
        %get3A_760 = arith.constant 0 : i32
        %get3A_761 = arith.index_cast %get3A_760 : i32 to index
        %get3A_762 = arith.index_cast %add3A_758 : i32 to index
        %get3A_763 = arith.constant 0 : index
        %get3A_764 = tpu.vector_load %arg6[%get3A_761, %get3A_762, %get3A_763] {strides = array<i32>} : memref<4x128x32xf32, #tpu.memory_space<vmem>>, vector<16xf32>,
        %scatter3A_765 = arith.constant 0 : i32
        %scatter3A_766 = arith.constant 0 : i32
        %scatter3A_767 = arith.constant 0 : i32
        %scatter3A_768 = tpu.memref_slice %arg7[%scatter3A_765, %scatter3A_766, %scatter3A_767] : memref<2x32x129xf32, #tpu.memory_space<vmem>> -> memref<1x32x129xf32, #tpu.memory_space<vmem>>
        %scatter3A_769 = tpu.memref_squeeze %scatter3A_768 : memref<1x32x129xf32, #tpu.memory_space<vmem>> -> memref<32x129xf32, #tpu.memory_space<vmem>>
        tpu.vector_store_idx %scatter3A_769[%add3A_5, %broadcast_in_dim3A_759], %get3A_764 : memref<32x129xf32, #tpu.memory_space<vmem>>[vector<16xi32>, vector<16xi32>], vector<16xf32>,
        %get3A_770 = arith.constant 0 : i32
        %get3A_771 = arith.index_cast %get3A_770 : i32 to index
        %get3A_772 = arith.index_cast %add3A_758 : i32 to index
        %get3A_773 = arith.constant 16 : index
        %get3A_774 = tpu.vector_load %arg6[%get3A_771, %get3A_772, %get3A_773] {strides = array<i32>} : memref<4x128x32xf32, #tpu.memory_space<vmem>>, vector<16xf32>,
        %scatter3A_775 = arith.constant 0 : i32
        %scatter3A_776 = arith.constant 0 : i32
        %scatter3A_777 = arith.constant 0 : i32
        %scatter3A_778 = tpu.memref_slice %arg7[%scatter3A_775, %scatter3A_776, %scatter3A_777] : memref<2x32x129xf32, #tpu.memory_space<vmem>> -> memref<1x32x129xf32, #tpu.memory_space<vmem>>
        %scatter3A_779 = tpu.memref_squeeze %scatter3A_778 : memref<1x32x129xf32, #tpu.memory_space<vmem>> -> memref<32x129xf32, #tpu.memory_space<vmem>>
        tpu.vector_store_idx %scatter3A_779[%add3A_9, %broadcast_in_dim3A_759], %get3A_774 : memref<32x129xf32, #tpu.memory_space<vmem>>[vector<16xi32>, vector<16xi32>], vector<16xf32>,
        %mul3A_780 = arith.constant 8 : i32
        %mul3A_781 = arith.muli %scan3A_681, %mul3A_780 : i32
        %add3A_782 = arith.constant 4 : i32
        %add3A_783 = arith.addi %mul3A_781, %add3A_782 : i32
        %broadcast_in_dim3A_784 = vector.broadcast %add3A_783 : i32 to vector<16xi32>
        %get3A_785 = arith.constant 0 : i32
        %get3A_786 = arith.index_cast %get3A_785 : i32 to index
        %get3A_787 = arith.index_cast %add3A_783 : i32 to index
        %get3A_788 = arith.constant 0 : index
        %get3A_789 = tpu.vector_load %arg6[%get3A_786, %get3A_787, %get3A_788] {strides = array<i32>} : memref<4x128x32xf32, #tpu.memory_space<vmem>>, vector<16xf32>,
        %scatter3A_790 = arith.constant 0 : i32
        %scatter3A_791 = arith.constant 0 : i32
        %scatter3A_792 = arith.constant 0 : i32
        %scatter3A_793 = tpu.memref_slice %arg7[%scatter3A_790, %scatter3A_791, %scatter3A_792] : memref<2x32x129xf32, #tpu.memory_space<vmem>> -> memref<1x32x129xf32, #tpu.memory_space<vmem>>
        %scatter3A_794 = tpu.memref_squeeze %scatter3A_793 : memref<1x32x129xf32, #tpu.memory_space<vmem>> -> memref<32x129xf32, #tpu.memory_space<vmem>>
        tpu.vector_store_idx %scatter3A_794[%add3A_5, %broadcast_in_dim3A_784], %get3A_789 : memref<32x129xf32, #tpu.memory_space<vmem>>[vector<16xi32>, vector<16xi32>], vector<16xf32>,
        %get3A_795 = arith.constant 0 : i32
        %get3A_796 = arith.index_cast %get3A_795 : i32 to index
        %get3A_797 = arith.index_cast %add3A_783 : i32 to index
        %get3A_798 = arith.constant 16 : index
        %get3A_799 = tpu.vector_load %arg6[%get3A_796, %get3A_797, %get3A_798] {strides = array<i32>} : memref<4x128x32xf32, #tpu.memory_space<vmem>>, vector<16xf32>,
        %scatter3A_800 = arith.constant 0 : i32
        %scatter3A_801 = arith.constant 0 : i32
        %scatter3A_802 = arith.constant 0 : i32
        %scatter3A_803 = tpu.memref_slice %arg7[%scatter3A_800, %scatter3A_801, %scatter3A_802] : memref<2x32x129xf32, #tpu.memory_space<vmem>> -> memref<1x32x129xf32, #tpu.memory_space<vmem>>
        %scatter3A_804 = tpu.memref_squeeze %scatter3A_803 : memref<1x32x129xf32, #tpu.memory_space<vmem>> -> memref<32x129xf32, #tpu.memory_space<vmem>>
        tpu.vector_store_idx %scatter3A_804[%add3A_9, %broadcast_in_dim3A_784], %get3A_799 : memref<32x129xf32, #tpu.memory_space<vmem>>[vector<16xi32>, vector<16xi32>], vector<16xf32>,
        %mul3A_805 = arith.constant 8 : i32
        %mul3A_806 = arith.muli %scan3A_681, %mul3A_805 : i32
        %add3A_807 = arith.constant 5 : i32
        %add3A_808 = arith.addi %mul3A_806, %add3A_807 : i32
        %broadcast_in_dim3A_809 = vector.broadcast %add3A_808 : i32 to vector<16xi32>
        %get3A_810 = arith.constant 0 : i32
        %get3A_811 = arith.index_cast %get3A_810 : i32 to index
        %get3A_812 = arith.index_cast %add3A_808 : i32 to index
        %get3A_813 = arith.constant 0 : index
        %get3A_814 = tpu.vector_load %arg6[%get3A_811, %get3A_812, %get3A_813] {strides = array<i32>} : memref<4x128x32xf32, #tpu.memory_space<vmem>>, vector<16xf32>,
        %scatter3A_815 = arith.constant 0 : i32
        %scatter3A_816 = arith.constant 0 : i32
        %scatter3A_817 = arith.constant 0 : i32
        %scatter3A_818 = tpu.memref_slice %arg7[%scatter3A_815, %scatter3A_816, %scatter3A_817] : memref<2x32x129xf32, #tpu.memory_space<vmem>> -> memref<1x32x129xf32, #tpu.memory_space<vmem>>
        %scatter3A_819 = tpu.memref_squeeze %scatter3A_818 : memref<1x32x129xf32, #tpu.memory_space<vmem>> -> memref<32x129xf32, #tpu.memory_space<vmem>>
        tpu.vector_store_idx %scatter3A_819[%add3A_5, %broadcast_in_dim3A_809], %get3A_814 : memref<32x129xf32, #tpu.memory_space<vmem>>[vector<16xi32>, vector<16xi32>], vector<16xf32>,
        %get3A_820 = arith.constant 0 : i32
        %get3A_821 = arith.index_cast %get3A_820 : i32 to index
        %get3A_822 = arith.index_cast %add3A_808 : i32 to index
        %get3A_823 = arith.constant 16 : index
        %get3A_824 = tpu.vector_load %arg6[%get3A_821, %get3A_822, %get3A_823] {strides = array<i32>} : memref<4x128x32xf32, #tpu.memory_space<vmem>>, vector<16xf32>,
        %scatter3A_825 = arith.constant 0 : i32
        %scatter3A_826 = arith.constant 0 : i32
        %scatter3A_827 = arith.constant 0 : i32
        %scatter3A_828 = tpu.memref_slice %arg7[%scatter3A_825, %scatter3A_826, %scatter3A_827] : memref<2x32x129xf32, #tpu.memory_space<vmem>> -> memref<1x32x129xf32, #tpu.memory_space<vmem>>
        %scatter3A_829 = tpu.memref_squeeze %scatter3A_828 : memref<1x32x129xf32, #tpu.memory_space<vmem>> -> memref<32x129xf32, #tpu.memory_space<vmem>>
        tpu.vector_store_idx %scatter3A_829[%add3A_9, %broadcast_in_dim3A_809], %get3A_824 : memref<32x129xf32, #tpu.memory_space<vmem>>[vector<16xi32>, vector<16xi32>], vector<16xf32>,
        %mul3A_830 = arith.constant 8 : i32
        %mul3A_831 = arith.muli %scan3A_681, %mul3A_830 : i32
        %add3A_832 = arith.constant 6 : i32
        %add3A_833 = arith.addi %mul3A_831, %add3A_832 : i32
        %broadcast_in_dim3A_834 = vector.broadcast %add3A_833 : i32 to vector<16xi32>
        %get3A_835 = arith.constant 0 : i32
        %get3A_836 = arith.index_cast %get3A_835 : i32 to index
        %get3A_837 = arith.index_cast %add3A_833 : i32 to index
        %get3A_838 = arith.constant 0 : index
        %get3A_839 = tpu.vector_load %arg6[%get3A_836, %get3A_837, %get3A_838] {strides = array<i32>} : memref<4x128x32xf32, #tpu.memory_space<vmem>>, vector<16xf32>,
        %scatter3A_840 = arith.constant 0 : i32
        %scatter3A_841 = arith.constant 0 : i32
        %scatter3A_842 = arith.constant 0 : i32
        %scatter3A_843 = tpu.memref_slice %arg7[%scatter3A_840, %scatter3A_841, %scatter3A_842] : memref<2x32x129xf32, #tpu.memory_space<vmem>> -> memref<1x32x129xf32, #tpu.memory_space<vmem>>
        %scatter3A_844 = tpu.memref_squeeze %scatter3A_843 : memref<1x32x129xf32, #tpu.memory_space<vmem>> -> memref<32x129xf32, #tpu.memory_space<vmem>>
        tpu.vector_store_idx %scatter3A_844[%add3A_5, %broadcast_in_dim3A_834], %get3A_839 : memref<32x129xf32, #tpu.memory_space<vmem>>[vector<16xi32>, vector<16xi32>], vector<16xf32>,
        %get3A_845 = arith.constant 0 : i32
        %get3A_846 = arith.index_cast %get3A_845 : i32 to index
        %get3A_847 = arith.index_cast %add3A_833 : i32 to index
        %get3A_848 = arith.constant 16 : index
        %get3A_849 = tpu.vector_load %arg6[%get3A_846, %get3A_847, %get3A_848] {strides = array<i32>} : memref<4x128x32xf32, #tpu.memory_space<vmem>>, vector<16xf32>,
        %scatter3A_850 = arith.constant 0 : i32
        %scatter3A_851 = arith.constant 0 : i32
        %scatter3A_852 = arith.constant 0 : i32
        %scatter3A_853 = tpu.memref_slice %arg7[%scatter3A_850, %scatter3A_851, %scatter3A_852] : memref<2x32x129xf32, #tpu.memory_space<vmem>> -> memref<1x32x129xf32, #tpu.memory_space<vmem>>
        %scatter3A_854 = tpu.memref_squeeze %scatter3A_853 : memref<1x32x129xf32, #tpu.memory_space<vmem>> -> memref<32x129xf32, #tpu.memory_space<vmem>>
        tpu.vector_store_idx %scatter3A_854[%add3A_9, %broadcast_in_dim3A_834], %get3A_849 : memref<32x129xf32, #tpu.memory_space<vmem>>[vector<16xi32>, vector<16xi32>], vector<16xf32>,
        %mul3A_855 = arith.constant 8 : i32
        %mul3A_856 = arith.muli %scan3A_681, %mul3A_855 : i32
        %add3A_857 = arith.constant 7 : i32
        %add3A_858 = arith.addi %mul3A_856, %add3A_857 : i32
        %broadcast_in_dim3A_859 = vector.broadcast %add3A_858 : i32 to vector<16xi32>
        %get3A_860 = arith.constant 0 : i32
        %get3A_861 = arith.index_cast %get3A_860 : i32 to index
        %get3A_862 = arith.index_cast %add3A_858 : i32 to index
        %get3A_863 = arith.constant 0 : index
        %get3A_864 = tpu.vector_load %arg6[%get3A_861, %get3A_862, %get3A_863] {strides = array<i32>} : memref<4x128x32xf32, #tpu.memory_space<vmem>>, vector<16xf32>,
        %scatter3A_865 = arith.constant 0 : i32
        %scatter3A_866 = arith.constant 0 : i32
        %scatter3A_867 = arith.constant 0 : i32
        %scatter3A_868 = tpu.memref_slice %arg7[%scatter3A_865, %scatter3A_866, %scatter3A_867] : memref<2x32x129xf32, #tpu.memory_space<vmem>> -> memref<1x32x129xf32, #tpu.memory_space<vmem>>
        %scatter3A_869 = tpu.memref_squeeze %scatter3A_868 : memref<1x32x129xf32, #tpu.memory_space<vmem>> -> memref<32x129xf32, #tpu.memory_space<vmem>>
        tpu.vector_store_idx %scatter3A_869[%add3A_5, %broadcast_in_dim3A_859], %get3A_864 : memref<32x129xf32, #tpu.memory_space<vmem>>[vector<16xi32>, vector<16xi32>], vector<16xf32>,
        %get3A_870 = arith.constant 0 : i32
        %get3A_871 = arith.index_cast %get3A_870 : i32 to index
        %get3A_872 = arith.index_cast %add3A_858 : i32 to index
        %get3A_873 = arith.constant 16 : index
        %get3A_874 = tpu.vector_load %arg6[%get3A_871, %get3A_872, %get3A_873] {strides = array<i32>} : memref<4x128x32xf32, #tpu.memory_space<vmem>>, vector<16xf32>,
        %scatter3A_875 = arith.constant 0 : i32
        %scatter3A_876 = arith.constant 0 : i32
        %scatter3A_877 = arith.constant 0 : i32
        %scatter3A_878 = tpu.memref_slice %arg7[%scatter3A_875, %scatter3A_876, %scatter3A_877] : memref<2x32x129xf32, #tpu.memory_space<vmem>> -> memref<1x32x129xf32, #tpu.memory_space<vmem>>
        %scatter3A_879 = tpu.memref_squeeze %scatter3A_878 : memref<1x32x129xf32, #tpu.memory_space<vmem>> -> memref<32x129xf32, #tpu.memory_space<vmem>>
        tpu.vector_store_idx %scatter3A_879[%add3A_9, %broadcast_in_dim3A_859], %get3A_874 : memref<32x129xf32, #tpu.memory_space<vmem>>[vector<16xi32>, vector<16xi32>], vector<16xf32>,
        %scan3A_880 = arith.constant 0 : i32
        scf.yield %scan3A_880 : i32
      }
      %scan3A_575 = arith.constant 16 : i32
      %dma_start3A_576 = arith.constant 0 : i32
      %dma_start3A_577 = arith.constant 0 : i32
      %dma_start3A_578 = arith.constant 0 : i32
      %dma_start3A_579 = arith.constant 0 : i32
      %dma_start3A_580 = tpu.memref_slice %arg7[%dma_start3A_576, %dma_start3A_578, %dma_start3A_579] : memref<2x32x129xf32, #tpu.memory_space<vmem>> -> memref<1x32x128xf32, #tpu.memory_space<vmem>>
      %dma_start3A_581 = tpu.memref_squeeze %dma_start3A_580 : memref<1x32x128xf32, #tpu.memory_space<vmem>> -> memref<32x128xf32, #tpu.memory_space<vmem>>
      %dma_start3A_582 = arith.constant 0 : i32
      %dma_start3A_583 = tpu.memref_slice %arg4[%add3A_513, %dma_start3A_582, %mul3A_2] : memref<200x32x4096xf32, #tpu.memory_space<hbm>> -> memref<1x32x128xf32, #tpu.memory_space<hbm>>
      %dma_start3A_584 = tpu.memref_squeeze %dma_start3A_583 : memref<1x32x128xf32, #tpu.memory_space<hbm>> -> memref<32x128xf32, #tpu.memory_space<hbm>>
      %dma_start3A_585 = tpu.memref_slice %arg9[%dma_start3A_577] : memref<2x!tpu.dma_semaphore, #tpu.memory_space<semaphore_mem>> -> memref<1x!tpu.dma_semaphore, #tpu.memory_space<semaphore_mem>>
      %dma_start3A_586 = tpu.memref_squeeze %dma_start3A_585 : memref<1x!tpu.dma_semaphore, #tpu.memory_space<semaphore_mem>> -> memref<!tpu.dma_semaphore, #tpu.memory_space<semaphore_mem>>
      %dma_start3A_587 = arith.constant 0 : i32
      %dma_start3A_588 = tpu.memref_slice %arg4[%add3A_513, %dma_start3A_587, %mul3A_2] : memref<200x32x4096xf32, #tpu.memory_space<hbm>> -> memref<1x32x128xf32, #tpu.memory_space<hbm>>
      %dma_start3A_589 = tpu.memref_squeeze %dma_start3A_588 : memref<1x32x128xf32, #tpu.memory_space<hbm>> -> memref<32x128xf32, #tpu.memory_space<hbm>>
      %dma_start3A_590 = arith.constant 0 : i32
      %dma_start3A_591 = arith.constant 0 : i32
      %dma_start3A_592 = tpu.memref_slice %arg7[%dma_start3A_576, %dma_start3A_590, %dma_start3A_591] : memref<2x32x129xf32, #tpu.memory_space<vmem>> -> memref<1x32x128xf32, #tpu.memory_space<vmem>>
      %dma_start3A_593 = tpu.memref_squeeze %dma_start3A_592 : memref<1x32x128xf32, #tpu.memory_space<vmem>> -> memref<32x128xf32, #tpu.memory_space<vmem>>
      tpu.enqueue_dma source(%dma_start3A_593 : memref<32x128xf32, #tpu.memory_space<vmem>>) target(%dma_start3A_589 : memref<32x128xf32, #tpu.memory_space<hbm>>) target_semaphore(%dma_start3A_586 : memref<!tpu.dma_semaphore, #tpu.memory_space<semaphore_mem>>)
      %mul3A_594 = arith.constant 4 : i32
      %mul3A_595 = arith.muli %scan3A_334, %mul3A_594 : i32
      %add3A_596 = arith.constant 2 : i32
      %add3A_597 = arith.addi %add3A_596, %mul3A_595 : i32
      %add3A_598 = arith.constant 3 : i32
      %add3A_599 = arith.addi %add3A_597, %add3A_598 : i32
      %dma_wait3A_600 = arith.constant 1 : i32
      %dma_wait3A_601 = arith.constant 0 : i32
      %dma_wait3A_602 = arith.constant 1 : i32
      %dma_wait3A_603 = arith.constant 0 : i32
      %dma_wait3A_604 = arith.constant 0 : i32
      %dma_wait3A_605 = tpu.memref_slice %arg7[%dma_wait3A_600, %dma_wait3A_603, %dma_wait3A_604] : memref<2x32x129xf32, #tpu.memory_space<vmem>> -> memref<1x32x128xf32, #tpu.memory_space<vmem>>
      %dma_wait3A_606 = tpu.memref_squeeze %dma_wait3A_605 : memref<1x32x128xf32, #tpu.memory_space<vmem>> -> memref<32x128xf32, #tpu.memory_space<vmem>>
      %dma_wait3A_607 = arith.constant 0 : i32
      %dma_wait3A_608 = arith.constant 0 : i32
      %dma_wait3A_609 = tpu.memref_slice %arg4[%dma_wait3A_601, %dma_wait3A_607, %dma_wait3A_608] : memref<200x32x4096xf32, #tpu.memory_space<hbm>> -> memref<1x32x128xf32, #tpu.memory_space<hbm>>
      %dma_wait3A_610 = tpu.memref_squeeze %dma_wait3A_609 : memref<1x32x128xf32, #tpu.memory_space<hbm>> -> memref<32x128xf32, #tpu.memory_space<hbm>>
      %dma_wait3A_611 = tpu.memref_slice %arg9[%dma_wait3A_602] : memref<2x!tpu.dma_semaphore, #tpu.memory_space<semaphore_mem>> -> memref<1x!tpu.dma_semaphore, #tpu.memory_space<semaphore_mem>>
      %dma_wait3A_612 = tpu.memref_squeeze %dma_wait3A_611 : memref<1x!tpu.dma_semaphore, #tpu.memory_space<semaphore_mem>> -> memref<!tpu.dma_semaphore, #tpu.memory_space<semaphore_mem>>
      %dma_wait3A_613 = arith.constant 0 : i32
      %dma_wait3A_614 = arith.constant 0 : i32
      %dma_wait3A_615 = tpu.memref_slice %arg4[%dma_wait3A_601, %dma_wait3A_613, %dma_wait3A_614] : memref<200x32x4096xf32, #tpu.memory_space<hbm>> -> memref<1x32x128xf32, #tpu.memory_space<hbm>>
      %dma_wait3A_616 = tpu.memref_squeeze %dma_wait3A_615 : memref<1x32x128xf32, #tpu.memory_space<hbm>> -> memref<32x128xf32, #tpu.memory_space<hbm>>
      %dma_wait3A_617 = arith.constant 0 : i32
      %dma_wait3A_618 = arith.constant 0 : i32
      %dma_wait3A_619 = tpu.memref_slice %arg7[%dma_wait3A_600, %dma_wait3A_617, %dma_wait3A_618] : memref<2x32x129xf32, #tpu.memory_space<vmem>> -> memref<1x32x128xf32, #tpu.memory_space<vmem>>
      %dma_wait3A_620 = tpu.memref_squeeze %dma_wait3A_619 : memref<1x32x128xf32, #tpu.memory_space<vmem>> -> memref<32x128xf32, #tpu.memory_space<vmem>>
      tpu.wait_dma2 semaphore(%dma_wait3A_612 : memref<!tpu.dma_semaphore, #tpu.memory_space<semaphore_mem>>) src(%dma_wait3A_620 : memref<32x128xf32, #tpu.memory_space<vmem>>) dst(%dma_wait3A_616 : memref<32x128xf32, #tpu.memory_space<hbm>>)
      %add3A_621 = arith.constant 2 : i32
      %add3A_622 = arith.addi %add3A_599, %add3A_621 : i32
      %dma_start3A_623 = arith.constant 3 : i32
      %dma_start3A_624 = arith.constant 3 : i32
      %dma_start3A_625 = arith.constant 0 : i32
      %dma_start3A_626 = arith.constant 0 : i32
      %dma_start3A_627 = tpu.memref_slice %arg6[%dma_start3A_623, %dma_start3A_625, %dma_start3A_626] : memref<4x128x32xf32, #tpu.memory_space<vmem>> -> memref<1x128x32xf32, #tpu.memory_space<vmem>>
      %dma_start3A_628 = tpu.memref_squeeze %dma_start3A_627 : memref<1x128x32xf32, #tpu.memory_space<vmem>> -> memref<128x32xf32, #tpu.memory_space<vmem>>
      %dma_start3A_629 = arith.constant 0 : i32
      %dma_start3A_630 = tpu.memref_slice %arg5[%add3A_622, %dma_start3A_629] : memref<200x128xi32, #tpu.memory_space<vmem>> -> memref<1x128xi32, #tpu.memory_space<vmem>>
      %dma_start3A_631 = tpu.memref_squeeze %dma_start3A_630 : memref<1x128xi32, #tpu.memory_space<vmem>> -> memref<128xi32, #tpu.memory_space<vmem>>
      %dma_start3A_632 = arith.constant 0 : i32
      %dma_start3A_633 = arith.constant 0 : i32
      %dma_start3A_634 = tpu.memref_slice %arg3[%dma_start3A_632, %dma_start3A_633] : memref<1000000x32xf32, #tpu.memory_space<hbm>> -> memref<1000000x32xf32, #tpu.memory_space<hbm>>
      %dma_start3A_635 = tpu.memref_slice %arg8[%dma_start3A_624] : memref<4x!tpu.dma_semaphore, #tpu.memory_space<semaphore_mem>> -> memref<1x!tpu.dma_semaphore, #tpu.memory_space<semaphore_mem>>
      %dma_start3A_636 = tpu.memref_squeeze %dma_start3A_635 : memref<1x!tpu.dma_semaphore, #tpu.memory_space<semaphore_mem>> -> memref<!tpu.dma_semaphore, #tpu.memory_space<semaphore_mem>>
      tpu.enqueue_indirect_dma source(%dma_start3A_634 : memref<1000000x32xf32, #tpu.memory_space<hbm>>) target(%dma_start3A_628 : memref<128x32xf32, #tpu.memory_space<vmem>>) offsets(%dma_start3A_631 : memref<128xi32, #tpu.memory_space<vmem>>) semaphore(%dma_start3A_636 : memref<!tpu.dma_semaphore, #tpu.memory_space<semaphore_mem>>)
      %dma_wait3A_637 = arith.constant 1 : i32
      %dma_wait3A_638 = arith.constant 1 : i32
      %dma_wait3A_639 = arith.constant 0 : i32
      %dma_wait3A_640 = arith.constant 0 : i32
      %dma_wait3A_641 = tpu.memref_slice %arg6[%dma_wait3A_637, %dma_wait3A_639, %dma_wait3A_640] : memref<4x128x32xf32, #tpu.memory_space<vmem>> -> memref<1x128x32xf32, #tpu.memory_space<vmem>>
      %dma_wait3A_642 = tpu.memref_squeeze %dma_wait3A_641 : memref<1x128x32xf32, #tpu.memory_space<vmem>> -> memref<128x32xf32, #tpu.memory_space<vmem>>
      %dma_wait3A_643 = arith.constant 0 : i32
      %dma_wait3A_644 = arith.constant 0 : i32
      %dma_wait3A_645 = tpu.memref_slice %arg3[%dma_wait3A_643, %dma_wait3A_644] : memref<1000000x32xf32, #tpu.memory_space<hbm>> -> memref<128x32xf32, #tpu.memory_space<hbm>>
      %dma_wait3A_646 = tpu.memref_slice %arg8[%dma_wait3A_638] : memref<4x!tpu.dma_semaphore, #tpu.memory_space<semaphore_mem>> -> memref<1x!tpu.dma_semaphore, #tpu.memory_space<semaphore_mem>>
      %dma_wait3A_647 = tpu.memref_squeeze %dma_wait3A_646 : memref<1x!tpu.dma_semaphore, #tpu.memory_space<semaphore_mem>> -> memref<!tpu.dma_semaphore, #tpu.memory_space<semaphore_mem>>
      %dma_wait3A_648 = arith.constant 0 : i32
      %dma_wait3A_649 = arith.constant 0 : i32
      %dma_wait3A_650 = tpu.memref_slice %arg6[%dma_wait3A_637, %dma_wait3A_648, %dma_wait3A_649] : memref<4x128x32xf32, #tpu.memory_space<vmem>> -> memref<1x128x32xf32, #tpu.memory_space<vmem>>
      %dma_wait3A_651 = tpu.memref_squeeze %dma_wait3A_650 : memref<1x128x32xf32, #tpu.memory_space<vmem>> -> memref<128x32xf32, #tpu.memory_space<vmem>>
      %dma_wait3A_652 = arith.constant 0 : i32
      %dma_wait3A_653 = arith.constant 0 : i32
      %dma_wait3A_654 = tpu.memref_slice %arg3[%dma_wait3A_652, %dma_wait3A_653] : memref<1000000x32xf32, #tpu.memory_space<hbm>> -> memref<128x32xf32, #tpu.memory_space<hbm>>
      tpu.wait_dma2 semaphore(%dma_wait3A_647 : memref<!tpu.dma_semaphore, #tpu.memory_space<semaphore_mem>>) src(%dma_wait3A_654 : memref<128x32xf32, #tpu.memory_space<hbm>>) dst(%dma_wait3A_651 : memref<128x32xf32, #tpu.memory_space<vmem>>)
      %scan3A_655 = arith.constant 0 : i32
      %scan3A_656 = arith.constant 0 : i32
      %scan3A_657 = arith.constant 16 : i32
      %scan3A_658 = arith.addi %scan3A_656, %scan3A_657 : i32
      %scan3A_659 = arith.constant 1 : i32
      %scan3A_660 = scf.for %scan3A_681 = %scan3A_656 to %scan3A_658 step %scan3A_659 iter_args(%scan3A_682 = %scan3A_655) -> (i32)  : i32 {
        %mul3A_683 = arith.constant 8 : i32
        %mul3A_684 = arith.muli %scan3A_681, %mul3A_683 : i32
        %add3A_685 = arith.constant 0 : i32
        %add3A_686 = arith.addi %mul3A_684, %add3A_685 : i32
        %broadcast_in_dim3A = vector.broadcast %add3A_686 : i32 to vector<16xi32>
        %get3A = arith.constant 1 : i32
        %get3A_687 = arith.index_cast %get3A : i32 to index
        %get3A_688 = arith.index_cast %add3A_686 : i32 to index
        %get3A_689 = arith.constant 0 : index
        %get3A_690 = tpu.vector_load %arg6[%get3A_687, %get3A_688, %get3A_689] {strides = array<i32>} : memref<4x128x32xf32, #tpu.memory_space<vmem>>, vector<16xf32>,
        %scatter3A = arith.constant 1 : i32
        %scatter3A_691 = arith.constant 0 : i32
        %scatter3A_692 = arith.constant 0 : i32
        %scatter3A_693 = tpu.memref_slice %arg7[%scatter3A, %scatter3A_691, %scatter3A_692] : memref<2x32x129xf32, #tpu.memory_space<vmem>> -> memref<1x32x129xf32, #tpu.memory_space<vmem>>
        %scatter3A_694 = tpu.memref_squeeze %scatter3A_693 : memref<1x32x129xf32, #tpu.memory_space<vmem>> -> memref<32x129xf32, #tpu.memory_space<vmem>>
        tpu.vector_store_idx %scatter3A_694[%add3A_5, %broadcast_in_dim3A], %get3A_690 : memref<32x129xf32, #tpu.memory_space<vmem>>[vector<16xi32>, vector<16xi32>], vector<16xf32>,
        %get3A_695 = arith.constant 1 : i32
        %get3A_696 = arith.index_cast %get3A_695 : i32 to index
        %get3A_697 = arith.index_cast %add3A_686 : i32 to index
        %get3A_698 = arith.constant 16 : index
        %get3A_699 = tpu.vector_load %arg6[%get3A_696, %get3A_697, %get3A_698] {strides = array<i32>} : memref<4x128x32xf32, #tpu.memory_space<vmem>>, vector<16xf32>,
        %scatter3A_700 = arith.constant 1 : i32
        %scatter3A_701 = arith.constant 0 : i32
        %scatter3A_702 = arith.constant 0 : i32
        %scatter3A_703 = tpu.memref_slice %arg7[%scatter3A_700, %scatter3A_701, %scatter3A_702] : memref<2x32x129xf32, #tpu.memory_space<vmem>> -> memref<1x32x129xf32, #tpu.memory_space<vmem>>
        %scatter3A_704 = tpu.memref_squeeze %scatter3A_703 : memref<1x32x129xf32, #tpu.memory_space<vmem>> -> memref<32x129xf32, #tpu.memory_space<vmem>>
        tpu.vector_store_idx %scatter3A_704[%add3A_9, %broadcast_in_dim3A], %get3A_699 : memref<32x129xf32, #tpu.memory_space<vmem>>[vector<16xi32>, vector<16xi32>], vector<16xf32>,
        %mul3A_705 = arith.constant 8 : i32
        %mul3A_706 = arith.muli %scan3A_681, %mul3A_705 : i32
        %add3A_707 = arith.constant 1 : i32
        %add3A_708 = arith.addi %mul3A_706, %add3A_707 : i32
        %broadcast_in_dim3A_709 = vector.broadcast %add3A_708 : i32 to vector<16xi32>
        %get3A_710 = arith.constant 1 : i32
        %get3A_711 = arith.index_cast %get3A_710 : i32 to index
        %get3A_712 = arith.index_cast %add3A_708 : i32 to index
        %get3A_713 = arith.constant 0 : index
        %get3A_714 = tpu.vector_load %arg6[%get3A_711, %get3A_712, %get3A_713] {strides = array<i32>} : memref<4x128x32xf32, #tpu.memory_space<vmem>>, vector<16xf32>,
        %scatter3A_715 = arith.constant 1 : i32
        %scatter3A_716 = arith.constant 0 : i32
        %scatter3A_717 = arith.constant 0 : i32
        %scatter3A_718 = tpu.memref_slice %arg7[%scatter3A_715, %scatter3A_716, %scatter3A_717] : memref<2x32x129xf32, #tpu.memory_space<vmem>> -> memref<1x32x129xf32, #tpu.memory_space<vmem>>
        %scatter3A_719 = tpu.memref_squeeze %scatter3A_718 : memref<1x32x129xf32, #tpu.memory_space<vmem>> -> memref<32x129xf32, #tpu.memory_space<vmem>>
        tpu.vector_store_idx %scatter3A_719[%add3A_5, %broadcast_in_dim3A_709], %get3A_714 : memref<32x129xf32, #tpu.memory_space<vmem>>[vector<16xi32>, vector<16xi32>], vector<16xf32>,
        %get3A_720 = arith.constant 1 : i32
        %get3A_721 = arith.index_cast %get3A_720 : i32 to index
        %get3A_722 = arith.index_cast %add3A_708 : i32 to index
        %get3A_723 = arith.constant 16 : index
        %get3A_724 = tpu.vector_load %arg6[%get3A_721, %get3A_722, %get3A_723] {strides = array<i32>} : memref<4x128x32xf32, #tpu.memory_space<vmem>>, vector<16xf32>,
        %scatter3A_725 = arith.constant 1 : i32
        %scatter3A_726 = arith.constant 0 : i32
        %scatter3A_727 = arith.constant 0 : i32
        %scatter3A_728 = tpu.memref_slice %arg7[%scatter3A_725, %scatter3A_726, %scatter3A_727] : memref<2x32x129xf32, #tpu.memory_space<vmem>> -> memref<1x32x129xf32, #tpu.memory_space<vmem>>
        %scatter3A_729 = tpu.memref_squeeze %scatter3A_728 : memref<1x32x129xf32, #tpu.memory_space<vmem>> -> memref<32x129xf32, #tpu.memory_space<vmem>>
        tpu.vector_store_idx %scatter3A_729[%add3A_9, %broadcast_in_dim3A_709], %get3A_724 : memref<32x129xf32, #tpu.memory_space<vmem>>[vector<16xi32>, vector<16xi32>], vector<16xf32>,
        %mul3A_730 = arith.constant 8 : i32
        %mul3A_731 = arith.muli %scan3A_681, %mul3A_730 : i32
        %add3A_732 = arith.constant 2 : i32
        %add3A_733 = arith.addi %mul3A_731, %add3A_732 : i32
        %broadcast_in_dim3A_734 = vector.broadcast %add3A_733 : i32 to vector<16xi32>
        %get3A_735 = arith.constant 1 : i32
        %get3A_736 = arith.index_cast %get3A_735 : i32 to index
        %get3A_737 = arith.index_cast %add3A_733 : i32 to index
        %get3A_738 = arith.constant 0 : index
        %get3A_739 = tpu.vector_load %arg6[%get3A_736, %get3A_737, %get3A_738] {strides = array<i32>} : memref<4x128x32xf32, #tpu.memory_space<vmem>>, vector<16xf32>,
        %scatter3A_740 = arith.constant 1 : i32
        %scatter3A_741 = arith.constant 0 : i32
        %scatter3A_742 = arith.constant 0 : i32
        %scatter3A_743 = tpu.memref_slice %arg7[%scatter3A_740, %scatter3A_741, %scatter3A_742] : memref<2x32x129xf32, #tpu.memory_space<vmem>> -> memref<1x32x129xf32, #tpu.memory_space<vmem>>
        %scatter3A_744 = tpu.memref_squeeze %scatter3A_743 : memref<1x32x129xf32, #tpu.memory_space<vmem>> -> memref<32x129xf32, #tpu.memory_space<vmem>>
        tpu.vector_store_idx %scatter3A_744[%add3A_5, %broadcast_in_dim3A_734], %get3A_739 : memref<32x129xf32, #tpu.memory_space<vmem>>[vector<16xi32>, vector<16xi32>], vector<16xf32>,
        %get3A_745 = arith.constant 1 : i32
        %get3A_746 = arith.index_cast %get3A_745 : i32 to index
        %get3A_747 = arith.index_cast %add3A_733 : i32 to index
        %get3A_748 = arith.constant 16 : index
        %get3A_749 = tpu.vector_load %arg6[%get3A_746, %get3A_747, %get3A_748] {strides = array<i32>} : memref<4x128x32xf32, #tpu.memory_space<vmem>>, vector<16xf32>,
        %scatter3A_750 = arith.constant 1 : i32
        %scatter3A_751 = arith.constant 0 : i32
        %scatter3A_752 = arith.constant 0 : i32
        %scatter3A_753 = tpu.memref_slice %arg7[%scatter3A_750, %scatter3A_751, %scatter3A_752] : memref<2x32x129xf32, #tpu.memory_space<vmem>> -> memref<1x32x129xf32, #tpu.memory_space<vmem>>
        %scatter3A_754 = tpu.memref_squeeze %scatter3A_753 : memref<1x32x129xf32, #tpu.memory_space<vmem>> -> memref<32x129xf32, #tpu.memory_space<vmem>>
        tpu.vector_store_idx %scatter3A_754[%add3A_9, %broadcast_in_dim3A_734], %get3A_749 : memref<32x129xf32, #tpu.memory_space<vmem>>[vector<16xi32>, vector<16xi32>], vector<16xf32>,
        %mul3A_755 = arith.constant 8 : i32
        %mul3A_756 = arith.muli %scan3A_681, %mul3A_755 : i32
        %add3A_757 = arith.constant 3 : i32
        %add3A_758 = arith.addi %mul3A_756, %add3A_757 : i32
        %broadcast_in_dim3A_759 = vector.broadcast %add3A_758 : i32 to vector<16xi32>
        %get3A_760 = arith.constant 1 : i32
        %get3A_761 = arith.index_cast %get3A_760 : i32 to index
        %get3A_762 = arith.index_cast %add3A_758 : i32 to index
        %get3A_763 = arith.constant 0 : index
        %get3A_764 = tpu.vector_load %arg6[%get3A_761, %get3A_762, %get3A_763] {strides = array<i32>} : memref<4x128x32xf32, #tpu.memory_space<vmem>>, vector<16xf32>,
        %scatter3A_765 = arith.constant 1 : i32
        %scatter3A_766 = arith.constant 0 : i32
        %scatter3A_767 = arith.constant 0 : i32
        %scatter3A_768 = tpu.memref_slice %arg7[%scatter3A_765, %scatter3A_766, %scatter3A_767] : memref<2x32x129xf32, #tpu.memory_space<vmem>> -> memref<1x32x129xf32, #tpu.memory_space<vmem>>
        %scatter3A_769 = tpu.memref_squeeze %scatter3A_768 : memref<1x32x129xf32, #tpu.memory_space<vmem>> -> memref<32x129xf32, #tpu.memory_space<vmem>>
        tpu.vector_store_idx %scatter3A_769[%add3A_5, %broadcast_in_dim3A_759], %get3A_764 : memref<32x129xf32, #tpu.memory_space<vmem>>[vector<16xi32>, vector<16xi32>], vector<16xf32>,
        %get3A_770 = arith.constant 1 : i32
        %get3A_771 = arith.index_cast %get3A_770 : i32 to index
        %get3A_772 = arith.index_cast %add3A_758 : i32 to index
        %get3A_773 = arith.constant 16 : index
        %get3A_774 = tpu.vector_load %arg6[%get3A_771, %get3A_772, %get3A_773] {strides = array<i32>} : memref<4x128x32xf32, #tpu.memory_space<vmem>>, vector<16xf32>,
        %scatter3A_775 = arith.constant 1 : i32
        %scatter3A_776 = arith.constant 0 : i32
        %scatter3A_777 = arith.constant 0 : i32
        %scatter3A_778 = tpu.memref_slice %arg7[%scatter3A_775, %scatter3A_776, %scatter3A_777] : memref<2x32x129xf32, #tpu.memory_space<vmem>> -> memref<1x32x129xf32, #tpu.memory_space<vmem>>
        %scatter3A_779 = tpu.memref_squeeze %scatter3A_778 : memref<1x32x129xf32, #tpu.memory_space<vmem>> -> memref<32x129xf32, #tpu.memory_space<vmem>>
        tpu.vector_store_idx %scatter3A_779[%add3A_9, %broadcast_in_dim3A_759], %get3A_774 : memref<32x129xf32, #tpu.memory_space<vmem>>[vector<16xi32>, vector<16xi32>], vector<16xf32>,
        %mul3A_780 = arith.constant 8 : i32
        %mul3A_781 = arith.muli %scan3A_681, %mul3A_780 : i32
        %add3A_782 = arith.constant 4 : i32
        %add3A_783 = arith.addi %mul3A_781, %add3A_782 : i32
        %broadcast_in_dim3A_784 = vector.broadcast %add3A_783 : i32 to vector<16xi32>
        %get3A_785 = arith.constant 1 : i32
        %get3A_786 = arith.index_cast %get3A_785 : i32 to index
        %get3A_787 = arith.index_cast %add3A_783 : i32 to index
        %get3A_788 = arith.constant 0 : index
        %get3A_789 = tpu.vector_load %arg6[%get3A_786, %get3A_787, %get3A_788] {strides = array<i32>} : memref<4x128x32xf32, #tpu.memory_space<vmem>>, vector<16xf32>,
        %scatter3A_790 = arith.constant 1 : i32
        %scatter3A_791 = arith.constant 0 : i32
        %scatter3A_792 = arith.constant 0 : i32
        %scatter3A_793 = tpu.memref_slice %arg7[%scatter3A_790, %scatter3A_791, %scatter3A_792] : memref<2x32x129xf32, #tpu.memory_space<vmem>> -> memref<1x32x129xf32, #tpu.memory_space<vmem>>
        %scatter3A_794 = tpu.memref_squeeze %scatter3A_793 : memref<1x32x129xf32, #tpu.memory_space<vmem>> -> memref<32x129xf32, #tpu.memory_space<vmem>>
        tpu.vector_store_idx %scatter3A_794[%add3A_5, %broadcast_in_dim3A_784], %get3A_789 : memref<32x129xf32, #tpu.memory_space<vmem>>[vector<16xi32>, vector<16xi32>], vector<16xf32>,
        %get3A_795 = arith.constant 1 : i32
        %get3A_796 = arith.index_cast %get3A_795 : i32 to index
        %get3A_797 = arith.index_cast %add3A_783 : i32 to index
        %get3A_798 = arith.constant 16 : index
        %get3A_799 = tpu.vector_load %arg6[%get3A_796, %get3A_797, %get3A_798] {strides = array<i32>} : memref<4x128x32xf32, #tpu.memory_space<vmem>>, vector<16xf32>,
        %scatter3A_800 = arith.constant 1 : i32
        %scatter3A_801 = arith.constant 0 : i32
        %scatter3A_802 = arith.constant 0 : i32
        %scatter3A_803 = tpu.memref_slice %arg7[%scatter3A_800, %scatter3A_801, %scatter3A_802] : memref<2x32x129xf32, #tpu.memory_space<vmem>> -> memref<1x32x129xf32, #tpu.memory_space<vmem>>
        %scatter3A_804 = tpu.memref_squeeze %scatter3A_803 : memref<1x32x129xf32, #tpu.memory_space<vmem>> -> memref<32x129xf32, #tpu.memory_space<vmem>>
        tpu.vector_store_idx %scatter3A_804[%add3A_9, %broadcast_in_dim3A_784], %get3A_799 : memref<32x129xf32, #tpu.memory_space<vmem>>[vector<16xi32>, vector<16xi32>], vector<16xf32>,
        %mul3A_805 = arith.constant 8 : i32
        %mul3A_806 = arith.muli %scan3A_681, %mul3A_805 : i32
        %add3A_807 = arith.constant 5 : i32
        %add3A_808 = arith.addi %mul3A_806, %add3A_807 : i32
        %broadcast_in_dim3A_809 = vector.broadcast %add3A_808 : i32 to vector<16xi32>
        %get3A_810 = arith.constant 1 : i32
        %get3A_811 = arith.index_cast %get3A_810 : i32 to index
        %get3A_812 = arith.index_cast %add3A_808 : i32 to index
        %get3A_813 = arith.constant 0 : index
        %get3A_814 = tpu.vector_load %arg6[%get3A_811, %get3A_812, %get3A_813] {strides = array<i32>} : memref<4x128x32xf32, #tpu.memory_space<vmem>>, vector<16xf32>,
        %scatter3A_815 = arith.constant 1 : i32
        %scatter3A_816 = arith.constant 0 : i32
        %scatter3A_817 = arith.constant 0 : i32
        %scatter3A_818 = tpu.memref_slice %arg7[%scatter3A_815, %scatter3A_816, %scatter3A_817] : memref<2x32x129xf32, #tpu.memory_space<vmem>> -> memref<1x32x129xf32, #tpu.memory_space<vmem>>
        %scatter3A_819 = tpu.memref_squeeze %scatter3A_818 : memref<1x32x129xf32, #tpu.memory_space<vmem>> -> memref<32x129xf32, #tpu.memory_space<vmem>>
        tpu.vector_store_idx %scatter3A_819[%add3A_5, %broadcast_in_dim3A_809], %get3A_814 : memref<32x129xf32, #tpu.memory_space<vmem>>[vector<16xi32>, vector<16xi32>], vector<16xf32>,
        %get3A_820 = arith.constant 1 : i32
        %get3A_821 = arith.index_cast %get3A_820 : i32 to index
        %get3A_822 = arith.index_cast %add3A_808 : i32 to index
        %get3A_823 = arith.constant 16 : index
        %get3A_824 = tpu.vector_load %arg6[%get3A_821, %get3A_822, %get3A_823] {strides = array<i32>} : memref<4x128x32xf32, #tpu.memory_space<vmem>>, vector<16xf32>,
        %scatter3A_825 = arith.constant 1 : i32
        %scatter3A_826 = arith.constant 0 : i32
        %scatter3A_827 = arith.constant 0 : i32
        %scatter3A_828 = tpu.memref_slice %arg7[%scatter3A_825, %scatter3A_826, %scatter3A_827] : memref<2x32x129xf32, #tpu.memory_space<vmem>> -> memref<1x32x129xf32, #tpu.memory_space<vmem>>
        %scatter3A_829 = tpu.memref_squeeze %scatter3A_828 : memref<1x32x129xf32, #tpu.memory_space<vmem>> -> memref<32x129xf32, #tpu.memory_space<vmem>>
        tpu.vector_store_idx %scatter3A_829[%add3A_9, %broadcast_in_dim3A_809], %get3A_824 : memref<32x129xf32, #tpu.memory_space<vmem>>[vector<16xi32>, vector<16xi32>], vector<16xf32>,
        %mul3A_830 = arith.constant 8 : i32
        %mul3A_831 = arith.muli %scan3A_681, %mul3A_830 : i32
        %add3A_832 = arith.constant 6 : i32
        %add3A_833 = arith.addi %mul3A_831, %add3A_832 : i32
        %broadcast_in_dim3A_834 = vector.broadcast %add3A_833 : i32 to vector<16xi32>
        %get3A_835 = arith.constant 1 : i32
        %get3A_836 = arith.index_cast %get3A_835 : i32 to index
        %get3A_837 = arith.index_cast %add3A_833 : i32 to index
        %get3A_838 = arith.constant 0 : index
        %get3A_839 = tpu.vector_load %arg6[%get3A_836, %get3A_837, %get3A_838] {strides = array<i32>} : memref<4x128x32xf32, #tpu.memory_space<vmem>>, vector<16xf32>,
        %scatter3A_840 = arith.constant 1 : i32
        %scatter3A_841 = arith.constant 0 : i32
        %scatter3A_842 = arith.constant 0 : i32
        %scatter3A_843 = tpu.memref_slice %arg7[%scatter3A_840, %scatter3A_841, %scatter3A_842] : memref<2x32x129xf32, #tpu.memory_space<vmem>> -> memref<1x32x129xf32, #tpu.memory_space<vmem>>
        %scatter3A_844 = tpu.memref_squeeze %scatter3A_843 : memref<1x32x129xf32, #tpu.memory_space<vmem>> -> memref<32x129xf32, #tpu.memory_space<vmem>>
        tpu.vector_store_idx %scatter3A_844[%add3A_5, %broadcast_in_dim3A_834], %get3A_839 : memref<32x129xf32, #tpu.memory_space<vmem>>[vector<16xi32>, vector<16xi32>], vector<16xf32>,
        %get3A_845 = arith.constant 1 : i32
        %get3A_846 = arith.index_cast %get3A_845 : i32 to index
        %get3A_847 = arith.index_cast %add3A_833 : i32 to index
        %get3A_848 = arith.constant 16 : index
        %get3A_849 = tpu.vector_load %arg6[%get3A_846, %get3A_847, %get3A_848] {strides = array<i32>} : memref<4x128x32xf32, #tpu.memory_space<vmem>>, vector<16xf32>,
        %scatter3A_850 = arith.constant 1 : i32
        %scatter3A_851 = arith.constant 0 : i32
        %scatter3A_852 = arith.constant 0 : i32
        %scatter3A_853 = tpu.memref_slice %arg7[%scatter3A_850, %scatter3A_851, %scatter3A_852] : memref<2x32x129xf32, #tpu.memory_space<vmem>> -> memref<1x32x129xf32, #tpu.memory_space<vmem>>
        %scatter3A_854 = tpu.memref_squeeze %scatter3A_853 : memref<1x32x129xf32, #tpu.memory_space<vmem>> -> memref<32x129xf32, #tpu.memory_space<vmem>>
        tpu.vector_store_idx %scatter3A_854[%add3A_9, %broadcast_in_dim3A_834], %get3A_849 : memref<32x129xf32, #tpu.memory_space<vmem>>[vector<16xi32>, vector<16xi32>], vector<16xf32>,
        %mul3A_855 = arith.constant 8 : i32
        %mul3A_856 = arith.muli %scan3A_681, %mul3A_855 : i32
        %add3A_857 = arith.constant 7 : i32
        %add3A_858 = arith.addi %mul3A_856, %add3A_857 : i32
        %broadcast_in_dim3A_859 = vector.broadcast %add3A_858 : i32 to vector<16xi32>
        %get3A_860 = arith.constant 1 : i32
        %get3A_861 = arith.index_cast %get3A_860 : i32 to index
        %get3A_862 = arith.index_cast %add3A_858 : i32 to index
        %get3A_863 = arith.constant 0 : index
        %get3A_864 = tpu.vector_load %arg6[%get3A_861, %get3A_862, %get3A_863] {strides = array<i32>} : memref<4x128x32xf32, #tpu.memory_space<vmem>>, vector<16xf32>,
        %scatter3A_865 = arith.constant 1 : i32
        %scatter3A_866 = arith.constant 0 : i32
        %scatter3A_867 = arith.constant 0 : i32
        %scatter3A_868 = tpu.memref_slice %arg7[%scatter3A_865, %scatter3A_866, %scatter3A_867] : memref<2x32x129xf32, #tpu.memory_space<vmem>> -> memref<1x32x129xf32, #tpu.memory_space<vmem>>
        %scatter3A_869 = tpu.memref_squeeze %scatter3A_868 : memref<1x32x129xf32, #tpu.memory_space<vmem>> -> memref<32x129xf32, #tpu.memory_space<vmem>>
        tpu.vector_store_idx %scatter3A_869[%add3A_5, %broadcast_in_dim3A_859], %get3A_864 : memref<32x129xf32, #tpu.memory_space<vmem>>[vector<16xi32>, vector<16xi32>], vector<16xf32>,
        %get3A_870 = arith.constant 1 : i32
        %get3A_871 = arith.index_cast %get3A_870 : i32 to index
        %get3A_872 = arith.index_cast %add3A_858 : i32 to index
        %get3A_873 = arith.constant 16 : index
        %get3A_874 = tpu.vector_load %arg6[%get3A_871, %get3A_872, %get3A_873] {strides = array<i32>} : memref<4x128x32xf32, #tpu.memory_space<vmem>>, vector<16xf32>,
        %scatter3A_875 = arith.constant 1 : i32
        %scatter3A_876 = arith.constant 0 : i32
        %scatter3A_877 = arith.constant 0 : i32
        %scatter3A_878 = tpu.memref_slice %arg7[%scatter3A_875, %scatter3A_876, %scatter3A_877] : memref<2x32x129xf32, #tpu.memory_space<vmem>> -> memref<1x32x129xf32, #tpu.memory_space<vmem>>
        %scatter3A_879 = tpu.memref_squeeze %scatter3A_878 : memref<1x32x129xf32, #tpu.memory_space<vmem>> -> memref<32x129xf32, #tpu.memory_space<vmem>>
        tpu.vector_store_idx %scatter3A_879[%add3A_9, %broadcast_in_dim3A_859], %get3A_874 : memref<32x129xf32, #tpu.memory_space<vmem>>[vector<16xi32>, vector<16xi32>], vector<16xf32>,
        %scan3A_880 = arith.constant 0 : i32
        scf.yield %scan3A_880 : i32
      }
      %scan3A_661 = arith.constant 16 : i32
      %dma_start3A_662 = arith.constant 1 : i32
      %dma_start3A_663 = arith.constant 1 : i32
      %dma_start3A_664 = arith.constant 0 : i32
      %dma_start3A_665 = arith.constant 0 : i32
      %dma_start3A_666 = tpu.memref_slice %arg7[%dma_start3A_662, %dma_start3A_664, %dma_start3A_665] : memref<2x32x129xf32, #tpu.memory_space<vmem>> -> memref<1x32x128xf32, #tpu.memory_space<vmem>>
      %dma_start3A_667 = tpu.memref_squeeze %dma_start3A_666 : memref<1x32x128xf32, #tpu.memory_space<vmem>> -> memref<32x128xf32, #tpu.memory_space<vmem>>
      %dma_start3A_668 = arith.constant 0 : i32
      %dma_start3A_669 = tpu.memref_slice %arg4[%add3A_599, %dma_start3A_668, %mul3A_2] : memref<200x32x4096xf32, #tpu.memory_space<hbm>> -> memref<1x32x128xf32, #tpu.memory_space<hbm>>
      %dma_start3A_670 = tpu.memref_squeeze %dma_start3A_669 : memref<1x32x128xf32, #tpu.memory_space<hbm>> -> memref<32x128xf32, #tpu.memory_space<hbm>>
      %dma_start3A_671 = tpu.memref_slice %arg9[%dma_start3A_663] : memref<2x!tpu.dma_semaphore, #tpu.memory_space<semaphore_mem>> -> memref<1x!tpu.dma_semaphore, #tpu.memory_space<semaphore_mem>>
      %dma_start3A_672 = tpu.memref_squeeze %dma_start3A_671 : memref<1x!tpu.dma_semaphore, #tpu.memory_space<semaphore_mem>> -> memref<!tpu.dma_semaphore, #tpu.memory_space<semaphore_mem>>
      %dma_start3A_673 = arith.constant 0 : i32
      %dma_start3A_674 = tpu.memref_slice %arg4[%add3A_599, %dma_start3A_673, %mul3A_2] : memref<200x32x4096xf32, #tpu.memory_space<hbm>> -> memref<1x32x128xf32, #tpu.memory_space<hbm>>
      %dma_start3A_675 = tpu.memref_squeeze %dma_start3A_674 : memref<1x32x128xf32, #tpu.memory_space<hbm>> -> memref<32x128xf32, #tpu.memory_space<hbm>>
      %dma_start3A_676 = arith.constant 0 : i32
      %dma_start3A_677 = arith.constant 0 : i32
      %dma_start3A_678 = tpu.memref_slice %arg7[%dma_start3A_662, %dma_start3A_676, %dma_start3A_677] : memref<2x32x129xf32, #tpu.memory_space<vmem>> -> memref<1x32x128xf32, #tpu.memory_space<vmem>>
      %dma_start3A_679 = tpu.memref_squeeze %dma_start3A_678 : memref<1x32x128xf32, #tpu.memory_space<vmem>> -> memref<32x128xf32, #tpu.memory_space<vmem>>
      tpu.enqueue_dma source(%dma_start3A_679 : memref<32x128xf32, #tpu.memory_space<vmem>>) target(%dma_start3A_675 : memref<32x128xf32, #tpu.memory_space<hbm>>) target_semaphore(%dma_start3A_672 : memref<!tpu.dma_semaphore, #tpu.memory_space<semaphore_mem>>)
      %scan3A_680 = arith.constant 0 : i32
      scf.yield %scan3A_680 : i32
    }
    %scan3A_161 = arith.constant 49 : i32
    %dma_wait3A_162 = arith.constant 0 : i32
    %dma_wait3A_163 = arith.constant 0 : i32
    %dma_wait3A_164 = arith.constant 0 : i32
    %dma_wait3A_165 = arith.constant 0 : i32
    %dma_wait3A_166 = arith.constant 0 : i32
    %dma_wait3A_167 = tpu.memref_slice %arg7[%dma_wait3A_162, %dma_wait3A_165, %dma_wait3A_166] : memref<2x32x129xf32, #tpu.memory_space<vmem>> -> memref<1x32x128xf32, #tpu.memory_space<vmem>>
    %dma_wait3A_168 = tpu.memref_squeeze %dma_wait3A_167 : memref<1x32x128xf32, #tpu.memory_space<vmem>> -> memref<32x128xf32, #tpu.memory_space<vmem>>
    %dma_wait3A_169 = arith.constant 0 : i32
    %dma_wait3A_170 = arith.constant 0 : i32
    %dma_wait3A_171 = tpu.memref_slice %arg4[%dma_wait3A_163, %dma_wait3A_169, %dma_wait3A_170] : memref<200x32x4096xf32, #tpu.memory_space<hbm>> -> memref<1x32x128xf32, #tpu.memory_space<hbm>>
    %dma_wait3A_172 = tpu.memref_squeeze %dma_wait3A_171 : memref<1x32x128xf32, #tpu.memory_space<hbm>> -> memref<32x128xf32, #tpu.memory_space<hbm>>
    %dma_wait3A_173 = tpu.memref_slice %arg9[%dma_wait3A_164] : memref<2x!tpu.dma_semaphore, #tpu.memory_space<semaphore_mem>> -> memref<1x!tpu.dma_semaphore, #tpu.memory_space<semaphore_mem>>
    %dma_wait3A_174 = tpu.memref_squeeze %dma_wait3A_173 : memref<1x!tpu.dma_semaphore, #tpu.memory_space<semaphore_mem>> -> memref<!tpu.dma_semaphore, #tpu.memory_space<semaphore_mem>>
    %dma_wait3A_175 = arith.constant 0 : i32
    %dma_wait3A_176 = arith.constant 0 : i32
    %dma_wait3A_177 = tpu.memref_slice %arg4[%dma_wait3A_163, %dma_wait3A_175, %dma_wait3A_176] : memref<200x32x4096xf32, #tpu.memory_space<hbm>> -> memref<1x32x128xf32, #tpu.memory_space<hbm>>
    %dma_wait3A_178 = tpu.memref_squeeze %dma_wait3A_177 : memref<1x32x128xf32, #tpu.memory_space<hbm>> -> memref<32x128xf32, #tpu.memory_space<hbm>>
    %dma_wait3A_179 = arith.constant 0 : i32
    %dma_wait3A_180 = arith.constant 0 : i32
    %dma_wait3A_181 = tpu.memref_slice %arg7[%dma_wait3A_162, %dma_wait3A_179, %dma_wait3A_180] : memref<2x32x129xf32, #tpu.memory_space<vmem>> -> memref<1x32x128xf32, #tpu.memory_space<vmem>>
    %dma_wait3A_182 = tpu.memref_squeeze %dma_wait3A_181 : memref<1x32x128xf32, #tpu.memory_space<vmem>> -> memref<32x128xf32, #tpu.memory_space<vmem>>
    tpu.wait_dma2 semaphore(%dma_wait3A_174 : memref<!tpu.dma_semaphore, #tpu.memory_space<semaphore_mem>>) src(%dma_wait3A_182 : memref<32x128xf32, #tpu.memory_space<vmem>>) dst(%dma_wait3A_178 : memref<32x128xf32, #tpu.memory_space<hbm>>)
    %dma_wait3A_183 = arith.constant 2 : i32
    %dma_wait3A_184 = arith.constant 2 : i32
    %dma_wait3A_185 = arith.constant 0 : i32
    %dma_wait3A_186 = arith.constant 0 : i32
    %dma_wait3A_187 = tpu.memref_slice %arg6[%dma_wait3A_183, %dma_wait3A_185, %dma_wait3A_186] : memref<4x128x32xf32, #tpu.memory_space<vmem>> -> memref<1x128x32xf32, #tpu.memory_space<vmem>>
    %dma_wait3A_188 = tpu.memref_squeeze %dma_wait3A_187 : memref<1x128x32xf32, #tpu.memory_space<vmem>> -> memref<128x32xf32, #tpu.memory_space<vmem>>
    %dma_wait3A_189 = arith.constant 0 : i32
    %dma_wait3A_190 = arith.constant 0 : i32
    %dma_wait3A_191 = tpu.memref_slice %arg3[%dma_wait3A_189, %dma_wait3A_190] : memref<1000000x32xf32, #tpu.memory_space<hbm>> -> memref<128x32xf32, #tpu.memory_space<hbm>>
    %dma_wait3A_192 = tpu.memref_slice %arg8[%dma_wait3A_184] : memref<4x!tpu.dma_semaphore, #tpu.memory_space<semaphore_mem>> -> memref<1x!tpu.dma_semaphore, #tpu.memory_space<semaphore_mem>>
    %dma_wait3A_193 = tpu.memref_squeeze %dma_wait3A_192 : memref<1x!tpu.dma_semaphore, #tpu.memory_space<semaphore_mem>> -> memref<!tpu.dma_semaphore, #tpu.memory_space<semaphore_mem>>
    %dma_wait3A_194 = arith.constant 0 : i32
    %dma_wait3A_195 = arith.constant 0 : i32
    %dma_wait3A_196 = tpu.memref_slice %arg6[%dma_wait3A_183, %dma_wait3A_194, %dma_wait3A_195] : memref<4x128x32xf32, #tpu.memory_space<vmem>> -> memref<1x128x32xf32, #tpu.memory_space<vmem>>
    %dma_wait3A_197 = tpu.memref_squeeze %dma_wait3A_196 : memref<1x128x32xf32, #tpu.memory_space<vmem>> -> memref<128x32xf32, #tpu.memory_space<vmem>>
    %dma_wait3A_198 = arith.constant 0 : i32
    %dma_wait3A_199 = arith.constant 0 : i32
    %dma_wait3A_200 = tpu.memref_slice %arg3[%dma_wait3A_198, %dma_wait3A_199] : memref<1000000x32xf32, #tpu.memory_space<hbm>> -> memref<128x32xf32, #tpu.memory_space<hbm>>
    tpu.wait_dma2 semaphore(%dma_wait3A_193 : memref<!tpu.dma_semaphore, #tpu.memory_space<semaphore_mem>>) src(%dma_wait3A_200 : memref<128x32xf32, #tpu.memory_space<hbm>>) dst(%dma_wait3A_197 : memref<128x32xf32, #tpu.memory_space<vmem>>)
    %scan3A_201 = arith.constant 0 : i32
    %scan3A_202 = arith.constant 0 : i32
    %scan3A_203 = arith.constant 16 : i32
    %scan3A_204 = arith.addi %scan3A_202, %scan3A_203 : i32
    %scan3A_205 = arith.constant 1 : i32
    %scan3A_206 = scf.for %scan3A_334 = %scan3A_202 to %scan3A_204 step %scan3A_205 iter_args(%scan3A_335 = %scan3A_201) -> (i32)  : i32 {
      %mul3A_336 = arith.constant 8 : i32
      %mul3A_337 = arith.muli %scan3A_334, %mul3A_336 : i32
      %add3A_338 = arith.constant 0 : i32
      %add3A_339 = arith.addi %mul3A_337, %add3A_338 : i32
      %broadcast_in_dim3A = vector.broadcast %add3A_339 : i32 to vector<16xi32>
      %get3A = arith.constant 2 : i32
      %get3A_340 = arith.index_cast %get3A : i32 to index
      %get3A_341 = arith.index_cast %add3A_339 : i32 to index
      %get3A_342 = arith.constant 0 : index
      %get3A_343 = tpu.vector_load %arg6[%get3A_340, %get3A_341, %get3A_342] {strides = array<i32>} : memref<4x128x32xf32, #tpu.memory_space<vmem>>, vector<16xf32>,
      %scatter3A = arith.constant 0 : i32
      %scatter3A_344 = arith.constant 0 : i32
      %scatter3A_345 = arith.constant 0 : i32
      %scatter3A_346 = tpu.memref_slice %arg7[%scatter3A, %scatter3A_344, %scatter3A_345] : memref<2x32x129xf32, #tpu.memory_space<vmem>> -> memref<1x32x129xf32, #tpu.memory_space<vmem>>
      %scatter3A_347 = tpu.memref_squeeze %scatter3A_346 : memref<1x32x129xf32, #tpu.memory_space<vmem>> -> memref<32x129xf32, #tpu.memory_space<vmem>>
      tpu.vector_store_idx %scatter3A_347[%add3A_5, %broadcast_in_dim3A], %get3A_343 : memref<32x129xf32, #tpu.memory_space<vmem>>[vector<16xi32>, vector<16xi32>], vector<16xf32>,
      %get3A_348 = arith.constant 2 : i32
      %get3A_349 = arith.index_cast %get3A_348 : i32 to index
      %get3A_350 = arith.index_cast %add3A_339 : i32 to index
      %get3A_351 = arith.constant 16 : index
      %get3A_352 = tpu.vector_load %arg6[%get3A_349, %get3A_350, %get3A_351] {strides = array<i32>} : memref<4x128x32xf32, #tpu.memory_space<vmem>>, vector<16xf32>,
      %scatter3A_353 = arith.constant 0 : i32
      %scatter3A_354 = arith.constant 0 : i32
      %scatter3A_355 = arith.constant 0 : i32
      %scatter3A_356 = tpu.memref_slice %arg7[%scatter3A_353, %scatter3A_354, %scatter3A_355] : memref<2x32x129xf32, #tpu.memory_space<vmem>> -> memref<1x32x129xf32, #tpu.memory_space<vmem>>
      %scatter3A_357 = tpu.memref_squeeze %scatter3A_356 : memref<1x32x129xf32, #tpu.memory_space<vmem>> -> memref<32x129xf32, #tpu.memory_space<vmem>>
      tpu.vector_store_idx %scatter3A_357[%add3A_9, %broadcast_in_dim3A], %get3A_352 : memref<32x129xf32, #tpu.memory_space<vmem>>[vector<16xi32>, vector<16xi32>], vector<16xf32>,
      %mul3A_358 = arith.constant 8 : i32
      %mul3A_359 = arith.muli %scan3A_334, %mul3A_358 : i32
      %add3A_360 = arith.constant 1 : i32
      %add3A_361 = arith.addi %mul3A_359, %add3A_360 : i32
      %broadcast_in_dim3A_362 = vector.broadcast %add3A_361 : i32 to vector<16xi32>
      %get3A_363 = arith.constant 2 : i32
      %get3A_364 = arith.index_cast %get3A_363 : i32 to index
      %get3A_365 = arith.index_cast %add3A_361 : i32 to index
      %get3A_366 = arith.constant 0 : index
      %get3A_367 = tpu.vector_load %arg6[%get3A_364, %get3A_365, %get3A_366] {strides = array<i32>} : memref<4x128x32xf32, #tpu.memory_space<vmem>>, vector<16xf32>,
      %scatter3A_368 = arith.constant 0 : i32
      %scatter3A_369 = arith.constant 0 : i32
      %scatter3A_370 = arith.constant 0 : i32
      %scatter3A_371 = tpu.memref_slice %arg7[%scatter3A_368, %scatter3A_369, %scatter3A_370] : memref<2x32x129xf32, #tpu.memory_space<vmem>> -> memref<1x32x129xf32, #tpu.memory_space<vmem>>
      %scatter3A_372 = tpu.memref_squeeze %scatter3A_371 : memref<1x32x129xf32, #tpu.memory_space<vmem>> -> memref<32x129xf32, #tpu.memory_space<vmem>>
      tpu.vector_store_idx %scatter3A_372[%add3A_5, %broadcast_in_dim3A_362], %get3A_367 : memref<32x129xf32, #tpu.memory_space<vmem>>[vector<16xi32>, vector<16xi32>], vector<16xf32>,
      %get3A_373 = arith.constant 2 : i32
      %get3A_374 = arith.index_cast %get3A_373 : i32 to index
      %get3A_375 = arith.index_cast %add3A_361 : i32 to index
      %get3A_376 = arith.constant 16 : index
      %get3A_377 = tpu.vector_load %arg6[%get3A_374, %get3A_375, %get3A_376] {strides = array<i32>} : memref<4x128x32xf32, #tpu.memory_space<vmem>>, vector<16xf32>,
      %scatter3A_378 = arith.constant 0 : i32
      %scatter3A_379 = arith.constant 0 : i32
      %scatter3A_380 = arith.constant 0 : i32
      %scatter3A_381 = tpu.memref_slice %arg7[%scatter3A_378, %scatter3A_379, %scatter3A_380] : memref<2x32x129xf32, #tpu.memory_space<vmem>> -> memref<1x32x129xf32, #tpu.memory_space<vmem>>
      %scatter3A_382 = tpu.memref_squeeze %scatter3A_381 : memref<1x32x129xf32, #tpu.memory_space<vmem>> -> memref<32x129xf32, #tpu.memory_space<vmem>>
      tpu.vector_store_idx %scatter3A_382[%add3A_9, %broadcast_in_dim3A_362], %get3A_377 : memref<32x129xf32, #tpu.memory_space<vmem>>[vector<16xi32>, vector<16xi32>], vector<16xf32>,
      %mul3A_383 = arith.constant 8 : i32
      %mul3A_384 = arith.muli %scan3A_334, %mul3A_383 : i32
      %add3A_385 = arith.constant 2 : i32
      %add3A_386 = arith.addi %mul3A_384, %add3A_385 : i32
      %broadcast_in_dim3A_387 = vector.broadcast %add3A_386 : i32 to vector<16xi32>
      %get3A_388 = arith.constant 2 : i32
      %get3A_389 = arith.index_cast %get3A_388 : i32 to index
      %get3A_390 = arith.index_cast %add3A_386 : i32 to index
      %get3A_391 = arith.constant 0 : index
      %get3A_392 = tpu.vector_load %arg6[%get3A_389, %get3A_390, %get3A_391] {strides = array<i32>} : memref<4x128x32xf32, #tpu.memory_space<vmem>>, vector<16xf32>,
      %scatter3A_393 = arith.constant 0 : i32
      %scatter3A_394 = arith.constant 0 : i32
      %scatter3A_395 = arith.constant 0 : i32
      %scatter3A_396 = tpu.memref_slice %arg7[%scatter3A_393, %scatter3A_394, %scatter3A_395] : memref<2x32x129xf32, #tpu.memory_space<vmem>> -> memref<1x32x129xf32, #tpu.memory_space<vmem>>
      %scatter3A_397 = tpu.memref_squeeze %scatter3A_396 : memref<1x32x129xf32, #tpu.memory_space<vmem>> -> memref<32x129xf32, #tpu.memory_space<vmem>>
      tpu.vector_store_idx %scatter3A_397[%add3A_5, %broadcast_in_dim3A_387], %get3A_392 : memref<32x129xf32, #tpu.memory_space<vmem>>[vector<16xi32>, vector<16xi32>], vector<16xf32>,
      %get3A_398 = arith.constant 2 : i32
      %get3A_399 = arith.index_cast %get3A_398 : i32 to index
      %get3A_400 = arith.index_cast %add3A_386 : i32 to index
      %get3A_401 = arith.constant 16 : index
      %get3A_402 = tpu.vector_load %arg6[%get3A_399, %get3A_400, %get3A_401] {strides = array<i32>} : memref<4x128x32xf32, #tpu.memory_space<vmem>>, vector<16xf32>,
      %scatter3A_403 = arith.constant 0 : i32
      %scatter3A_404 = arith.constant 0 : i32
      %scatter3A_405 = arith.constant 0 : i32
      %scatter3A_406 = tpu.memref_slice %arg7[%scatter3A_403, %scatter3A_404, %scatter3A_405] : memref<2x32x129xf32, #tpu.memory_space<vmem>> -> memref<1x32x129xf32, #tpu.memory_space<vmem>>
      %scatter3A_407 = tpu.memref_squeeze %scatter3A_406 : memref<1x32x129xf32, #tpu.memory_space<vmem>> -> memref<32x129xf32, #tpu.memory_space<vmem>>
      tpu.vector_store_idx %scatter3A_407[%add3A_9, %broadcast_in_dim3A_387], %get3A_402 : memref<32x129xf32, #tpu.memory_space<vmem>>[vector<16xi32>, vector<16xi32>], vector<16xf32>,
      %mul3A_408 = arith.constant 8 : i32
      %mul3A_409 = arith.muli %scan3A_334, %mul3A_408 : i32
      %add3A_410 = arith.constant 3 : i32
      %add3A_411 = arith.addi %mul3A_409, %add3A_410 : i32
      %broadcast_in_dim3A_412 = vector.broadcast %add3A_411 : i32 to vector<16xi32>
      %get3A_413 = arith.constant 2 : i32
      %get3A_414 = arith.index_cast %get3A_413 : i32 to index
      %get3A_415 = arith.index_cast %add3A_411 : i32 to index
      %get3A_416 = arith.constant 0 : index
      %get3A_417 = tpu.vector_load %arg6[%get3A_414, %get3A_415, %get3A_416] {strides = array<i32>} : memref<4x128x32xf32, #tpu.memory_space<vmem>>, vector<16xf32>,
      %scatter3A_418 = arith.constant 0 : i32
      %scatter3A_419 = arith.constant 0 : i32
      %scatter3A_420 = arith.constant 0 : i32
      %scatter3A_421 = tpu.memref_slice %arg7[%scatter3A_418, %scatter3A_419, %scatter3A_420] : memref<2x32x129xf32, #tpu.memory_space<vmem>> -> memref<1x32x129xf32, #tpu.memory_space<vmem>>
      %scatter3A_422 = tpu.memref_squeeze %scatter3A_421 : memref<1x32x129xf32, #tpu.memory_space<vmem>> -> memref<32x129xf32, #tpu.memory_space<vmem>>
      tpu.vector_store_idx %scatter3A_422[%add3A_5, %broadcast_in_dim3A_412], %get3A_417 : memref<32x129xf32, #tpu.memory_space<vmem>>[vector<16xi32>, vector<16xi32>], vector<16xf32>,
      %get3A_423 = arith.constant 2 : i32
      %get3A_424 = arith.index_cast %get3A_423 : i32 to index
      %get3A_425 = arith.index_cast %add3A_411 : i32 to index
      %get3A_426 = arith.constant 16 : index
      %get3A_427 = tpu.vector_load %arg6[%get3A_424, %get3A_425, %get3A_426] {strides = array<i32>} : memref<4x128x32xf32, #tpu.memory_space<vmem>>, vector<16xf32>,
      %scatter3A_428 = arith.constant 0 : i32
      %scatter3A_429 = arith.constant 0 : i32
      %scatter3A_430 = arith.constant 0 : i32
      %scatter3A_431 = tpu.memref_slice %arg7[%scatter3A_428, %scatter3A_429, %scatter3A_430] : memref<2x32x129xf32, #tpu.memory_space<vmem>> -> memref<1x32x129xf32, #tpu.memory_space<vmem>>
      %scatter3A_432 = tpu.memref_squeeze %scatter3A_431 : memref<1x32x129xf32, #tpu.memory_space<vmem>> -> memref<32x129xf32, #tpu.memory_space<vmem>>
      tpu.vector_store_idx %scatter3A_432[%add3A_9, %broadcast_in_dim3A_412], %get3A_427 : memref<32x129xf32, #tpu.memory_space<vmem>>[vector<16xi32>, vector<16xi32>], vector<16xf32>,
      %mul3A_433 = arith.constant 8 : i32
      %mul3A_434 = arith.muli %scan3A_334, %mul3A_433 : i32
      %add3A_435 = arith.constant 4 : i32
      %add3A_436 = arith.addi %mul3A_434, %add3A_435 : i32
      %broadcast_in_dim3A_437 = vector.broadcast %add3A_436 : i32 to vector<16xi32>
      %get3A_438 = arith.constant 2 : i32
      %get3A_439 = arith.index_cast %get3A_438 : i32 to index
      %get3A_440 = arith.index_cast %add3A_436 : i32 to index
      %get3A_441 = arith.constant 0 : index
      %get3A_442 = tpu.vector_load %arg6[%get3A_439, %get3A_440, %get3A_441] {strides = array<i32>} : memref<4x128x32xf32, #tpu.memory_space<vmem>>, vector<16xf32>,
      %scatter3A_443 = arith.constant 0 : i32
      %scatter3A_444 = arith.constant 0 : i32
      %scatter3A_445 = arith.constant 0 : i32
      %scatter3A_446 = tpu.memref_slice %arg7[%scatter3A_443, %scatter3A_444, %scatter3A_445] : memref<2x32x129xf32, #tpu.memory_space<vmem>> -> memref<1x32x129xf32, #tpu.memory_space<vmem>>
      %scatter3A_447 = tpu.memref_squeeze %scatter3A_446 : memref<1x32x129xf32, #tpu.memory_space<vmem>> -> memref<32x129xf32, #tpu.memory_space<vmem>>
      tpu.vector_store_idx %scatter3A_447[%add3A_5, %broadcast_in_dim3A_437], %get3A_442 : memref<32x129xf32, #tpu.memory_space<vmem>>[vector<16xi32>, vector<16xi32>], vector<16xf32>,
      %get3A_448 = arith.constant 2 : i32
      %get3A_449 = arith.index_cast %get3A_448 : i32 to index
      %get3A_450 = arith.index_cast %add3A_436 : i32 to index
      %get3A_451 = arith.constant 16 : index
      %get3A_452 = tpu.vector_load %arg6[%get3A_449, %get3A_450, %get3A_451] {strides = array<i32>} : memref<4x128x32xf32, #tpu.memory_space<vmem>>, vector<16xf32>,
      %scatter3A_453 = arith.constant 0 : i32
      %scatter3A_454 = arith.constant 0 : i32
      %scatter3A_455 = arith.constant 0 : i32
      %scatter3A_456 = tpu.memref_slice %arg7[%scatter3A_453, %scatter3A_454, %scatter3A_455] : memref<2x32x129xf32, #tpu.memory_space<vmem>> -> memref<1x32x129xf32, #tpu.memory_space<vmem>>
      %scatter3A_457 = tpu.memref_squeeze %scatter3A_456 : memref<1x32x129xf32, #tpu.memory_space<vmem>> -> memref<32x129xf32, #tpu.memory_space<vmem>>
      tpu.vector_store_idx %scatter3A_457[%add3A_9, %broadcast_in_dim3A_437], %get3A_452 : memref<32x129xf32, #tpu.memory_space<vmem>>[vector<16xi32>, vector<16xi32>], vector<16xf32>,
      %mul3A_458 = arith.constant 8 : i32
      %mul3A_459 = arith.muli %scan3A_334, %mul3A_458 : i32
      %add3A_460 = arith.constant 5 : i32
      %add3A_461 = arith.addi %mul3A_459, %add3A_460 : i32
      %broadcast_in_dim3A_462 = vector.broadcast %add3A_461 : i32 to vector<16xi32>
      %get3A_463 = arith.constant 2 : i32
      %get3A_464 = arith.index_cast %get3A_463 : i32 to index
      %get3A_465 = arith.index_cast %add3A_461 : i32 to index
      %get3A_466 = arith.constant 0 : index
      %get3A_467 = tpu.vector_load %arg6[%get3A_464, %get3A_465, %get3A_466] {strides = array<i32>} : memref<4x128x32xf32, #tpu.memory_space<vmem>>, vector<16xf32>,
      %scatter3A_468 = arith.constant 0 : i32
      %scatter3A_469 = arith.constant 0 : i32
      %scatter3A_470 = arith.constant 0 : i32
      %scatter3A_471 = tpu.memref_slice %arg7[%scatter3A_468, %scatter3A_469, %scatter3A_470] : memref<2x32x129xf32, #tpu.memory_space<vmem>> -> memref<1x32x129xf32, #tpu.memory_space<vmem>>
      %scatter3A_472 = tpu.memref_squeeze %scatter3A_471 : memref<1x32x129xf32, #tpu.memory_space<vmem>> -> memref<32x129xf32, #tpu.memory_space<vmem>>
      tpu.vector_store_idx %scatter3A_472[%add3A_5, %broadcast_in_dim3A_462], %get3A_467 : memref<32x129xf32, #tpu.memory_space<vmem>>[vector<16xi32>, vector<16xi32>], vector<16xf32>,
      %get3A_473 = arith.constant 2 : i32
      %get3A_474 = arith.index_cast %get3A_473 : i32 to index
      %get3A_475 = arith.index_cast %add3A_461 : i32 to index
      %get3A_476 = arith.constant 16 : index
      %get3A_477 = tpu.vector_load %arg6[%get3A_474, %get3A_475, %get3A_476] {strides = array<i32>} : memref<4x128x32xf32, #tpu.memory_space<vmem>>, vector<16xf32>,
      %scatter3A_478 = arith.constant 0 : i32
      %scatter3A_479 = arith.constant 0 : i32
      %scatter3A_480 = arith.constant 0 : i32
      %scatter3A_481 = tpu.memref_slice %arg7[%scatter3A_478, %scatter3A_479, %scatter3A_480] : memref<2x32x129xf32, #tpu.memory_space<vmem>> -> memref<1x32x129xf32, #tpu.memory_space<vmem>>
      %scatter3A_482 = tpu.memref_squeeze %scatter3A_481 : memref<1x32x129xf32, #tpu.memory_space<vmem>> -> memref<32x129xf32, #tpu.memory_space<vmem>>
      tpu.vector_store_idx %scatter3A_482[%add3A_9, %broadcast_in_dim3A_462], %get3A_477 : memref<32x129xf32, #tpu.memory_space<vmem>>[vector<16xi32>, vector<16xi32>], vector<16xf32>,
      %mul3A_483 = arith.constant 8 : i32
      %mul3A_484 = arith.muli %scan3A_334, %mul3A_483 : i32
      %add3A_485 = arith.constant 6 : i32
      %add3A_486 = arith.addi %mul3A_484, %add3A_485 : i32
      %broadcast_in_dim3A_487 = vector.broadcast %add3A_486 : i32 to vector<16xi32>
      %get3A_488 = arith.constant 2 : i32
      %get3A_489 = arith.index_cast %get3A_488 : i32 to index
      %get3A_490 = arith.index_cast %add3A_486 : i32 to index
      %get3A_491 = arith.constant 0 : index
      %get3A_492 = tpu.vector_load %arg6[%get3A_489, %get3A_490, %get3A_491] {strides = array<i32>} : memref<4x128x32xf32, #tpu.memory_space<vmem>>, vector<16xf32>,
      %scatter3A_493 = arith.constant 0 : i32
      %scatter3A_494 = arith.constant 0 : i32
      %scatter3A_495 = arith.constant 0 : i32
      %scatter3A_496 = tpu.memref_slice %arg7[%scatter3A_493, %scatter3A_494, %scatter3A_495] : memref<2x32x129xf32, #tpu.memory_space<vmem>> -> memref<1x32x129xf32, #tpu.memory_space<vmem>>
      %scatter3A_497 = tpu.memref_squeeze %scatter3A_496 : memref<1x32x129xf32, #tpu.memory_space<vmem>> -> memref<32x129xf32, #tpu.memory_space<vmem>>
      tpu.vector_store_idx %scatter3A_497[%add3A_5, %broadcast_in_dim3A_487], %get3A_492 : memref<32x129xf32, #tpu.memory_space<vmem>>[vector<16xi32>, vector<16xi32>], vector<16xf32>,
      %get3A_498 = arith.constant 2 : i32
      %get3A_499 = arith.index_cast %get3A_498 : i32 to index
      %get3A_500 = arith.index_cast %add3A_486 : i32 to index
      %get3A_501 = arith.constant 16 : index
      %get3A_502 = tpu.vector_load %arg6[%get3A_499, %get3A_500, %get3A_501] {strides = array<i32>} : memref<4x128x32xf32, #tpu.memory_space<vmem>>, vector<16xf32>,
      %scatter3A_503 = arith.constant 0 : i32
      %scatter3A_504 = arith.constant 0 : i32
      %scatter3A_505 = arith.constant 0 : i32
      %scatter3A_506 = tpu.memref_slice %arg7[%scatter3A_503, %scatter3A_504, %scatter3A_505] : memref<2x32x129xf32, #tpu.memory_space<vmem>> -> memref<1x32x129xf32, #tpu.memory_space<vmem>>
      %scatter3A_507 = tpu.memref_squeeze %scatter3A_506 : memref<1x32x129xf32, #tpu.memory_space<vmem>> -> memref<32x129xf32, #tpu.memory_space<vmem>>
      tpu.vector_store_idx %scatter3A_507[%add3A_9, %broadcast_in_dim3A_487], %get3A_502 : memref<32x129xf32, #tpu.memory_space<vmem>>[vector<16xi32>, vector<16xi32>], vector<16xf32>,
      %mul3A_508 = arith.constant 8 : i32
      %mul3A_509 = arith.muli %scan3A_334, %mul3A_508 : i32
      %add3A_510 = arith.constant 7 : i32
      %add3A_511 = arith.addi %mul3A_509, %add3A_510 : i32
      %broadcast_in_dim3A_512 = vector.broadcast %add3A_511 : i32 to vector<16xi32>
      %get3A_513 = arith.constant 2 : i32
      %get3A_514 = arith.index_cast %get3A_513 : i32 to index
      %get3A_515 = arith.index_cast %add3A_511 : i32 to index
      %get3A_516 = arith.constant 0 : index
      %get3A_517 = tpu.vector_load %arg6[%get3A_514, %get3A_515, %get3A_516] {strides = array<i32>} : memref<4x128x32xf32, #tpu.memory_space<vmem>>, vector<16xf32>,
      %scatter3A_518 = arith.constant 0 : i32
      %scatter3A_519 = arith.constant 0 : i32
      %scatter3A_520 = arith.constant 0 : i32
      %scatter3A_521 = tpu.memref_slice %arg7[%scatter3A_518, %scatter3A_519, %scatter3A_520] : memref<2x32x129xf32, #tpu.memory_space<vmem>> -> memref<1x32x129xf32, #tpu.memory_space<vmem>>
      %scatter3A_522 = tpu.memref_squeeze %scatter3A_521 : memref<1x32x129xf32, #tpu.memory_space<vmem>> -> memref<32x129xf32, #tpu.memory_space<vmem>>
      tpu.vector_store_idx %scatter3A_522[%add3A_5, %broadcast_in_dim3A_512], %get3A_517 : memref<32x129xf32, #tpu.memory_space<vmem>>[vector<16xi32>, vector<16xi32>], vector<16xf32>,
      %get3A_523 = arith.constant 2 : i32
      %get3A_524 = arith.index_cast %get3A_523 : i32 to index
      %get3A_525 = arith.index_cast %add3A_511 : i32 to index
      %get3A_526 = arith.constant 16 : index
      %get3A_527 = tpu.vector_load %arg6[%get3A_524, %get3A_525, %get3A_526] {strides = array<i32>} : memref<4x128x32xf32, #tpu.memory_space<vmem>>, vector<16xf32>,
      %scatter3A_528 = arith.constant 0 : i32
      %scatter3A_529 = arith.constant 0 : i32
      %scatter3A_530 = arith.constant 0 : i32
      %scatter3A_531 = tpu.memref_slice %arg7[%scatter3A_528, %scatter3A_529, %scatter3A_530] : memref<2x32x129xf32, #tpu.memory_space<vmem>> -> memref<1x32x129xf32, #tpu.memory_space<vmem>>
      %scatter3A_532 = tpu.memref_squeeze %scatter3A_531 : memref<1x32x129xf32, #tpu.memory_space<vmem>> -> memref<32x129xf32, #tpu.memory_space<vmem>>
      tpu.vector_store_idx %scatter3A_532[%add3A_9, %broadcast_in_dim3A_512], %get3A_527 : memref<32x129xf32, #tpu.memory_space<vmem>>[vector<16xi32>, vector<16xi32>], vector<16xf32>,
      %scan3A_533 = arith.constant 0 : i32
      scf.yield %scan3A_533 : i32
    }
    %scan3A_207 = arith.constant 16 : i32
    %dma_start3A_208 = arith.constant 0 : i32
    %dma_start3A_209 = arith.constant 198 : i32
    %dma_start3A_210 = arith.constant 0 : i32
    %dma_start3A_211 = arith.constant 0 : i32
    %dma_start3A_212 = arith.constant 0 : i32
    %dma_start3A_213 = tpu.memref_slice %arg7[%dma_start3A_208, %dma_start3A_211, %dma_start3A_212] : memref<2x32x129xf32, #tpu.memory_space<vmem>> -> memref<1x32x128xf32, #tpu.memory_space<vmem>>
    %dma_start3A_214 = tpu.memref_squeeze %dma_start3A_213 : memref<1x32x128xf32, #tpu.memory_space<vmem>> -> memref<32x128xf32, #tpu.memory_space<vmem>>
    %dma_start3A_215 = arith.constant 0 : i32
    %dma_start3A_216 = tpu.memref_slice %arg4[%dma_start3A_209, %dma_start3A_215, %mul3A_2] : memref<200x32x4096xf32, #tpu.memory_space<hbm>> -> memref<1x32x128xf32, #tpu.memory_space<hbm>>
    %dma_start3A_217 = tpu.memref_squeeze %dma_start3A_216 : memref<1x32x128xf32, #tpu.memory_space<hbm>> -> memref<32x128xf32, #tpu.memory_space<hbm>>
    %dma_start3A_218 = tpu.memref_slice %arg9[%dma_start3A_210] : memref<2x!tpu.dma_semaphore, #tpu.memory_space<semaphore_mem>> -> memref<1x!tpu.dma_semaphore, #tpu.memory_space<semaphore_mem>>
    %dma_start3A_219 = tpu.memref_squeeze %dma_start3A_218 : memref<1x!tpu.dma_semaphore, #tpu.memory_space<semaphore_mem>> -> memref<!tpu.dma_semaphore, #tpu.memory_space<semaphore_mem>>
    %dma_start3A_220 = arith.constant 0 : i32
    %dma_start3A_221 = tpu.memref_slice %arg4[%dma_start3A_209, %dma_start3A_220, %mul3A_2] : memref<200x32x4096xf32, #tpu.memory_space<hbm>> -> memref<1x32x128xf32, #tpu.memory_space<hbm>>
    %dma_start3A_222 = tpu.memref_squeeze %dma_start3A_221 : memref<1x32x128xf32, #tpu.memory_space<hbm>> -> memref<32x128xf32, #tpu.memory_space<hbm>>
    %dma_start3A_223 = arith.constant 0 : i32
    %dma_start3A_224 = arith.constant 0 : i32
    %dma_start3A_225 = tpu.memref_slice %arg7[%dma_start3A_208, %dma_start3A_223, %dma_start3A_224] : memref<2x32x129xf32, #tpu.memory_space<vmem>> -> memref<1x32x128xf32, #tpu.memory_space<vmem>>
    %dma_start3A_226 = tpu.memref_squeeze %dma_start3A_225 : memref<1x32x128xf32, #tpu.memory_space<vmem>> -> memref<32x128xf32, #tpu.memory_space<vmem>>
    tpu.enqueue_dma source(%dma_start3A_226 : memref<32x128xf32, #tpu.memory_space<vmem>>) target(%dma_start3A_222 : memref<32x128xf32, #tpu.memory_space<hbm>>) target_semaphore(%dma_start3A_219 : memref<!tpu.dma_semaphore, #tpu.memory_space<semaphore_mem>>)
    %dma_wait3A_227 = arith.constant 1 : i32
    %dma_wait3A_228 = arith.constant 0 : i32
    %dma_wait3A_229 = arith.constant 1 : i32
    %dma_wait3A_230 = arith.constant 0 : i32
    %dma_wait3A_231 = arith.constant 0 : i32
    %dma_wait3A_232 = tpu.memref_slice %arg7[%dma_wait3A_227, %dma_wait3A_230, %dma_wait3A_231] : memref<2x32x129xf32, #tpu.memory_space<vmem>> -> memref<1x32x128xf32, #tpu.memory_space<vmem>>
    %dma_wait3A_233 = tpu.memref_squeeze %dma_wait3A_232 : memref<1x32x128xf32, #tpu.memory_space<vmem>> -> memref<32x128xf32, #tpu.memory_space<vmem>>
    %dma_wait3A_234 = arith.constant 0 : i32
    %dma_wait3A_235 = arith.constant 0 : i32
    %dma_wait3A_236 = tpu.memref_slice %arg4[%dma_wait3A_228, %dma_wait3A_234, %dma_wait3A_235] : memref<200x32x4096xf32, #tpu.memory_space<hbm>> -> memref<1x32x128xf32, #tpu.memory_space<hbm>>
    %dma_wait3A_237 = tpu.memref_squeeze %dma_wait3A_236 : memref<1x32x128xf32, #tpu.memory_space<hbm>> -> memref<32x128xf32, #tpu.memory_space<hbm>>
    %dma_wait3A_238 = tpu.memref_slice %arg9[%dma_wait3A_229] : memref<2x!tpu.dma_semaphore, #tpu.memory_space<semaphore_mem>> -> memref<1x!tpu.dma_semaphore, #tpu.memory_space<semaphore_mem>>
    %dma_wait3A_239 = tpu.memref_squeeze %dma_wait3A_238 : memref<1x!tpu.dma_semaphore, #tpu.memory_space<semaphore_mem>> -> memref<!tpu.dma_semaphore, #tpu.memory_space<semaphore_mem>>
    %dma_wait3A_240 = arith.constant 0 : i32
    %dma_wait3A_241 = arith.constant 0 : i32
    %dma_wait3A_242 = tpu.memref_slice %arg4[%dma_wait3A_228, %dma_wait3A_240, %dma_wait3A_241] : memref<200x32x4096xf32, #tpu.memory_space<hbm>> -> memref<1x32x128xf32, #tpu.memory_space<hbm>>
    %dma_wait3A_243 = tpu.memref_squeeze %dma_wait3A_242 : memref<1x32x128xf32, #tpu.memory_space<hbm>> -> memref<32x128xf32, #tpu.memory_space<hbm>>
    %dma_wait3A_244 = arith.constant 0 : i32
    %dma_wait3A_245 = arith.constant 0 : i32
    %dma_wait3A_246 = tpu.memref_slice %arg7[%dma_wait3A_227, %dma_wait3A_244, %dma_wait3A_245] : memref<2x32x129xf32, #tpu.memory_space<vmem>> -> memref<1x32x128xf32, #tpu.memory_space<vmem>>
    %dma_wait3A_247 = tpu.memref_squeeze %dma_wait3A_246 : memref<1x32x128xf32, #tpu.memory_space<vmem>> -> memref<32x128xf32, #tpu.memory_space<vmem>>
    tpu.wait_dma2 semaphore(%dma_wait3A_239 : memref<!tpu.dma_semaphore, #tpu.memory_space<semaphore_mem>>) src(%dma_wait3A_247 : memref<32x128xf32, #tpu.memory_space<vmem>>) dst(%dma_wait3A_243 : memref<32x128xf32, #tpu.memory_space<hbm>>)
    %dma_wait3A_248 = arith.constant 3 : i32
    %dma_wait3A_249 = arith.constant 3 : i32
    %dma_wait3A_250 = arith.constant 0 : i32
    %dma_wait3A_251 = arith.constant 0 : i32
    %dma_wait3A_252 = tpu.memref_slice %arg6[%dma_wait3A_248, %dma_wait3A_250, %dma_wait3A_251] : memref<4x128x32xf32, #tpu.memory_space<vmem>> -> memref<1x128x32xf32, #tpu.memory_space<vmem>>
    %dma_wait3A_253 = tpu.memref_squeeze %dma_wait3A_252 : memref<1x128x32xf32, #tpu.memory_space<vmem>> -> memref<128x32xf32, #tpu.memory_space<vmem>>
    %dma_wait3A_254 = arith.constant 0 : i32
    %dma_wait3A_255 = arith.constant 0 : i32
    %dma_wait3A_256 = tpu.memref_slice %arg3[%dma_wait3A_254, %dma_wait3A_255] : memref<1000000x32xf32, #tpu.memory_space<hbm>> -> memref<128x32xf32, #tpu.memory_space<hbm>>
    %dma_wait3A_257 = tpu.memref_slice %arg8[%dma_wait3A_249] : memref<4x!tpu.dma_semaphore, #tpu.memory_space<semaphore_mem>> -> memref<1x!tpu.dma_semaphore, #tpu.memory_space<semaphore_mem>>
    %dma_wait3A_258 = tpu.memref_squeeze %dma_wait3A_257 : memref<1x!tpu.dma_semaphore, #tpu.memory_space<semaphore_mem>> -> memref<!tpu.dma_semaphore, #tpu.memory_space<semaphore_mem>>
    %dma_wait3A_259 = arith.constant 0 : i32
    %dma_wait3A_260 = arith.constant 0 : i32
    %dma_wait3A_261 = tpu.memref_slice %arg6[%dma_wait3A_248, %dma_wait3A_259, %dma_wait3A_260] : memref<4x128x32xf32, #tpu.memory_space<vmem>> -> memref<1x128x32xf32, #tpu.memory_space<vmem>>
    %dma_wait3A_262 = tpu.memref_squeeze %dma_wait3A_261 : memref<1x128x32xf32, #tpu.memory_space<vmem>> -> memref<128x32xf32, #tpu.memory_space<vmem>>
    %dma_wait3A_263 = arith.constant 0 : i32
    %dma_wait3A_264 = arith.constant 0 : i32
    %dma_wait3A_265 = tpu.memref_slice %arg3[%dma_wait3A_263, %dma_wait3A_264] : memref<1000000x32xf32, #tpu.memory_space<hbm>> -> memref<128x32xf32, #tpu.memory_space<hbm>>
    tpu.wait_dma2 semaphore(%dma_wait3A_258 : memref<!tpu.dma_semaphore, #tpu.memory_space<semaphore_mem>>) src(%dma_wait3A_265 : memref<128x32xf32, #tpu.memory_space<hbm>>) dst(%dma_wait3A_262 : memref<128x32xf32, #tpu.memory_space<vmem>>)
    %scan3A_266 = arith.constant 0 : i32
    %scan3A_267 = arith.constant 0 : i32
    %scan3A_268 = arith.constant 16 : i32
    %scan3A_269 = arith.addi %scan3A_267, %scan3A_268 : i32
    %scan3A_270 = arith.constant 1 : i32
    %scan3A_271 = scf.for %scan3A_334 = %scan3A_267 to %scan3A_269 step %scan3A_270 iter_args(%scan3A_335 = %scan3A_266) -> (i32)  : i32 {
      %mul3A_336 = arith.constant 8 : i32
      %mul3A_337 = arith.muli %scan3A_334, %mul3A_336 : i32
      %add3A_338 = arith.constant 0 : i32
      %add3A_339 = arith.addi %mul3A_337, %add3A_338 : i32
      %broadcast_in_dim3A = vector.broadcast %add3A_339 : i32 to vector<16xi32>
      %get3A = arith.constant 3 : i32
      %get3A_340 = arith.index_cast %get3A : i32 to index
      %get3A_341 = arith.index_cast %add3A_339 : i32 to index
      %get3A_342 = arith.constant 0 : index
      %get3A_343 = tpu.vector_load %arg6[%get3A_340, %get3A_341, %get3A_342] {strides = array<i32>} : memref<4x128x32xf32, #tpu.memory_space<vmem>>, vector<16xf32>,
      %scatter3A = arith.constant 1 : i32
      %scatter3A_344 = arith.constant 0 : i32
      %scatter3A_345 = arith.constant 0 : i32
      %scatter3A_346 = tpu.memref_slice %arg7[%scatter3A, %scatter3A_344, %scatter3A_345] : memref<2x32x129xf32, #tpu.memory_space<vmem>> -> memref<1x32x129xf32, #tpu.memory_space<vmem>>
      %scatter3A_347 = tpu.memref_squeeze %scatter3A_346 : memref<1x32x129xf32, #tpu.memory_space<vmem>> -> memref<32x129xf32, #tpu.memory_space<vmem>>
      tpu.vector_store_idx %scatter3A_347[%add3A_5, %broadcast_in_dim3A], %get3A_343 : memref<32x129xf32, #tpu.memory_space<vmem>>[vector<16xi32>, vector<16xi32>], vector<16xf32>,
      %get3A_348 = arith.constant 3 : i32
      %get3A_349 = arith.index_cast %get3A_348 : i32 to index
      %get3A_350 = arith.index_cast %add3A_339 : i32 to index
      %get3A_351 = arith.constant 16 : index
      %get3A_352 = tpu.vector_load %arg6[%get3A_349, %get3A_350, %get3A_351] {strides = array<i32>} : memref<4x128x32xf32, #tpu.memory_space<vmem>>, vector<16xf32>,
      %scatter3A_353 = arith.constant 1 : i32
      %scatter3A_354 = arith.constant 0 : i32
      %scatter3A_355 = arith.constant 0 : i32
      %scatter3A_356 = tpu.memref_slice %arg7[%scatter3A_353, %scatter3A_354, %scatter3A_355] : memref<2x32x129xf32, #tpu.memory_space<vmem>> -> memref<1x32x129xf32, #tpu.memory_space<vmem>>
      %scatter3A_357 = tpu.memref_squeeze %scatter3A_356 : memref<1x32x129xf32, #tpu.memory_space<vmem>> -> memref<32x129xf32, #tpu.memory_space<vmem>>
      tpu.vector_store_idx %scatter3A_357[%add3A_9, %broadcast_in_dim3A], %get3A_352 : memref<32x129xf32, #tpu.memory_space<vmem>>[vector<16xi32>, vector<16xi32>], vector<16xf32>,
      %mul3A_358 = arith.constant 8 : i32
      %mul3A_359 = arith.muli %scan3A_334, %mul3A_358 : i32
      %add3A_360 = arith.constant 1 : i32
      %add3A_361 = arith.addi %mul3A_359, %add3A_360 : i32
      %broadcast_in_dim3A_362 = vector.broadcast %add3A_361 : i32 to vector<16xi32>
      %get3A_363 = arith.constant 3 : i32
      %get3A_364 = arith.index_cast %get3A_363 : i32 to index
      %get3A_365 = arith.index_cast %add3A_361 : i32 to index
      %get3A_366 = arith.constant 0 : index
      %get3A_367 = tpu.vector_load %arg6[%get3A_364, %get3A_365, %get3A_366] {strides = array<i32>} : memref<4x128x32xf32, #tpu.memory_space<vmem>>, vector<16xf32>,
      %scatter3A_368 = arith.constant 1 : i32
      %scatter3A_369 = arith.constant 0 : i32
      %scatter3A_370 = arith.constant 0 : i32
      %scatter3A_371 = tpu.memref_slice %arg7[%scatter3A_368, %scatter3A_369, %scatter3A_370] : memref<2x32x129xf32, #tpu.memory_space<vmem>> -> memref<1x32x129xf32, #tpu.memory_space<vmem>>
      %scatter3A_372 = tpu.memref_squeeze %scatter3A_371 : memref<1x32x129xf32, #tpu.memory_space<vmem>> -> memref<32x129xf32, #tpu.memory_space<vmem>>
      tpu.vector_store_idx %scatter3A_372[%add3A_5, %broadcast_in_dim3A_362], %get3A_367 : memref<32x129xf32, #tpu.memory_space<vmem>>[vector<16xi32>, vector<16xi32>], vector<16xf32>,
      %get3A_373 = arith.constant 3 : i32
      %get3A_374 = arith.index_cast %get3A_373 : i32 to index
      %get3A_375 = arith.index_cast %add3A_361 : i32 to index
      %get3A_376 = arith.constant 16 : index
      %get3A_377 = tpu.vector_load %arg6[%get3A_374, %get3A_375, %get3A_376] {strides = array<i32>} : memref<4x128x32xf32, #tpu.memory_space<vmem>>, vector<16xf32>,
      %scatter3A_378 = arith.constant 1 : i32
      %scatter3A_379 = arith.constant 0 : i32
      %scatter3A_380 = arith.constant 0 : i32
      %scatter3A_381 = tpu.memref_slice %arg7[%scatter3A_378, %scatter3A_379, %scatter3A_380] : memref<2x32x129xf32, #tpu.memory_space<vmem>> -> memref<1x32x129xf32, #tpu.memory_space<vmem>>
      %scatter3A_382 = tpu.memref_squeeze %scatter3A_381 : memref<1x32x129xf32, #tpu.memory_space<vmem>> -> memref<32x129xf32, #tpu.memory_space<vmem>>
      tpu.vector_store_idx %scatter3A_382[%add3A_9, %broadcast_in_dim3A_362], %get3A_377 : memref<32x129xf32, #tpu.memory_space<vmem>>[vector<16xi32>, vector<16xi32>], vector<16xf32>,
      %mul3A_383 = arith.constant 8 : i32
      %mul3A_384 = arith.muli %scan3A_334, %mul3A_383 : i32
      %add3A_385 = arith.constant 2 : i32
      %add3A_386 = arith.addi %mul3A_384, %add3A_385 : i32
      %broadcast_in_dim3A_387 = vector.broadcast %add3A_386 : i32 to vector<16xi32>
      %get3A_388 = arith.constant 3 : i32
      %get3A_389 = arith.index_cast %get3A_388 : i32 to index
      %get3A_390 = arith.index_cast %add3A_386 : i32 to index
      %get3A_391 = arith.constant 0 : index
      %get3A_392 = tpu.vector_load %arg6[%get3A_389, %get3A_390, %get3A_391] {strides = array<i32>} : memref<4x128x32xf32, #tpu.memory_space<vmem>>, vector<16xf32>,
      %scatter3A_393 = arith.constant 1 : i32
      %scatter3A_394 = arith.constant 0 : i32
      %scatter3A_395 = arith.constant 0 : i32
      %scatter3A_396 = tpu.memref_slice %arg7[%scatter3A_393, %scatter3A_394, %scatter3A_395] : memref<2x32x129xf32, #tpu.memory_space<vmem>> -> memref<1x32x129xf32, #tpu.memory_space<vmem>>
      %scatter3A_397 = tpu.memref_squeeze %scatter3A_396 : memref<1x32x129xf32, #tpu.memory_space<vmem>> -> memref<32x129xf32, #tpu.memory_space<vmem>>
      tpu.vector_store_idx %scatter3A_397[%add3A_5, %broadcast_in_dim3A_387], %get3A_392 : memref<32x129xf32, #tpu.memory_space<vmem>>[vector<16xi32>, vector<16xi32>], vector<16xf32>,
      %get3A_398 = arith.constant 3 : i32
      %get3A_399 = arith.index_cast %get3A_398 : i32 to index
      %get3A_400 = arith.index_cast %add3A_386 : i32 to index
      %get3A_401 = arith.constant 16 : index
      %get3A_402 = tpu.vector_load %arg6[%get3A_399, %get3A_400, %get3A_401] {strides = array<i32>} : memref<4x128x32xf32, #tpu.memory_space<vmem>>, vector<16xf32>,
      %scatter3A_403 = arith.constant 1 : i32
      %scatter3A_404 = arith.constant 0 : i32
      %scatter3A_405 = arith.constant 0 : i32
      %scatter3A_406 = tpu.memref_slice %arg7[%scatter3A_403, %scatter3A_404, %scatter3A_405] : memref<2x32x129xf32, #tpu.memory_space<vmem>> -> memref<1x32x129xf32, #tpu.memory_space<vmem>>
      %scatter3A_407 = tpu.memref_squeeze %scatter3A_406 : memref<1x32x129xf32, #tpu.memory_space<vmem>> -> memref<32x129xf32, #tpu.memory_space<vmem>>
      tpu.vector_store_idx %scatter3A_407[%add3A_9, %broadcast_in_dim3A_387], %get3A_402 : memref<32x129xf32, #tpu.memory_space<vmem>>[vector<16xi32>, vector<16xi32>], vector<16xf32>,
      %mul3A_408 = arith.constant 8 : i32
      %mul3A_409 = arith.muli %scan3A_334, %mul3A_408 : i32
      %add3A_410 = arith.constant 3 : i32
      %add3A_411 = arith.addi %mul3A_409, %add3A_410 : i32
      %broadcast_in_dim3A_412 = vector.broadcast %add3A_411 : i32 to vector<16xi32>
      %get3A_413 = arith.constant 3 : i32
      %get3A_414 = arith.index_cast %get3A_413 : i32 to index
      %get3A_415 = arith.index_cast %add3A_411 : i32 to index
      %get3A_416 = arith.constant 0 : index
      %get3A_417 = tpu.vector_load %arg6[%get3A_414, %get3A_415, %get3A_416] {strides = array<i32>} : memref<4x128x32xf32, #tpu.memory_space<vmem>>, vector<16xf32>,
      %scatter3A_418 = arith.constant 1 : i32
      %scatter3A_419 = arith.constant 0 : i32
      %scatter3A_420 = arith.constant 0 : i32
      %scatter3A_421 = tpu.memref_slice %arg7[%scatter3A_418, %scatter3A_419, %scatter3A_420] : memref<2x32x129xf32, #tpu.memory_space<vmem>> -> memref<1x32x129xf32, #tpu.memory_space<vmem>>
      %scatter3A_422 = tpu.memref_squeeze %scatter3A_421 : memref<1x32x129xf32, #tpu.memory_space<vmem>> -> memref<32x129xf32, #tpu.memory_space<vmem>>
      tpu.vector_store_idx %scatter3A_422[%add3A_5, %broadcast_in_dim3A_412], %get3A_417 : memref<32x129xf32, #tpu.memory_space<vmem>>[vector<16xi32>, vector<16xi32>], vector<16xf32>,
      %get3A_423 = arith.constant 3 : i32
      %get3A_424 = arith.index_cast %get3A_423 : i32 to index
      %get3A_425 = arith.index_cast %add3A_411 : i32 to index
      %get3A_426 = arith.constant 16 : index
      %get3A_427 = tpu.vector_load %arg6[%get3A_424, %get3A_425, %get3A_426] {strides = array<i32>} : memref<4x128x32xf32, #tpu.memory_space<vmem>>, vector<16xf32>,
      %scatter3A_428 = arith.constant 1 : i32
      %scatter3A_429 = arith.constant 0 : i32
      %scatter3A_430 = arith.constant 0 : i32
      %scatter3A_431 = tpu.memref_slice %arg7[%scatter3A_428, %scatter3A_429, %scatter3A_430] : memref<2x32x129xf32, #tpu.memory_space<vmem>> -> memref<1x32x129xf32, #tpu.memory_space<vmem>>
      %scatter3A_432 = tpu.memref_squeeze %scatter3A_431 : memref<1x32x129xf32, #tpu.memory_space<vmem>> -> memref<32x129xf32, #tpu.memory_space<vmem>>
      tpu.vector_store_idx %scatter3A_432[%add3A_9, %broadcast_in_dim3A_412], %get3A_427 : memref<32x129xf32, #tpu.memory_space<vmem>>[vector<16xi32>, vector<16xi32>], vector<16xf32>,
      %mul3A_433 = arith.constant 8 : i32
      %mul3A_434 = arith.muli %scan3A_334, %mul3A_433 : i32
      %add3A_435 = arith.constant 4 : i32
      %add3A_436 = arith.addi %mul3A_434, %add3A_435 : i32
      %broadcast_in_dim3A_437 = vector.broadcast %add3A_436 : i32 to vector<16xi32>
      %get3A_438 = arith.constant 3 : i32
      %get3A_439 = arith.index_cast %get3A_438 : i32 to index
      %get3A_440 = arith.index_cast %add3A_436 : i32 to index
      %get3A_441 = arith.constant 0 : index
      %get3A_442 = tpu.vector_load %arg6[%get3A_439, %get3A_440, %get3A_441] {strides = array<i32>} : memref<4x128x32xf32, #tpu.memory_space<vmem>>, vector<16xf32>,
      %scatter3A_443 = arith.constant 1 : i32
      %scatter3A_444 = arith.constant 0 : i32
      %scatter3A_445 = arith.constant 0 : i32
      %scatter3A_446 = tpu.memref_slice %arg7[%scatter3A_443, %scatter3A_444, %scatter3A_445] : memref<2x32x129xf32, #tpu.memory_space<vmem>> -> memref<1x32x129xf32, #tpu.memory_space<vmem>>
      %scatter3A_447 = tpu.memref_squeeze %scatter3A_446 : memref<1x32x129xf32, #tpu.memory_space<vmem>> -> memref<32x129xf32, #tpu.memory_space<vmem>>
      tpu.vector_store_idx %scatter3A_447[%add3A_5, %broadcast_in_dim3A_437], %get3A_442 : memref<32x129xf32, #tpu.memory_space<vmem>>[vector<16xi32>, vector<16xi32>], vector<16xf32>,
      %get3A_448 = arith.constant 3 : i32
      %get3A_449 = arith.index_cast %get3A_448 : i32 to index
      %get3A_450 = arith.index_cast %add3A_436 : i32 to index
      %get3A_451 = arith.constant 16 : index
      %get3A_452 = tpu.vector_load %arg6[%get3A_449, %get3A_450, %get3A_451] {strides = array<i32>} : memref<4x128x32xf32, #tpu.memory_space<vmem>>, vector<16xf32>,
      %scatter3A_453 = arith.constant 1 : i32
      %scatter3A_454 = arith.constant 0 : i32
      %scatter3A_455 = arith.constant 0 : i32
      %scatter3A_456 = tpu.memref_slice %arg7[%scatter3A_453, %scatter3A_454, %scatter3A_455] : memref<2x32x129xf32, #tpu.memory_space<vmem>> -> memref<1x32x129xf32, #tpu.memory_space<vmem>>
      %scatter3A_457 = tpu.memref_squeeze %scatter3A_456 : memref<1x32x129xf32, #tpu.memory_space<vmem>> -> memref<32x129xf32, #tpu.memory_space<vmem>>
      tpu.vector_store_idx %scatter3A_457[%add3A_9, %broadcast_in_dim3A_437], %get3A_452 : memref<32x129xf32, #tpu.memory_space<vmem>>[vector<16xi32>, vector<16xi32>], vector<16xf32>,
      %mul3A_458 = arith.constant 8 : i32
      %mul3A_459 = arith.muli %scan3A_334, %mul3A_458 : i32
      %add3A_460 = arith.constant 5 : i32
      %add3A_461 = arith.addi %mul3A_459, %add3A_460 : i32
      %broadcast_in_dim3A_462 = vector.broadcast %add3A_461 : i32 to vector<16xi32>
      %get3A_463 = arith.constant 3 : i32
      %get3A_464 = arith.index_cast %get3A_463 : i32 to index
      %get3A_465 = arith.index_cast %add3A_461 : i32 to index
      %get3A_466 = arith.constant 0 : index
      %get3A_467 = tpu.vector_load %arg6[%get3A_464, %get3A_465, %get3A_466] {strides = array<i32>} : memref<4x128x32xf32, #tpu.memory_space<vmem>>, vector<16xf32>,
      %scatter3A_468 = arith.constant 1 : i32
      %scatter3A_469 = arith.constant 0 : i32
      %scatter3A_470 = arith.constant 0 : i32
      %scatter3A_471 = tpu.memref_slice %arg7[%scatter3A_468, %scatter3A_469, %scatter3A_470] : memref<2x32x129xf32, #tpu.memory_space<vmem>> -> memref<1x32x129xf32, #tpu.memory_space<vmem>>
      %scatter3A_472 = tpu.memref_squeeze %scatter3A_471 : memref<1x32x129xf32, #tpu.memory_space<vmem>> -> memref<32x129xf32, #tpu.memory_space<vmem>>
      tpu.vector_store_idx %scatter3A_472[%add3A_5, %broadcast_in_dim3A_462], %get3A_467 : memref<32x129xf32, #tpu.memory_space<vmem>>[vector<16xi32>, vector<16xi32>], vector<16xf32>,
      %get3A_473 = arith.constant 3 : i32
      %get3A_474 = arith.index_cast %get3A_473 : i32 to index
      %get3A_475 = arith.index_cast %add3A_461 : i32 to index
      %get3A_476 = arith.constant 16 : index
      %get3A_477 = tpu.vector_load %arg6[%get3A_474, %get3A_475, %get3A_476] {strides = array<i32>} : memref<4x128x32xf32, #tpu.memory_space<vmem>>, vector<16xf32>,
      %scatter3A_478 = arith.constant 1 : i32
      %scatter3A_479 = arith.constant 0 : i32
      %scatter3A_480 = arith.constant 0 : i32
      %scatter3A_481 = tpu.memref_slice %arg7[%scatter3A_478, %scatter3A_479, %scatter3A_480] : memref<2x32x129xf32, #tpu.memory_space<vmem>> -> memref<1x32x129xf32, #tpu.memory_space<vmem>>
      %scatter3A_482 = tpu.memref_squeeze %scatter3A_481 : memref<1x32x129xf32, #tpu.memory_space<vmem>> -> memref<32x129xf32, #tpu.memory_space<vmem>>
      tpu.vector_store_idx %scatter3A_482[%add3A_9, %broadcast_in_dim3A_462], %get3A_477 : memref<32x129xf32, #tpu.memory_space<vmem>>[vector<16xi32>, vector<16xi32>], vector<16xf32>,
      %mul3A_483 = arith.constant 8 : i32
      %mul3A_484 = arith.muli %scan3A_334, %mul3A_483 : i32
      %add3A_485 = arith.constant 6 : i32
      %add3A_486 = arith.addi %mul3A_484, %add3A_485 : i32
      %broadcast_in_dim3A_487 = vector.broadcast %add3A_486 : i32 to vector<16xi32>
      %get3A_488 = arith.constant 3 : i32
      %get3A_489 = arith.index_cast %get3A_488 : i32 to index
      %get3A_490 = arith.index_cast %add3A_486 : i32 to index
      %get3A_491 = arith.constant 0 : index
      %get3A_492 = tpu.vector_load %arg6[%get3A_489, %get3A_490, %get3A_491] {strides = array<i32>} : memref<4x128x32xf32, #tpu.memory_space<vmem>>, vector<16xf32>,
      %scatter3A_493 = arith.constant 1 : i32
      %scatter3A_494 = arith.constant 0 : i32
      %scatter3A_495 = arith.constant 0 : i32
      %scatter3A_496 = tpu.memref_slice %arg7[%scatter3A_493, %scatter3A_494, %scatter3A_495] : memref<2x32x129xf32, #tpu.memory_space<vmem>> -> memref<1x32x129xf32, #tpu.memory_space<vmem>>
      %scatter3A_497 = tpu.memref_squeeze %scatter3A_496 : memref<1x32x129xf32, #tpu.memory_space<vmem>> -> memref<32x129xf32, #tpu.memory_space<vmem>>
      tpu.vector_store_idx %scatter3A_497[%add3A_5, %broadcast_in_dim3A_487], %get3A_492 : memref<32x129xf32, #tpu.memory_space<vmem>>[vector<16xi32>, vector<16xi32>], vector<16xf32>,
      %get3A_498 = arith.constant 3 : i32
      %get3A_499 = arith.index_cast %get3A_498 : i32 to index
      %get3A_500 = arith.index_cast %add3A_486 : i32 to index
      %get3A_501 = arith.constant 16 : index
      %get3A_502 = tpu.vector_load %arg6[%get3A_499, %get3A_500, %get3A_501] {strides = array<i32>} : memref<4x128x32xf32, #tpu.memory_space<vmem>>, vector<16xf32>,
      %scatter3A_503 = arith.constant 1 : i32
      %scatter3A_504 = arith.constant 0 : i32
      %scatter3A_505 = arith.constant 0 : i32
      %scatter3A_506 = tpu.memref_slice %arg7[%scatter3A_503, %scatter3A_504, %scatter3A_505] : memref<2x32x129xf32, #tpu.memory_space<vmem>> -> memref<1x32x129xf32, #tpu.memory_space<vmem>>
      %scatter3A_507 = tpu.memref_squeeze %scatter3A_506 : memref<1x32x129xf32, #tpu.memory_space<vmem>> -> memref<32x129xf32, #tpu.memory_space<vmem>>
      tpu.vector_store_idx %scatter3A_507[%add3A_9, %broadcast_in_dim3A_487], %get3A_502 : memref<32x129xf32, #tpu.memory_space<vmem>>[vector<16xi32>, vector<16xi32>], vector<16xf32>,
      %mul3A_508 = arith.constant 8 : i32
      %mul3A_509 = arith.muli %scan3A_334, %mul3A_508 : i32
      %add3A_510 = arith.constant 7 : i32
      %add3A_511 = arith.addi %mul3A_509, %add3A_510 : i32
      %broadcast_in_dim3A_512 = vector.broadcast %add3A_511 : i32 to vector<16xi32>
      %get3A_513 = arith.constant 3 : i32
      %get3A_514 = arith.index_cast %get3A_513 : i32 to index
      %get3A_515 = arith.index_cast %add3A_511 : i32 to index
      %get3A_516 = arith.constant 0 : index
      %get3A_517 = tpu.vector_load %arg6[%get3A_514, %get3A_515, %get3A_516] {strides = array<i32>} : memref<4x128x32xf32, #tpu.memory_space<vmem>>, vector<16xf32>,
      %scatter3A_518 = arith.constant 1 : i32
      %scatter3A_519 = arith.constant 0 : i32
      %scatter3A_520 = arith.constant 0 : i32
      %scatter3A_521 = tpu.memref_slice %arg7[%scatter3A_518, %scatter3A_519, %scatter3A_520] : memref<2x32x129xf32, #tpu.memory_space<vmem>> -> memref<1x32x129xf32, #tpu.memory_space<vmem>>
      %scatter3A_522 = tpu.memref_squeeze %scatter3A_521 : memref<1x32x129xf32, #tpu.memory_space<vmem>> -> memref<32x129xf32, #tpu.memory_space<vmem>>
      tpu.vector_store_idx %scatter3A_522[%add3A_5, %broadcast_in_dim3A_512], %get3A_517 : memref<32x129xf32, #tpu.memory_space<vmem>>[vector<16xi32>, vector<16xi32>], vector<16xf32>,
      %get3A_523 = arith.constant 3 : i32
      %get3A_524 = arith.index_cast %get3A_523 : i32 to index
      %get3A_525 = arith.index_cast %add3A_511 : i32 to index
      %get3A_526 = arith.constant 16 : index
      %get3A_527 = tpu.vector_load %arg6[%get3A_524, %get3A_525, %get3A_526] {strides = array<i32>} : memref<4x128x32xf32, #tpu.memory_space<vmem>>, vector<16xf32>,
      %scatter3A_528 = arith.constant 1 : i32
      %scatter3A_529 = arith.constant 0 : i32
      %scatter3A_530 = arith.constant 0 : i32
      %scatter3A_531 = tpu.memref_slice %arg7[%scatter3A_528, %scatter3A_529, %scatter3A_530] : memref<2x32x129xf32, #tpu.memory_space<vmem>> -> memref<1x32x129xf32, #tpu.memory_space<vmem>>
      %scatter3A_532 = tpu.memref_squeeze %scatter3A_531 : memref<1x32x129xf32, #tpu.memory_space<vmem>> -> memref<32x129xf32, #tpu.memory_space<vmem>>
      tpu.vector_store_idx %scatter3A_532[%add3A_9, %broadcast_in_dim3A_512], %get3A_527 : memref<32x129xf32, #tpu.memory_space<vmem>>[vector<16xi32>, vector<16xi32>], vector<16xf32>,
      %scan3A_533 = arith.constant 0 : i32
      scf.yield %scan3A_533 : i32
    }
    %scan3A_272 = arith.constant 16 : i32
    %dma_start3A_273 = arith.constant 1 : i32
    %dma_start3A_274 = arith.constant 199 : i32
    %dma_start3A_275 = arith.constant 1 : i32
    %dma_start3A_276 = arith.constant 0 : i32
    %dma_start3A_277 = arith.constant 0 : i32
    %dma_start3A_278 = tpu.memref_slice %arg7[%dma_start3A_273, %dma_start3A_276, %dma_start3A_277] : memref<2x32x129xf32, #tpu.memory_space<vmem>> -> memref<1x32x128xf32, #tpu.memory_space<vmem>>
    %dma_start3A_279 = tpu.memref_squeeze %dma_start3A_278 : memref<1x32x128xf32, #tpu.memory_space<vmem>> -> memref<32x128xf32, #tpu.memory_space<vmem>>
    %dma_start3A_280 = arith.constant 0 : i32
    %dma_start3A_281 = tpu.memref_slice %arg4[%dma_start3A_274, %dma_start3A_280, %mul3A_2] : memref<200x32x4096xf32, #tpu.memory_space<hbm>> -> memref<1x32x128xf32, #tpu.memory_space<hbm>>
    %dma_start3A_282 = tpu.memref_squeeze %dma_start3A_281 : memref<1x32x128xf32, #tpu.memory_space<hbm>> -> memref<32x128xf32, #tpu.memory_space<hbm>>
    %dma_start3A_283 = tpu.memref_slice %arg9[%dma_start3A_275] : memref<2x!tpu.dma_semaphore, #tpu.memory_space<semaphore_mem>> -> memref<1x!tpu.dma_semaphore, #tpu.memory_space<semaphore_mem>>
    %dma_start3A_284 = tpu.memref_squeeze %dma_start3A_283 : memref<1x!tpu.dma_semaphore, #tpu.memory_space<semaphore_mem>> -> memref<!tpu.dma_semaphore, #tpu.memory_space<semaphore_mem>>
    %dma_start3A_285 = arith.constant 0 : i32
    %dma_start3A_286 = tpu.memref_slice %arg4[%dma_start3A_274, %dma_start3A_285, %mul3A_2] : memref<200x32x4096xf32, #tpu.memory_space<hbm>> -> memref<1x32x128xf32, #tpu.memory_space<hbm>>
    %dma_start3A_287 = tpu.memref_squeeze %dma_start3A_286 : memref<1x32x128xf32, #tpu.memory_space<hbm>> -> memref<32x128xf32, #tpu.memory_space<hbm>>
    %dma_start3A_288 = arith.constant 0 : i32
    %dma_start3A_289 = arith.constant 0 : i32
    %dma_start3A_290 = tpu.memref_slice %arg7[%dma_start3A_273, %dma_start3A_288, %dma_start3A_289] : memref<2x32x129xf32, #tpu.memory_space<vmem>> -> memref<1x32x128xf32, #tpu.memory_space<vmem>>
    %dma_start3A_291 = tpu.memref_squeeze %dma_start3A_290 : memref<1x32x128xf32, #tpu.memory_space<vmem>> -> memref<32x128xf32, #tpu.memory_space<vmem>>
    tpu.enqueue_dma source(%dma_start3A_291 : memref<32x128xf32, #tpu.memory_space<vmem>>) target(%dma_start3A_287 : memref<32x128xf32, #tpu.memory_space<hbm>>) target_semaphore(%dma_start3A_284 : memref<!tpu.dma_semaphore, #tpu.memory_space<semaphore_mem>>)
    %dma_wait3A_292 = arith.constant 0 : i32
    %dma_wait3A_293 = arith.constant 0 : i32
    %dma_wait3A_294 = arith.constant 0 : i32
    %dma_wait3A_295 = arith.constant 0 : i32
    %dma_wait3A_296 = arith.constant 0 : i32
    %dma_wait3A_297 = tpu.memref_slice %arg7[%dma_wait3A_292, %dma_wait3A_295, %dma_wait3A_296] : memref<2x32x129xf32, #tpu.memory_space<vmem>> -> memref<1x32x128xf32, #tpu.memory_space<vmem>>
    %dma_wait3A_298 = tpu.memref_squeeze %dma_wait3A_297 : memref<1x32x128xf32, #tpu.memory_space<vmem>> -> memref<32x128xf32, #tpu.memory_space<vmem>>
    %dma_wait3A_299 = arith.constant 0 : i32
    %dma_wait3A_300 = arith.constant 0 : i32
    %dma_wait3A_301 = tpu.memref_slice %arg4[%dma_wait3A_293, %dma_wait3A_299, %dma_wait3A_300] : memref<200x32x4096xf32, #tpu.memory_space<hbm>> -> memref<1x32x128xf32, #tpu.memory_space<hbm>>
    %dma_wait3A_302 = tpu.memref_squeeze %dma_wait3A_301 : memref<1x32x128xf32, #tpu.memory_space<hbm>> -> memref<32x128xf32, #tpu.memory_space<hbm>>
    %dma_wait3A_303 = tpu.memref_slice %arg9[%dma_wait3A_294] : memref<2x!tpu.dma_semaphore, #tpu.memory_space<semaphore_mem>> -> memref<1x!tpu.dma_semaphore, #tpu.memory_space<semaphore_mem>>
    %dma_wait3A_304 = tpu.memref_squeeze %dma_wait3A_303 : memref<1x!tpu.dma_semaphore, #tpu.memory_space<semaphore_mem>> -> memref<!tpu.dma_semaphore, #tpu.memory_space<semaphore_mem>>
    %dma_wait3A_305 = arith.constant 0 : i32
    %dma_wait3A_306 = arith.constant 0 : i32
    %dma_wait3A_307 = tpu.memref_slice %arg4[%dma_wait3A_293, %dma_wait3A_305, %dma_wait3A_306] : memref<200x32x4096xf32, #tpu.memory_space<hbm>> -> memref<1x32x128xf32, #tpu.memory_space<hbm>>
    %dma_wait3A_308 = tpu.memref_squeeze %dma_wait3A_307 : memref<1x32x128xf32, #tpu.memory_space<hbm>> -> memref<32x128xf32, #tpu.memory_space<hbm>>
    %dma_wait3A_309 = arith.constant 0 : i32
    %dma_wait3A_310 = arith.constant 0 : i32
    %dma_wait3A_311 = tpu.memref_slice %arg7[%dma_wait3A_292, %dma_wait3A_309, %dma_wait3A_310] : memref<2x32x129xf32, #tpu.memory_space<vmem>> -> memref<1x32x128xf32, #tpu.memory_space<vmem>>
    %dma_wait3A_312 = tpu.memref_squeeze %dma_wait3A_311 : memref<1x32x128xf32, #tpu.memory_space<vmem>> -> memref<32x128xf32, #tpu.memory_space<vmem>>
    tpu.wait_dma2 semaphore(%dma_wait3A_304 : memref<!tpu.dma_semaphore, #tpu.memory_space<semaphore_mem>>) src(%dma_wait3A_312 : memref<32x128xf32, #tpu.memory_space<vmem>>) dst(%dma_wait3A_308 : memref<32x128xf32, #tpu.memory_space<hbm>>)
    %dma_wait3A_313 = arith.constant 1 : i32
    %dma_wait3A_314 = arith.constant 0 : i32
    %dma_wait3A_315 = arith.constant 1 : i32
    %dma_wait3A_316 = arith.constant 0 : i32
    %dma_wait3A_317 = arith.constant 0 : i32
    %dma_wait3A_318 = tpu.memref_slice %arg7[%dma_wait3A_313, %dma_wait3A_316, %dma_wait3A_317] : memref<2x32x129xf32, #tpu.memory_space<vmem>> -> memref<1x32x128xf32, #tpu.memory_space<vmem>>
    %dma_wait3A_319 = tpu.memref_squeeze %dma_wait3A_318 : memref<1x32x128xf32, #tpu.memory_space<vmem>> -> memref<32x128xf32, #tpu.memory_space<vmem>>
    %dma_wait3A_320 = arith.constant 0 : i32
    %dma_wait3A_321 = arith.constant 0 : i32
    %dma_wait3A_322 = tpu.memref_slice %arg4[%dma_wait3A_314, %dma_wait3A_320, %dma_wait3A_321] : memref<200x32x4096xf32, #tpu.memory_space<hbm>> -> memref<1x32x128xf32, #tpu.memory_space<hbm>>
    %dma_wait3A_323 = tpu.memref_squeeze %dma_wait3A_322 : memref<1x32x128xf32, #tpu.memory_space<hbm>> -> memref<32x128xf32, #tpu.memory_space<hbm>>
    %dma_wait3A_324 = tpu.memref_slice %arg9[%dma_wait3A_315] : memref<2x!tpu.dma_semaphore, #tpu.memory_space<semaphore_mem>> -> memref<1x!tpu.dma_semaphore, #tpu.memory_space<semaphore_mem>>
    %dma_wait3A_325 = tpu.memref_squeeze %dma_wait3A_324 : memref<1x!tpu.dma_semaphore, #tpu.memory_space<semaphore_mem>> -> memref<!tpu.dma_semaphore, #tpu.memory_space<semaphore_mem>>
    %dma_wait3A_326 = arith.constant 0 : i32
    %dma_wait3A_327 = arith.constant 0 : i32
    %dma_wait3A_328 = tpu.memref_slice %arg4[%dma_wait3A_314, %dma_wait3A_326, %dma_wait3A_327] : memref<200x32x4096xf32, #tpu.memory_space<hbm>> -> memref<1x32x128xf32, #tpu.memory_space<hbm>>
    %dma_wait3A_329 = tpu.memref_squeeze %dma_wait3A_328 : memref<1x32x128xf32, #tpu.memory_space<hbm>> -> memref<32x128xf32, #tpu.memory_space<hbm>>
    %dma_wait3A_330 = arith.constant 0 : i32
    %dma_wait3A_331 = arith.constant 0 : i32
    %dma_wait3A_332 = tpu.memref_slice %arg7[%dma_wait3A_313, %dma_wait3A_330, %dma_wait3A_331] : memref<2x32x129xf32, #tpu.memory_space<vmem>> -> memref<1x32x128xf32, #tpu.memory_space<vmem>>
    %dma_wait3A_333 = tpu.memref_squeeze %dma_wait3A_332 : memref<1x32x128xf32, #tpu.memory_space<vmem>> -> memref<32x128xf32, #tpu.memory_space<vmem>>
    tpu.wait_dma2 semaphore(%dma_wait3A_325 : memref<!tpu.dma_semaphore, #tpu.memory_space<semaphore_mem>>) src(%dma_wait3A_333 : memref<32x128xf32, #tpu.memory_space<vmem>>) dst(%dma_wait3A_329 : memref<32x128xf32, #tpu.memory_space<hbm>>)
    return
  }
}

</mosaic_0001>

<sc_bundles>
// kernel: _embed.3.cloned.1.call-start
scs
__scs_entry_jumppad:
0x0: {  	(pc) =	sbr.rel $0x88, $3  }
0x1: {  	(tag) =	ssettag $0x0;
	lr =	simm.s32 $0x1  }
0x2: {  	[smem:$0x3F9F] =	sst lr;
	_ =	strace $0xD0000000  }
0x3: {  	_ = 	snop  }
0x4: {  	_ = 	snop  }
0x5: {  	_ = 	snop  }
0x6: {  	_ = 	snop  }
0x7: {  	_ = 	snop  }
__scs_overlays_trampoline_lowered:
0x8: {  	[smem:$0x3FAE] =	sst s0  }
0x9: {  	[smem:$0x3FAF] =	sst s1  }
0xa: {  	[smem:$0x3FB0] =	sst s2  }
0xb: {  	[smem:$0x3FB1] =	sst s3  }
0xc: {  	[smem:$0x3FB2] =	sst s4  }
0xd: {  	[smem:$0x3FB3] =	sst s5  }
0xe: {  	[smem:$0x3FB4] =	sst s6  }
0xf: {  	[smem:$0x3FB5] =	sst s7  }
0x10: {  	[smem:$0x3FB6] =	sst s8  }
0x11: {  	[smem:$0x3FB7] =	sst s9;
	s0 =	simm.s32 @!p0 $0x0  }
0x12: {  	s1 =	sld [smem:$0x3F9D];
	s0 =	simm.s32 @p0 $0x1  }
0x13: {  	[smem:$0x3FB8] =	sst s0;
	s0 =	simm.s32 @!p1 $0x0  }
0x14: {  	s2 =	sld [smem:$0x3F9C];
	s0 =	simm.s32 @p1 $0x1  }
0x15: {  	[smem:$0x3FB9] =	sst s0;
	s0 =	simm.s32 @!p2 $0x0  }
0x16: {  	s3 =	sld [smem:$0x3FDB];
	s0 =	simm.s32 @p2 $0x1  }
0x17: {  	s4 =	simm.s32 $0x1BF5;
	[smem:$0x3FBB] =	sst s0  }
0x18: {  	s0 =	sld [smem:$0x3F9E];
	_ =	swait.ge [sflag:s4], $0x0  }
0x19: {  	s7 =	sld [smem:$0x3F9F]  }
0x1a: {  	s8 =	sadd.s32 $0xFFFFE003, lr  }
0x1b: {  	s9 =	sadd.s32 $0xFFFFFEF7, lr;
	s5 =	simm.s32 $0xFFFFFFFF;
	p2 =	slt.u32 s8, $0xFFFFF086  }
0x1c: {  	p1 =	slt.u32 s9, $0xF7A;
	s5 =	simm.s32 @!p2 $0x0  }
0x1d: {  	s5 =	simm.s32 @p1 $0x1;
	p0 =	seq.s32 s7, s2  }
0x1e: {  	s7 =	smul.u32 @!p0 $0xF7A, s2;
	p2 =	seq.s32 @!p0 s5, $0x0  }
0x1f: {  	s9 =	smul.u32 $0xF7A, s1;
	s8 =	simm.s32 @!p0 $0x1BF5;
	p2 =	por !p2, p0  }
0x20: {  	[sflag:s8] =	ssyncset.s32 @!p0 $0xFFFFF086;
	s6 =	sadd.s32 @!p0 s3, s7;
	s7 =	simm.s32 @!p0 $0x108  }
0x21: {  	s3 =	sadd.s32 s3, s9;
	s6 =	sadd.s32 @!p0 $0x88, s6;
	s7 =	simm.s32 @p2 $0x1082  }
0x22: {  	[simem:s7], [sflag:s8] =	dma.local @!p0 [hbm:s6], $0xF7A  }
0x23: {  	s9 =	sor.u32 $0xD0000000, s2;
	s6 =	simm.s32 $0x108;
	_ =	swait.ge @!p0 [sflag:s8], $0x0  }
0x24: {  	s3 =	sadd.s32 $0x88, s3;
	s6 =	simm.s32 @!p1 $0x1082;
	[sflag:s4] =	ssyncset.s32 $0xFFFFF086  }
0x25: {  	[simem:s6], [sflag:s4] =	dma.local [hbm:s3], $0xF7A  }
0x26: {  	[smem:$0x3F9F] =	sst s1;
	(tag) =	ssettag s2;
	_ =	strace s9  }
0x27: {  	s1 =	sld [smem:$0x3FAF]  }
0x28: {  	s2 =	sld [smem:$0x3FB0]  }
0x29: {  	s4 =	sld [smem:$0x3FB2]  }
0x2a: {  	p0 =	seq.s32 s5, $0x0;
	s5 =	sld [smem:$0x3FB3]  }
0x2b: {  	s6 =	sld [smem:$0x3FB4]  }
0x2c: {  	s7 =	sld [smem:$0x3FB5]  }
0x2d: {  	s3 =	simm.s32 $0x108;
	s8 =	sld [smem:$0x3FB6]  }
0x2e: {  	s3 =	simm.s32 @!p0 $0x1082;
	s9 =	sld [smem:$0x3FB7]  }
0x2f: {  	lr =	sadd.s32 s0, s3;
	s0 =	sld [smem:$0x3FAE]  }
0x30: {  	s3 =	sld [smem:$0x3FB1]  }
0x31: {  	[smem:$0x3FBA] =	sst s10  }
0x32: {  	s10 =	sld [smem:$0x3FB8];
	_ =	sdelay $0x3  }
0x33: {  	p0 =	seq.s32 s10, $0x1;
	s10 =	sld [smem:$0x3FBA];
	_ =	sdelay $0x3  }
0x34: {  	[smem:$0x3FBA] =	sst s10  }
0x35: {  	s10 =	sld [smem:$0x3FB9];
	_ =	sdelay $0x3  }
0x36: {  	p1 =	seq.s32 s10, $0x1;
	s10 =	sld [smem:$0x3FBA];
	_ =	sdelay $0x3  }
0x37: {  	[smem:$0x3FBA] =	sst s10  }
0x38: {  	s10 =	sld [smem:$0x3FBB]  }
0x39: {  	_ = 	snop;
	(pc) =	sbr.ind lr, $3  }
0x3a: {  	_ = 	snop  }
0x3b: {  	_ = 	snop  }
0x3c: {  	p2 =	seq.s32 s10, $0x1;
	s10 =	sld [smem:$0x3FBA]  }
0x3d: {  	_ =	shalt  }
0x3e: {  	_ =	shalt  }
0x3f: {  	_ =	shalt  }
0x40: {  	_ =	shalt  }
0x41: {  	_ =	shalt  }
0x42: {  	_ =	shalt  }
0x43: {  	_ =	shalt  }
0x44: {  	_ =	shalt  }
0x45: {  	_ =	shalt  }
0x46: {  	_ =	shalt  }
0x47: {  	_ =	shalt  }
0x48: {  	_ =	shalt  }
0x49: {  	_ =	shalt  }
0x4a: {  	_ =	shalt  }
0x4b: {  	_ =	shalt  }
0x4c: {  	_ =	shalt  }
0x4d: {  	_ =	shalt  }
0x4e: {  	_ =	shalt  }
0x4f: {  	_ =	shalt  }
0x50: {  	_ =	shalt  }
0x51: {  	_ =	shalt  }
0x52: {  	_ =	shalt  }
0x53: {  	_ =	shalt  }
0x54: {  	_ =	shalt  }
0x55: {  	_ =	shalt  }
0x56: {  	_ =	shalt  }
0x57: {  	_ =	shalt  }
0x58: {  	_ =	shalt  }
0x59: {  	_ =	shalt  }
0x5a: {  	_ =	shalt  }
0x5b: {  	_ =	shalt  }
0x5c: {  	_ =	shalt  }
0x5d: {  	_ =	shalt  }
0x5e: {  	_ =	shalt  }
0x5f: {  	_ =	shalt  }
0x60: {  	_ =	shalt  }
0x61: {  	_ =	shalt  }
0x62: {  	_ =	shalt  }
0x63: {  	_ =	shalt  }
0x64: {  	_ =	shalt  }
0x65: {  	_ =	shalt  }
0x66: {  	_ =	shalt  }
0x67: {  	_ =	shalt  }
0x68: {  	_ =	shalt  }
0x69: {  	_ =	shalt  }
0x6a: {  	_ =	shalt  }
0x6b: {  	_ =	shalt  }
0x6c: {  	_ =	shalt  }
0x6d: {  	_ =	shalt  }
0x6e: {  	_ =	shalt  }
0x6f: {  	_ =	shalt  }
0x70: {  	_ =	shalt  }
0x71: {  	_ =	shalt  }
0x72: {  	_ =	shalt  }
0x73: {  	_ =	shalt  }
0x74: {  	_ =	shalt  }
0x75: {  	_ =	shalt  }
0x76: {  	_ =	shalt  }
0x77: {  	_ =	shalt  }
0x78: {  	_ =	shalt  }
0x79: {  	_ =	shalt  }
0x7a: {  	_ =	shalt  }
0x7b: {  	_ =	shalt  }
0x7c: {  	_ =	shalt  }
0x7d: {  	_ =	shalt  }
0x7e: {  	_ =	shalt  }
0x7f: {  	_ =	shalt  }
0x80: {  	_ =	shalt  }
0x81: {  	_ =	shalt  }
0x82: {  	_ =	shalt  }
0x83: {  	_ =	shalt  }
0x84: {  	_ =	shalt  }
0x85: {  	_ =	shalt  }
0x86: {  	_ =	shalt  }
0x87: {  	_ =	shalt  }
.Lfunc_end0:
.L_simem_size_0:
called_computation_lowered:
.L_overlay_start_0:
0x88: {  	s2 =	sld [smem:$0x3FD9]  }
0x89: {  	s3 =	sld [smem:$0x3FFE];
	_ =	sdelay $0x1  }
0x8a: {  	s1 =	srdreg.scid  }
0x8b: {  	s0 =	sand.u32 $0x1, s1  }
0x8c: {  	s17 =	sshll.u32 s0, $0xA;
	s2 =	sadd.s32 s3, s2  }
0x8d: {  	s2 =	sadd.s32 s2, s17  }
0x8e: {  	[smem:$0x3FC6] =	sst s2  }
0x8f: {  	_ = 	snop  }
0x90: {  	s2 =	sld [smem:$0x3FD0];
	(tm) =	ssettm $0x1  }
0x91: {  	s18 =	sld [smem:$0x3FFB];
	_ =	sdelay $0x3  }
0x92: {  	_ =	strace s18  }
0x93: {  	s3 =	sld [smem:$0x3FFC];
	_ =	sdelay $0x3  }
0x94: {  	_ =	strace s3  }
0x95: {  	s3 =	sld [smem:$0x3FFD];
	_ =	sdelay $0x3  }
0x96: {  	_ =	strace s3  }
0x97: {  	_ =	strace $0x8FFFFFFF  }
0x98: {  	s19 =	sld [smem:$0x3FDB];
	_ =	sdelay $0x1  }
0x99: {  	s4 =	simm.s32 $_scs_section_size  }
0x9a: {  	s5 =	simm.s32 $_size__tile_overlayer_lowered;
	s6 =	simm.s32 $_tile_overlayer_lowered  }
0x9b: {  	s22 =	simm.s32 $0x1BFF;
	s21 =	sshll.u32 s6, $0x1;
	s3 =	sadd.s32 s4, s19  }
0x9c: {  	s7 =	simm.s32 $0x0;
	s20 =	sshll.u32 s5, $0x1;
	s5 =	sadd.s32 s21, s3  }
0x9d: {  	[timem:s7], [sflag:s22] =	dma.local [hbm:s5], s20  }
0x9e: {  	_ =	swait.ge [sflag:s22], s20  }
0x9f: {  	s4 =	ssub.s32 $0x0, s20;
	[sflag:s22] =	ssyncset.done $0x0  }
0xa0: {  	[sflag:s22] =	ssyncadd.s32 s4;
	_ =	sdelay $0x1  }
0xa1: {  	s23 =	simm.s32 $0x1B8B  }
0xa2: {  	_ =	swait.ge [sflag:s23], $0x1  }
0xa3: {  	[sflag:s23] =	ssyncset.done $0x0  }
0xa4: {  	s25 =	simm.s32 $0x1B8E;
	s24 =	sld [smem:$0x3FFE];
	[sflag:s23] =	ssyncadd.s32 $0xFFFFFFFF  }
0xa5: {  	s26 =	simm.s32 $execute0_lowered;
	[smem:$0x3FD2] =	sst s25  }
0xa6: {  	s5 =	sshll.u32 s26, $0x1;
	_ =	strace $0x80000046;
	[dreg:$0x1] =	wrdreg $0xFFFFFFFF  }
0xa7: {  	s28 =	simm.s32 $_size_execute0_lowered;
	s3 =	sadd.s32 s3, s5;
	[dreg:$0x0] =	wrdreg $0x0  }
0xa8: {  	s5 =	sshll.u32 s28, $0x1;
	[dreg:$0x2] =	wrdreg s3  }
0xa9: {  	[dreg:$0x3] =	wrdreg s5  }
0xaa: {  	[dreg:$0x4] =	wrdreg $0xC0  }
0xab: {  	_ =	task [dreg:s7], $0x5FFFF  }
0xac: {  	[dreg:$0x1] =	wrdreg $0xFFFFFFFF  }
0xad: {  	[dreg:$0x0] =	wrdreg $0x60  }
0xae: {  	[dreg:$0x2] =	wrdreg s2  }
0xaf: {  	[dreg:$0x3] =	wrdreg s24  }
0xb0: {  	[dreg:$0x4] =	wrdreg $0x9  }
0xb1: {  	_ =	task.clear_ibuf [dreg:s7], $0x5FFFF;
	_ =	strace $0x90000046  }
0xb2: {  	s29 =	simm.s32 $0x9;
	_ =	strace $0x80000048  }
0xb3: {  	_ =	swait.ge [sflag:s29], $0x1  }
0xb4: {  	[sflag:s29] =	ssyncadd.s32 $0xFFFFFFFF  }
0xb5: {  	_ =	strace $0x90000048  }
0xb6: {  	_ =	sfence  }
0xb7: {  	s30 =	sld [smem:$0x0];
	_ =	sdelay $0x2  }
0xb8: {  	s31 =	sshll.u32 s1, $0xD;
	s1 =	sshrl.u32 s1, $0x2  }
0xb9: {  	s3 =	sand.u32 $0x4000, s31;
	s1 =	sadd.s32 s1, s30  }
0xba: {  	s0 =	sor.u32 s3, s0;
	s1 =	sshll.u32 s1, $0x11  }
0xbb: {  	s0 =	sor.u32 s1, s0  }
0xbc: {  	s0 =	sadd.s32 $0x8F2B, s0  }
0xbd: {  	[sflag:s0] =	ssyncadd.remote.s32 $0x1  }
0xbe: {  	_ =	sfence.sel $0xFFFF  }
0xbf: {  	[dreg:$0x0] =	wrdreg $0xFFFFFFFF;
	(pc) =	sbr.abs _section_cstart, $3  }
0xc0: {  	[dreg:$0x1] =	wrdreg $0xFFFFFFFF  }
0xc1: {  	_ =	task.clear_ibuf [dreg:s7], $0x2FFFF;
	_ =	strace $0x9FFFFFFF  }
0xc2: {  	(tm) =	ssettm $0x7FFFFFFF  }
0xc3: {  	_ =	shalt  }
tec
execute0_lowered:
.L_overlay_start_1:
0x0: {  	(tag) =	ssettag $0x1  }
0x1: {  	s0 =	rddreg [dreg:$0x0]  }
0x2: {  	s1 =	rddreg [dreg:$0x1];
	s3 =	srdreg.scid;
	s2 =	simm.s32 $0x0  }
0x3: {  	s4 =	stileid.u32;
	s14 =	simm.s32 $0x80;
	s17 =	simm.s32 $0x7400  }
0x4: {  	s19 =	simm.s32 $0x8400;
	s20 =	simm.s32 $0x1;
	s21 =	simm.s32 $0xA400  }
0x5: {  	s23 =	simm.s32 $0x9400;
	s24 =	simm.s32 $0x2;
	s25 =	simm.s32 $0xB500  }
0x6: {  	s26 =	simm.s32 $0x5;
	s28 =	simm.s32 $0x3;
	s29 =	simm.s32 $0x6  }
0x7: {  	v0 =	vlaneseq.u32;
	s30 =	simm.s32 $0x4;
	s3 =	sand.u32 $0x1, s3;
	[smem:$0x7FF] =	sst s2  }
0x8: {  	v1 =	vimm.s32 $0x0;
	vm0 =	vcmask $0x300;
	s4 =	sshll.u32 s4, $0x8;
	s9 =	sadd.s32 $0x8600, s1;
	s10 =	sadd.s32 $0xC600, s1;
	v0 =	vmul.u32 $0x88, v0  }
0x9: {  	v1 =	vsel vm0, $0x3, v1;
	s5 =	sshll.u32 s3, $0x7;
	_ =	strace $0x80000047;
	s6 =	ssub.s32 $0x2, s3  }
0xa: {  	s3 =	sor.u32 s5, s4;
	s4 =	sadd.s32 $0x600, s1;
	s7 =	sshrl.u32 s6, $0x1;
	v2 =	vadd.s32 $0x880, v0;
	v3 =	vor.u32 $0x1, v0;
	v4 =	vadd.s32 $0x881, v0  }
0xb: {  	s5 =	sadd.s32 $0xF42A00, s1;
	v5 =	vor.u32 $0x2, v0;
	v6 =	vadd.s32 $0x882, v0;
	v7 =	vor.u32 $0x3, v0;
	s1 =	simm.s32 $0x0;
	s8 =	sshrl.u32 s3, $0x3  }
0xc: {  	v8 =	vadd.s32 $0x883, v0;
	v9 =	vor.u32 $0x4, v0;
	v10 =	vadd.s32 $0x884, v0;
	s7 =	ssub.s32 s6, s7;
	s6 =	sadd.s32 s4, s8;
	s0 =	sadd.s32 s0, s8  }
0xd: {  	v11 =	vor.u32 $0x5, v0;
	v12 =	vadd.s32 $0x885, v0;
	v13 =	vor.u32 $0x6, v0;
	s31 =	smax.u32 s7, $0x1;
	[dreg:$0x3] =	wrdreg s0;
	s8 =	sadd.s32 $0x4000, s6  }
0xe: {  	v14 =	vadd.s32 $0x886, v0;
	v15 =	vor.u32 $0x7, v0;
	v16 =	vadd.s32 $0x887, v0;
	s11 =	sadd.s32 $0x318000, s6;
	s12 =	sadd.s32 $0x31C000, s6;
	[dreg:$0x4] =	wrdreg s31  }
.LBB2_1:
0xf: {  	[dreg:$0x5] =	wrdreg s1  }
0x10: {  	s0 =	rddreg [dreg:$0x3];
	s22 =	simm.s32 $0x1000;
	s1 =	simm.s32 $0x7  }
0x11: {  	[tilespmem:s2], [sflag:$0x7] =	stream.strided.gather [hbm4b:s0+s14], $0x6400, s22, s14, $0x38;
	[tilespmem:$0xC600] =	vst v63  }
0x12: {  	_ =	swait.ge [sflag:s1], $0x6400  }
0x13: {  	[sflag:s1] =	ssyncset.done $0x0  }
0x14: {  	s31 =	simm.s32 $0x6400;
	[sflag:s1] =	ssyncadd.s32 $0xFFFF9C00  }
0x15: {  	[tilespmem:s31], [sflag:$0x1] =	stream.indirect.gather [hbm4b:s5+s14], $0x20, s2, s14, $0xb8;
	[tilespmem:$0xC600] =	vst v63  }
0x16: {  	s7 =	simm.s32 $0x0  }
0x17: {  	[tilespmem:s17], [sflag:$0x2] =	stream.indirect.gather [hbm4b:s5+s14], $0x20, s14, s14, $0xb8;
	[tilespmem:$0xC600] =	vst v63  }
0x18: {  	s13 =	simm.s32 $0x100;
	v17 =	vmov s7  }
0x19: {  	v17 =	vshrl.u32 v17, $0x3;
	[tilespmem:s19], [sflag:$0x3] =	stream.indirect.gather [hbm4b:s5+s14], $0x20, s13, s14, $0xb8;
	[tilespmem:$0xC600] =	vst v63  }
0x1a: {  	v17 =	vshll.u32 v17, v1;
	_ =	swait.ge [sflag:s20], $0x1000  }
0x1b: {  	v17 =	vbroadcast v17, $0x0;
	[sflag:s20] =	ssyncset.done $0x0  }
0x1c: {  	s0 =	simm.s32 $0x6480;
	[sflag:s20] =	ssyncadd.s32 $0xFFFFF000  }
0x1d: {  	v19 =	vadd.s32 v0, v17;
	v18 =	vld [tilespmem:s0+$0xFFFFFF80];
	_ =	sdelay $0x4  }
0x1e: {  	[tilespmem:v19+s21+$0x0] =	vst.idx.msk $0xffff, v18  }
0x1f: {  	s7 =	simm.s32 $0x1;
	v17 =	vadd.s32 v2, v17;
	v18 =	vld [tilespmem:s0+$0xFFFFFF90]  }
0x20: {  	v19 =	vmov s7  }
0x21: {  	v19 =	vshrl.u32 v19, $0x3  }
0x22: {  	v19 =	vshll.u32 v19, v1  }
0x23: {  	v19 =	vbroadcast v19, $0x0  }
0x24: {  	[tilespmem:v17+s21+$0x0] =	vst.idx.msk $0xffff, v18  }
0x25: {  	v18 =	vadd.s32 v3, v19;
	v17 =	vld [tilespmem:s0+$0xFFFFFFA0];
	_ =	sdelay $0x4  }
0x26: {  	[tilespmem:v18+s21+$0x0] =	vst.idx.msk $0xffff, v17  }
0x27: {  	s15 =	simm.s32 $0x2;
	v18 =	vadd.s32 v4, v19;
	v17 =	vld [tilespmem:s0+$0xFFFFFFB0]  }
0x28: {  	v19 =	vmov s15  }
0x29: {  	v19 =	vshrl.u32 v19, $0x3  }
0x2a: {  	v19 =	vshll.u32 v19, v1  }
0x2b: {  	v19 =	vbroadcast v19, $0x0  }
0x2c: {  	[tilespmem:v18+s21+$0x0] =	vst.idx.msk $0xffff, v17  }
0x2d: {  	v18 =	vadd.s32 v5, v19;
	v17 =	vld [tilespmem:s0+$0xFFFFFFC0];
	_ =	sdelay $0x4  }
0x2e: {  	[tilespmem:v18+s21+$0x0] =	vst.idx.msk $0xffff, v17  }
0x2f: {  	s16 =	simm.s32 $0x3;
	v18 =	vadd.s32 v6, v19;
	v17 =	vld [tilespmem:s0+$0xFFFFFFD0]  }
0x30: {  	v19 =	vmov s16  }
0x31: {  	v19 =	vshrl.u32 v19, $0x3  }
0x32: {  	v19 =	vshll.u32 v19, v1  }
0x33: {  	v19 =	vbroadcast v19, $0x0  }
0x34: {  	[tilespmem:v18+s21+$0x0] =	vst.idx.msk $0xffff, v17  }
0x35: {  	v18 =	vadd.s32 v7, v19;
	v17 =	vld [tilespmem:s0+$0xFFFFFFE0];
	_ =	sdelay $0x4  }
0x36: {  	[tilespmem:v18+s21+$0x0] =	vst.idx.msk $0xffff, v17  }
0x37: {  	s18 =	simm.s32 $0x4;
	v18 =	vadd.s32 v8, v19;
	v17 =	vld [tilespmem:s0+$0xFFFFFFF0]  }
0x38: {  	v19 =	vmov s18  }
0x39: {  	v19 =	vshrl.u32 v19, $0x3  }
0x3a: {  	v19 =	vshll.u32 v19, v1  }
0x3b: {  	v19 =	vbroadcast v19, $0x0  }
0x3c: {  	[tilespmem:v18+s21+$0x0] =	vst.idx.msk $0xffff, v17  }
0x3d: {  	v18 =	vadd.s32 v9, v19;
	v17 =	vld [tilespmem:s0+$0x0];
	_ =	sdelay $0x4  }
0x3e: {  	[tilespmem:v18+s21+$0x0] =	vst.idx.msk $0xffff, v17  }
0x3f: {  	s22 =	simm.s32 $0x5;
	v18 =	vadd.s32 v10, v19;
	v17 =	vld [tilespmem:s0+$0x10]  }
0x40: {  	v19 =	vmov s22  }
0x41: {  	v19 =	vshrl.u32 v19, $0x3  }
0x42: {  	v19 =	vshll.u32 v19, v1  }
0x43: {  	v19 =	vbroadcast v19, $0x0  }
0x44: {  	[tilespmem:v18+s21+$0x0] =	vst.idx.msk $0xffff, v17  }
0x45: {  	v18 =	vadd.s32 v11, v19;
	v17 =	vld [tilespmem:s0+$0x20];
	_ =	sdelay $0x4  }
0x46: {  	[tilespmem:v18+s21+$0x0] =	vst.idx.msk $0xffff, v17  }
0x47: {  	s31 =	simm.s32 $0x6;
	v18 =	vadd.s32 v12, v19;
	v17 =	vld [tilespmem:s0+$0x30]  }
0x48: {  	v19 =	vmov s31  }
0x49: {  	v19 =	vshrl.u32 v19, $0x3  }
0x4a: {  	v19 =	vshll.u32 v19, v1  }
0x4b: {  	v19 =	vbroadcast v19, $0x0  }
0x4c: {  	[tilespmem:v18+s21+$0x0] =	vst.idx.msk $0xffff, v17  }
0x4d: {  	v18 =	vadd.s32 v13, v19;
	v17 =	vld [tilespmem:s0+$0x40];
	_ =	sdelay $0x4  }
0x4e: {  	[tilespmem:v18+s21+$0x0] =	vst.idx.msk $0xffff, v17  }
0x4f: {  	v18 =	vadd.s32 v14, v19;
	v17 =	vld [tilespmem:s0+$0x50]  }
0x50: {  	v19 =	vmov s1  }
0x51: {  	v19 =	vshrl.u32 v19, $0x3  }
0x52: {  	v19 =	vshll.u32 v19, v1  }
0x53: {  	v19 =	vbroadcast v19, $0x0  }
0x54: {  	[tilespmem:v18+s21+$0x0] =	vst.idx.msk $0xffff, v17  }
0x55: {  	v18 =	vadd.s32 v15, v19;
	v17 =	vld [tilespmem:s0+$0x60];
	_ =	sdelay $0x4  }
0x56: {  	[tilespmem:v18+s21+$0x0] =	vst.idx.msk $0xffff, v17  }
0x57: {  	s13 =	simm.s32 $0x8;
	s7 =	simm.s32 $0x17;
	s1 =	simm.s32 $0xF;
	v18 =	vadd.s32 v16, v19;
	v17 =	vld [tilespmem:s0+$0x70]  }
.LBB2_2:
0x58: {  	p0 =	sne.s32 s7, $0x7F;
	v19 =	vmov s13  }
0x59: {  	v19 =	vshrl.u32 v19, $0x3  }
0x5a: {  	v19 =	vshll.u32 v19, v1  }
0x5b: {  	v19 =	vbroadcast v19, $0x0  }
0x5c: {  	s0 =	sadd.s32 $0x100, s0;
	[tilespmem:v18+s21+$0x0] =	vst.idx.msk $0xffff, v17  }
0x5d: {  	v17 =	vld [tilespmem:s0+$0xFFFFFF80];
	v18 =	vadd.s32 v0, v19;
	_ =	sdelay $0x4  }
0x5e: {  	[tilespmem:v18+s21+$0x0] =	vst.idx.msk $0xffff, v17  }
0x5f: {  	s13 =	sadd.s32 $0xFFFFFFFA, s1;
	v18 =	vadd.s32 v2, v19;
	v17 =	vld [tilespmem:s0+$0xFFFFFF90]  }
0x60: {  	v19 =	vmov s13  }
0x61: {  	v19 =	vshrl.u32 v19, $0x3  }
0x62: {  	v19 =	vshll.u32 v19, v1  }
0x63: {  	v19 =	vbroadcast v19, $0x0  }
0x64: {  	[tilespmem:v18+s21+$0x0] =	vst.idx.msk $0xffff, v17  }
0x65: {  	v18 =	vadd.s32 v3, v19;
	v17 =	vld [tilespmem:s0+$0xFFFFFFA0];
	_ =	sdelay $0x4  }
0x66: {  	[tilespmem:v18+s21+$0x0] =	vst.idx.msk $0xffff, v17  }
0x67: {  	s13 =	sadd.s32 $0xFFFFFFFB, s1;
	v18 =	vadd.s32 v4, v19;
	v17 =	vld [tilespmem:s0+$0xFFFFFFB0]  }
0x68: {  	v19 =	vmov s13  }
0x69: {  	v19 =	vshrl.u32 v19, $0x3  }
0x6a: {  	v19 =	vshll.u32 v19, v1  }
0x6b: {  	v19 =	vbroadcast v19, $0x0  }
0x6c: {  	[tilespmem:v18+s21+$0x0] =	vst.idx.msk $0xffff, v17  }
0x6d: {  	v18 =	vadd.s32 v5, v19;
	v17 =	vld [tilespmem:s0+$0xFFFFFFC0];
	_ =	sdelay $0x4  }
0x6e: {  	[tilespmem:v18+s21+$0x0] =	vst.idx.msk $0xffff, v17  }
0x6f: {  	s13 =	sadd.s32 $0xFFFFFFFC, s1;
	v18 =	vadd.s32 v6, v19;
	v17 =	vld [tilespmem:s0+$0xFFFFFFD0]  }
0x70: {  	v19 =	vmov s13  }
0x71: {  	v19 =	vshrl.u32 v19, $0x3  }
0x72: {  	v19 =	vshll.u32 v19, v1  }
0x73: {  	v19 =	vbroadcast v19, $0x0  }
0x74: {  	[tilespmem:v18+s21+$0x0] =	vst.idx.msk $0xffff, v17  }
0x75: {  	v18 =	vadd.s32 v7, v19;
	v17 =	vld [tilespmem:s0+$0xFFFFFFE0];
	_ =	sdelay $0x4  }
0x76: {  	[tilespmem:v18+s21+$0x0] =	vst.idx.msk $0xffff, v17  }
0x77: {  	s13 =	sadd.s32 $0xFFFFFFFD, s1;
	v18 =	vadd.s32 v8, v19;
	v17 =	vld [tilespmem:s0+$0xFFFFFFF0]  }
0x78: {  	v19 =	vmov s13  }
0x79: {  	v19 =	vshrl.u32 v19, $0x3  }
0x7a: {  	v19 =	vshll.u32 v19, v1  }
0x7b: {  	v19 =	vbroadcast v19, $0x0  }
0x7c: {  	[tilespmem:v18+s21+$0x0] =	vst.idx.msk $0xffff, v17  }
0x7d: {  	v18 =	vadd.s32 v9, v19;
	v17 =	vld [tilespmem:s0+$0x0];
	_ =	sdelay $0x4  }
0x7e: {  	[tilespmem:v18+s21+$0x0] =	vst.idx.msk $0xffff, v17  }
0x7f: {  	s13 =	sadd.s32 $0xFFFFFFFE, s1;
	v18 =	vadd.s32 v10, v19;
	v17 =	vld [tilespmem:s0+$0x10]  }
0x80: {  	v19 =	vmov s13  }
0x81: {  	v19 =	vshrl.u32 v19, $0x3  }
0x82: {  	v19 =	vshll.u32 v19, v1  }
0x83: {  	v19 =	vbroadcast v19, $0x0  }
0x84: {  	[tilespmem:v18+s21+$0x0] =	vst.idx.msk $0xffff, v17  }
0x85: {  	v18 =	vadd.s32 v11, v19;
	v17 =	vld [tilespmem:s0+$0x20];
	_ =	sdelay $0x4  }
0x86: {  	[tilespmem:v18+s21+$0x0] =	vst.idx.msk $0xffff, v17  }
0x87: {  	s13 =	sadd.s32 $0xFFFFFFFF, s1;
	v18 =	vadd.s32 v12, v19;
	v17 =	vld [tilespmem:s0+$0x30]  }
0x88: {  	v19 =	vmov s13  }
0x89: {  	v19 =	vshrl.u32 v19, $0x3  }
0x8a: {  	v19 =	vshll.u32 v19, v1  }
0x8b: {  	v19 =	vbroadcast v19, $0x0  }
0x8c: {  	[tilespmem:v18+s21+$0x0] =	vst.idx.msk $0xffff, v17  }
0x8d: {  	v18 =	vadd.s32 v13, v19;
	v17 =	vld [tilespmem:s0+$0x40];
	_ =	sdelay $0x4  }
0x8e: {  	[tilespmem:v18+s21+$0x0] =	vst.idx.msk $0xffff, v17  }
0x8f: {  	v18 =	vadd.s32 v14, v19;
	v17 =	vld [tilespmem:s0+$0x50]  }
0x90: {  	v19 =	vmov s1;
	s1 =	smov.u32 s7  }
0x91: {  	v19 =	vshrl.u32 v19, $0x3  }
0x92: {  	v19 =	vshll.u32 v19, v1  }
0x93: {  	v19 =	vbroadcast v19, $0x0  }
0x94: {  	[tilespmem:v18+s21+$0x0] =	vst.idx.msk $0xffff, v17  }
0x95: {  	v18 =	vadd.s32 v15, v19;
	v17 =	vld [tilespmem:s0+$0x60];
	_ =	sdelay $0x1  }
.Ltmp0:
0x96: {  	(pc) =	sbr.rel @p0 .LBB2_2-.Ltmp0, $3  }
0x97: {  	_ =	sdelay $0x1  }
0x98: {  	[tilespmem:v18+s21+$0x0] =	vst.idx.msk $0xffff, v17  }
0x99: {  	s7 =	sadd.s32 $0x8, s7;
	s13 =	sadd.s32 $0xFFFFFFF9, s1;
	v18 =	vadd.s32 v16, v19;
	v17 =	vld [tilespmem:s0+$0x70]  }
0x9a: {  	v19 =	vmov s13  }
0x9b: {  	v19 =	vshrl.u32 v19, $0x3  }
0x9c: {  	v19 =	vshll.u32 v19, v1  }
0x9d: {  	v19 =	vbroadcast v19, $0x0  }
0x9e: {  	s0 =	sadd.s32 $0x100, s0;
	[tilespmem:v18+s21+$0x0] =	vst.idx.msk $0xffff, v17  }
0x9f: {  	v17 =	vld [tilespmem:s0+$0xFFFFFF80];
	v18 =	vadd.s32 v0, v19;
	_ =	sdelay $0x4  }
0xa0: {  	[tilespmem:v18+s21+$0x0] =	vst.idx.msk $0xffff, v17  }
0xa1: {  	s7 =	sadd.s32 $0xFFFFFFFA, s1;
	v18 =	vadd.s32 v2, v19;
	v17 =	vld [tilespmem:s0+$0xFFFFFF90]  }
0xa2: {  	v19 =	vmov s7  }
0xa3: {  	v19 =	vshrl.u32 v19, $0x3  }
0xa4: {  	v19 =	vshll.u32 v19, v1  }
0xa5: {  	v19 =	vbroadcast v19, $0x0  }
0xa6: {  	[tilespmem:v18+s21+$0x0] =	vst.idx.msk $0xffff, v17  }
0xa7: {  	v18 =	vadd.s32 v3, v19;
	v17 =	vld [tilespmem:s0+$0xFFFFFFA0];
	_ =	sdelay $0x4  }
0xa8: {  	[tilespmem:v18+s21+$0x0] =	vst.idx.msk $0xffff, v17  }
0xa9: {  	s15 =	sadd.s32 $0xFFFFFFFB, s1;
	v18 =	vadd.s32 v4, v19;
	v17 =	vld [tilespmem:s0+$0xFFFFFFB0]  }
0xaa: {  	v19 =	vmov s15  }
0xab: {  	v19 =	vshrl.u32 v19, $0x3  }
0xac: {  	v19 =	vshll.u32 v19, v1  }
0xad: {  	v19 =	vbroadcast v19, $0x0  }
0xae: {  	[tilespmem:v18+s21+$0x0] =	vst.idx.msk $0xffff, v17  }
0xaf: {  	v18 =	vadd.s32 v5, v19;
	v17 =	vld [tilespmem:s0+$0xFFFFFFC0];
	_ =	sdelay $0x4  }
0xb0: {  	[tilespmem:v18+s21+$0x0] =	vst.idx.msk $0xffff, v17  }
0xb1: {  	s16 =	sadd.s32 $0xFFFFFFFC, s1;
	v18 =	vadd.s32 v6, v19;
	v17 =	vld [tilespmem:s0+$0xFFFFFFD0]  }
0xb2: {  	v19 =	vmov s16  }
0xb3: {  	v19 =	vshrl.u32 v19, $0x3  }
0xb4: {  	v19 =	vshll.u32 v19, v1  }
0xb5: {  	v19 =	vbroadcast v19, $0x0  }
0xb6: {  	[tilespmem:v18+s21+$0x0] =	vst.idx.msk $0xffff, v17  }
0xb7: {  	v18 =	vadd.s32 v7, v19;
	v17 =	vld [tilespmem:s0+$0xFFFFFFE0];
	_ =	sdelay $0x4  }
0xb8: {  	[tilespmem:v18+s21+$0x0] =	vst.idx.msk $0xffff, v17  }
0xb9: {  	s18 =	sadd.s32 $0xFFFFFFFD, s1;
	v18 =	vadd.s32 v8, v19;
	v17 =	vld [tilespmem:s0+$0xFFFFFFF0]  }
0xba: {  	v19 =	vmov s18  }
0xbb: {  	v19 =	vshrl.u32 v19, $0x3  }
0xbc: {  	v19 =	vshll.u32 v19, v1  }
0xbd: {  	v19 =	vbroadcast v19, $0x0  }
0xbe: {  	[tilespmem:v18+s21+$0x0] =	vst.idx.msk $0xffff, v17  }
0xbf: {  	v18 =	vadd.s32 v9, v19;
	v17 =	vld [tilespmem:s0+$0x0];
	_ =	sdelay $0x4  }
0xc0: {  	[tilespmem:v18+s21+$0x0] =	vst.idx.msk $0xffff, v17  }
0xc1: {  	s22 =	sadd.s32 $0xFFFFFFFE, s1;
	v18 =	vadd.s32 v10, v19;
	v17 =	vld [tilespmem:s0+$0x10]  }
0xc2: {  	v19 =	vmov s22  }
0xc3: {  	v19 =	vshrl.u32 v19, $0x3  }
0xc4: {  	v19 =	vshll.u32 v19, v1  }
0xc5: {  	v19 =	vbroadcast v19, $0x0  }
0xc6: {  	[tilespmem:v18+s21+$0x0] =	vst.idx.msk $0xffff, v17  }
0xc7: {  	v18 =	vadd.s32 v11, v19;
	v17 =	vld [tilespmem:s0+$0x20];
	_ =	sdelay $0x4  }
0xc8: {  	[tilespmem:v18+s21+$0x0] =	vst.idx.msk $0xffff, v17  }
0xc9: {  	s31 =	sadd.s32 $0xFFFFFFFF, s1;
	v18 =	vadd.s32 v12, v19;
	v17 =	vld [tilespmem:s0+$0x30]  }
0xca: {  	v19 =	vmov s31  }
0xcb: {  	v19 =	vshrl.u32 v19, $0x3  }
0xcc: {  	v19 =	vshll.u32 v19, v1  }
0xcd: {  	v19 =	vbroadcast v19, $0x0  }
0xce: {  	[tilespmem:v18+s21+$0x0] =	vst.idx.msk $0xffff, v17  }
0xcf: {  	v18 =	vadd.s32 v13, v19;
	v17 =	vld [tilespmem:s0+$0x40];
	_ =	sdelay $0x4  }
0xd0: {  	[tilespmem:v18+s21+$0x0] =	vst.idx.msk $0xffff, v17  }
0xd1: {  	v18 =	vadd.s32 v14, v19;
	v17 =	vld [tilespmem:s0+$0x50]  }
0xd2: {  	v19 =	vmov s1  }
0xd3: {  	v19 =	vshrl.u32 v19, $0x3  }
0xd4: {  	v19 =	vshll.u32 v19, v1  }
0xd5: {  	v19 =	vbroadcast v19, $0x0  }
0xd6: {  	[tilespmem:v18+s21+$0x0] =	vst.idx.msk $0xffff, v17  }
0xd7: {  	v18 =	vadd.s32 v15, v19;
	v17 =	vld [tilespmem:s0+$0x60];
	_ =	sdelay $0x4  }
0xd8: {  	[tilespmem:v18+s21+$0x0] =	vst.idx.msk $0xffff, v17  }
0xd9: {  	v18 =	vadd.s32 v16, v19;
	v17 =	vld [tilespmem:s0+$0x70];
	_ =	sdelay $0x3  }
0xda: {  	s13 =	sadd.s32 $0x0, s6  }
0xdb: {  	s7 =	simm.s32 $0xA488;
	s1 =	simm.s32 $0x200;
	s0 =	simm.s32 $0xA400;
	[tilespmem:v18+s21+$0x0] =	vst.idx.msk $0xffff, v17  }
.LBB2_4:
0xdc: {  	[hbm4b:s13+s2] =	stream.linear.scatter [tilespmem:s0], [sflag:$0x5], $0x80, $0x38;
	[tilespmem:$0xC600] =	vst v63  }
0xdd: {  	s13 =	smov.u32 s1;
	s0 =	smov.u32 s7;
	p0 =	sne.s32 s1, $0x3E00  }
.Ltmp1:
0xde: {  	s1 =	sadd.s32 $0x200, s1;
	(pc) =	sbr.rel @p0 .LBB2_4-.Ltmp1, $2  }
0xdf: {  	_ =	sdelay $0x2  }
0xe0: {  	s7 =	sadd.s32 $0x88, s7;
	s13 =	sadd.s32 s13, s6  }
0xe1: {  	[hbm4b:s13+s2] =	stream.linear.scatter [tilespmem:s0], [sflag:$0x5], $0x80, $0x38;
	[tilespmem:$0xC600] =	vst v63  }
0xe2: {  	s1 =	simm.s32 $0x0  }
0xe3: {  	s7 =	simm.s32 $0x180;
	v17 =	vmov s1  }
0xe4: {  	[tilespmem:s23], [sflag:$0x4] =	stream.indirect.gather [hbm4b:s5+s14], $0x20, s7, s14, $0xb8;
	v17 =	vshrl.u32 v17, $0x3;
	[tilespmem:$0xC600] =	vst v63  }
0xe5: {  	_ =	swait.ge [sflag:s24], $0x1000;
	v17 =	vshll.u32 v17, v1  }
0xe6: {  	[sflag:s24] =	ssyncset.done $0x0;
	v17 =	vbroadcast v17, $0x0  }
0xe7: {  	s0 =	simm.s32 $0x74F0;
	[sflag:s24] =	ssyncadd.s32 $0xFFFFF000  }
0xe8: {  	v18 =	vld [tilespmem:s0+$0xFFFFFF10];
	v19 =	vadd.s32 v0, v17;
	_ =	sdelay $0x4  }
0xe9: {  	[tilespmem:v19+s25+$0x0] =	vst.idx.msk $0xffff, v18  }
0xea: {  	s1 =	simm.s32 $0x1;
	v17 =	vadd.s32 v2, v17;
	v18 =	vld [tilespmem:s0+$0xFFFFFF20]  }
0xeb: {  	v19 =	vmov s1  }
0xec: {  	v19 =	vshrl.u32 v19, $0x3  }
0xed: {  	v19 =	vshll.u32 v19, v1  }
0xee: {  	v19 =	vbroadcast v19, $0x0  }
0xef: {  	[tilespmem:v17+s25+$0x0] =	vst.idx.msk $0xffff, v18  }
0xf0: {  	v18 =	vadd.s32 v3, v19;
	v17 =	vld [tilespmem:s0+$0xFFFFFF30];
	_ =	sdelay $0x4  }
0xf1: {  	[tilespmem:v18+s25+$0x0] =	vst.idx.msk $0xffff, v17  }
0xf2: {  	s13 =	simm.s32 $0x2;
	v18 =	vadd.s32 v4, v19;
	v17 =	vld [tilespmem:s0+$0xFFFFFF40]  }
0xf3: {  	v19 =	vmov s13  }
0xf4: {  	v19 =	vshrl.u32 v19, $0x3  }
0xf5: {  	v19 =	vshll.u32 v19, v1  }
0xf6: {  	v19 =	vbroadcast v19, $0x0  }
0xf7: {  	[tilespmem:v18+s25+$0x0] =	vst.idx.msk $0xffff, v17  }
0xf8: {  	v18 =	vadd.s32 v5, v19;
	v17 =	vld [tilespmem:s0+$0xFFFFFF50];
	_ =	sdelay $0x4  }
0xf9: {  	[tilespmem:v18+s25+$0x0] =	vst.idx.msk $0xffff, v17  }
0xfa: {  	s15 =	simm.s32 $0x3;
	v18 =	vadd.s32 v6, v19;
	v17 =	vld [tilespmem:s0+$0xFFFFFF60]  }
0xfb: {  	v19 =	vmov s15  }
0xfc: {  	v19 =	vshrl.u32 v19, $0x3  }
0xfd: {  	v19 =	vshll.u32 v19, v1  }
0xfe: {  	v19 =	vbroadcast v19, $0x0  }
0xff: {  	[tilespmem:v18+s25+$0x0] =	vst.idx.msk $0xffff, v17  }
0x100: {  	v18 =	vadd.s32 v7, v19;
	v17 =	vld [tilespmem:s0+$0xFFFFFF70];
	_ =	sdelay $0x4  }
0x101: {  	[tilespmem:v18+s25+$0x0] =	vst.idx.msk $0xffff, v17  }
0x102: {  	s16 =	simm.s32 $0x4;
	v18 =	vadd.s32 v8, v19;
	v17 =	vld [tilespmem:s0+$0xFFFFFF80]  }
0x103: {  	v19 =	vmov s16  }
0x104: {  	v19 =	vshrl.u32 v19, $0x3  }
0x105: {  	v19 =	vshll.u32 v19, v1  }
0x106: {  	v19 =	vbroadcast v19, $0x0  }
0x107: {  	[tilespmem:v18+s25+$0x0] =	vst.idx.msk $0xffff, v17  }
0x108: {  	v18 =	vadd.s32 v9, v19;
	v17 =	vld [tilespmem:s0+$0xFFFFFF90];
	_ =	sdelay $0x4  }
0x109: {  	[tilespmem:v18+s25+$0x0] =	vst.idx.msk $0xffff, v17  }
0x10a: {  	s18 =	simm.s32 $0x5;
	v18 =	vadd.s32 v10, v19;
	v17 =	vld [tilespmem:s0+$0xFFFFFFA0]  }
0x10b: {  	v19 =	vmov s18  }
0x10c: {  	v19 =	vshrl.u32 v19, $0x3  }
0x10d: {  	v19 =	vshll.u32 v19, v1  }
0x10e: {  	v19 =	vbroadcast v19, $0x0  }
0x10f: {  	[tilespmem:v18+s25+$0x0] =	vst.idx.msk $0xffff, v17  }
0x110: {  	v18 =	vadd.s32 v11, v19;
	v17 =	vld [tilespmem:s0+$0xFFFFFFB0];
	_ =	sdelay $0x4  }
0x111: {  	[tilespmem:v18+s25+$0x0] =	vst.idx.msk $0xffff, v17  }
0x112: {  	s22 =	simm.s32 $0x6;
	v18 =	vadd.s32 v12, v19;
	v17 =	vld [tilespmem:s0+$0xFFFFFFC0]  }
0x113: {  	v19 =	vmov s22  }
0x114: {  	v19 =	vshrl.u32 v19, $0x3  }
0x115: {  	v19 =	vshll.u32 v19, v1  }
0x116: {  	v19 =	vbroadcast v19, $0x0  }
0x117: {  	[tilespmem:v18+s25+$0x0] =	vst.idx.msk $0xffff, v17  }
0x118: {  	v18 =	vadd.s32 v13, v19;
	v17 =	vld [tilespmem:s0+$0xFFFFFFD0];
	_ =	sdelay $0x4  }
0x119: {  	[tilespmem:v18+s25+$0x0] =	vst.idx.msk $0xffff, v17  }
0x11a: {  	s31 =	simm.s32 $0x7;
	v18 =	vadd.s32 v14, v19;
	v17 =	vld [tilespmem:s0+$0xFFFFFFE0]  }
0x11b: {  	v19 =	vmov s31  }
0x11c: {  	v19 =	vshrl.u32 v19, $0x3  }
0x11d: {  	v19 =	vshll.u32 v19, v1  }
0x11e: {  	v19 =	vbroadcast v19, $0x0  }
0x11f: {  	[tilespmem:v18+s25+$0x0] =	vst.idx.msk $0xffff, v17  }
0x120: {  	v18 =	vadd.s32 v15, v19;
	v17 =	vld [tilespmem:s0+$0xFFFFFFF0];
	_ =	sdelay $0x4  }
0x121: {  	[tilespmem:v18+s25+$0x0] =	vst.idx.msk $0xffff, v17  }
0x122: {  	s7 =	simm.s32 $0x17;
	s1 =	simm.s32 $0xF;
	s13 =	simm.s32 $0x8;
	v18 =	vadd.s32 v16, v19;
	v17 =	vld [tilespmem:s0+$0x0]  }
.LBB2_6:
0x123: {  	p0 =	sne.s32 s7, $0x7F;
	v19 =	vmov s13  }
0x124: {  	v19 =	vshrl.u32 v19, $0x3  }
0x125: {  	v19 =	vshll.u32 v19, v1  }
0x126: {  	v19 =	vbroadcast v19, $0x0  }
0x127: {  	s0 =	sadd.s32 $0x100, s0;
	[tilespmem:v18+s25+$0x0] =	vst.idx.msk $0xffff, v17  }
0x128: {  	v17 =	vld [tilespmem:s0+$0xFFFFFF10];
	v18 =	vadd.s32 v0, v19;
	_ =	sdelay $0x4  }
0x129: {  	[tilespmem:v18+s25+$0x0] =	vst.idx.msk $0xffff, v17  }
0x12a: {  	s13 =	sadd.s32 $0xFFFFFFFA, s1;
	v18 =	vadd.s32 v2, v19;
	v17 =	vld [tilespmem:s0+$0xFFFFFF20]  }
0x12b: {  	v19 =	vmov s13  }
0x12c: {  	v19 =	vshrl.u32 v19, $0x3  }
0x12d: {  	v19 =	vshll.u32 v19, v1  }
0x12e: {  	v19 =	vbroadcast v19, $0x0  }
0x12f: {  	[tilespmem:v18+s25+$0x0] =	vst.idx.msk $0xffff, v17  }
0x130: {  	v18 =	vadd.s32 v3, v19;
	v17 =	vld [tilespmem:s0+$0xFFFFFF30];
	_ =	sdelay $0x4  }
0x131: {  	[tilespmem:v18+s25+$0x0] =	vst.idx.msk $0xffff, v17  }
0x132: {  	s13 =	sadd.s32 $0xFFFFFFFB, s1;
	v18 =	vadd.s32 v4, v19;
	v17 =	vld [tilespmem:s0+$0xFFFFFF40]  }
0x133: {  	v19 =	vmov s13  }
0x134: {  	v19 =	vshrl.u32 v19, $0x3  }
0x135: {  	v19 =	vshll.u32 v19, v1  }
0x136: {  	v19 =	vbroadcast v19, $0x0  }
0x137: {  	[tilespmem:v18+s25+$0x0] =	vst.idx.msk $0xffff, v17  }
0x138: {  	v18 =	vadd.s32 v5, v19;
	v17 =	vld [tilespmem:s0+$0xFFFFFF50];
	_ =	sdelay $0x4  }
0x139: {  	[tilespmem:v18+s25+$0x0] =	vst.idx.msk $0xffff, v17  }
0x13a: {  	s13 =	sadd.s32 $0xFFFFFFFC, s1;
	v18 =	vadd.s32 v6, v19;
	v17 =	vld [tilespmem:s0+$0xFFFFFF60]  }
0x13b: {  	v19 =	vmov s13  }
0x13c: {  	v19 =	vshrl.u32 v19, $0x3  }
0x13d: {  	v19 =	vshll.u32 v19, v1  }
0x13e: {  	v19 =	vbroadcast v19, $0x0  }
0x13f: {  	[tilespmem:v18+s25+$0x0] =	vst.idx.msk $0xffff, v17  }
0x140: {  	v18 =	vadd.s32 v7, v19;
	v17 =	vld [tilespmem:s0+$0xFFFFFF70];
	_ =	sdelay $0x4  }
0x141: {  	[tilespmem:v18+s25+$0x0] =	vst.idx.msk $0xffff, v17  }
0x142: {  	s13 =	sadd.s32 $0xFFFFFFFD, s1;
	v18 =	vadd.s32 v8, v19;
	v17 =	vld [tilespmem:s0+$0xFFFFFF80]  }
0x143: {  	v19 =	vmov s13  }
0x144: {  	v19 =	vshrl.u32 v19, $0x3  }
0x145: {  	v19 =	vshll.u32 v19, v1  }
0x146: {  	v19 =	vbroadcast v19, $0x0  }
0x147: {  	[tilespmem:v18+s25+$0x0] =	vst.idx.msk $0xffff, v17  }
0x148: {  	v18 =	vadd.s32 v9, v19;
	v17 =	vld [tilespmem:s0+$0xFFFFFF90];
	_ =	sdelay $0x4  }
0x149: {  	[tilespmem:v18+s25+$0x0] =	vst.idx.msk $0xffff, v17  }
0x14a: {  	s13 =	sadd.s32 $0xFFFFFFFE, s1;
	v18 =	vadd.s32 v10, v19;
	v17 =	vld [tilespmem:s0+$0xFFFFFFA0]  }
0x14b: {  	v19 =	vmov s13  }
0x14c: {  	v19 =	vshrl.u32 v19, $0x3  }
0x14d: {  	v19 =	vshll.u32 v19, v1  }
0x14e: {  	v19 =	vbroadcast v19, $0x0  }
0x14f: {  	[tilespmem:v18+s25+$0x0] =	vst.idx.msk $0xffff, v17  }
0x150: {  	v18 =	vadd.s32 v11, v19;
	v17 =	vld [tilespmem:s0+$0xFFFFFFB0];
	_ =	sdelay $0x4  }
0x151: {  	[tilespmem:v18+s25+$0x0] =	vst.idx.msk $0xffff, v17  }
0x152: {  	s13 =	sadd.s32 $0xFFFFFFFF, s1;
	v18 =	vadd.s32 v12, v19;
	v17 =	vld [tilespmem:s0+$0xFFFFFFC0]  }
0x153: {  	v19 =	vmov s13  }
0x154: {  	v19 =	vshrl.u32 v19, $0x3  }
0x155: {  	v19 =	vshll.u32 v19, v1  }
0x156: {  	v19 =	vbroadcast v19, $0x0  }
0x157: {  	[tilespmem:v18+s25+$0x0] =	vst.idx.msk $0xffff, v17  }
0x158: {  	v18 =	vadd.s32 v13, v19;
	v17 =	vld [tilespmem:s0+$0xFFFFFFD0];
	_ =	sdelay $0x4  }
0x159: {  	[tilespmem:v18+s25+$0x0] =	vst.idx.msk $0xffff, v17  }
0x15a: {  	v18 =	vadd.s32 v14, v19;
	v17 =	vld [tilespmem:s0+$0xFFFFFFE0]  }
0x15b: {  	v19 =	vmov s1;
	s1 =	smov.u32 s7  }
0x15c: {  	v19 =	vshrl.u32 v19, $0x3  }
0x15d: {  	v19 =	vshll.u32 v19, v1  }
0x15e: {  	v19 =	vbroadcast v19, $0x0  }
0x15f: {  	[tilespmem:v18+s25+$0x0] =	vst.idx.msk $0xffff, v17  }
0x160: {  	v18 =	vadd.s32 v15, v19;
	v17 =	vld [tilespmem:s0+$0xFFFFFFF0];
	_ =	sdelay $0x1  }
.Ltmp2:
0x161: {  	(pc) =	sbr.rel @p0 .LBB2_6-.Ltmp2, $3  }
0x162: {  	_ =	sdelay $0x1  }
0x163: {  	[tilespmem:v18+s25+$0x0] =	vst.idx.msk $0xffff, v17  }
0x164: {  	s7 =	sadd.s32 $0x8, s7;
	s13 =	sadd.s32 $0xFFFFFFF9, s1;
	v18 =	vadd.s32 v16, v19;
	v17 =	vld [tilespmem:s0+$0x0]  }
0x165: {  	v19 =	vmov s13  }
0x166: {  	v19 =	vshrl.u32 v19, $0x3  }
0x167: {  	v19 =	vshll.u32 v19, v1  }
0x168: {  	v19 =	vbroadcast v19, $0x0  }
0x169: {  	s0 =	sadd.s32 $0x100, s0;
	[tilespmem:v18+s25+$0x0] =	vst.idx.msk $0xffff, v17  }
0x16a: {  	v17 =	vld [tilespmem:s0+$0xFFFFFF10];
	v18 =	vadd.s32 v0, v19;
	_ =	sdelay $0x4  }
0x16b: {  	[tilespmem:v18+s25+$0x0] =	vst.idx.msk $0xffff, v17  }
0x16c: {  	s7 =	sadd.s32 $0xFFFFFFFA, s1;
	v18 =	vadd.s32 v2, v19;
	v17 =	vld [tilespmem:s0+$0xFFFFFF20]  }
0x16d: {  	v19 =	vmov s7  }
0x16e: {  	v19 =	vshrl.u32 v19, $0x3  }
0x16f: {  	v19 =	vshll.u32 v19, v1  }
0x170: {  	v19 =	vbroadcast v19, $0x0  }
0x171: {  	[tilespmem:v18+s25+$0x0] =	vst.idx.msk $0xffff, v17  }
0x172: {  	v18 =	vadd.s32 v3, v19;
	v17 =	vld [tilespmem:s0+$0xFFFFFF30];
	_ =	sdelay $0x4  }
0x173: {  	[tilespmem:v18+s25+$0x0] =	vst.idx.msk $0xffff, v17  }
0x174: {  	s15 =	sadd.s32 $0xFFFFFFFB, s1;
	v18 =	vadd.s32 v4, v19;
	v17 =	vld [tilespmem:s0+$0xFFFFFF40]  }
0x175: {  	v19 =	vmov s15  }
0x176: {  	v19 =	vshrl.u32 v19, $0x3  }
0x177: {  	v19 =	vshll.u32 v19, v1  }
0x178: {  	v19 =	vbroadcast v19, $0x0  }
0x179: {  	[tilespmem:v18+s25+$0x0] =	vst.idx.msk $0xffff, v17  }
0x17a: {  	v18 =	vadd.s32 v5, v19;
	v17 =	vld [tilespmem:s0+$0xFFFFFF50];
	_ =	sdelay $0x4  }
0x17b: {  	[tilespmem:v18+s25+$0x0] =	vst.idx.msk $0xffff, v17  }
0x17c: {  	s16 =	sadd.s32 $0xFFFFFFFC, s1;
	v18 =	vadd.s32 v6, v19;
	v17 =	vld [tilespmem:s0+$0xFFFFFF60]  }
0x17d: {  	v19 =	vmov s16  }
0x17e: {  	v19 =	vshrl.u32 v19, $0x3  }
0x17f: {  	v19 =	vshll.u32 v19, v1  }
0x180: {  	v19 =	vbroadcast v19, $0x0  }
0x181: {  	[tilespmem:v18+s25+$0x0] =	vst.idx.msk $0xffff, v17  }
0x182: {  	v18 =	vadd.s32 v7, v19;
	v17 =	vld [tilespmem:s0+$0xFFFFFF70];
	_ =	sdelay $0x4  }
0x183: {  	[tilespmem:v18+s25+$0x0] =	vst.idx.msk $0xffff, v17  }
0x184: {  	s18 =	sadd.s32 $0xFFFFFFFD, s1;
	v18 =	vadd.s32 v8, v19;
	v17 =	vld [tilespmem:s0+$0xFFFFFF80]  }
0x185: {  	v19 =	vmov s18  }
0x186: {  	v19 =	vshrl.u32 v19, $0x3  }
0x187: {  	v19 =	vshll.u32 v19, v1  }
0x188: {  	v19 =	vbroadcast v19, $0x0  }
0x189: {  	[tilespmem:v18+s25+$0x0] =	vst.idx.msk $0xffff, v17  }
0x18a: {  	v18 =	vadd.s32 v9, v19;
	v17 =	vld [tilespmem:s0+$0xFFFFFF90];
	_ =	sdelay $0x4  }
0x18b: {  	[tilespmem:v18+s25+$0x0] =	vst.idx.msk $0xffff, v17  }
0x18c: {  	s22 =	sadd.s32 $0xFFFFFFFE, s1;
	v18 =	vadd.s32 v10, v19;
	v17 =	vld [tilespmem:s0+$0xFFFFFFA0]  }
0x18d: {  	v19 =	vmov s22  }
0x18e: {  	v19 =	vshrl.u32 v19, $0x3  }
0x18f: {  	v19 =	vshll.u32 v19, v1  }
0x190: {  	v19 =	vbroadcast v19, $0x0  }
0x191: {  	[tilespmem:v18+s25+$0x0] =	vst.idx.msk $0xffff, v17  }
0x192: {  	v18 =	vadd.s32 v11, v19;
	v17 =	vld [tilespmem:s0+$0xFFFFFFB0];
	_ =	sdelay $0x4  }
0x193: {  	[tilespmem:v18+s25+$0x0] =	vst.idx.msk $0xffff, v17  }
0x194: {  	s31 =	sadd.s32 $0xFFFFFFFF, s1;
	v18 =	vadd.s32 v12, v19;
	v17 =	vld [tilespmem:s0+$0xFFFFFFC0]  }
0x195: {  	v19 =	vmov s31  }
0x196: {  	v19 =	vshrl.u32 v19, $0x3  }
0x197: {  	v19 =	vshll.u32 v19, v1  }
0x198: {  	v19 =	vbroadcast v19, $0x0  }
0x199: {  	[tilespmem:v18+s25+$0x0] =	vst.idx.msk $0xffff, v17  }
0x19a: {  	v18 =	vadd.s32 v13, v19;
	v17 =	vld [tilespmem:s0+$0xFFFFFFD0];
	_ =	sdelay $0x4  }
0x19b: {  	[tilespmem:v18+s25+$0x0] =	vst.idx.msk $0xffff, v17  }
0x19c: {  	v18 =	vadd.s32 v14, v19;
	v17 =	vld [tilespmem:s0+$0xFFFFFFE0]  }
0x19d: {  	v19 =	vmov s1  }
0x19e: {  	v19 =	vshrl.u32 v19, $0x3  }
0x19f: {  	v19 =	vshll.u32 v19, v1  }
0x1a0: {  	v19 =	vbroadcast v19, $0x0  }
0x1a1: {  	[tilespmem:v18+s25+$0x0] =	vst.idx.msk $0xffff, v17  }
0x1a2: {  	v18 =	vadd.s32 v15, v19;
	v17 =	vld [tilespmem:s0+$0xFFFFFFF0];
	_ =	sdelay $0x4  }
0x1a3: {  	[tilespmem:v18+s25+$0x0] =	vst.idx.msk $0xffff, v17  }
0x1a4: {  	v18 =	vadd.s32 v16, v19;
	v17 =	vld [tilespmem:s0+$0x0];
	_ =	sdelay $0x3  }
0x1a5: {  	s13 =	simm.s32 $0xB588;
	s7 =	simm.s32 $0x200  }
0x1a6: {  	s15 =	sadd.s32 $0x0, s8;
	s1 =	simm.s32 $0xB500;
	s0 =	simm.s32 $0x0;
	[tilespmem:v18+s25+$0x0] =	vst.idx.msk $0xffff, v17  }
.LBB2_8:
0x1a7: {  	[hbm4b:s15+s0] =	stream.linear.scatter [tilespmem:s1], [sflag:$0x6], $0x80, $0x38;
	[tilespmem:$0xC600] =	vst v63  }
0x1a8: {  	s15 =	smov.u32 s7;
	s1 =	smov.u32 s13;
	p0 =	sne.s32 s7, $0x3E00  }
.Ltmp3:
0x1a9: {  	s7 =	sadd.s32 $0x200, s7;
	(pc) =	sbr.rel @p0 .LBB2_8-.Ltmp3, $2  }
0x1aa: {  	_ =	sdelay $0x2  }
0x1ab: {  	s13 =	sadd.s32 $0x88, s13;
	s15 =	sadd.s32 s15, s8  }
0x1ac: {  	[hbm4b:s15+s0] =	stream.linear.scatter [tilespmem:s1], [sflag:$0x6], $0x80, $0x38;
	[tilespmem:$0xC600] =	vst v63  }
.LBB2_10:
0x1ad: {  	s15 =	sshll.u32 s0, $0x2  }
0x1ae: {  	_ =	swait.ge [sflag:s26], $0x1000;
	s1 =	sadd.s32 $0x4, s15  }
0x1af: {  	s13 =	simm.s32 $0x0;
	[sflag:s26] =	ssyncset.done $0x0;
	s7 =	sshll.u32 s1, $0x7  }
0x1b0: {  	s31 =	simm.s32 $0x6400;
	v17 =	vmov s13;
	[sflag:s26] =	ssyncadd.s32 $0xFFFFF000;
	s7 =	sand.u32 $0x3FFFFE00, s7  }
0x1b1: {  	v17 =	vshrl.u32 v17, $0x3;
	[tilespmem:s31], [sflag:$0x1] =	stream.indirect.gather [hbm4b:s5+s14], $0x20, s7, s14, $0xb8;
	[tilespmem:$0xC600] =	vst v63  }
0x1b2: {  	v17 =	vshll.u32 v17, v1;
	_ =	swait.ge [sflag:s28], $0x1000  }
0x1b3: {  	v17 =	vbroadcast v17, $0x0;
	[sflag:s28] =	ssyncset.done $0x0  }
0x1b4: {  	s18 =	simm.s32 $0x84F0;
	[sflag:s28] =	ssyncadd.s32 $0xFFFFF000  }
0x1b5: {  	v19 =	vadd.s32 v0, v17;
	v18 =	vld [tilespmem:s18+$0xFFFFFF10];
	_ =	sdelay $0x4  }
0x1b6: {  	[tilespmem:v19+s21+$0x0] =	vst.idx.msk $0xffff, v18  }
0x1b7: {  	s16 =	simm.s32 $0x1;
	v17 =	vadd.s32 v2, v17;
	v18 =	vld [tilespmem:s18+$0xFFFFFF20]  }
0x1b8: {  	v19 =	vmov s16  }
0x1b9: {  	v19 =	vshrl.u32 v19, $0x3  }
0x1ba: {  	v19 =	vshll.u32 v19, v1  }
0x1bb: {  	v19 =	vbroadcast v19, $0x0  }
0x1bc: {  	[tilespmem:v17+s21+$0x0] =	vst.idx.msk $0xffff, v18  }
0x1bd: {  	v18 =	vadd.s32 v3, v19;
	v17 =	vld [tilespmem:s18+$0xFFFFFF30];
	_ =	sdelay $0x4  }
0x1be: {  	[tilespmem:v18+s21+$0x0] =	vst.idx.msk $0xffff, v17  }
0x1bf: {  	s22 =	simm.s32 $0x2;
	v18 =	vadd.s32 v4, v19;
	v17 =	vld [tilespmem:s18+$0xFFFFFF40]  }
0x1c0: {  	v19 =	vmov s22  }
0x1c1: {  	v19 =	vshrl.u32 v19, $0x3  }
0x1c2: {  	v19 =	vshll.u32 v19, v1  }
0x1c3: {  	v19 =	vbroadcast v19, $0x0  }
0x1c4: {  	[tilespmem:v18+s21+$0x0] =	vst.idx.msk $0xffff, v17  }
0x1c5: {  	v18 =	vadd.s32 v5, v19;
	v17 =	vld [tilespmem:s18+$0xFFFFFF50];
	_ =	sdelay $0x4  }
0x1c6: {  	[tilespmem:v18+s21+$0x0] =	vst.idx.msk $0xffff, v17  }
0x1c7: {  	s31 =	simm.s32 $0x3;
	v18 =	vadd.s32 v6, v19;
	v17 =	vld [tilespmem:s18+$0xFFFFFF60]  }
0x1c8: {  	v19 =	vmov s31  }
0x1c9: {  	v19 =	vshrl.u32 v19, $0x3  }
0x1ca: {  	v19 =	vshll.u32 v19, v1  }
0x1cb: {  	v19 =	vbroadcast v19, $0x0  }
0x1cc: {  	[tilespmem:v18+s21+$0x0] =	vst.idx.msk $0xffff, v17  }
0x1cd: {  	v18 =	vadd.s32 v7, v19;
	v17 =	vld [tilespmem:s18+$0xFFFFFF70];
	_ =	sdelay $0x4  }
0x1ce: {  	[tilespmem:v18+s21+$0x0] =	vst.idx.msk $0xffff, v17  }
0x1cf: {  	s13 =	simm.s32 $0x4;
	v18 =	vadd.s32 v8, v19;
	v17 =	vld [tilespmem:s18+$0xFFFFFF80]  }
0x1d0: {  	v19 =	vmov s13  }
0x1d1: {  	v19 =	vshrl.u32 v19, $0x3  }
0x1d2: {  	v19 =	vshll.u32 v19, v1  }
0x1d3: {  	v19 =	vbroadcast v19, $0x0  }
0x1d4: {  	[tilespmem:v18+s21+$0x0] =	vst.idx.msk $0xffff, v17  }
0x1d5: {  	v18 =	vadd.s32 v9, v19;
	v17 =	vld [tilespmem:s18+$0xFFFFFF90];
	_ =	sdelay $0x4  }
0x1d6: {  	[tilespmem:v18+s21+$0x0] =	vst.idx.msk $0xffff, v17  }
0x1d7: {  	s16 =	simm.s32 $0x5;
	v18 =	vadd.s32 v10, v19;
	v17 =	vld [tilespmem:s18+$0xFFFFFFA0]  }
0x1d8: {  	v19 =	vmov s16  }
0x1d9: {  	v19 =	vshrl.u32 v19, $0x3  }
0x1da: {  	v19 =	vshll.u32 v19, v1  }
0x1db: {  	v19 =	vbroadcast v19, $0x0  }
0x1dc: {  	[tilespmem:v18+s21+$0x0] =	vst.idx.msk $0xffff, v17  }
0x1dd: {  	v18 =	vadd.s32 v11, v19;
	v17 =	vld [tilespmem:s18+$0xFFFFFFB0];
	_ =	sdelay $0x4  }
0x1de: {  	[tilespmem:v18+s21+$0x0] =	vst.idx.msk $0xffff, v17  }
0x1df: {  	s22 =	simm.s32 $0x6;
	v18 =	vadd.s32 v12, v19;
	v17 =	vld [tilespmem:s18+$0xFFFFFFC0]  }
0x1e0: {  	v19 =	vmov s22  }
0x1e1: {  	v19 =	vshrl.u32 v19, $0x3  }
0x1e2: {  	v19 =	vshll.u32 v19, v1  }
0x1e3: {  	v19 =	vbroadcast v19, $0x0  }
0x1e4: {  	[tilespmem:v18+s21+$0x0] =	vst.idx.msk $0xffff, v17  }
0x1e5: {  	v18 =	vadd.s32 v13, v19;
	v17 =	vld [tilespmem:s18+$0xFFFFFFD0];
	_ =	sdelay $0x4  }
0x1e6: {  	[tilespmem:v18+s21+$0x0] =	vst.idx.msk $0xffff, v17  }
0x1e7: {  	s31 =	simm.s32 $0x7;
	v18 =	vadd.s32 v14, v19;
	v17 =	vld [tilespmem:s18+$0xFFFFFFE0]  }
0x1e8: {  	v19 =	vmov s31  }
0x1e9: {  	v19 =	vshrl.u32 v19, $0x3  }
0x1ea: {  	v19 =	vshll.u32 v19, v1  }
0x1eb: {  	v19 =	vbroadcast v19, $0x0  }
0x1ec: {  	[tilespmem:v18+s21+$0x0] =	vst.idx.msk $0xffff, v17  }
0x1ed: {  	v18 =	vadd.s32 v15, v19;
	v17 =	vld [tilespmem:s18+$0xFFFFFFF0];
	_ =	sdelay $0x4  }
0x1ee: {  	[tilespmem:v18+s21+$0x0] =	vst.idx.msk $0xffff, v17  }
0x1ef: {  	s7 =	simm.s32 $0x17;
	s13 =	simm.s32 $0x8;
	s22 =	simm.s32 $0xF;
	v18 =	vadd.s32 v16, v19;
	v17 =	vld [tilespmem:s18+$0x0]  }
.LBB2_11:
0x1f0: {  	p0 =	sne.s32 s7, $0x7F;
	v19 =	vmov s13  }
0x1f1: {  	v19 =	vshrl.u32 v19, $0x3  }
0x1f2: {  	v19 =	vshll.u32 v19, v1  }
0x1f3: {  	v19 =	vbroadcast v19, $0x0  }
0x1f4: {  	s18 =	sadd.s32 $0x100, s18;
	[tilespmem:v18+s21+$0x0] =	vst.idx.msk $0xffff, v17  }
0x1f5: {  	v17 =	vld [tilespmem:s18+$0xFFFFFF10];
	v18 =	vadd.s32 v0, v19;
	_ =	sdelay $0x4  }
0x1f6: {  	[tilespmem:v18+s21+$0x0] =	vst.idx.msk $0xffff, v17  }
0x1f7: {  	s13 =	sadd.s32 $0xFFFFFFFA, s22;
	v18 =	vadd.s32 v2, v19;
	v17 =	vld [tilespmem:s18+$0xFFFFFF20]  }
0x1f8: {  	v19 =	vmov s13  }
0x1f9: {  	v19 =	vshrl.u32 v19, $0x3  }
0x1fa: {  	v19 =	vshll.u32 v19, v1  }
0x1fb: {  	v19 =	vbroadcast v19, $0x0  }
0x1fc: {  	[tilespmem:v18+s21+$0x0] =	vst.idx.msk $0xffff, v17  }
0x1fd: {  	v18 =	vadd.s32 v3, v19;
	v17 =	vld [tilespmem:s18+$0xFFFFFF30];
	_ =	sdelay $0x4  }
0x1fe: {  	[tilespmem:v18+s21+$0x0] =	vst.idx.msk $0xffff, v17  }
0x1ff: {  	s13 =	sadd.s32 $0xFFFFFFFB, s22;
	v18 =	vadd.s32 v4, v19;
	v17 =	vld [tilespmem:s18+$0xFFFFFF40]  }
0x200: {  	v19 =	vmov s13  }
0x201: {  	v19 =	vshrl.u32 v19, $0x3  }
0x202: {  	v19 =	vshll.u32 v19, v1  }
0x203: {  	v19 =	vbroadcast v19, $0x0  }
0x204: {  	[tilespmem:v18+s21+$0x0] =	vst.idx.msk $0xffff, v17  }
0x205: {  	v18 =	vadd.s32 v5, v19;
	v17 =	vld [tilespmem:s18+$0xFFFFFF50];
	_ =	sdelay $0x4  }
0x206: {  	[tilespmem:v18+s21+$0x0] =	vst.idx.msk $0xffff, v17  }
0x207: {  	s13 =	sadd.s32 $0xFFFFFFFC, s22;
	v18 =	vadd.s32 v6, v19;
	v17 =	vld [tilespmem:s18+$0xFFFFFF60]  }
0x208: {  	v19 =	vmov s13  }
0x209: {  	v19 =	vshrl.u32 v19, $0x3  }
0x20a: {  	v19 =	vshll.u32 v19, v1  }
0x20b: {  	v19 =	vbroadcast v19, $0x0  }
0x20c: {  	[tilespmem:v18+s21+$0x0] =	vst.idx.msk $0xffff, v17  }
0x20d: {  	v18 =	vadd.s32 v7, v19;
	v17 =	vld [tilespmem:s18+$0xFFFFFF70];
	_ =	sdelay $0x4  }
0x20e: {  	[tilespmem:v18+s21+$0x0] =	vst.idx.msk $0xffff, v17  }
0x20f: {  	s13 =	sadd.s32 $0xFFFFFFFD, s22;
	v18 =	vadd.s32 v8, v19;
	v17 =	vld [tilespmem:s18+$0xFFFFFF80]  }
0x210: {  	v19 =	vmov s13  }
0x211: {  	v19 =	vshrl.u32 v19, $0x3  }
0x212: {  	v19 =	vshll.u32 v19, v1  }
0x213: {  	v19 =	vbroadcast v19, $0x0  }
0x214: {  	[tilespmem:v18+s21+$0x0] =	vst.idx.msk $0xffff, v17  }
0x215: {  	v18 =	vadd.s32 v9, v19;
	v17 =	vld [tilespmem:s18+$0xFFFFFF90];
	_ =	sdelay $0x4  }
0x216: {  	[tilespmem:v18+s21+$0x0] =	vst.idx.msk $0xffff, v17  }
0x217: {  	s13 =	sadd.s32 $0xFFFFFFFE, s22;
	v18 =	vadd.s32 v10, v19;
	v17 =	vld [tilespmem:s18+$0xFFFFFFA0]  }
0x218: {  	v19 =	vmov s13  }
0x219: {  	v19 =	vshrl.u32 v19, $0x3  }
0x21a: {  	v19 =	vshll.u32 v19, v1  }
0x21b: {  	v19 =	vbroadcast v19, $0x0  }
0x21c: {  	[tilespmem:v18+s21+$0x0] =	vst.idx.msk $0xffff, v17  }
0x21d: {  	v18 =	vadd.s32 v11, v19;
	v17 =	vld [tilespmem:s18+$0xFFFFFFB0];
	_ =	sdelay $0x4  }
0x21e: {  	[tilespmem:v18+s21+$0x0] =	vst.idx.msk $0xffff, v17  }
0x21f: {  	s13 =	sadd.s32 $0xFFFFFFFF, s22;
	v18 =	vadd.s32 v12, v19;
	v17 =	vld [tilespmem:s18+$0xFFFFFFC0]  }
0x220: {  	v19 =	vmov s13  }
0x221: {  	v19 =	vshrl.u32 v19, $0x3  }
0x222: {  	v19 =	vshll.u32 v19, v1  }
0x223: {  	v19 =	vbroadcast v19, $0x0  }
0x224: {  	[tilespmem:v18+s21+$0x0] =	vst.idx.msk $0xffff, v17  }
0x225: {  	v18 =	vadd.s32 v13, v19;
	v17 =	vld [tilespmem:s18+$0xFFFFFFD0];
	_ =	sdelay $0x4  }
0x226: {  	[tilespmem:v18+s21+$0x0] =	vst.idx.msk $0xffff, v17  }
0x227: {  	v18 =	vadd.s32 v14, v19;
	v17 =	vld [tilespmem:s18+$0xFFFFFFE0]  }
0x228: {  	v19 =	vmov s22;
	s22 =	smov.u32 s7  }
0x229: {  	v19 =	vshrl.u32 v19, $0x3  }
0x22a: {  	v19 =	vshll.u32 v19, v1  }
0x22b: {  	v19 =	vbroadcast v19, $0x0  }
0x22c: {  	[tilespmem:v18+s21+$0x0] =	vst.idx.msk $0xffff, v17  }
0x22d: {  	v18 =	vadd.s32 v15, v19;
	v17 =	vld [tilespmem:s18+$0xFFFFFFF0];
	_ =	sdelay $0x1  }
.Ltmp4:
0x22e: {  	(pc) =	sbr.rel @p0 .LBB2_11-.Ltmp4, $3  }
0x22f: {  	_ =	sdelay $0x1  }
0x230: {  	[tilespmem:v18+s21+$0x0] =	vst.idx.msk $0xffff, v17  }
0x231: {  	s7 =	sadd.s32 $0x8, s7;
	s13 =	sadd.s32 $0xFFFFFFF9, s22;
	v18 =	vadd.s32 v16, v19;
	v17 =	vld [tilespmem:s18+$0x0]  }
0x232: {  	v19 =	vmov s13  }
0x233: {  	v19 =	vshrl.u32 v19, $0x3  }
0x234: {  	v19 =	vshll.u32 v19, v1  }
0x235: {  	v19 =	vbroadcast v19, $0x0  }
0x236: {  	s7 =	sadd.s32 $0x100, s18;
	[tilespmem:v18+s21+$0x0] =	vst.idx.msk $0xffff, v17  }
0x237: {  	v17 =	vld [tilespmem:s7+$0xFFFFFF10];
	v18 =	vadd.s32 v0, v19;
	_ =	sdelay $0x4  }
0x238: {  	[tilespmem:v18+s21+$0x0] =	vst.idx.msk $0xffff, v17  }
0x239: {  	s16 =	sadd.s32 $0xFFFFFFFA, s22;
	v18 =	vadd.s32 v2, v19;
	v17 =	vld [tilespmem:s7+$0xFFFFFF20]  }
0x23a: {  	v19 =	vmov s16  }
0x23b: {  	v19 =	vshrl.u32 v19, $0x3  }
0x23c: {  	v19 =	vshll.u32 v19, v1  }
0x23d: {  	v19 =	vbroadcast v19, $0x0  }
0x23e: {  	[tilespmem:v18+s21+$0x0] =	vst.idx.msk $0xffff, v17  }
0x23f: {  	v18 =	vadd.s32 v3, v19;
	v17 =	vld [tilespmem:s7+$0xFFFFFF30];
	_ =	sdelay $0x4  }
0x240: {  	[tilespmem:v18+s21+$0x0] =	vst.idx.msk $0xffff, v17  }
0x241: {  	s18 =	sadd.s32 $0xFFFFFFFB, s22;
	v18 =	vadd.s32 v4, v19;
	v17 =	vld [tilespmem:s7+$0xFFFFFF40]  }
0x242: {  	v19 =	vmov s18  }
0x243: {  	v19 =	vshrl.u32 v19, $0x3  }
0x244: {  	v19 =	vshll.u32 v19, v1  }
0x245: {  	v19 =	vbroadcast v19, $0x0  }
0x246: {  	[tilespmem:v18+s21+$0x0] =	vst.idx.msk $0xffff, v17  }
0x247: {  	v18 =	vadd.s32 v5, v19;
	v17 =	vld [tilespmem:s7+$0xFFFFFF50];
	_ =	sdelay $0x4  }
0x248: {  	[tilespmem:v18+s21+$0x0] =	vst.idx.msk $0xffff, v17  }
0x249: {  	s16 =	sadd.s32 $0xFFFFFFFC, s22;
	v18 =	vadd.s32 v6, v19;
	v17 =	vld [tilespmem:s7+$0xFFFFFF60]  }
0x24a: {  	v19 =	vmov s16  }
0x24b: {  	v19 =	vshrl.u32 v19, $0x3  }
0x24c: {  	v19 =	vshll.u32 v19, v1  }
0x24d: {  	v19 =	vbroadcast v19, $0x0  }
0x24e: {  	[tilespmem:v18+s21+$0x0] =	vst.idx.msk $0xffff, v17  }
0x24f: {  	v18 =	vadd.s32 v7, v19;
	v17 =	vld [tilespmem:s7+$0xFFFFFF70];
	_ =	sdelay $0x4  }
0x250: {  	[tilespmem:v18+s21+$0x0] =	vst.idx.msk $0xffff, v17  }
0x251: {  	s18 =	sadd.s32 $0xFFFFFFFD, s22;
	v18 =	vadd.s32 v8, v19;
	v17 =	vld [tilespmem:s7+$0xFFFFFF80]  }
0x252: {  	v19 =	vmov s18  }
0x253: {  	v19 =	vshrl.u32 v19, $0x3  }
0x254: {  	v19 =	vshll.u32 v19, v1  }
0x255: {  	v19 =	vbroadcast v19, $0x0  }
0x256: {  	[tilespmem:v18+s21+$0x0] =	vst.idx.msk $0xffff, v17  }
0x257: {  	v18 =	vadd.s32 v9, v19;
	v17 =	vld [tilespmem:s7+$0xFFFFFF90];
	_ =	sdelay $0x4  }
0x258: {  	[tilespmem:v18+s21+$0x0] =	vst.idx.msk $0xffff, v17  }
0x259: {  	s16 =	sadd.s32 $0xFFFFFFFE, s22;
	v18 =	vadd.s32 v10, v19;
	v17 =	vld [tilespmem:s7+$0xFFFFFFA0]  }
0x25a: {  	v19 =	vmov s16  }
0x25b: {  	v19 =	vshrl.u32 v19, $0x3  }
0x25c: {  	v19 =	vshll.u32 v19, v1  }
0x25d: {  	v19 =	vbroadcast v19, $0x0  }
0x25e: {  	[tilespmem:v18+s21+$0x0] =	vst.idx.msk $0xffff, v17  }
0x25f: {  	v18 =	vadd.s32 v11, v19;
	v17 =	vld [tilespmem:s7+$0xFFFFFFB0];
	_ =	sdelay $0x4  }
0x260: {  	[tilespmem:v18+s21+$0x0] =	vst.idx.msk $0xffff, v17  }
0x261: {  	s18 =	sadd.s32 $0xFFFFFFFF, s22;
	v18 =	vadd.s32 v12, v19;
	v17 =	vld [tilespmem:s7+$0xFFFFFFC0]  }
0x262: {  	v19 =	vmov s18  }
0x263: {  	v19 =	vshrl.u32 v19, $0x3  }
0x264: {  	v19 =	vshll.u32 v19, v1  }
0x265: {  	v19 =	vbroadcast v19, $0x0  }
0x266: {  	[tilespmem:v18+s21+$0x0] =	vst.idx.msk $0xffff, v17  }
0x267: {  	v18 =	vadd.s32 v13, v19;
	v17 =	vld [tilespmem:s7+$0xFFFFFFD0];
	_ =	sdelay $0x4  }
0x268: {  	[tilespmem:v18+s21+$0x0] =	vst.idx.msk $0xffff, v17  }
0x269: {  	v18 =	vadd.s32 v14, v19;
	v17 =	vld [tilespmem:s7+$0xFFFFFFE0]  }
0x26a: {  	v19 =	vmov s22  }
0x26b: {  	v19 =	vshrl.u32 v19, $0x3  }
0x26c: {  	v19 =	vshll.u32 v19, v1  }
0x26d: {  	v19 =	vbroadcast v19, $0x0  }
0x26e: {  	[tilespmem:v18+s21+$0x0] =	vst.idx.msk $0xffff, v17  }
0x26f: {  	v18 =	vadd.s32 v15, v19;
	v17 =	vld [tilespmem:s7+$0xFFFFFFF0];
	_ =	sdelay $0x4  }
0x270: {  	[tilespmem:v18+s21+$0x0] =	vst.idx.msk $0xffff, v17  }
0x271: {  	v18 =	vadd.s32 v16, v19;
	v17 =	vld [tilespmem:s7+$0x0]  }
0x272: {  	s22 =	sshll.u32 s0, $0x13  }
0x273: {  	s7 =	sor.u32 s3, s22  }
0x274: {  	s18 =	sshrl.u32 s7, $0x3  }
0x275: {  	s13 =	simm.s32 $0xA400;
	s7 =	sadd.s32 s18, s9  }
0x276: {  	s31 =	simm.s32 $0xA488;
	s22 =	simm.s32 $0x200;
	s16 =	sadd.s32 $0x0, s7;
	[tilespmem:v18+s21+$0x0] =	vst.idx.msk $0xffff, v17  }
.LBB2_13:
0x277: {  	[hbm4b:s16+s2] =	stream.linear.scatter [tilespmem:s13], [sflag:$0x5], $0x80, $0x38;
	[tilespmem:$0xC600] =	vst v63  }
0x278: {  	s16 =	smov.u32 s22;
	s13 =	smov.u32 s31;
	p0 =	sne.s32 s22, $0x3E00  }
.Ltmp5:
0x279: {  	s22 =	sadd.s32 $0x200, s22;
	(pc) =	sbr.rel @p0 .LBB2_13-.Ltmp5, $2  }
0x27a: {  	_ =	sdelay $0x2  }
0x27b: {  	s31 =	sadd.s32 $0x88, s31;
	s16 =	sadd.s32 s16, s7  }
0x27c: {  	[hbm4b:s16+s2] =	stream.linear.scatter [tilespmem:s13], [sflag:$0x5], $0x80, $0x38;
	[tilespmem:$0xC600] =	vst v63  }
0x27d: {  	s15 =	sadd.s32 $0x5, s15;
	_ =	swait.ge [sflag:s29], $0x1000  }
0x27e: {  	s22 =	simm.s32 $0x0;
	s7 =	sshll.u32 s15, $0x7;
	[sflag:s29] =	ssyncset.done $0x0  }
0x27f: {  	v17 =	vmov s22;
	s7 =	sand.u32 $0x3FFFFF80, s7;
	[sflag:s29] =	ssyncadd.s32 $0xFFFFF000  }
0x280: {  	v17 =	vshrl.u32 v17, $0x3;
	[tilespmem:s17], [sflag:$0x2] =	stream.indirect.gather [hbm4b:s5+s14], $0x20, s7, s14, $0xb8;
	[tilespmem:$0xC600] =	vst v63  }
0x281: {  	v17 =	vshll.u32 v17, v1;
	_ =	swait.ge [sflag:s30], $0x1000  }
0x282: {  	v17 =	vbroadcast v17, $0x0;
	[sflag:s30] =	ssyncset.done $0x0  }
0x283: {  	s22 =	simm.s32 $0x94F0;
	[sflag:s30] =	ssyncadd.s32 $0xFFFFF000  }
0x284: {  	v19 =	vadd.s32 v0, v17;
	v18 =	vld [tilespmem:s22+$0xFFFFFF10];
	_ =	sdelay $0x4  }
0x285: {  	[tilespmem:v19+s25+$0x0] =	vst.idx.msk $0xffff, v18  }
0x286: {  	s16 =	simm.s32 $0x1;
	v17 =	vadd.s32 v2, v17;
	v18 =	vld [tilespmem:s22+$0xFFFFFF20]  }
0x287: {  	v19 =	vmov s16  }
0x288: {  	v19 =	vshrl.u32 v19, $0x3  }
0x289: {  	v19 =	vshll.u32 v19, v1  }
0x28a: {  	v19 =	vbroadcast v19, $0x0  }
0x28b: {  	[tilespmem:v17+s25+$0x0] =	vst.idx.msk $0xffff, v18  }
0x28c: {  	v18 =	vadd.s32 v3, v19;
	v17 =	vld [tilespmem:s22+$0xFFFFFF30];
	_ =	sdelay $0x4  }
0x28d: {  	[tilespmem:v18+s25+$0x0] =	vst.idx.msk $0xffff, v17  }
0x28e: {  	s13 =	simm.s32 $0x2;
	v18 =	vadd.s32 v4, v19;
	v17 =	vld [tilespmem:s22+$0xFFFFFF40]  }
0x28f: {  	v19 =	vmov s13  }
0x290: {  	v19 =	vshrl.u32 v19, $0x3  }
0x291: {  	v19 =	vshll.u32 v19, v1  }
0x292: {  	v19 =	vbroadcast v19, $0x0  }
0x293: {  	[tilespmem:v18+s25+$0x0] =	vst.idx.msk $0xffff, v17  }
0x294: {  	v18 =	vadd.s32 v5, v19;
	v17 =	vld [tilespmem:s22+$0xFFFFFF50];
	_ =	sdelay $0x4  }
0x295: {  	[tilespmem:v18+s25+$0x0] =	vst.idx.msk $0xffff, v17  }
0x296: {  	s16 =	simm.s32 $0x3;
	v18 =	vadd.s32 v6, v19;
	v17 =	vld [tilespmem:s22+$0xFFFFFF60]  }
0x297: {  	v19 =	vmov s16  }
0x298: {  	v19 =	vshrl.u32 v19, $0x3  }
0x299: {  	v19 =	vshll.u32 v19, v1  }
0x29a: {  	v19 =	vbroadcast v19, $0x0  }
0x29b: {  	[tilespmem:v18+s25+$0x0] =	vst.idx.msk $0xffff, v17  }
0x29c: {  	v18 =	vadd.s32 v7, v19;
	v17 =	vld [tilespmem:s22+$0xFFFFFF70];
	_ =	sdelay $0x4  }
0x29d: {  	[tilespmem:v18+s25+$0x0] =	vst.idx.msk $0xffff, v17  }
0x29e: {  	s13 =	simm.s32 $0x4;
	v18 =	vadd.s32 v8, v19;
	v17 =	vld [tilespmem:s22+$0xFFFFFF80]  }
0x29f: {  	v19 =	vmov s13  }
0x2a0: {  	v19 =	vshrl.u32 v19, $0x3  }
0x2a1: {  	v19 =	vshll.u32 v19, v1  }
0x2a2: {  	v19 =	vbroadcast v19, $0x0  }
0x2a3: {  	[tilespmem:v18+s25+$0x0] =	vst.idx.msk $0xffff, v17  }
0x2a4: {  	v18 =	vadd.s32 v9, v19;
	v17 =	vld [tilespmem:s22+$0xFFFFFF90];
	_ =	sdelay $0x4  }
0x2a5: {  	[tilespmem:v18+s25+$0x0] =	vst.idx.msk $0xffff, v17  }
0x2a6: {  	s16 =	simm.s32 $0x5;
	v18 =	vadd.s32 v10, v19;
	v17 =	vld [tilespmem:s22+$0xFFFFFFA0]  }
0x2a7: {  	v19 =	vmov s16  }
0x2a8: {  	v19 =	vshrl.u32 v19, $0x3  }
0x2a9: {  	v19 =	vshll.u32 v19, v1  }
0x2aa: {  	v19 =	vbroadcast v19, $0x0  }
0x2ab: {  	[tilespmem:v18+s25+$0x0] =	vst.idx.msk $0xffff, v17  }
0x2ac: {  	v18 =	vadd.s32 v11, v19;
	v17 =	vld [tilespmem:s22+$0xFFFFFFB0];
	_ =	sdelay $0x4  }
0x2ad: {  	[tilespmem:v18+s25+$0x0] =	vst.idx.msk $0xffff, v17  }
0x2ae: {  	s13 =	simm.s32 $0x6;
	v18 =	vadd.s32 v12, v19;
	v17 =	vld [tilespmem:s22+$0xFFFFFFC0]  }
0x2af: {  	v19 =	vmov s13  }
0x2b0: {  	v19 =	vshrl.u32 v19, $0x3  }
0x2b1: {  	v19 =	vshll.u32 v19, v1  }
0x2b2: {  	v19 =	vbroadcast v19, $0x0  }
0x2b3: {  	[tilespmem:v18+s25+$0x0] =	vst.idx.msk $0xffff, v17  }
0x2b4: {  	v18 =	vadd.s32 v13, v19;
	v17 =	vld [tilespmem:s22+$0xFFFFFFD0];
	_ =	sdelay $0x4  }
0x2b5: {  	[tilespmem:v18+s25+$0x0] =	vst.idx.msk $0xffff, v17  }
0x2b6: {  	s16 =	simm.s32 $0x7;
	v18 =	vadd.s32 v14, v19;
	v17 =	vld [tilespmem:s22+$0xFFFFFFE0]  }
0x2b7: {  	v19 =	vmov s16  }
0x2b8: {  	v19 =	vshrl.u32 v19, $0x3  }
0x2b9: {  	v19 =	vshll.u32 v19, v1  }
0x2ba: {  	v19 =	vbroadcast v19, $0x0  }
0x2bb: {  	[tilespmem:v18+s25+$0x0] =	vst.idx.msk $0xffff, v17  }
0x2bc: {  	v18 =	vadd.s32 v15, v19;
	v17 =	vld [tilespmem:s22+$0xFFFFFFF0];
	_ =	sdelay $0x4  }
0x2bd: {  	[tilespmem:v18+s25+$0x0] =	vst.idx.msk $0xffff, v17  }
0x2be: {  	s31 =	simm.s32 $0x8;
	s7 =	simm.s32 $0xF;
	s13 =	simm.s32 $0x17;
	v18 =	vadd.s32 v16, v19;
	v17 =	vld [tilespmem:s22+$0x0]  }
.LBB2_15:
0x2bf: {  	p0 =	sne.s32 s13, $0x7F;
	v19 =	vmov s31  }
0x2c0: {  	v19 =	vshrl.u32 v19, $0x3  }
0x2c1: {  	v19 =	vshll.u32 v19, v1  }
0x2c2: {  	v19 =	vbroadcast v19, $0x0  }
0x2c3: {  	s22 =	sadd.s32 $0x100, s22;
	[tilespmem:v18+s25+$0x0] =	vst.idx.msk $0xffff, v17  }
0x2c4: {  	v17 =	vld [tilespmem:s22+$0xFFFFFF10];
	v18 =	vadd.s32 v0, v19;
	_ =	sdelay $0x4  }
0x2c5: {  	[tilespmem:v18+s25+$0x0] =	vst.idx.msk $0xffff, v17  }
0x2c6: {  	s16 =	sadd.s32 $0xFFFFFFFA, s7;
	v18 =	vadd.s32 v2, v19;
	v17 =	vld [tilespmem:s22+$0xFFFFFF20]  }
0x2c7: {  	v19 =	vmov s16  }
0x2c8: {  	v19 =	vshrl.u32 v19, $0x3  }
0x2c9: {  	v19 =	vshll.u32 v19, v1  }
0x2ca: {  	v19 =	vbroadcast v19, $0x0  }
0x2cb: {  	[tilespmem:v18+s25+$0x0] =	vst.idx.msk $0xffff, v17  }
0x2cc: {  	v18 =	vadd.s32 v3, v19;
	v17 =	vld [tilespmem:s22+$0xFFFFFF30];
	_ =	sdelay $0x4  }
0x2cd: {  	[tilespmem:v18+s25+$0x0] =	vst.idx.msk $0xffff, v17  }
0x2ce: {  	s16 =	sadd.s32 $0xFFFFFFFB, s7;
	v18 =	vadd.s32 v4, v19;
	v17 =	vld [tilespmem:s22+$0xFFFFFF40]  }
0x2cf: {  	v19 =	vmov s16  }
0x2d0: {  	v19 =	vshrl.u32 v19, $0x3  }
0x2d1: {  	v19 =	vshll.u32 v19, v1  }
0x2d2: {  	v19 =	vbroadcast v19, $0x0  }
0x2d3: {  	[tilespmem:v18+s25+$0x0] =	vst.idx.msk $0xffff, v17  }
0x2d4: {  	v18 =	vadd.s32 v5, v19;
	v17 =	vld [tilespmem:s22+$0xFFFFFF50];
	_ =	sdelay $0x4  }
0x2d5: {  	[tilespmem:v18+s25+$0x0] =	vst.idx.msk $0xffff, v17  }
0x2d6: {  	s16 =	sadd.s32 $0xFFFFFFFC, s7;
	v18 =	vadd.s32 v6, v19;
	v17 =	vld [tilespmem:s22+$0xFFFFFF60]  }
0x2d7: {  	v19 =	vmov s16  }
0x2d8: {  	v19 =	vshrl.u32 v19, $0x3  }
0x2d9: {  	v19 =	vshll.u32 v19, v1  }
0x2da: {  	v19 =	vbroadcast v19, $0x0  }
0x2db: {  	[tilespmem:v18+s25+$0x0] =	vst.idx.msk $0xffff, v17  }
0x2dc: {  	v18 =	vadd.s32 v7, v19;
	v17 =	vld [tilespmem:s22+$0xFFFFFF70];
	_ =	sdelay $0x4  }
0x2dd: {  	[tilespmem:v18+s25+$0x0] =	vst.idx.msk $0xffff, v17  }
0x2de: {  	s16 =	sadd.s32 $0xFFFFFFFD, s7;
	v18 =	vadd.s32 v8, v19;
	v17 =	vld [tilespmem:s22+$0xFFFFFF80]  }
0x2df: {  	v19 =	vmov s16  }
0x2e0: {  	v19 =	vshrl.u32 v19, $0x3  }
0x2e1: {  	v19 =	vshll.u32 v19, v1  }
0x2e2: {  	v19 =	vbroadcast v19, $0x0  }
0x2e3: {  	[tilespmem:v18+s25+$0x0] =	vst.idx.msk $0xffff, v17  }
0x2e4: {  	v18 =	vadd.s32 v9, v19;
	v17 =	vld [tilespmem:s22+$0xFFFFFF90];
	_ =	sdelay $0x4  }
0x2e5: {  	[tilespmem:v18+s25+$0x0] =	vst.idx.msk $0xffff, v17  }
0x2e6: {  	s16 =	sadd.s32 $0xFFFFFFFE, s7;
	v18 =	vadd.s32 v10, v19;
	v17 =	vld [tilespmem:s22+$0xFFFFFFA0]  }
0x2e7: {  	v19 =	vmov s16  }
0x2e8: {  	v19 =	vshrl.u32 v19, $0x3  }
0x2e9: {  	v19 =	vshll.u32 v19, v1  }
0x2ea: {  	v19 =	vbroadcast v19, $0x0  }
0x2eb: {  	[tilespmem:v18+s25+$0x0] =	vst.idx.msk $0xffff, v17  }
0x2ec: {  	v18 =	vadd.s32 v11, v19;
	v17 =	vld [tilespmem:s22+$0xFFFFFFB0];
	_ =	sdelay $0x4  }
0x2ed: {  	[tilespmem:v18+s25+$0x0] =	vst.idx.msk $0xffff, v17  }
0x2ee: {  	s16 =	sadd.s32 $0xFFFFFFFF, s7;
	v18 =	vadd.s32 v12, v19;
	v17 =	vld [tilespmem:s22+$0xFFFFFFC0]  }
0x2ef: {  	v19 =	vmov s16  }
0x2f0: {  	v19 =	vshrl.u32 v19, $0x3  }
0x2f1: {  	v19 =	vshll.u32 v19, v1  }
0x2f2: {  	v19 =	vbroadcast v19, $0x0  }
0x2f3: {  	[tilespmem:v18+s25+$0x0] =	vst.idx.msk $0xffff, v17  }
0x2f4: {  	v18 =	vadd.s32 v13, v19;
	v17 =	vld [tilespmem:s22+$0xFFFFFFD0];
	_ =	sdelay $0x4  }
0x2f5: {  	[tilespmem:v18+s25+$0x0] =	vst.idx.msk $0xffff, v17  }
0x2f6: {  	v18 =	vadd.s32 v14, v19;
	v17 =	vld [tilespmem:s22+$0xFFFFFFE0]  }
0x2f7: {  	v19 =	vmov s7;
	s7 =	smov.u32 s13  }
0x2f8: {  	v19 =	vshrl.u32 v19, $0x3  }
0x2f9: {  	v19 =	vshll.u32 v19, v1  }
0x2fa: {  	v19 =	vbroadcast v19, $0x0  }
0x2fb: {  	[tilespmem:v18+s25+$0x0] =	vst.idx.msk $0xffff, v17  }
0x2fc: {  	v18 =	vadd.s32 v15, v19;
	v17 =	vld [tilespmem:s22+$0xFFFFFFF0];
	_ =	sdelay $0x1  }
.Ltmp6:
0x2fd: {  	(pc) =	sbr.rel @p0 .LBB2_15-.Ltmp6, $3  }
0x2fe: {  	_ =	sdelay $0x1  }
0x2ff: {  	[tilespmem:v18+s25+$0x0] =	vst.idx.msk $0xffff, v17  }
0x300: {  	s13 =	sadd.s32 $0x8, s13;
	s31 =	sadd.s32 $0xFFFFFFF9, s7;
	v18 =	vadd.s32 v16, v19;
	v17 =	vld [tilespmem:s22+$0x0]  }
0x301: {  	v19 =	vmov s31  }
0x302: {  	v19 =	vshrl.u32 v19, $0x3  }
0x303: {  	v19 =	vshll.u32 v19, v1  }
0x304: {  	v19 =	vbroadcast v19, $0x0  }
0x305: {  	s13 =	sadd.s32 $0x100, s22;
	[tilespmem:v18+s25+$0x0] =	vst.idx.msk $0xffff, v17  }
0x306: {  	v17 =	vld [tilespmem:s13+$0xFFFFFF10];
	v18 =	vadd.s32 v0, v19;
	_ =	sdelay $0x4  }
0x307: {  	[tilespmem:v18+s25+$0x0] =	vst.idx.msk $0xffff, v17  }
0x308: {  	s16 =	sadd.s32 $0xFFFFFFFA, s7;
	v18 =	vadd.s32 v2, v19;
	v17 =	vld [tilespmem:s13+$0xFFFFFF20]  }
0x309: {  	v19 =	vmov s16  }
0x30a: {  	v19 =	vshrl.u32 v19, $0x3  }
0x30b: {  	v19 =	vshll.u32 v19, v1  }
0x30c: {  	v19 =	vbroadcast v19, $0x0  }
0x30d: {  	[tilespmem:v18+s25+$0x0] =	vst.idx.msk $0xffff, v17  }
0x30e: {  	v18 =	vadd.s32 v3, v19;
	v17 =	vld [tilespmem:s13+$0xFFFFFF30];
	_ =	sdelay $0x4  }
0x30f: {  	[tilespmem:v18+s25+$0x0] =	vst.idx.msk $0xffff, v17  }
0x310: {  	s31 =	sadd.s32 $0xFFFFFFFB, s7;
	v18 =	vadd.s32 v4, v19;
	v17 =	vld [tilespmem:s13+$0xFFFFFF40]  }
0x311: {  	v19 =	vmov s31  }
0x312: {  	v19 =	vshrl.u32 v19, $0x3  }
0x313: {  	v19 =	vshll.u32 v19, v1  }
0x314: {  	v19 =	vbroadcast v19, $0x0  }
0x315: {  	[tilespmem:v18+s25+$0x0] =	vst.idx.msk $0xffff, v17  }
0x316: {  	v18 =	vadd.s32 v5, v19;
	v17 =	vld [tilespmem:s13+$0xFFFFFF50];
	_ =	sdelay $0x4  }
0x317: {  	[tilespmem:v18+s25+$0x0] =	vst.idx.msk $0xffff, v17  }
0x318: {  	s22 =	sadd.s32 $0xFFFFFFFC, s7;
	v18 =	vadd.s32 v6, v19;
	v17 =	vld [tilespmem:s13+$0xFFFFFF60]  }
0x319: {  	v19 =	vmov s22  }
0x31a: {  	v19 =	vshrl.u32 v19, $0x3  }
0x31b: {  	v19 =	vshll.u32 v19, v1  }
0x31c: {  	v19 =	vbroadcast v19, $0x0  }
0x31d: {  	[tilespmem:v18+s25+$0x0] =	vst.idx.msk $0xffff, v17  }
0x31e: {  	v18 =	vadd.s32 v7, v19;
	v17 =	vld [tilespmem:s13+$0xFFFFFF70];
	_ =	sdelay $0x4  }
0x31f: {  	[tilespmem:v18+s25+$0x0] =	vst.idx.msk $0xffff, v17  }
0x320: {  	s31 =	sadd.s32 $0xFFFFFFFD, s7;
	v18 =	vadd.s32 v8, v19;
	v17 =	vld [tilespmem:s13+$0xFFFFFF80]  }
0x321: {  	v19 =	vmov s31  }
0x322: {  	v19 =	vshrl.u32 v19, $0x3  }
0x323: {  	v19 =	vshll.u32 v19, v1  }
0x324: {  	v19 =	vbroadcast v19, $0x0  }
0x325: {  	[tilespmem:v18+s25+$0x0] =	vst.idx.msk $0xffff, v17  }
0x326: {  	v18 =	vadd.s32 v9, v19;
	v17 =	vld [tilespmem:s13+$0xFFFFFF90];
	_ =	sdelay $0x4  }
0x327: {  	[tilespmem:v18+s25+$0x0] =	vst.idx.msk $0xffff, v17  }
0x328: {  	s22 =	sadd.s32 $0xFFFFFFFE, s7;
	v18 =	vadd.s32 v10, v19;
	v17 =	vld [tilespmem:s13+$0xFFFFFFA0]  }
0x329: {  	v19 =	vmov s22  }
0x32a: {  	v19 =	vshrl.u32 v19, $0x3  }
0x32b: {  	v19 =	vshll.u32 v19, v1  }
0x32c: {  	v19 =	vbroadcast v19, $0x0  }
0x32d: {  	[tilespmem:v18+s25+$0x0] =	vst.idx.msk $0xffff, v17  }
0x32e: {  	v18 =	vadd.s32 v11, v19;
	v17 =	vld [tilespmem:s13+$0xFFFFFFB0];
	_ =	sdelay $0x4  }
0x32f: {  	[tilespmem:v18+s25+$0x0] =	vst.idx.msk $0xffff, v17  }
0x330: {  	s31 =	sadd.s32 $0xFFFFFFFF, s7;
	v18 =	vadd.s32 v12, v19;
	v17 =	vld [tilespmem:s13+$0xFFFFFFC0]  }
0x331: {  	v19 =	vmov s31  }
0x332: {  	v19 =	vshrl.u32 v19, $0x3  }
0x333: {  	v19 =	vshll.u32 v19, v1  }
0x334: {  	v19 =	vbroadcast v19, $0x0  }
0x335: {  	[tilespmem:v18+s25+$0x0] =	vst.idx.msk $0xffff, v17  }
0x336: {  	v18 =	vadd.s32 v13, v19;
	v17 =	vld [tilespmem:s13+$0xFFFFFFD0];
	_ =	sdelay $0x4  }
0x337: {  	[tilespmem:v18+s25+$0x0] =	vst.idx.msk $0xffff, v17  }
0x338: {  	v18 =	vadd.s32 v14, v19;
	v17 =	vld [tilespmem:s13+$0xFFFFFFE0]  }
0x339: {  	v19 =	vmov s7  }
0x33a: {  	v19 =	vshrl.u32 v19, $0x3  }
0x33b: {  	v19 =	vshll.u32 v19, v1  }
0x33c: {  	v19 =	vbroadcast v19, $0x0  }
0x33d: {  	[tilespmem:v18+s25+$0x0] =	vst.idx.msk $0xffff, v17  }
0x33e: {  	v18 =	vadd.s32 v15, v19;
	v17 =	vld [tilespmem:s13+$0xFFFFFFF0];
	_ =	sdelay $0x4  }
0x33f: {  	[tilespmem:v18+s25+$0x0] =	vst.idx.msk $0xffff, v17  }
0x340: {  	v18 =	vadd.s32 v16, v19;
	v17 =	vld [tilespmem:s13+$0x0];
	_ =	sdelay $0x3  }
0x341: {  	s22 =	simm.s32 $0xB588;
	s7 =	sadd.s32 s18, s10  }
0x342: {  	s18 =	simm.s32 $0x200;
	s16 =	sadd.s32 $0x0, s7;
	s13 =	simm.s32 $0xB500;
	[tilespmem:v18+s25+$0x0] =	vst.idx.msk $0xffff, v17  }
.LBB2_17:
0x343: {  	[hbm4b:s16+s2] =	stream.linear.scatter [tilespmem:s13], [sflag:$0x6], $0x80, $0x38;
	[tilespmem:$0xC600] =	vst v63  }
0x344: {  	s16 =	smov.u32 s18;
	s13 =	smov.u32 s22;
	p0 =	sne.s32 s18, $0x3E00  }
.Ltmp7:
0x345: {  	s18 =	sadd.s32 $0x200, s18;
	(pc) =	sbr.rel @p0 .LBB2_17-.Ltmp7, $2  }
0x346: {  	_ =	sdelay $0x2  }
0x347: {  	s22 =	sadd.s32 $0x88, s22;
	s16 =	sadd.s32 s16, s7  }
0x348: {  	[hbm4b:s16+s2] =	stream.linear.scatter [tilespmem:s13], [sflag:$0x6], $0x80, $0x38;
	[tilespmem:$0xC600] =	vst v63  }
0x349: {  	s7 =	sshll.u32 s0, $0x9;
	_ =	swait.ge [sflag:s26], $0x1000  }
0x34a: {  	s16 =	simm.s32 $0x0;
	s18 =	sand.u32 $0x3FFFFE00, s7;
	[sflag:s26] =	ssyncset.done $0x0  }
0x34b: {  	v17 =	vmov s16;
	s22 =	sadd.s32 $0x300, s18;
	[sflag:s26] =	ssyncadd.s32 $0xFFFFF000  }
0x34c: {  	v17 =	vshrl.u32 v17, $0x3;
	[tilespmem:s19], [sflag:$0x3] =	stream.indirect.gather [hbm4b:s5+s14], $0x20, s22, s14, $0xb8;
	[tilespmem:$0xC600] =	vst v63  }
0x34d: {  	v17 =	vshll.u32 v17, v1;
	_ =	swait.ge [sflag:s20], $0x1000  }
0x34e: {  	v17 =	vbroadcast v17, $0x0;
	[sflag:s20] =	ssyncset.done $0x0  }
0x34f: {  	s22 =	simm.s32 $0x6480;
	[sflag:s20] =	ssyncadd.s32 $0xFFFFF000  }
0x350: {  	v19 =	vadd.s32 v0, v17;
	v18 =	vld [tilespmem:s22+$0xFFFFFF80];
	_ =	sdelay $0x4  }
0x351: {  	[tilespmem:v19+s21+$0x0] =	vst.idx.msk $0xffff, v18  }
0x352: {  	s16 =	simm.s32 $0x1;
	v17 =	vadd.s32 v2, v17;
	v18 =	vld [tilespmem:s22+$0xFFFFFF90]  }
0x353: {  	v19 =	vmov s16  }
0x354: {  	v19 =	vshrl.u32 v19, $0x3  }
0x355: {  	v19 =	vshll.u32 v19, v1  }
0x356: {  	v19 =	vbroadcast v19, $0x0  }
0x357: {  	[tilespmem:v17+s21+$0x0] =	vst.idx.msk $0xffff, v18  }
0x358: {  	v18 =	vadd.s32 v3, v19;
	v17 =	vld [tilespmem:s22+$0xFFFFFFA0];
	_ =	sdelay $0x4  }
0x359: {  	[tilespmem:v18+s21+$0x0] =	vst.idx.msk $0xffff, v17  }
0x35a: {  	s13 =	simm.s32 $0x2;
	v18 =	vadd.s32 v4, v19;
	v17 =	vld [tilespmem:s22+$0xFFFFFFB0]  }
0x35b: {  	v19 =	vmov s13  }
0x35c: {  	v19 =	vshrl.u32 v19, $0x3  }
0x35d: {  	v19 =	vshll.u32 v19, v1  }
0x35e: {  	v19 =	vbroadcast v19, $0x0  }
0x35f: {  	[tilespmem:v18+s21+$0x0] =	vst.idx.msk $0xffff, v17  }
0x360: {  	v18 =	vadd.s32 v5, v19;
	v17 =	vld [tilespmem:s22+$0xFFFFFFC0];
	_ =	sdelay $0x4  }
0x361: {  	[tilespmem:v18+s21+$0x0] =	vst.idx.msk $0xffff, v17  }
0x362: {  	s16 =	simm.s32 $0x3;
	v18 =	vadd.s32 v6, v19;
	v17 =	vld [tilespmem:s22+$0xFFFFFFD0]  }
0x363: {  	v19 =	vmov s16  }
0x364: {  	v19 =	vshrl.u32 v19, $0x3  }
0x365: {  	v19 =	vshll.u32 v19, v1  }
0x366: {  	v19 =	vbroadcast v19, $0x0  }
0x367: {  	[tilespmem:v18+s21+$0x0] =	vst.idx.msk $0xffff, v17  }
0x368: {  	v18 =	vadd.s32 v7, v19;
	v17 =	vld [tilespmem:s22+$0xFFFFFFE0];
	_ =	sdelay $0x4  }
0x369: {  	[tilespmem:v18+s21+$0x0] =	vst.idx.msk $0xffff, v17  }
0x36a: {  	s13 =	simm.s32 $0x4;
	v18 =	vadd.s32 v8, v19;
	v17 =	vld [tilespmem:s22+$0xFFFFFFF0]  }
0x36b: {  	v19 =	vmov s13  }
0x36c: {  	v19 =	vshrl.u32 v19, $0x3  }
0x36d: {  	v19 =	vshll.u32 v19, v1  }
0x36e: {  	v19 =	vbroadcast v19, $0x0  }
0x36f: {  	[tilespmem:v18+s21+$0x0] =	vst.idx.msk $0xffff, v17  }
0x370: {  	v18 =	vadd.s32 v9, v19;
	v17 =	vld [tilespmem:s22+$0x0];
	_ =	sdelay $0x4  }
0x371: {  	[tilespmem:v18+s21+$0x0] =	vst.idx.msk $0xffff, v17  }
0x372: {  	s16 =	simm.s32 $0x5;
	v18 =	vadd.s32 v10, v19;
	v17 =	vld [tilespmem:s22+$0x10]  }
0x373: {  	v19 =	vmov s16  }
0x374: {  	v19 =	vshrl.u32 v19, $0x3  }
0x375: {  	v19 =	vshll.u32 v19, v1  }
0x376: {  	v19 =	vbroadcast v19, $0x0  }
0x377: {  	[tilespmem:v18+s21+$0x0] =	vst.idx.msk $0xffff, v17  }
0x378: {  	v18 =	vadd.s32 v11, v19;
	v17 =	vld [tilespmem:s22+$0x20];
	_ =	sdelay $0x4  }
0x379: {  	[tilespmem:v18+s21+$0x0] =	vst.idx.msk $0xffff, v17  }
0x37a: {  	s13 =	simm.s32 $0x6;
	v18 =	vadd.s32 v12, v19;
	v17 =	vld [tilespmem:s22+$0x30]  }
0x37b: {  	v19 =	vmov s13  }
0x37c: {  	v19 =	vshrl.u32 v19, $0x3  }
0x37d: {  	v19 =	vshll.u32 v19, v1  }
0x37e: {  	v19 =	vbroadcast v19, $0x0  }
0x37f: {  	[tilespmem:v18+s21+$0x0] =	vst.idx.msk $0xffff, v17  }
0x380: {  	v18 =	vadd.s32 v13, v19;
	v17 =	vld [tilespmem:s22+$0x40];
	_ =	sdelay $0x4  }
0x381: {  	[tilespmem:v18+s21+$0x0] =	vst.idx.msk $0xffff, v17  }
0x382: {  	s16 =	simm.s32 $0x7;
	v18 =	vadd.s32 v14, v19;
	v17 =	vld [tilespmem:s22+$0x50]  }
0x383: {  	v19 =	vmov s16  }
0x384: {  	v19 =	vshrl.u32 v19, $0x3  }
0x385: {  	v19 =	vshll.u32 v19, v1  }
0x386: {  	v19 =	vbroadcast v19, $0x0  }
0x387: {  	[tilespmem:v18+s21+$0x0] =	vst.idx.msk $0xffff, v17  }
0x388: {  	v18 =	vadd.s32 v15, v19;
	v17 =	vld [tilespmem:s22+$0x60];
	_ =	sdelay $0x4  }
0x389: {  	[tilespmem:v18+s21+$0x0] =	vst.idx.msk $0xffff, v17  }
0x38a: {  	s31 =	simm.s32 $0x8;
	s7 =	simm.s32 $0xF;
	s13 =	simm.s32 $0x17;
	v18 =	vadd.s32 v16, v19;
	v17 =	vld [tilespmem:s22+$0x70]  }
.LBB2_19:
0x38b: {  	p0 =	sne.s32 s13, $0x7F;
	v19 =	vmov s31  }
0x38c: {  	v19 =	vshrl.u32 v19, $0x3  }
0x38d: {  	v19 =	vshll.u32 v19, v1  }
0x38e: {  	v19 =	vbroadcast v19, $0x0  }
0x38f: {  	s22 =	sadd.s32 $0x100, s22;
	[tilespmem:v18+s21+$0x0] =	vst.idx.msk $0xffff, v17  }
0x390: {  	v17 =	vld [tilespmem:s22+$0xFFFFFF80];
	v18 =	vadd.s32 v0, v19;
	_ =	sdelay $0x4  }
0x391: {  	[tilespmem:v18+s21+$0x0] =	vst.idx.msk $0xffff, v17  }
0x392: {  	s16 =	sadd.s32 $0xFFFFFFFA, s7;
	v18 =	vadd.s32 v2, v19;
	v17 =	vld [tilespmem:s22+$0xFFFFFF90]  }
0x393: {  	v19 =	vmov s16  }
0x394: {  	v19 =	vshrl.u32 v19, $0x3  }
0x395: {  	v19 =	vshll.u32 v19, v1  }
0x396: {  	v19 =	vbroadcast v19, $0x0  }
0x397: {  	[tilespmem:v18+s21+$0x0] =	vst.idx.msk $0xffff, v17  }
0x398: {  	v18 =	vadd.s32 v3, v19;
	v17 =	vld [tilespmem:s22+$0xFFFFFFA0];
	_ =	sdelay $0x4  }
0x399: {  	[tilespmem:v18+s21+$0x0] =	vst.idx.msk $0xffff, v17  }
0x39a: {  	s16 =	sadd.s32 $0xFFFFFFFB, s7;
	v18 =	vadd.s32 v4, v19;
	v17 =	vld [tilespmem:s22+$0xFFFFFFB0]  }
0x39b: {  	v19 =	vmov s16  }
0x39c: {  	v19 =	vshrl.u32 v19, $0x3  }
0x39d: {  	v19 =	vshll.u32 v19, v1  }
0x39e: {  	v19 =	vbroadcast v19, $0x0  }
0x39f: {  	[tilespmem:v18+s21+$0x0] =	vst.idx.msk $0xffff, v17  }
0x3a0: {  	v18 =	vadd.s32 v5, v19;
	v17 =	vld [tilespmem:s22+$0xFFFFFFC0];
	_ =	sdelay $0x4  }
0x3a1: {  	[tilespmem:v18+s21+$0x0] =	vst.idx.msk $0xffff, v17  }
0x3a2: {  	s16 =	sadd.s32 $0xFFFFFFFC, s7;
	v18 =	vadd.s32 v6, v19;
	v17 =	vld [tilespmem:s22+$0xFFFFFFD0]  }
0x3a3: {  	v19 =	vmov s16  }
0x3a4: {  	v19 =	vshrl.u32 v19, $0x3  }
0x3a5: {  	v19 =	vshll.u32 v19, v1  }
0x3a6: {  	v19 =	vbroadcast v19, $0x0  }
0x3a7: {  	[tilespmem:v18+s21+$0x0] =	vst.idx.msk $0xffff, v17  }
0x3a8: {  	v18 =	vadd.s32 v7, v19;
	v17 =	vld [tilespmem:s22+$0xFFFFFFE0];
	_ =	sdelay $0x4  }
0x3a9: {  	[tilespmem:v18+s21+$0x0] =	vst.idx.msk $0xffff, v17  }
0x3aa: {  	s16 =	sadd.s32 $0xFFFFFFFD, s7;
	v18 =	vadd.s32 v8, v19;
	v17 =	vld [tilespmem:s22+$0xFFFFFFF0]  }
0x3ab: {  	v19 =	vmov s16  }
0x3ac: {  	v19 =	vshrl.u32 v19, $0x3  }
0x3ad: {  	v19 =	vshll.u32 v19, v1  }
0x3ae: {  	v19 =	vbroadcast v19, $0x0  }
0x3af: {  	[tilespmem:v18+s21+$0x0] =	vst.idx.msk $0xffff, v17  }
0x3b0: {  	v18 =	vadd.s32 v9, v19;
	v17 =	vld [tilespmem:s22+$0x0];
	_ =	sdelay $0x4  }
0x3b1: {  	[tilespmem:v18+s21+$0x0] =	vst.idx.msk $0xffff, v17  }
0x3b2: {  	s16 =	sadd.s32 $0xFFFFFFFE, s7;
	v18 =	vadd.s32 v10, v19;
	v17 =	vld [tilespmem:s22+$0x10]  }
0x3b3: {  	v19 =	vmov s16  }
0x3b4: {  	v19 =	vshrl.u32 v19, $0x3  }
0x3b5: {  	v19 =	vshll.u32 v19, v1  }
0x3b6: {  	v19 =	vbroadcast v19, $0x0  }
0x3b7: {  	[tilespmem:v18+s21+$0x0] =	vst.idx.msk $0xffff, v17  }
0x3b8: {  	v18 =	vadd.s32 v11, v19;
	v17 =	vld [tilespmem:s22+$0x20];
	_ =	sdelay $0x4  }
0x3b9: {  	[tilespmem:v18+s21+$0x0] =	vst.idx.msk $0xffff, v17  }
0x3ba: {  	s16 =	sadd.s32 $0xFFFFFFFF, s7;
	v18 =	vadd.s32 v12, v19;
	v17 =	vld [tilespmem:s22+$0x30]  }
0x3bb: {  	v19 =	vmov s16  }
0x3bc: {  	v19 =	vshrl.u32 v19, $0x3  }
0x3bd: {  	v19 =	vshll.u32 v19, v1  }
0x3be: {  	v19 =	vbroadcast v19, $0x0  }
0x3bf: {  	[tilespmem:v18+s21+$0x0] =	vst.idx.msk $0xffff, v17  }
0x3c0: {  	v18 =	vadd.s32 v13, v19;
	v17 =	vld [tilespmem:s22+$0x40];
	_ =	sdelay $0x4  }
0x3c1: {  	[tilespmem:v18+s21+$0x0] =	vst.idx.msk $0xffff, v17  }
0x3c2: {  	v18 =	vadd.s32 v14, v19;
	v17 =	vld [tilespmem:s22+$0x50]  }
0x3c3: {  	v19 =	vmov s7;
	s7 =	smov.u32 s13  }
0x3c4: {  	v19 =	vshrl.u32 v19, $0x3  }
0x3c5: {  	v19 =	vshll.u32 v19, v1  }
0x3c6: {  	v19 =	vbroadcast v19, $0x0  }
0x3c7: {  	[tilespmem:v18+s21+$0x0] =	vst.idx.msk $0xffff, v17  }
0x3c8: {  	v18 =	vadd.s32 v15, v19;
	v17 =	vld [tilespmem:s22+$0x60];
	_ =	sdelay $0x1  }
.Ltmp8:
0x3c9: {  	(pc) =	sbr.rel @p0 .LBB2_19-.Ltmp8, $3  }
0x3ca: {  	_ =	sdelay $0x1  }
0x3cb: {  	[tilespmem:v18+s21+$0x0] =	vst.idx.msk $0xffff, v17  }
0x3cc: {  	s13 =	sadd.s32 $0x8, s13;
	s31 =	sadd.s32 $0xFFFFFFF9, s7;
	v18 =	vadd.s32 v16, v19;
	v17 =	vld [tilespmem:s22+$0x70]  }
0x3cd: {  	v19 =	vmov s31  }
0x3ce: {  	v19 =	vshrl.u32 v19, $0x3  }
0x3cf: {  	v19 =	vshll.u32 v19, v1  }
0x3d0: {  	v19 =	vbroadcast v19, $0x0  }
0x3d1: {  	s13 =	sadd.s32 $0x100, s22;
	[tilespmem:v18+s21+$0x0] =	vst.idx.msk $0xffff, v17  }
0x3d2: {  	v17 =	vld [tilespmem:s13+$0xFFFFFF80];
	v18 =	vadd.s32 v0, v19;
	_ =	sdelay $0x4  }
0x3d3: {  	[tilespmem:v18+s21+$0x0] =	vst.idx.msk $0xffff, v17  }
0x3d4: {  	s16 =	sadd.s32 $0xFFFFFFFA, s7;
	v18 =	vadd.s32 v2, v19;
	v17 =	vld [tilespmem:s13+$0xFFFFFF90]  }
0x3d5: {  	v19 =	vmov s16  }
0x3d6: {  	v19 =	vshrl.u32 v19, $0x3  }
0x3d7: {  	v19 =	vshll.u32 v19, v1  }
0x3d8: {  	v19 =	vbroadcast v19, $0x0  }
0x3d9: {  	[tilespmem:v18+s21+$0x0] =	vst.idx.msk $0xffff, v17  }
0x3da: {  	v18 =	vadd.s32 v3, v19;
	v17 =	vld [tilespmem:s13+$0xFFFFFFA0];
	_ =	sdelay $0x4  }
0x3db: {  	[tilespmem:v18+s21+$0x0] =	vst.idx.msk $0xffff, v17  }
0x3dc: {  	s31 =	sadd.s32 $0xFFFFFFFB, s7;
	v18 =	vadd.s32 v4, v19;
	v17 =	vld [tilespmem:s13+$0xFFFFFFB0]  }
0x3dd: {  	v19 =	vmov s31  }
0x3de: {  	v19 =	vshrl.u32 v19, $0x3  }
0x3df: {  	v19 =	vshll.u32 v19, v1  }
0x3e0: {  	v19 =	vbroadcast v19, $0x0  }
0x3e1: {  	[tilespmem:v18+s21+$0x0] =	vst.idx.msk $0xffff, v17  }
0x3e2: {  	v18 =	vadd.s32 v5, v19;
	v17 =	vld [tilespmem:s13+$0xFFFFFFC0];
	_ =	sdelay $0x4  }
0x3e3: {  	[tilespmem:v18+s21+$0x0] =	vst.idx.msk $0xffff, v17  }
0x3e4: {  	s22 =	sadd.s32 $0xFFFFFFFC, s7;
	v18 =	vadd.s32 v6, v19;
	v17 =	vld [tilespmem:s13+$0xFFFFFFD0]  }
0x3e5: {  	v19 =	vmov s22  }
0x3e6: {  	v19 =	vshrl.u32 v19, $0x3  }
0x3e7: {  	v19 =	vshll.u32 v19, v1  }
0x3e8: {  	v19 =	vbroadcast v19, $0x0  }
0x3e9: {  	[tilespmem:v18+s21+$0x0] =	vst.idx.msk $0xffff, v17  }
0x3ea: {  	v18 =	vadd.s32 v7, v19;
	v17 =	vld [tilespmem:s13+$0xFFFFFFE0];
	_ =	sdelay $0x4  }
0x3eb: {  	[tilespmem:v18+s21+$0x0] =	vst.idx.msk $0xffff, v17  }
0x3ec: {  	s31 =	sadd.s32 $0xFFFFFFFD, s7;
	v18 =	vadd.s32 v8, v19;
	v17 =	vld [tilespmem:s13+$0xFFFFFFF0]  }
0x3ed: {  	v19 =	vmov s31  }
0x3ee: {  	v19 =	vshrl.u32 v19, $0x3  }
0x3ef: {  	v19 =	vshll.u32 v19, v1  }
0x3f0: {  	v19 =	vbroadcast v19, $0x0  }
0x3f1: {  	[tilespmem:v18+s21+$0x0] =	vst.idx.msk $0xffff, v17  }
0x3f2: {  	v18 =	vadd.s32 v9, v19;
	v17 =	vld [tilespmem:s13+$0x0];
	_ =	sdelay $0x4  }
0x3f3: {  	[tilespmem:v18+s21+$0x0] =	vst.idx.msk $0xffff, v17  }
0x3f4: {  	s22 =	sadd.s32 $0xFFFFFFFE, s7;
	v18 =	vadd.s32 v10, v19;
	v17 =	vld [tilespmem:s13+$0x10]  }
0x3f5: {  	v19 =	vmov s22  }
0x3f6: {  	v19 =	vshrl.u32 v19, $0x3  }
0x3f7: {  	v19 =	vshll.u32 v19, v1  }
0x3f8: {  	v19 =	vbroadcast v19, $0x0  }
0x3f9: {  	[tilespmem:v18+s21+$0x0] =	vst.idx.msk $0xffff, v17  }
0x3fa: {  	v18 =	vadd.s32 v11, v19;
	v17 =	vld [tilespmem:s13+$0x20];
	_ =	sdelay $0x4  }
0x3fb: {  	[tilespmem:v18+s21+$0x0] =	vst.idx.msk $0xffff, v17  }
0x3fc: {  	s31 =	sadd.s32 $0xFFFFFFFF, s7;
	v18 =	vadd.s32 v12, v19;
	v17 =	vld [tilespmem:s13+$0x30]  }
0x3fd: {  	v19 =	vmov s31  }
0x3fe: {  	v19 =	vshrl.u32 v19, $0x3  }
0x3ff: {  	v19 =	vshll.u32 v19, v1  }
0x400: {  	v19 =	vbroadcast v19, $0x0  }
0x401: {  	[tilespmem:v18+s21+$0x0] =	vst.idx.msk $0xffff, v17  }
0x402: {  	v18 =	vadd.s32 v13, v19;
	v17 =	vld [tilespmem:s13+$0x40];
	_ =	sdelay $0x4  }
0x403: {  	[tilespmem:v18+s21+$0x0] =	vst.idx.msk $0xffff, v17  }
0x404: {  	v18 =	vadd.s32 v14, v19;
	v17 =	vld [tilespmem:s13+$0x50]  }
0x405: {  	v19 =	vmov s7  }
0x406: {  	v19 =	vshrl.u32 v19, $0x3  }
0x407: {  	v19 =	vshll.u32 v19, v1  }
0x408: {  	v19 =	vbroadcast v19, $0x0  }
0x409: {  	[tilespmem:v18+s21+$0x0] =	vst.idx.msk $0xffff, v17  }
0x40a: {  	v18 =	vadd.s32 v15, v19;
	v17 =	vld [tilespmem:s13+$0x60];
	_ =	sdelay $0x4  }
0x40b: {  	[tilespmem:v18+s21+$0x0] =	vst.idx.msk $0xffff, v17  }
0x40c: {  	s1 =	sshll.u32 s1, $0x11;
	v18 =	vadd.s32 v16, v19;
	v17 =	vld [tilespmem:s13+$0x70]  }
0x40d: {  	s1 =	sor.u32 s3, s1  }
0x40e: {  	s1 =	sshrl.u32 s1, $0x3  }
0x40f: {  	s1 =	sadd.s32 s4, s1  }
0x410: {  	s16 =	sadd.s32 $0x0, s1  }
0x411: {  	s22 =	simm.s32 $0xA488;
	s7 =	simm.s32 $0xA400;
	s13 =	simm.s32 $0x200;
	[tilespmem:v18+s21+$0x0] =	vst.idx.msk $0xffff, v17  }
.LBB2_21:
0x412: {  	[hbm4b:s16+s2] =	stream.linear.scatter [tilespmem:s7], [sflag:$0x5], $0x80, $0x38;
	[tilespmem:$0xC600] =	vst v63  }
0x413: {  	s16 =	smov.u32 s13;
	s7 =	smov.u32 s22;
	p0 =	sne.s32 s13, $0x3E00  }
.Ltmp9:
0x414: {  	s13 =	sadd.s32 $0x200, s13;
	(pc) =	sbr.rel @p0 .LBB2_21-.Ltmp9, $2  }
0x415: {  	_ =	sdelay $0x2  }
0x416: {  	s22 =	sadd.s32 $0x88, s22;
	s16 =	sadd.s32 s16, s1  }
0x417: {  	[hbm4b:s16+s2] =	stream.linear.scatter [tilespmem:s7], [sflag:$0x5], $0x80, $0x38;
	[tilespmem:$0xC600] =	vst v63  }
0x418: {  	_ =	swait.ge [sflag:s29], $0x1000  }
0x419: {  	s1 =	simm.s32 $0x0;
	[sflag:s29] =	ssyncset.done $0x0  }
0x41a: {  	s18 =	sadd.s32 $0x380, s18;
	v17 =	vmov s1;
	[sflag:s29] =	ssyncadd.s32 $0xFFFFF000  }
0x41b: {  	v17 =	vshrl.u32 v17, $0x3;
	[tilespmem:s23], [sflag:$0x4] =	stream.indirect.gather [hbm4b:s5+s14], $0x20, s18, s14, $0xb8;
	[tilespmem:$0xC600] =	vst v63  }
0x41c: {  	v17 =	vshll.u32 v17, v1;
	_ =	swait.ge [sflag:s24], $0x1000  }
0x41d: {  	v17 =	vbroadcast v17, $0x0;
	[sflag:s24] =	ssyncset.done $0x0  }
0x41e: {  	s1 =	simm.s32 $0x74F0;
	[sflag:s24] =	ssyncadd.s32 $0xFFFFF000  }
0x41f: {  	v19 =	vadd.s32 v0, v17;
	v18 =	vld [tilespmem:s1+$0xFFFFFF10];
	_ =	sdelay $0x4  }
0x420: {  	[tilespmem:v19+s25+$0x0] =	vst.idx.msk $0xffff, v18  }
0x421: {  	s22 =	simm.s32 $0x1;
	v17 =	vadd.s32 v2, v17;
	v18 =	vld [tilespmem:s1+$0xFFFFFF20]  }
0x422: {  	v19 =	vmov s22  }
0x423: {  	v19 =	vshrl.u32 v19, $0x3  }
0x424: {  	v19 =	vshll.u32 v19, v1  }
0x425: {  	v19 =	vbroadcast v19, $0x0  }
0x426: {  	[tilespmem:v17+s25+$0x0] =	vst.idx.msk $0xffff, v18  }
0x427: {  	v18 =	vadd.s32 v3, v19;
	v17 =	vld [tilespmem:s1+$0xFFFFFF30];
	_ =	sdelay $0x4  }
0x428: {  	[tilespmem:v18+s25+$0x0] =	vst.idx.msk $0xffff, v17  }
0x429: {  	s31 =	simm.s32 $0x2;
	v18 =	vadd.s32 v4, v19;
	v17 =	vld [tilespmem:s1+$0xFFFFFF40]  }
0x42a: {  	v19 =	vmov s31  }
0x42b: {  	v19 =	vshrl.u32 v19, $0x3  }
0x42c: {  	v19 =	vshll.u32 v19, v1  }
0x42d: {  	v19 =	vbroadcast v19, $0x0  }
0x42e: {  	[tilespmem:v18+s25+$0x0] =	vst.idx.msk $0xffff, v17  }
0x42f: {  	v18 =	vadd.s32 v5, v19;
	v17 =	vld [tilespmem:s1+$0xFFFFFF50];
	_ =	sdelay $0x4  }
0x430: {  	[tilespmem:v18+s25+$0x0] =	vst.idx.msk $0xffff, v17  }
0x431: {  	s13 =	simm.s32 $0x3;
	v18 =	vadd.s32 v6, v19;
	v17 =	vld [tilespmem:s1+$0xFFFFFF60]  }
0x432: {  	v19 =	vmov s13  }
0x433: {  	v19 =	vshrl.u32 v19, $0x3  }
0x434: {  	v19 =	vshll.u32 v19, v1  }
0x435: {  	v19 =	vbroadcast v19, $0x0  }
0x436: {  	[tilespmem:v18+s25+$0x0] =	vst.idx.msk $0xffff, v17  }
0x437: {  	v18 =	vadd.s32 v7, v19;
	v17 =	vld [tilespmem:s1+$0xFFFFFF70];
	_ =	sdelay $0x4  }
0x438: {  	[tilespmem:v18+s25+$0x0] =	vst.idx.msk $0xffff, v17  }
0x439: {  	s16 =	simm.s32 $0x4;
	v18 =	vadd.s32 v8, v19;
	v17 =	vld [tilespmem:s1+$0xFFFFFF80]  }
0x43a: {  	v19 =	vmov s16  }
0x43b: {  	v19 =	vshrl.u32 v19, $0x3  }
0x43c: {  	v19 =	vshll.u32 v19, v1  }
0x43d: {  	v19 =	vbroadcast v19, $0x0  }
0x43e: {  	[tilespmem:v18+s25+$0x0] =	vst.idx.msk $0xffff, v17  }
0x43f: {  	v18 =	vadd.s32 v9, v19;
	v17 =	vld [tilespmem:s1+$0xFFFFFF90];
	_ =	sdelay $0x4  }
0x440: {  	[tilespmem:v18+s25+$0x0] =	vst.idx.msk $0xffff, v17  }
0x441: {  	s18 =	simm.s32 $0x5;
	v18 =	vadd.s32 v10, v19;
	v17 =	vld [tilespmem:s1+$0xFFFFFFA0]  }
0x442: {  	v19 =	vmov s18  }
0x443: {  	v19 =	vshrl.u32 v19, $0x3  }
0x444: {  	v19 =	vshll.u32 v19, v1  }
0x445: {  	v19 =	vbroadcast v19, $0x0  }
0x446: {  	[tilespmem:v18+s25+$0x0] =	vst.idx.msk $0xffff, v17  }
0x447: {  	v18 =	vadd.s32 v11, v19;
	v17 =	vld [tilespmem:s1+$0xFFFFFFB0];
	_ =	sdelay $0x4  }
0x448: {  	[tilespmem:v18+s25+$0x0] =	vst.idx.msk $0xffff, v17  }
0x449: {  	s22 =	simm.s32 $0x6;
	v18 =	vadd.s32 v12, v19;
	v17 =	vld [tilespmem:s1+$0xFFFFFFC0]  }
0x44a: {  	v19 =	vmov s22  }
0x44b: {  	v19 =	vshrl.u32 v19, $0x3  }
0x44c: {  	v19 =	vshll.u32 v19, v1  }
0x44d: {  	v19 =	vbroadcast v19, $0x0  }
0x44e: {  	[tilespmem:v18+s25+$0x0] =	vst.idx.msk $0xffff, v17  }
0x44f: {  	v18 =	vadd.s32 v13, v19;
	v17 =	vld [tilespmem:s1+$0xFFFFFFD0];
	_ =	sdelay $0x4  }
0x450: {  	[tilespmem:v18+s25+$0x0] =	vst.idx.msk $0xffff, v17  }
0x451: {  	s31 =	simm.s32 $0x7;
	v18 =	vadd.s32 v14, v19;
	v17 =	vld [tilespmem:s1+$0xFFFFFFE0]  }
0x452: {  	v19 =	vmov s31  }
0x453: {  	v19 =	vshrl.u32 v19, $0x3  }
0x454: {  	v19 =	vshll.u32 v19, v1  }
0x455: {  	v19 =	vbroadcast v19, $0x0  }
0x456: {  	[tilespmem:v18+s25+$0x0] =	vst.idx.msk $0xffff, v17  }
0x457: {  	v18 =	vadd.s32 v15, v19;
	v17 =	vld [tilespmem:s1+$0xFFFFFFF0];
	_ =	sdelay $0x4  }
0x458: {  	[tilespmem:v18+s25+$0x0] =	vst.idx.msk $0xffff, v17  }
0x459: {  	s7 =	simm.s32 $0xF;
	s13 =	simm.s32 $0x17;
	s18 =	simm.s32 $0x8;
	v18 =	vadd.s32 v16, v19;
	v17 =	vld [tilespmem:s1+$0x0]  }
.LBB2_23:
0x45a: {  	p0 =	sne.s32 s13, $0x7F;
	v19 =	vmov s18  }
0x45b: {  	v19 =	vshrl.u32 v19, $0x3  }
0x45c: {  	v19 =	vshll.u32 v19, v1  }
0x45d: {  	v19 =	vbroadcast v19, $0x0  }
0x45e: {  	s1 =	sadd.s32 $0x100, s1;
	[tilespmem:v18+s25+$0x0] =	vst.idx.msk $0xffff, v17  }
0x45f: {  	v17 =	vld [tilespmem:s1+$0xFFFFFF10];
	v18 =	vadd.s32 v0, v19;
	_ =	sdelay $0x4  }
0x460: {  	[tilespmem:v18+s25+$0x0] =	vst.idx.msk $0xffff, v17  }
0x461: {  	s16 =	sadd.s32 $0xFFFFFFFA, s7;
	v18 =	vadd.s32 v2, v19;
	v17 =	vld [tilespmem:s1+$0xFFFFFF20]  }
0x462: {  	v19 =	vmov s16  }
0x463: {  	v19 =	vshrl.u32 v19, $0x3  }
0x464: {  	v19 =	vshll.u32 v19, v1  }
0x465: {  	v19 =	vbroadcast v19, $0x0  }
0x466: {  	[tilespmem:v18+s25+$0x0] =	vst.idx.msk $0xffff, v17  }
0x467: {  	v18 =	vadd.s32 v3, v19;
	v17 =	vld [tilespmem:s1+$0xFFFFFF30];
	_ =	sdelay $0x4  }
0x468: {  	[tilespmem:v18+s25+$0x0] =	vst.idx.msk $0xffff, v17  }
0x469: {  	s16 =	sadd.s32 $0xFFFFFFFB, s7;
	v18 =	vadd.s32 v4, v19;
	v17 =	vld [tilespmem:s1+$0xFFFFFF40]  }
0x46a: {  	v19 =	vmov s16  }
0x46b: {  	v19 =	vshrl.u32 v19, $0x3  }
0x46c: {  	v19 =	vshll.u32 v19, v1  }
0x46d: {  	v19 =	vbroadcast v19, $0x0  }
0x46e: {  	[tilespmem:v18+s25+$0x0] =	vst.idx.msk $0xffff, v17  }
0x46f: {  	v18 =	vadd.s32 v5, v19;
	v17 =	vld [tilespmem:s1+$0xFFFFFF50];
	_ =	sdelay $0x4  }
0x470: {  	[tilespmem:v18+s25+$0x0] =	vst.idx.msk $0xffff, v17  }
0x471: {  	s16 =	sadd.s32 $0xFFFFFFFC, s7;
	v18 =	vadd.s32 v6, v19;
	v17 =	vld [tilespmem:s1+$0xFFFFFF60]  }
0x472: {  	v19 =	vmov s16  }
0x473: {  	v19 =	vshrl.u32 v19, $0x3  }
0x474: {  	v19 =	vshll.u32 v19, v1  }
0x475: {  	v19 =	vbroadcast v19, $0x0  }
0x476: {  	[tilespmem:v18+s25+$0x0] =	vst.idx.msk $0xffff, v17  }
0x477: {  	v18 =	vadd.s32 v7, v19;
	v17 =	vld [tilespmem:s1+$0xFFFFFF70];
	_ =	sdelay $0x4  }
0x478: {  	[tilespmem:v18+s25+$0x0] =	vst.idx.msk $0xffff, v17  }
0x479: {  	s16 =	sadd.s32 $0xFFFFFFFD, s7;
	v18 =	vadd.s32 v8, v19;
	v17 =	vld [tilespmem:s1+$0xFFFFFF80]  }
0x47a: {  	v19 =	vmov s16  }
0x47b: {  	v19 =	vshrl.u32 v19, $0x3  }
0x47c: {  	v19 =	vshll.u32 v19, v1  }
0x47d: {  	v19 =	vbroadcast v19, $0x0  }
0x47e: {  	[tilespmem:v18+s25+$0x0] =	vst.idx.msk $0xffff, v17  }
0x47f: {  	v18 =	vadd.s32 v9, v19;
	v17 =	vld [tilespmem:s1+$0xFFFFFF90];
	_ =	sdelay $0x4  }
0x480: {  	[tilespmem:v18+s25+$0x0] =	vst.idx.msk $0xffff, v17  }
0x481: {  	s16 =	sadd.s32 $0xFFFFFFFE, s7;
	v18 =	vadd.s32 v10, v19;
	v17 =	vld [tilespmem:s1+$0xFFFFFFA0]  }
0x482: {  	v19 =	vmov s16  }
0x483: {  	v19 =	vshrl.u32 v19, $0x3  }
0x484: {  	v19 =	vshll.u32 v19, v1  }
0x485: {  	v19 =	vbroadcast v19, $0x0  }
0x486: {  	[tilespmem:v18+s25+$0x0] =	vst.idx.msk $0xffff, v17  }
0x487: {  	v18 =	vadd.s32 v11, v19;
	v17 =	vld [tilespmem:s1+$0xFFFFFFB0];
	_ =	sdelay $0x4  }
0x488: {  	[tilespmem:v18+s25+$0x0] =	vst.idx.msk $0xffff, v17  }
0x489: {  	s16 =	sadd.s32 $0xFFFFFFFF, s7;
	v18 =	vadd.s32 v12, v19;
	v17 =	vld [tilespmem:s1+$0xFFFFFFC0]  }
0x48a: {  	v19 =	vmov s16  }
0x48b: {  	v19 =	vshrl.u32 v19, $0x3  }
0x48c: {  	v19 =	vshll.u32 v19, v1  }
0x48d: {  	v19 =	vbroadcast v19, $0x0  }
0x48e: {  	[tilespmem:v18+s25+$0x0] =	vst.idx.msk $0xffff, v17  }
0x48f: {  	v18 =	vadd.s32 v13, v19;
	v17 =	vld [tilespmem:s1+$0xFFFFFFD0];
	_ =	sdelay $0x4  }
0x490: {  	[tilespmem:v18+s25+$0x0] =	vst.idx.msk $0xffff, v17  }
0x491: {  	v18 =	vadd.s32 v14, v19;
	v17 =	vld [tilespmem:s1+$0xFFFFFFE0]  }
0x492: {  	v19 =	vmov s7;
	s7 =	smov.u32 s13  }
0x493: {  	v19 =	vshrl.u32 v19, $0x3  }
0x494: {  	v19 =	vshll.u32 v19, v1  }
0x495: {  	v19 =	vbroadcast v19, $0x0  }
0x496: {  	[tilespmem:v18+s25+$0x0] =	vst.idx.msk $0xffff, v17  }
0x497: {  	v18 =	vadd.s32 v15, v19;
	v17 =	vld [tilespmem:s1+$0xFFFFFFF0];
	_ =	sdelay $0x1  }
.Ltmp10:
0x498: {  	(pc) =	sbr.rel @p0 .LBB2_23-.Ltmp10, $3  }
0x499: {  	_ =	sdelay $0x1  }
0x49a: {  	[tilespmem:v18+s25+$0x0] =	vst.idx.msk $0xffff, v17  }
0x49b: {  	s13 =	sadd.s32 $0x8, s13;
	s18 =	sadd.s32 $0xFFFFFFF9, s7;
	v18 =	vadd.s32 v16, v19;
	v17 =	vld [tilespmem:s1+$0x0]  }
0x49c: {  	v19 =	vmov s18  }
0x49d: {  	v19 =	vshrl.u32 v19, $0x3  }
0x49e: {  	v19 =	vshll.u32 v19, v1  }
0x49f: {  	v19 =	vbroadcast v19, $0x0  }
0x4a0: {  	s1 =	sadd.s32 $0x100, s1;
	[tilespmem:v18+s25+$0x0] =	vst.idx.msk $0xffff, v17  }
0x4a1: {  	v17 =	vld [tilespmem:s1+$0xFFFFFF10];
	v18 =	vadd.s32 v0, v19;
	_ =	sdelay $0x4  }
0x4a2: {  	[tilespmem:v18+s25+$0x0] =	vst.idx.msk $0xffff, v17  }
0x4a3: {  	s13 =	sadd.s32 $0xFFFFFFFA, s7;
	v18 =	vadd.s32 v2, v19;
	v17 =	vld [tilespmem:s1+$0xFFFFFF20]  }
0x4a4: {  	v19 =	vmov s13  }
0x4a5: {  	v19 =	vshrl.u32 v19, $0x3  }
0x4a6: {  	v19 =	vshll.u32 v19, v1  }
0x4a7: {  	v19 =	vbroadcast v19, $0x0  }
0x4a8: {  	[tilespmem:v18+s25+$0x0] =	vst.idx.msk $0xffff, v17  }
0x4a9: {  	v18 =	vadd.s32 v3, v19;
	v17 =	vld [tilespmem:s1+$0xFFFFFF30];
	_ =	sdelay $0x4  }
0x4aa: {  	[tilespmem:v18+s25+$0x0] =	vst.idx.msk $0xffff, v17  }
0x4ab: {  	s22 =	sadd.s32 $0xFFFFFFFB, s7;
	v18 =	vadd.s32 v4, v19;
	v17 =	vld [tilespmem:s1+$0xFFFFFF40]  }
0x4ac: {  	v19 =	vmov s22  }
0x4ad: {  	v19 =	vshrl.u32 v19, $0x3  }
0x4ae: {  	v19 =	vshll.u32 v19, v1  }
0x4af: {  	v19 =	vbroadcast v19, $0x0  }
0x4b0: {  	[tilespmem:v18+s25+$0x0] =	vst.idx.msk $0xffff, v17  }
0x4b1: {  	v18 =	vadd.s32 v5, v19;
	v17 =	vld [tilespmem:s1+$0xFFFFFF50];
	_ =	sdelay $0x4  }
0x4b2: {  	[tilespmem:v18+s25+$0x0] =	vst.idx.msk $0xffff, v17  }
0x4b3: {  	s31 =	sadd.s32 $0xFFFFFFFC, s7;
	v18 =	vadd.s32 v6, v19;
	v17 =	vld [tilespmem:s1+$0xFFFFFF60]  }
0x4b4: {  	v19 =	vmov s31  }
0x4b5: {  	v19 =	vshrl.u32 v19, $0x3  }
0x4b6: {  	v19 =	vshll.u32 v19, v1  }
0x4b7: {  	v19 =	vbroadcast v19, $0x0  }
0x4b8: {  	[tilespmem:v18+s25+$0x0] =	vst.idx.msk $0xffff, v17  }
0x4b9: {  	v18 =	vadd.s32 v7, v19;
	v17 =	vld [tilespmem:s1+$0xFFFFFF70];
	_ =	sdelay $0x4  }
0x4ba: {  	[tilespmem:v18+s25+$0x0] =	vst.idx.msk $0xffff, v17  }
0x4bb: {  	s16 =	sadd.s32 $0xFFFFFFFD, s7;
	v18 =	vadd.s32 v8, v19;
	v17 =	vld [tilespmem:s1+$0xFFFFFF80]  }
0x4bc: {  	v19 =	vmov s16  }
0x4bd: {  	v19 =	vshrl.u32 v19, $0x3  }
0x4be: {  	v19 =	vshll.u32 v19, v1  }
0x4bf: {  	v19 =	vbroadcast v19, $0x0  }
0x4c0: {  	[tilespmem:v18+s25+$0x0] =	vst.idx.msk $0xffff, v17  }
0x4c1: {  	v18 =	vadd.s32 v9, v19;
	v17 =	vld [tilespmem:s1+$0xFFFFFF90];
	_ =	sdelay $0x4  }
0x4c2: {  	[tilespmem:v18+s25+$0x0] =	vst.idx.msk $0xffff, v17  }
0x4c3: {  	s18 =	sadd.s32 $0xFFFFFFFE, s7;
	v18 =	vadd.s32 v10, v19;
	v17 =	vld [tilespmem:s1+$0xFFFFFFA0]  }
0x4c4: {  	v19 =	vmov s18  }
0x4c5: {  	v19 =	vshrl.u32 v19, $0x3  }
0x4c6: {  	v19 =	vshll.u32 v19, v1  }
0x4c7: {  	v19 =	vbroadcast v19, $0x0  }
0x4c8: {  	[tilespmem:v18+s25+$0x0] =	vst.idx.msk $0xffff, v17  }
0x4c9: {  	v18 =	vadd.s32 v11, v19;
	v17 =	vld [tilespmem:s1+$0xFFFFFFB0];
	_ =	sdelay $0x4  }
0x4ca: {  	[tilespmem:v18+s25+$0x0] =	vst.idx.msk $0xffff, v17  }
0x4cb: {  	s22 =	sadd.s32 $0xFFFFFFFF, s7;
	v18 =	vadd.s32 v12, v19;
	v17 =	vld [tilespmem:s1+$0xFFFFFFC0]  }
0x4cc: {  	v19 =	vmov s22  }
0x4cd: {  	v19 =	vshrl.u32 v19, $0x3  }
0x4ce: {  	v19 =	vshll.u32 v19, v1  }
0x4cf: {  	v19 =	vbroadcast v19, $0x0  }
0x4d0: {  	[tilespmem:v18+s25+$0x0] =	vst.idx.msk $0xffff, v17  }
0x4d1: {  	v18 =	vadd.s32 v13, v19;
	v17 =	vld [tilespmem:s1+$0xFFFFFFD0];
	_ =	sdelay $0x4  }
0x4d2: {  	[tilespmem:v18+s25+$0x0] =	vst.idx.msk $0xffff, v17  }
0x4d3: {  	v18 =	vadd.s32 v14, v19;
	v17 =	vld [tilespmem:s1+$0xFFFFFFE0]  }
0x4d4: {  	v19 =	vmov s7  }
0x4d5: {  	v19 =	vshrl.u32 v19, $0x3  }
0x4d6: {  	v19 =	vshll.u32 v19, v1  }
0x4d7: {  	v19 =	vbroadcast v19, $0x0  }
0x4d8: {  	[tilespmem:v18+s25+$0x0] =	vst.idx.msk $0xffff, v17  }
0x4d9: {  	v18 =	vadd.s32 v15, v19;
	v17 =	vld [tilespmem:s1+$0xFFFFFFF0];
	_ =	sdelay $0x4  }
0x4da: {  	[tilespmem:v18+s25+$0x0] =	vst.idx.msk $0xffff, v17  }
0x4db: {  	v18 =	vadd.s32 v16, v19;
	v17 =	vld [tilespmem:s1+$0x0]  }
0x4dc: {  	s31 =	sshll.u32 s15, $0x11  }
0x4dd: {  	s1 =	sor.u32 s3, s31  }
0x4de: {  	s1 =	sshrl.u32 s1, $0x3  }
0x4df: {  	s13 =	simm.s32 $0x200;
	s1 =	sadd.s32 s4, s1  }
0x4e0: {  	s15 =	simm.s32 $0xB588;
	s7 =	simm.s32 $0xB500;
	s16 =	sadd.s32 $0x0, s1;
	[tilespmem:v18+s25+$0x0] =	vst.idx.msk $0xffff, v17  }
.LBB2_25:
0x4e1: {  	[hbm4b:s16+s2] =	stream.linear.scatter [tilespmem:s7], [sflag:$0x6], $0x80, $0x38;
	[tilespmem:$0xC600] =	vst v63  }
0x4e2: {  	s16 =	smov.u32 s13;
	s7 =	smov.u32 s15;
	p0 =	sne.s32 s13, $0x3E00  }
.Ltmp11:
0x4e3: {  	s13 =	sadd.s32 $0x200, s13;
	(pc) =	sbr.rel @p0 .LBB2_25-.Ltmp11, $2  }
0x4e4: {  	_ =	sdelay $0x2  }
0x4e5: {  	s15 =	sadd.s32 $0x88, s15;
	s16 =	sadd.s32 s16, s1  }
0x4e6: {  	s0 =	sadd.s32 $0x1, s0  }
0x4e7: {  	p0 =	sne.s32 s0, $0x31  }
.Ltmp12:
0x4e8: {  	_ = 	snop;
	(pc) =	sbr.rel @p0 .LBB2_10-.Ltmp12, $2  }
0x4e9: {  	_ =	sdelay $0x2  }
0x4ea: {  	[hbm4b:s16+s2] =	stream.linear.scatter [tilespmem:s7], [sflag:$0x6], $0x80, $0x38;
	[tilespmem:$0xC600] =	vst v63  }
0x4eb: {  	_ =	swait.ge [sflag:s26], $0x1000;
	s0 =	simm.s32 $0x0  }
0x4ec: {  	[sflag:s26] =	ssyncset.done $0x0;
	v17 =	vmov s0  }
0x4ed: {  	[sflag:s26] =	ssyncadd.s32 $0xFFFFF000;
	v17 =	vshrl.u32 v17, $0x3  }
0x4ee: {  	_ =	swait.ge [sflag:s28], $0x1000;
	v17 =	vshll.u32 v17, v1  }
0x4ef: {  	[sflag:s28] =	ssyncset.done $0x0;
	v17 =	vbroadcast v17, $0x0  }
0x4f0: {  	s0 =	simm.s32 $0x84F0;
	[sflag:s28] =	ssyncadd.s32 $0xFFFFF000  }
0x4f1: {  	v18 =	vld [tilespmem:s0+$0xFFFFFF10];
	v19 =	vadd.s32 v0, v17;
	_ =	sdelay $0x4  }
0x4f2: {  	[tilespmem:v19+s21+$0x0] =	vst.idx.msk $0xffff, v18  }
0x4f3: {  	s1 =	simm.s32 $0x1;
	v17 =	vadd.s32 v2, v17;
	v18 =	vld [tilespmem:s0+$0xFFFFFF20]  }
0x4f4: {  	v19 =	vmov s1  }
0x4f5: {  	v19 =	vshrl.u32 v19, $0x3  }
0x4f6: {  	v19 =	vshll.u32 v19, v1  }
0x4f7: {  	v19 =	vbroadcast v19, $0x0  }
0x4f8: {  	[tilespmem:v17+s21+$0x0] =	vst.idx.msk $0xffff, v18  }
0x4f9: {  	v18 =	vadd.s32 v3, v19;
	v17 =	vld [tilespmem:s0+$0xFFFFFF30];
	_ =	sdelay $0x4  }
0x4fa: {  	[tilespmem:v18+s21+$0x0] =	vst.idx.msk $0xffff, v17  }
0x4fb: {  	s13 =	simm.s32 $0x2;
	v18 =	vadd.s32 v4, v19;
	v17 =	vld [tilespmem:s0+$0xFFFFFF40]  }
0x4fc: {  	v19 =	vmov s13  }
0x4fd: {  	v19 =	vshrl.u32 v19, $0x3  }
0x4fe: {  	v19 =	vshll.u32 v19, v1  }
0x4ff: {  	v19 =	vbroadcast v19, $0x0  }
0x500: {  	[tilespmem:v18+s21+$0x0] =	vst.idx.msk $0xffff, v17  }
0x501: {  	v18 =	vadd.s32 v5, v19;
	v17 =	vld [tilespmem:s0+$0xFFFFFF50];
	_ =	sdelay $0x4  }
0x502: {  	[tilespmem:v18+s21+$0x0] =	vst.idx.msk $0xffff, v17  }
0x503: {  	s15 =	simm.s32 $0x3;
	v18 =	vadd.s32 v6, v19;
	v17 =	vld [tilespmem:s0+$0xFFFFFF60]  }
0x504: {  	v19 =	vmov s15  }
0x505: {  	v19 =	vshrl.u32 v19, $0x3  }
0x506: {  	v19 =	vshll.u32 v19, v1  }
0x507: {  	v19 =	vbroadcast v19, $0x0  }
0x508: {  	[tilespmem:v18+s21+$0x0] =	vst.idx.msk $0xffff, v17  }
0x509: {  	v18 =	vadd.s32 v7, v19;
	v17 =	vld [tilespmem:s0+$0xFFFFFF70];
	_ =	sdelay $0x4  }
0x50a: {  	[tilespmem:v18+s21+$0x0] =	vst.idx.msk $0xffff, v17  }
0x50b: {  	s16 =	simm.s32 $0x4;
	v18 =	vadd.s32 v8, v19;
	v17 =	vld [tilespmem:s0+$0xFFFFFF80]  }
0x50c: {  	v19 =	vmov s16  }
0x50d: {  	v19 =	vshrl.u32 v19, $0x3  }
0x50e: {  	v19 =	vshll.u32 v19, v1  }
0x50f: {  	v19 =	vbroadcast v19, $0x0  }
0x510: {  	[tilespmem:v18+s21+$0x0] =	vst.idx.msk $0xffff, v17  }
0x511: {  	v18 =	vadd.s32 v9, v19;
	v17 =	vld [tilespmem:s0+$0xFFFFFF90];
	_ =	sdelay $0x4  }
0x512: {  	[tilespmem:v18+s21+$0x0] =	vst.idx.msk $0xffff, v17  }
0x513: {  	s18 =	simm.s32 $0x5;
	v18 =	vadd.s32 v10, v19;
	v17 =	vld [tilespmem:s0+$0xFFFFFFA0]  }
0x514: {  	v19 =	vmov s18  }
0x515: {  	v19 =	vshrl.u32 v19, $0x3  }
0x516: {  	v19 =	vshll.u32 v19, v1  }
0x517: {  	v19 =	vbroadcast v19, $0x0  }
0x518: {  	[tilespmem:v18+s21+$0x0] =	vst.idx.msk $0xffff, v17  }
0x519: {  	v18 =	vadd.s32 v11, v19;
	v17 =	vld [tilespmem:s0+$0xFFFFFFB0];
	_ =	sdelay $0x4  }
0x51a: {  	[tilespmem:v18+s21+$0x0] =	vst.idx.msk $0xffff, v17  }
0x51b: {  	s22 =	simm.s32 $0x6;
	v18 =	vadd.s32 v12, v19;
	v17 =	vld [tilespmem:s0+$0xFFFFFFC0]  }
0x51c: {  	v19 =	vmov s22  }
0x51d: {  	v19 =	vshrl.u32 v19, $0x3  }
0x51e: {  	v19 =	vshll.u32 v19, v1  }
0x51f: {  	v19 =	vbroadcast v19, $0x0  }
0x520: {  	[tilespmem:v18+s21+$0x0] =	vst.idx.msk $0xffff, v17  }
0x521: {  	v18 =	vadd.s32 v13, v19;
	v17 =	vld [tilespmem:s0+$0xFFFFFFD0];
	_ =	sdelay $0x4  }
0x522: {  	[tilespmem:v18+s21+$0x0] =	vst.idx.msk $0xffff, v17  }
0x523: {  	s31 =	simm.s32 $0x7;
	v18 =	vadd.s32 v14, v19;
	v17 =	vld [tilespmem:s0+$0xFFFFFFE0]  }
0x524: {  	v19 =	vmov s31  }
0x525: {  	v19 =	vshrl.u32 v19, $0x3  }
0x526: {  	v19 =	vshll.u32 v19, v1  }
0x527: {  	v19 =	vbroadcast v19, $0x0  }
0x528: {  	[tilespmem:v18+s21+$0x0] =	vst.idx.msk $0xffff, v17  }
0x529: {  	v18 =	vadd.s32 v15, v19;
	v17 =	vld [tilespmem:s0+$0xFFFFFFF0];
	_ =	sdelay $0x4  }
0x52a: {  	[tilespmem:v18+s21+$0x0] =	vst.idx.msk $0xffff, v17  }
0x52b: {  	s7 =	simm.s32 $0x17;
	s1 =	simm.s32 $0xF;
	s13 =	simm.s32 $0x8;
	v18 =	vadd.s32 v16, v19;
	v17 =	vld [tilespmem:s0+$0x0]  }
.LBB2_28:
0x52c: {  	p0 =	sne.s32 s7, $0x7F;
	v19 =	vmov s13  }
0x52d: {  	v19 =	vshrl.u32 v19, $0x3  }
0x52e: {  	v19 =	vshll.u32 v19, v1  }
0x52f: {  	v19 =	vbroadcast v19, $0x0  }
0x530: {  	s0 =	sadd.s32 $0x100, s0;
	[tilespmem:v18+s21+$0x0] =	vst.idx.msk $0xffff, v17  }
0x531: {  	v17 =	vld [tilespmem:s0+$0xFFFFFF10];
	v18 =	vadd.s32 v0, v19;
	_ =	sdelay $0x4  }
0x532: {  	[tilespmem:v18+s21+$0x0] =	vst.idx.msk $0xffff, v17  }
0x533: {  	s13 =	sadd.s32 $0xFFFFFFFA, s1;
	v18 =	vadd.s32 v2, v19;
	v17 =	vld [tilespmem:s0+$0xFFFFFF20]  }
0x534: {  	v19 =	vmov s13  }
0x535: {  	v19 =	vshrl.u32 v19, $0x3  }
0x536: {  	v19 =	vshll.u32 v19, v1  }
0x537: {  	v19 =	vbroadcast v19, $0x0  }
0x538: {  	[tilespmem:v18+s21+$0x0] =	vst.idx.msk $0xffff, v17  }
0x539: {  	v18 =	vadd.s32 v3, v19;
	v17 =	vld [tilespmem:s0+$0xFFFFFF30];
	_ =	sdelay $0x4  }
0x53a: {  	[tilespmem:v18+s21+$0x0] =	vst.idx.msk $0xffff, v17  }
0x53b: {  	s13 =	sadd.s32 $0xFFFFFFFB, s1;
	v18 =	vadd.s32 v4, v19;
	v17 =	vld [tilespmem:s0+$0xFFFFFF40]  }
0x53c: {  	v19 =	vmov s13  }
0x53d: {  	v19 =	vshrl.u32 v19, $0x3  }
0x53e: {  	v19 =	vshll.u32 v19, v1  }
0x53f: {  	v19 =	vbroadcast v19, $0x0  }
0x540: {  	[tilespmem:v18+s21+$0x0] =	vst.idx.msk $0xffff, v17  }
0x541: {  	v18 =	vadd.s32 v5, v19;
	v17 =	vld [tilespmem:s0+$0xFFFFFF50];
	_ =	sdelay $0x4  }
0x542: {  	[tilespmem:v18+s21+$0x0] =	vst.idx.msk $0xffff, v17  }
0x543: {  	s13 =	sadd.s32 $0xFFFFFFFC, s1;
	v18 =	vadd.s32 v6, v19;
	v17 =	vld [tilespmem:s0+$0xFFFFFF60]  }
0x544: {  	v19 =	vmov s13  }
0x545: {  	v19 =	vshrl.u32 v19, $0x3  }
0x546: {  	v19 =	vshll.u32 v19, v1  }
0x547: {  	v19 =	vbroadcast v19, $0x0  }
0x548: {  	[tilespmem:v18+s21+$0x0] =	vst.idx.msk $0xffff, v17  }
0x549: {  	v18 =	vadd.s32 v7, v19;
	v17 =	vld [tilespmem:s0+$0xFFFFFF70];
	_ =	sdelay $0x4  }
0x54a: {  	[tilespmem:v18+s21+$0x0] =	vst.idx.msk $0xffff, v17  }
0x54b: {  	s13 =	sadd.s32 $0xFFFFFFFD, s1;
	v18 =	vadd.s32 v8, v19;
	v17 =	vld [tilespmem:s0+$0xFFFFFF80]  }
0x54c: {  	v19 =	vmov s13  }
0x54d: {  	v19 =	vshrl.u32 v19, $0x3  }
0x54e: {  	v19 =	vshll.u32 v19, v1  }
0x54f: {  	v19 =	vbroadcast v19, $0x0  }
0x550: {  	[tilespmem:v18+s21+$0x0] =	vst.idx.msk $0xffff, v17  }
0x551: {  	v18 =	vadd.s32 v9, v19;
	v17 =	vld [tilespmem:s0+$0xFFFFFF90];
	_ =	sdelay $0x4  }
0x552: {  	[tilespmem:v18+s21+$0x0] =	vst.idx.msk $0xffff, v17  }
0x553: {  	s13 =	sadd.s32 $0xFFFFFFFE, s1;
	v18 =	vadd.s32 v10, v19;
	v17 =	vld [tilespmem:s0+$0xFFFFFFA0]  }
0x554: {  	v19 =	vmov s13  }
0x555: {  	v19 =	vshrl.u32 v19, $0x3  }
0x556: {  	v19 =	vshll.u32 v19, v1  }
0x557: {  	v19 =	vbroadcast v19, $0x0  }
0x558: {  	[tilespmem:v18+s21+$0x0] =	vst.idx.msk $0xffff, v17  }
0x559: {  	v18 =	vadd.s32 v11, v19;
	v17 =	vld [tilespmem:s0+$0xFFFFFFB0];
	_ =	sdelay $0x4  }
0x55a: {  	[tilespmem:v18+s21+$0x0] =	vst.idx.msk $0xffff, v17  }
0x55b: {  	s13 =	sadd.s32 $0xFFFFFFFF, s1;
	v18 =	vadd.s32 v12, v19;
	v17 =	vld [tilespmem:s0+$0xFFFFFFC0]  }
0x55c: {  	v19 =	vmov s13  }
0x55d: {  	v19 =	vshrl.u32 v19, $0x3  }
0x55e: {  	v19 =	vshll.u32 v19, v1  }
0x55f: {  	v19 =	vbroadcast v19, $0x0  }
0x560: {  	[tilespmem:v18+s21+$0x0] =	vst.idx.msk $0xffff, v17  }
0x561: {  	v18 =	vadd.s32 v13, v19;
	v17 =	vld [tilespmem:s0+$0xFFFFFFD0];
	_ =	sdelay $0x4  }
0x562: {  	[tilespmem:v18+s21+$0x0] =	vst.idx.msk $0xffff, v17  }
0x563: {  	v18 =	vadd.s32 v14, v19;
	v17 =	vld [tilespmem:s0+$0xFFFFFFE0]  }
0x564: {  	v19 =	vmov s1;
	s1 =	smov.u32 s7  }
0x565: {  	v19 =	vshrl.u32 v19, $0x3  }
0x566: {  	v19 =	vshll.u32 v19, v1  }
0x567: {  	v19 =	vbroadcast v19, $0x0  }
0x568: {  	[tilespmem:v18+s21+$0x0] =	vst.idx.msk $0xffff, v17  }
0x569: {  	v18 =	vadd.s32 v15, v19;
	v17 =	vld [tilespmem:s0+$0xFFFFFFF0];
	_ =	sdelay $0x1  }
.Ltmp13:
0x56a: {  	(pc) =	sbr.rel @p0 .LBB2_28-.Ltmp13, $3  }
0x56b: {  	_ =	sdelay $0x1  }
0x56c: {  	[tilespmem:v18+s21+$0x0] =	vst.idx.msk $0xffff, v17  }
0x56d: {  	s7 =	sadd.s32 $0x8, s7;
	s13 =	sadd.s32 $0xFFFFFFF9, s1;
	v18 =	vadd.s32 v16, v19;
	v17 =	vld [tilespmem:s0+$0x0]  }
0x56e: {  	v19 =	vmov s13  }
0x56f: {  	v19 =	vshrl.u32 v19, $0x3  }
0x570: {  	v19 =	vshll.u32 v19, v1  }
0x571: {  	v19 =	vbroadcast v19, $0x0  }
0x572: {  	s0 =	sadd.s32 $0x100, s0;
	[tilespmem:v18+s21+$0x0] =	vst.idx.msk $0xffff, v17  }
0x573: {  	v17 =	vld [tilespmem:s0+$0xFFFFFF10];
	v18 =	vadd.s32 v0, v19;
	_ =	sdelay $0x4  }
0x574: {  	[tilespmem:v18+s21+$0x0] =	vst.idx.msk $0xffff, v17  }
0x575: {  	s7 =	sadd.s32 $0xFFFFFFFA, s1;
	v18 =	vadd.s32 v2, v19;
	v17 =	vld [tilespmem:s0+$0xFFFFFF20]  }
0x576: {  	v19 =	vmov s7  }
0x577: {  	v19 =	vshrl.u32 v19, $0x3  }
0x578: {  	v19 =	vshll.u32 v19, v1  }
0x579: {  	v19 =	vbroadcast v19, $0x0  }
0x57a: {  	[tilespmem:v18+s21+$0x0] =	vst.idx.msk $0xffff, v17  }
0x57b: {  	v18 =	vadd.s32 v3, v19;
	v17 =	vld [tilespmem:s0+$0xFFFFFF30];
	_ =	sdelay $0x4  }
0x57c: {  	[tilespmem:v18+s21+$0x0] =	vst.idx.msk $0xffff, v17  }
0x57d: {  	s15 =	sadd.s32 $0xFFFFFFFB, s1;
	v18 =	vadd.s32 v4, v19;
	v17 =	vld [tilespmem:s0+$0xFFFFFF40]  }
0x57e: {  	v19 =	vmov s15  }
0x57f: {  	v19 =	vshrl.u32 v19, $0x3  }
0x580: {  	v19 =	vshll.u32 v19, v1  }
0x581: {  	v19 =	vbroadcast v19, $0x0  }
0x582: {  	[tilespmem:v18+s21+$0x0] =	vst.idx.msk $0xffff, v17  }
0x583: {  	v18 =	vadd.s32 v5, v19;
	v17 =	vld [tilespmem:s0+$0xFFFFFF50];
	_ =	sdelay $0x4  }
0x584: {  	[tilespmem:v18+s21+$0x0] =	vst.idx.msk $0xffff, v17  }
0x585: {  	s16 =	sadd.s32 $0xFFFFFFFC, s1;
	v18 =	vadd.s32 v6, v19;
	v17 =	vld [tilespmem:s0+$0xFFFFFF60]  }
0x586: {  	v19 =	vmov s16  }
0x587: {  	v19 =	vshrl.u32 v19, $0x3  }
0x588: {  	v19 =	vshll.u32 v19, v1  }
0x589: {  	v19 =	vbroadcast v19, $0x0  }
0x58a: {  	[tilespmem:v18+s21+$0x0] =	vst.idx.msk $0xffff, v17  }
0x58b: {  	v18 =	vadd.s32 v7, v19;
	v17 =	vld [tilespmem:s0+$0xFFFFFF70];
	_ =	sdelay $0x4  }
0x58c: {  	[tilespmem:v18+s21+$0x0] =	vst.idx.msk $0xffff, v17  }
0x58d: {  	s18 =	sadd.s32 $0xFFFFFFFD, s1;
	v18 =	vadd.s32 v8, v19;
	v17 =	vld [tilespmem:s0+$0xFFFFFF80]  }
0x58e: {  	v19 =	vmov s18  }
0x58f: {  	v19 =	vshrl.u32 v19, $0x3  }
0x590: {  	v19 =	vshll.u32 v19, v1  }
0x591: {  	v19 =	vbroadcast v19, $0x0  }
0x592: {  	[tilespmem:v18+s21+$0x0] =	vst.idx.msk $0xffff, v17  }
0x593: {  	v18 =	vadd.s32 v9, v19;
	v17 =	vld [tilespmem:s0+$0xFFFFFF90];
	_ =	sdelay $0x4  }
0x594: {  	[tilespmem:v18+s21+$0x0] =	vst.idx.msk $0xffff, v17  }
0x595: {  	s22 =	sadd.s32 $0xFFFFFFFE, s1;
	v18 =	vadd.s32 v10, v19;
	v17 =	vld [tilespmem:s0+$0xFFFFFFA0]  }
0x596: {  	v19 =	vmov s22  }
0x597: {  	v19 =	vshrl.u32 v19, $0x3  }
0x598: {  	v19 =	vshll.u32 v19, v1  }
0x599: {  	v19 =	vbroadcast v19, $0x0  }
0x59a: {  	[tilespmem:v18+s21+$0x0] =	vst.idx.msk $0xffff, v17  }
0x59b: {  	v18 =	vadd.s32 v11, v19;
	v17 =	vld [tilespmem:s0+$0xFFFFFFB0];
	_ =	sdelay $0x4  }
0x59c: {  	[tilespmem:v18+s21+$0x0] =	vst.idx.msk $0xffff, v17  }
0x59d: {  	s31 =	sadd.s32 $0xFFFFFFFF, s1;
	v18 =	vadd.s32 v12, v19;
	v17 =	vld [tilespmem:s0+$0xFFFFFFC0]  }
0x59e: {  	v19 =	vmov s31  }
0x59f: {  	v19 =	vshrl.u32 v19, $0x3  }
0x5a0: {  	v19 =	vshll.u32 v19, v1  }
0x5a1: {  	v19 =	vbroadcast v19, $0x0  }
0x5a2: {  	[tilespmem:v18+s21+$0x0] =	vst.idx.msk $0xffff, v17  }
0x5a3: {  	v18 =	vadd.s32 v13, v19;
	v17 =	vld [tilespmem:s0+$0xFFFFFFD0];
	_ =	sdelay $0x4  }
0x5a4: {  	[tilespmem:v18+s21+$0x0] =	vst.idx.msk $0xffff, v17  }
0x5a5: {  	v18 =	vadd.s32 v14, v19;
	v17 =	vld [tilespmem:s0+$0xFFFFFFE0]  }
0x5a6: {  	v19 =	vmov s1  }
0x5a7: {  	v19 =	vshrl.u32 v19, $0x3  }
0x5a8: {  	v19 =	vshll.u32 v19, v1  }
0x5a9: {  	v19 =	vbroadcast v19, $0x0  }
0x5aa: {  	[tilespmem:v18+s21+$0x0] =	vst.idx.msk $0xffff, v17  }
0x5ab: {  	v18 =	vadd.s32 v15, v19;
	v17 =	vld [tilespmem:s0+$0xFFFFFFF0];
	_ =	sdelay $0x4  }
0x5ac: {  	[tilespmem:v18+s21+$0x0] =	vst.idx.msk $0xffff, v17  }
0x5ad: {  	v18 =	vadd.s32 v16, v19;
	v17 =	vld [tilespmem:s0+$0x0];
	_ =	sdelay $0x3  }
0x5ae: {  	s13 =	sadd.s32 $0x0, s11  }
0x5af: {  	s7 =	simm.s32 $0xA488;
	s1 =	simm.s32 $0x200;
	s0 =	simm.s32 $0xA400;
	[tilespmem:v18+s21+$0x0] =	vst.idx.msk $0xffff, v17  }
.LBB2_30:
0x5b0: {  	[hbm4b:s13+s2] =	stream.linear.scatter [tilespmem:s0], [sflag:$0x5], $0x80, $0x38;
	[tilespmem:$0xC600] =	vst v63  }
0x5b1: {  	s13 =	smov.u32 s1;
	s0 =	smov.u32 s7;
	p0 =	sne.s32 s1, $0x3E00  }
.Ltmp14:
0x5b2: {  	s1 =	sadd.s32 $0x200, s1;
	(pc) =	sbr.rel @p0 .LBB2_30-.Ltmp14, $2  }
0x5b3: {  	_ =	sdelay $0x2  }
0x5b4: {  	s7 =	sadd.s32 $0x88, s7;
	s13 =	sadd.s32 s13, s11  }
0x5b5: {  	[hbm4b:s13+s2] =	stream.linear.scatter [tilespmem:s0], [sflag:$0x5], $0x80, $0x38;
	[tilespmem:$0xC600] =	vst v63  }
0x5b6: {  	s7 =	simm.s32 $0x0;
	_ =	swait.ge [sflag:s29], $0x1000  }
0x5b7: {  	v17 =	vmov s7;
	[sflag:s29] =	ssyncset.done $0x0  }
0x5b8: {  	v17 =	vshrl.u32 v17, $0x3;
	[sflag:s29] =	ssyncadd.s32 $0xFFFFF000  }
0x5b9: {  	v17 =	vshll.u32 v17, v1;
	_ =	swait.ge [sflag:s30], $0x1000  }
0x5ba: {  	v17 =	vbroadcast v17, $0x0;
	[sflag:s30] =	ssyncset.done $0x0  }
0x5bb: {  	s0 =	simm.s32 $0x94F0;
	[sflag:s30] =	ssyncadd.s32 $0xFFFFF000  }
0x5bc: {  	v19 =	vadd.s32 v0, v17;
	v18 =	vld [tilespmem:s0+$0xFFFFFF10];
	_ =	sdelay $0x4  }
0x5bd: {  	[tilespmem:v19+s25+$0x0] =	vst.idx.msk $0xffff, v18  }
0x5be: {  	s1 =	simm.s32 $0x1;
	v17 =	vadd.s32 v2, v17;
	v18 =	vld [tilespmem:s0+$0xFFFFFF20]  }
0x5bf: {  	v19 =	vmov s1  }
0x5c0: {  	v19 =	vshrl.u32 v19, $0x3  }
0x5c1: {  	v19 =	vshll.u32 v19, v1  }
0x5c2: {  	v19 =	vbroadcast v19, $0x0  }
0x5c3: {  	[tilespmem:v17+s25+$0x0] =	vst.idx.msk $0xffff, v18  }
0x5c4: {  	v18 =	vadd.s32 v3, v19;
	v17 =	vld [tilespmem:s0+$0xFFFFFF30];
	_ =	sdelay $0x4  }
0x5c5: {  	[tilespmem:v18+s25+$0x0] =	vst.idx.msk $0xffff, v17  }
0x5c6: {  	s13 =	simm.s32 $0x2;
	v18 =	vadd.s32 v4, v19;
	v17 =	vld [tilespmem:s0+$0xFFFFFF40]  }
0x5c7: {  	v19 =	vmov s13  }
0x5c8: {  	v19 =	vshrl.u32 v19, $0x3  }
0x5c9: {  	v19 =	vshll.u32 v19, v1  }
0x5ca: {  	v19 =	vbroadcast v19, $0x0  }
0x5cb: {  	[tilespmem:v18+s25+$0x0] =	vst.idx.msk $0xffff, v17  }
0x5cc: {  	v18 =	vadd.s32 v5, v19;
	v17 =	vld [tilespmem:s0+$0xFFFFFF50];
	_ =	sdelay $0x4  }
0x5cd: {  	[tilespmem:v18+s25+$0x0] =	vst.idx.msk $0xffff, v17  }
0x5ce: {  	s15 =	simm.s32 $0x3;
	v18 =	vadd.s32 v6, v19;
	v17 =	vld [tilespmem:s0+$0xFFFFFF60]  }
0x5cf: {  	v19 =	vmov s15  }
0x5d0: {  	v19 =	vshrl.u32 v19, $0x3  }
0x5d1: {  	v19 =	vshll.u32 v19, v1  }
0x5d2: {  	v19 =	vbroadcast v19, $0x0  }
0x5d3: {  	[tilespmem:v18+s25+$0x0] =	vst.idx.msk $0xffff, v17  }
0x5d4: {  	v18 =	vadd.s32 v7, v19;
	v17 =	vld [tilespmem:s0+$0xFFFFFF70];
	_ =	sdelay $0x4  }
0x5d5: {  	[tilespmem:v18+s25+$0x0] =	vst.idx.msk $0xffff, v17  }
0x5d6: {  	s16 =	simm.s32 $0x4;
	v18 =	vadd.s32 v8, v19;
	v17 =	vld [tilespmem:s0+$0xFFFFFF80]  }
0x5d7: {  	v19 =	vmov s16  }
0x5d8: {  	v19 =	vshrl.u32 v19, $0x3  }
0x5d9: {  	v19 =	vshll.u32 v19, v1  }
0x5da: {  	v19 =	vbroadcast v19, $0x0  }
0x5db: {  	[tilespmem:v18+s25+$0x0] =	vst.idx.msk $0xffff, v17  }
0x5dc: {  	v18 =	vadd.s32 v9, v19;
	v17 =	vld [tilespmem:s0+$0xFFFFFF90];
	_ =	sdelay $0x4  }
0x5dd: {  	[tilespmem:v18+s25+$0x0] =	vst.idx.msk $0xffff, v17  }
0x5de: {  	s18 =	simm.s32 $0x5;
	v18 =	vadd.s32 v10, v19;
	v17 =	vld [tilespmem:s0+$0xFFFFFFA0]  }
0x5df: {  	v19 =	vmov s18  }
0x5e0: {  	v19 =	vshrl.u32 v19, $0x3  }
0x5e1: {  	v19 =	vshll.u32 v19, v1  }
0x5e2: {  	v19 =	vbroadcast v19, $0x0  }
0x5e3: {  	[tilespmem:v18+s25+$0x0] =	vst.idx.msk $0xffff, v17  }
0x5e4: {  	v18 =	vadd.s32 v11, v19;
	v17 =	vld [tilespmem:s0+$0xFFFFFFB0];
	_ =	sdelay $0x4  }
0x5e5: {  	[tilespmem:v18+s25+$0x0] =	vst.idx.msk $0xffff, v17  }
0x5e6: {  	s22 =	simm.s32 $0x6;
	v18 =	vadd.s32 v12, v19;
	v17 =	vld [tilespmem:s0+$0xFFFFFFC0]  }
0x5e7: {  	v19 =	vmov s22  }
0x5e8: {  	v19 =	vshrl.u32 v19, $0x3  }
0x5e9: {  	v19 =	vshll.u32 v19, v1  }
0x5ea: {  	v19 =	vbroadcast v19, $0x0  }
0x5eb: {  	[tilespmem:v18+s25+$0x0] =	vst.idx.msk $0xffff, v17  }
0x5ec: {  	v18 =	vadd.s32 v13, v19;
	v17 =	vld [tilespmem:s0+$0xFFFFFFD0];
	_ =	sdelay $0x4  }
0x5ed: {  	[tilespmem:v18+s25+$0x0] =	vst.idx.msk $0xffff, v17  }
0x5ee: {  	s31 =	simm.s32 $0x7;
	v18 =	vadd.s32 v14, v19;
	v17 =	vld [tilespmem:s0+$0xFFFFFFE0]  }
0x5ef: {  	v19 =	vmov s31  }
0x5f0: {  	v19 =	vshrl.u32 v19, $0x3  }
0x5f1: {  	v19 =	vshll.u32 v19, v1  }
0x5f2: {  	v19 =	vbroadcast v19, $0x0  }
0x5f3: {  	[tilespmem:v18+s25+$0x0] =	vst.idx.msk $0xffff, v17  }
0x5f4: {  	v18 =	vadd.s32 v15, v19;
	v17 =	vld [tilespmem:s0+$0xFFFFFFF0];
	_ =	sdelay $0x4  }
0x5f5: {  	[tilespmem:v18+s25+$0x0] =	vst.idx.msk $0xffff, v17  }
0x5f6: {  	s7 =	simm.s32 $0x17;
	s1 =	simm.s32 $0xF;
	s13 =	simm.s32 $0x8;
	v18 =	vadd.s32 v16, v19;
	v17 =	vld [tilespmem:s0+$0x0]  }
.LBB2_32:
0x5f7: {  	p0 =	sne.s32 s7, $0x7F;
	v19 =	vmov s13  }
0x5f8: {  	v19 =	vshrl.u32 v19, $0x3  }
0x5f9: {  	v19 =	vshll.u32 v19, v1  }
0x5fa: {  	v19 =	vbroadcast v19, $0x0  }
0x5fb: {  	s0 =	sadd.s32 $0x100, s0;
	[tilespmem:v18+s25+$0x0] =	vst.idx.msk $0xffff, v17  }
0x5fc: {  	v17 =	vld [tilespmem:s0+$0xFFFFFF10];
	v18 =	vadd.s32 v0, v19;
	_ =	sdelay $0x4  }
0x5fd: {  	[tilespmem:v18+s25+$0x0] =	vst.idx.msk $0xffff, v17  }
0x5fe: {  	s13 =	sadd.s32 $0xFFFFFFFA, s1;
	v18 =	vadd.s32 v2, v19;
	v17 =	vld [tilespmem:s0+$0xFFFFFF20]  }
0x5ff: {  	v19 =	vmov s13  }
0x600: {  	v19 =	vshrl.u32 v19, $0x3  }
0x601: {  	v19 =	vshll.u32 v19, v1  }
0x602: {  	v19 =	vbroadcast v19, $0x0  }
0x603: {  	[tilespmem:v18+s25+$0x0] =	vst.idx.msk $0xffff, v17  }
0x604: {  	v18 =	vadd.s32 v3, v19;
	v17 =	vld [tilespmem:s0+$0xFFFFFF30];
	_ =	sdelay $0x4  }
0x605: {  	[tilespmem:v18+s25+$0x0] =	vst.idx.msk $0xffff, v17  }
0x606: {  	s13 =	sadd.s32 $0xFFFFFFFB, s1;
	v18 =	vadd.s32 v4, v19;
	v17 =	vld [tilespmem:s0+$0xFFFFFF40]  }
0x607: {  	v19 =	vmov s13  }
0x608: {  	v19 =	vshrl.u32 v19, $0x3  }
0x609: {  	v19 =	vshll.u32 v19, v1  }
0x60a: {  	v19 =	vbroadcast v19, $0x0  }
0x60b: {  	[tilespmem:v18+s25+$0x0] =	vst.idx.msk $0xffff, v17  }
0x60c: {  	v18 =	vadd.s32 v5, v19;
	v17 =	vld [tilespmem:s0+$0xFFFFFF50];
	_ =	sdelay $0x4  }
0x60d: {  	[tilespmem:v18+s25+$0x0] =	vst.idx.msk $0xffff, v17  }
0x60e: {  	s13 =	sadd.s32 $0xFFFFFFFC, s1;
	v18 =	vadd.s32 v6, v19;
	v17 =	vld [tilespmem:s0+$0xFFFFFF60]  }
0x60f: {  	v19 =	vmov s13  }
0x610: {  	v19 =	vshrl.u32 v19, $0x3  }
0x611: {  	v19 =	vshll.u32 v19, v1  }
0x612: {  	v19 =	vbroadcast v19, $0x0  }
0x613: {  	[tilespmem:v18+s25+$0x0] =	vst.idx.msk $0xffff, v17  }
0x614: {  	v18 =	vadd.s32 v7, v19;
	v17 =	vld [tilespmem:s0+$0xFFFFFF70];
	_ =	sdelay $0x4  }
0x615: {  	[tilespmem:v18+s25+$0x0] =	vst.idx.msk $0xffff, v17  }
0x616: {  	s13 =	sadd.s32 $0xFFFFFFFD, s1;
	v18 =	vadd.s32 v8, v19;
	v17 =	vld [tilespmem:s0+$0xFFFFFF80]  }
0x617: {  	v19 =	vmov s13  }
0x618: {  	v19 =	vshrl.u32 v19, $0x3  }
0x619: {  	v19 =	vshll.u32 v19, v1  }
0x61a: {  	v19 =	vbroadcast v19, $0x0  }
0x61b: {  	[tilespmem:v18+s25+$0x0] =	vst.idx.msk $0xffff, v17  }
0x61c: {  	v18 =	vadd.s32 v9, v19;
	v17 =	vld [tilespmem:s0+$0xFFFFFF90];
	_ =	sdelay $0x4  }
0x61d: {  	[tilespmem:v18+s25+$0x0] =	vst.idx.msk $0xffff, v17  }
0x61e: {  	s13 =	sadd.s32 $0xFFFFFFFE, s1;
	v18 =	vadd.s32 v10, v19;
	v17 =	vld [tilespmem:s0+$0xFFFFFFA0]  }
0x61f: {  	v19 =	vmov s13  }
0x620: {  	v19 =	vshrl.u32 v19, $0x3  }
0x621: {  	v19 =	vshll.u32 v19, v1  }
0x622: {  	v19 =	vbroadcast v19, $0x0  }
0x623: {  	[tilespmem:v18+s25+$0x0] =	vst.idx.msk $0xffff, v17  }
0x624: {  	v18 =	vadd.s32 v11, v19;
	v17 =	vld [tilespmem:s0+$0xFFFFFFB0];
	_ =	sdelay $0x4  }
0x625: {  	[tilespmem:v18+s25+$0x0] =	vst.idx.msk $0xffff, v17  }
0x626: {  	s13 =	sadd.s32 $0xFFFFFFFF, s1;
	v18 =	vadd.s32 v12, v19;
	v17 =	vld [tilespmem:s0+$0xFFFFFFC0]  }
0x627: {  	v19 =	vmov s13  }
0x628: {  	v19 =	vshrl.u32 v19, $0x3  }
0x629: {  	v19 =	vshll.u32 v19, v1  }
0x62a: {  	v19 =	vbroadcast v19, $0x0  }
0x62b: {  	[tilespmem:v18+s25+$0x0] =	vst.idx.msk $0xffff, v17  }
0x62c: {  	v18 =	vadd.s32 v13, v19;
	v17 =	vld [tilespmem:s0+$0xFFFFFFD0];
	_ =	sdelay $0x4  }
0x62d: {  	[tilespmem:v18+s25+$0x0] =	vst.idx.msk $0xffff, v17  }
0x62e: {  	v18 =	vadd.s32 v14, v19;
	v17 =	vld [tilespmem:s0+$0xFFFFFFE0]  }
0x62f: {  	v19 =	vmov s1;
	s1 =	smov.u32 s7  }
0x630: {  	v19 =	vshrl.u32 v19, $0x3  }
0x631: {  	v19 =	vshll.u32 v19, v1  }
0x632: {  	v19 =	vbroadcast v19, $0x0  }
0x633: {  	[tilespmem:v18+s25+$0x0] =	vst.idx.msk $0xffff, v17  }
0x634: {  	v18 =	vadd.s32 v15, v19;
	v17 =	vld [tilespmem:s0+$0xFFFFFFF0];
	_ =	sdelay $0x1  }
.Ltmp15:
0x635: {  	(pc) =	sbr.rel @p0 .LBB2_32-.Ltmp15, $3  }
0x636: {  	_ =	sdelay $0x1  }
0x637: {  	[tilespmem:v18+s25+$0x0] =	vst.idx.msk $0xffff, v17  }
0x638: {  	s7 =	sadd.s32 $0x8, s7;
	s13 =	sadd.s32 $0xFFFFFFF9, s1;
	v18 =	vadd.s32 v16, v19;
	v17 =	vld [tilespmem:s0+$0x0]  }
0x639: {  	v19 =	vmov s13  }
0x63a: {  	v19 =	vshrl.u32 v19, $0x3  }
0x63b: {  	v19 =	vshll.u32 v19, v1  }
0x63c: {  	v19 =	vbroadcast v19, $0x0  }
0x63d: {  	s0 =	sadd.s32 $0x100, s0;
	[tilespmem:v18+s25+$0x0] =	vst.idx.msk $0xffff, v17  }
0x63e: {  	v17 =	vld [tilespmem:s0+$0xFFFFFF10];
	v18 =	vadd.s32 v0, v19;
	_ =	sdelay $0x4  }
0x63f: {  	[tilespmem:v18+s25+$0x0] =	vst.idx.msk $0xffff, v17  }
0x640: {  	s7 =	sadd.s32 $0xFFFFFFFA, s1;
	v18 =	vadd.s32 v2, v19;
	v17 =	vld [tilespmem:s0+$0xFFFFFF20]  }
0x641: {  	v19 =	vmov s7  }
0x642: {  	v19 =	vshrl.u32 v19, $0x3  }
0x643: {  	v19 =	vshll.u32 v19, v1  }
0x644: {  	v19 =	vbroadcast v19, $0x0  }
0x645: {  	[tilespmem:v18+s25+$0x0] =	vst.idx.msk $0xffff, v17  }
0x646: {  	v18 =	vadd.s32 v3, v19;
	v17 =	vld [tilespmem:s0+$0xFFFFFF30];
	_ =	sdelay $0x4  }
0x647: {  	[tilespmem:v18+s25+$0x0] =	vst.idx.msk $0xffff, v17  }
0x648: {  	s15 =	sadd.s32 $0xFFFFFFFB, s1;
	v18 =	vadd.s32 v4, v19;
	v17 =	vld [tilespmem:s0+$0xFFFFFF40]  }
0x649: {  	v19 =	vmov s15  }
0x64a: {  	v19 =	vshrl.u32 v19, $0x3  }
0x64b: {  	v19 =	vshll.u32 v19, v1  }
0x64c: {  	v19 =	vbroadcast v19, $0x0  }
0x64d: {  	[tilespmem:v18+s25+$0x0] =	vst.idx.msk $0xffff, v17  }
0x64e: {  	v18 =	vadd.s32 v5, v19;
	v17 =	vld [tilespmem:s0+$0xFFFFFF50];
	_ =	sdelay $0x4  }
0x64f: {  	[tilespmem:v18+s25+$0x0] =	vst.idx.msk $0xffff, v17  }
0x650: {  	s16 =	sadd.s32 $0xFFFFFFFC, s1;
	v18 =	vadd.s32 v6, v19;
	v17 =	vld [tilespmem:s0+$0xFFFFFF60]  }
0x651: {  	v19 =	vmov s16  }
0x652: {  	v19 =	vshrl.u32 v19, $0x3  }
0x653: {  	v19 =	vshll.u32 v19, v1  }
0x654: {  	v19 =	vbroadcast v19, $0x0  }
0x655: {  	[tilespmem:v18+s25+$0x0] =	vst.idx.msk $0xffff, v17  }
0x656: {  	v18 =	vadd.s32 v7, v19;
	v17 =	vld [tilespmem:s0+$0xFFFFFF70];
	_ =	sdelay $0x4  }
0x657: {  	[tilespmem:v18+s25+$0x0] =	vst.idx.msk $0xffff, v17  }
0x658: {  	s18 =	sadd.s32 $0xFFFFFFFD, s1;
	v18 =	vadd.s32 v8, v19;
	v17 =	vld [tilespmem:s0+$0xFFFFFF80]  }
0x659: {  	v19 =	vmov s18  }
0x65a: {  	v19 =	vshrl.u32 v19, $0x3  }
0x65b: {  	v19 =	vshll.u32 v19, v1  }
0x65c: {  	v19 =	vbroadcast v19, $0x0  }
0x65d: {  	[tilespmem:v18+s25+$0x0] =	vst.idx.msk $0xffff, v17  }
0x65e: {  	v18 =	vadd.s32 v9, v19;
	v17 =	vld [tilespmem:s0+$0xFFFFFF90];
	_ =	sdelay $0x4  }
0x65f: {  	[tilespmem:v18+s25+$0x0] =	vst.idx.msk $0xffff, v17  }
0x660: {  	s22 =	sadd.s32 $0xFFFFFFFE, s1;
	v18 =	vadd.s32 v10, v19;
	v17 =	vld [tilespmem:s0+$0xFFFFFFA0]  }
0x661: {  	v19 =	vmov s22  }
0x662: {  	v19 =	vshrl.u32 v19, $0x3  }
0x663: {  	v19 =	vshll.u32 v19, v1  }
0x664: {  	v19 =	vbroadcast v19, $0x0  }
0x665: {  	[tilespmem:v18+s25+$0x0] =	vst.idx.msk $0xffff, v17  }
0x666: {  	v18 =	vadd.s32 v11, v19;
	v17 =	vld [tilespmem:s0+$0xFFFFFFB0];
	_ =	sdelay $0x4  }
0x667: {  	[tilespmem:v18+s25+$0x0] =	vst.idx.msk $0xffff, v17  }
0x668: {  	s31 =	sadd.s32 $0xFFFFFFFF, s1;
	v18 =	vadd.s32 v12, v19;
	v17 =	vld [tilespmem:s0+$0xFFFFFFC0]  }
0x669: {  	v19 =	vmov s31  }
0x66a: {  	v19 =	vshrl.u32 v19, $0x3  }
0x66b: {  	v19 =	vshll.u32 v19, v1  }
0x66c: {  	v19 =	vbroadcast v19, $0x0  }
0x66d: {  	[tilespmem:v18+s25+$0x0] =	vst.idx.msk $0xffff, v17  }
0x66e: {  	v18 =	vadd.s32 v13, v19;
	v17 =	vld [tilespmem:s0+$0xFFFFFFD0];
	_ =	sdelay $0x4  }
0x66f: {  	[tilespmem:v18+s25+$0x0] =	vst.idx.msk $0xffff, v17  }
0x670: {  	v18 =	vadd.s32 v14, v19;
	v17 =	vld [tilespmem:s0+$0xFFFFFFE0]  }
0x671: {  	v19 =	vmov s1  }
0x672: {  	v19 =	vshrl.u32 v19, $0x3  }
0x673: {  	v19 =	vshll.u32 v19, v1  }
0x674: {  	v19 =	vbroadcast v19, $0x0  }
0x675: {  	[tilespmem:v18+s25+$0x0] =	vst.idx.msk $0xffff, v17  }
0x676: {  	v18 =	vadd.s32 v15, v19;
	v17 =	vld [tilespmem:s0+$0xFFFFFFF0];
	_ =	sdelay $0x4  }
0x677: {  	[tilespmem:v18+s25+$0x0] =	vst.idx.msk $0xffff, v17  }
0x678: {  	v18 =	vadd.s32 v16, v19;
	v17 =	vld [tilespmem:s0+$0x0];
	_ =	sdelay $0x3  }
0x679: {  	s13 =	sadd.s32 $0x0, s12  }
0x67a: {  	s7 =	simm.s32 $0xB588;
	s1 =	simm.s32 $0x200;
	s0 =	simm.s32 $0xB500;
	[tilespmem:v18+s25+$0x0] =	vst.idx.msk $0xffff, v17  }
.LBB2_34:
0x67b: {  	[hbm4b:s13+s2] =	stream.linear.scatter [tilespmem:s0], [sflag:$0x6], $0x80, $0x38;
	[tilespmem:$0xC600] =	vst v63  }
0x67c: {  	s13 =	smov.u32 s1;
	s0 =	smov.u32 s7;
	p0 =	sne.s32 s1, $0x3E00  }
.Ltmp16:
0x67d: {  	s1 =	sadd.s32 $0x200, s1;
	(pc) =	sbr.rel @p0 .LBB2_34-.Ltmp16, $2  }
0x67e: {  	_ =	sdelay $0x2  }
0x67f: {  	s7 =	sadd.s32 $0x88, s7;
	s13 =	sadd.s32 s13, s12  }
0x680: {  	[hbm4b:s13+s2] =	stream.linear.scatter [tilespmem:s0], [sflag:$0x6], $0x80, $0x38;
	[tilespmem:$0xC600] =	vst v63  }
0x681: {  	_ =	swait.ge [sflag:s26], $0x1000  }
0x682: {  	[sflag:s26] =	ssyncset.done $0x0  }
0x683: {  	[sflag:s26] =	ssyncadd.s32 $0xFFFFF000  }
0x684: {  	_ =	swait.ge [sflag:s29], $0x1000  }
0x685: {  	s1 =	rddreg [dreg:$0x5]  }
0x686: {  	s31 =	rddreg [dreg:$0x4];
	s1 =	sadd.s32 $0x1, s1  }
0x687: {  	p0 =	sne.s32 s1, s31  }
.Ltmp17:
0x688: {  	_ = 	snop;
	(pc) =	sbr.rel @p0 .LBB2_1-.Ltmp17, $3  }
0x689: {  	_ =	sdelay $0x1  }
0x68a: {  	[sflag:s29] =	ssyncset.done $0x0  }
0x68b: {  	[sflag:s29] =	ssyncadd.s32 $0xFFFFF000  }
0x68c: {  	_ =	sfence.sel $0x180000  }
0x68d: {  	[bflag:$0x0] =	sbarrier.arrive $0xFFFF  }
0x68e: {  	_ =	strace $0x90000047  }
0x68f: {  	s0 =	stileid.u32;
	[bflag:$0x2] =	sbarrier.arrive $0xFFFF  }
0x690: {  	p0 =	sne.s32 s0, $0x0;
	s0 =	rddreg [dreg:$0x2]  }
0x691: {  	s0 =	sadd.s32 @!p0 $0x100000, s0  }
0x692: {  	[sflag:s0] =	ssyncadd.tile.s32 @!p0 $0x1;
	_ =	shalt  }
.Lfunc_end2:
_tile_overlayer_lowered:
.L_overlay_start_2:
0x693: {  	(tag) =	ssettag $0x2  }
0x694: {  	s0 =	rddreg [dreg:$0x0];
	s2 =	stileid.u32  }
0x695: {  	s1 =	rddreg [dreg:$0x1];
	p0 =	sne.s32 s2, $0x0  }
0x696: {  	s3 =	rddreg [dreg:$0x2];
	[bflag:$0x3] =	sbarrier.arrive $0xFFFF;
	s2 =	simm.s32 @!p0 $0x1C07  }
0x697: {  	[timem:s3], [sflag:s2] =	dma.local @!p0 [hbm:s0], s1  }
0x698: {  	s0 =	simm.s32 @!p0 $0x7  }
0x699: {  	_ =	swait.ge @!p0 [sflag:s0], s1  }
0x69a: {  	s1 =	ssub.s32 @!p0 $0x0, s1;
	[sflag:s0] =	ssyncset.done @!p0 $0x0  }
0x69b: {  	[sflag:s0] =	ssyncadd.s32 @!p0 s1  }
0x69c: {  	[bflag:$0x3] =	sbarrier.arrive $0xFFFF  }
0x69d: {  	_ =	shalt  }

</sc_bundles>
